<compile_context>
chip_gen: v7x
topology: tpu7x:2x2x1
jax: 0.10.2.dev20260603
libtpu: 0.0.44.dev20260713+nightly
codegen_flags: <defaults>
</compile_context>

<pallas_src>
import functools

import jax
import jax.numpy as jnp
from jax import lax
from jax.experimental import pallas as pl
from jax.experimental.pallas import tpu as pltpu
from jax.experimental.pallas import tpu_sc as plsc

_NC = 2
_NS = 16
_NW = _NC * _NS
_CH = 128
_ROWBLK = 1000



def _elu(h):
    return jnp.where(h > 0.0, h, jnp.exp(jnp.minimum(h, 0.0)) - 1.0)


def _gelu(x):
    return 0.5 * x * (1.0 + lax.erf(x * 0.7071067811865476))


def _mm_body(x_ref, w_ref, o_ref):
    o_ref[...] = jnp.dot(x_ref[...], w_ref[...],
                         preferred_element_type=jnp.float32)


def _tc_mm(x, w, out_rows):
    n, f = x.shape
    h = w.shape[1]
    return pl.pallas_call(
        _mm_body,
        grid=(n // _ROWBLK,),
        in_specs=[pl.BlockSpec((_ROWBLK, f), lambda i: (i, 0)),
                  pl.BlockSpec((f, h), lambda i: (0, 0))],
        out_specs=pl.BlockSpec((_ROWBLK, h), lambda i: (i, 0)),
        out_shape=jax.ShapeDtypeStruct((out_rows, h), jnp.float32),
    )(x, w)


def _combine_body(p_ref, b_ref, g_ref, be_ref, w_ref, o_ref):
    h = p_ref[0] + p_ref[1] + b_ref[...]
    h = _elu(h) * g_ref[...] + be_ref[...]
    o_ref[...] = jnp.dot(h, w_ref[...], preferred_element_type=jnp.float32)


def _tc_combine(p, b, g, be, w_next, n_valid):
    _, n, h = p.shape
    h2 = w_next.shape[1]
    return pl.pallas_call(
        _combine_body,
        grid=(n_valid // _ROWBLK,),
        in_specs=[pl.BlockSpec((2, _ROWBLK, h), lambda i: (0, i, 0)),
                  pl.BlockSpec((1, h), lambda i: (0, 0)),
                  pl.BlockSpec((1, h), lambda i: (0, 0)),
                  pl.BlockSpec((1, h), lambda i: (0, 0)),
                  pl.BlockSpec((h, h2), lambda i: (0, 0))],
        out_specs=pl.BlockSpec((_ROWBLK, h2), lambda i: (i, 0)),
        out_shape=jax.ShapeDtypeStruct((n, h2), jnp.float32),
    )(p, b.reshape(1, h), g.reshape(1, h), be.reshape(1, h), w_next)



def _head_body(p_ref, b_ref, g_ref, be_ref, c1_ref, cb1_ref, c2_ref, cb2_ref,
               c3_ref, cb3_ref, o_ref):
    h = p_ref[0] + p_ref[1] + b_ref[...]
    h = _elu(h) * g_ref[...] + be_ref[...]
    t = jnp.dot(h, c1_ref[...], preferred_element_type=jnp.float32) + cb1_ref[...]
    t = _gelu(t)
    t = jnp.dot(t, c2_ref[...], preferred_element_type=jnp.float32) + cb2_ref[...]
    t = _gelu(t)
    o_ref[...] = (jnp.dot(t, c3_ref[...], preferred_element_type=jnp.float32)
                  + cb3_ref[...])


def _tc_head(p, b, g, be, c1, cb1, c2, cb2, c3, cb3, n_valid):
    _, n, h = p.shape
    h1 = c1.shape[1]
    c = c3.shape[1]
    return pl.pallas_call(
        _head_body,
        grid=(n_valid // _ROWBLK,),
        in_specs=[pl.BlockSpec((2, _ROWBLK, h), lambda i: (0, i, 0)),
                  pl.BlockSpec((1, h), lambda i: (0, 0)),
                  pl.BlockSpec((1, h), lambda i: (0, 0)),
                  pl.BlockSpec((1, h), lambda i: (0, 0)),
                  pl.BlockSpec((h, h1), lambda i: (0, 0)),
                  pl.BlockSpec((1, h1), lambda i: (0, 0)),
                  pl.BlockSpec((h1, h), lambda i: (0, 0)),
                  pl.BlockSpec((1, h), lambda i: (0, 0)),
                  pl.BlockSpec((h, c), lambda i: (0, 0)),
                  pl.BlockSpec((1, c), lambda i: (0, 0))],
        out_specs=pl.BlockSpec((_ROWBLK, c), lambda i: (i, 0)),
        out_shape=jax.ShapeDtypeStruct((n_valid, c), jnp.float32),
    )(p, b.reshape(1, h), g.reshape(1, h), be.reshape(1, h),
      c1, cb1.reshape(1, h1), c2, cb2.reshape(1, h), c3, cb3.reshape(1, c))



def _sc_aggregate(hw, srcc, dstc, wc, zeros):
    n, h = hw.shape
    nch, ch = srcc.shape[1], srcc.shape[2]
    rpt = n // _NS
    nvec = h // 16

    @functools.partial(
        pl.kernel,
        out_type=jax.ShapeDtypeStruct((_NC, n, h), jnp.float32),
        mesh=plsc.VectorSubcoreMesh(core_axis_name="c", subcore_axis_name="s",
                                    num_cores=_NC, num_subcores=_NS),
        compiler_params=pltpu.CompilerParams(use_tc_tiling_on_sc=False),
        scratch_types=[
            pltpu.VMEM_SHARED((n, h), jnp.float32),
            pltpu.VMEM_SHARED((n, h), jnp.float32),
            pltpu.VMEM((nch, ch), jnp.int32),
            pltpu.VMEM((nch, ch), jnp.int32),
            pltpu.VMEM((nch, ch), jnp.float32),
            pltpu.VMEM((ch, h), jnp.float32),
            pltpu.VMEM((ch,), jnp.int32),
            pltpu.SemaphoreType.DMA,
        ],
    )
    def agg(hw_hbm, src_hbm, dst_hbm, w_hbm, z_hbm, out_hbm,
            hw_sh, acc_sh, src_v, dst_v, w_v, rows_v, dst_c, sem):
        c = lax.axis_index("c")
        s = lax.axis_index("s")
        wid = s * _NC + c
        r0 = s * rpt

        pltpu.sync_copy(hw_hbm.at[pl.ds(r0, rpt)], hw_sh.at[pl.ds(r0, rpt)])
        pltpu.sync_copy(z_hbm.at[pl.ds(r0, rpt)], acc_sh.at[pl.ds(r0, rpt)])
        pltpu.sync_copy(src_hbm.at[wid], src_v)
        pltpu.sync_copy(dst_hbm.at[wid], dst_v)
        pltpu.sync_copy(w_hbm.at[wid], w_v)
        plsc.subcore_barrier()

        def chunk_body(ci, carry):
            for g in range(ch // 16):
                sl = pl.ds(g * 16, 16)
                dst_c[sl] = dst_v[ci, sl]
            pltpu.async_copy(hw_sh.at[src_v.at[ci]], rows_v, sem).wait()

            def group_body(gi, carry2):
                wv = w_v[ci, pl.ds(gi * 16, 16)]
                for lane in range(16):
                    wsc = wv[lane]
                    e = gi * 16 + lane
                    for j in range(nvec):
                        sl = pl.ds(j * 16, 16)
                        rows_v[e, sl] = rows_v[e, sl] * wsc
                return carry2

            lax.fori_loop(0, ch // 16, group_body, 0)
            pltpu.sync_copy(rows_v, acc_sh.at[dst_c], add=True)
            return carry

        lax.fori_loop(0, nch, chunk_body, 0)

        plsc.subcore_barrier()
        pltpu.sync_copy(acc_sh.at[pl.ds(r0, rpt)],
                        out_hbm.at[c, pl.ds(r0, rpt)])

    return agg(hw, srcc, dstc, wc, zeros)



def kernel(x, edge_index, edge_weight, W1, b1, W2, b2, W3, b3,
           g1, be1, g2, be2, g3, be3, C1, cb1, C2, cb2, C3, cb3):
    n = x.shape[0]
    e = edge_weight.shape[0]
    h = W1.shape[1]

    rpt = -(-n // (_NS * 8)) * 8
    n_pad = rpt * _NS
    per_w = _NW * _CH
    e_pad = -(-e // per_w) * per_w
    nch = e_pad // per_w
    pad = e_pad - e
    if pad:
        fill = (jnp.arange(pad, dtype=jnp.int32) * 8) % n
        src_full = jnp.concatenate([edge_index[0], fill])
        dst_full = jnp.concatenate([edge_index[1], fill])
        w_full = jnp.concatenate([edge_weight, jnp.zeros((pad,), jnp.float32)])
    else:
        src_full, dst_full, w_full = edge_index[0], edge_index[1], edge_weight
    srcc = src_full.reshape(_NW, nch, _CH)
    dstc = dst_full.reshape(_NW, nch, _CH)
    wc = w_full.reshape(_NW, nch, _CH)
    zeros = jnp.zeros((n_pad, h), jnp.float32)

    hw = _tc_mm(x, W1, n_pad)
    p = _sc_aggregate(hw, srcc, dstc, wc, zeros)
    hw = _tc_combine(p, b1, g1, be1, W2, n)
    p = _sc_aggregate(hw, srcc, dstc, wc, zeros)
    hw = _tc_combine(p, b2, g2, be2, W3, n)
    p = _sc_aggregate(hw, srcc, dstc, wc, zeros)
    return _tc_head(p, b3, g3, be3, C1, cb1, C2, cb2, C3, cb3, n)

# --- scband reference (transcript-rebuilt; emitter-appended) ---
"""Pipeline reference for scband-mineral-deposit-gcn-21517786153591 (READ-ONLY COPY).

The authoritative reference and input builder live on the scoring server;
editing this copy changes nothing except your own understanding.
"""

import jax, jax.numpy as jnp
import numpy as np


def setup_inputs(seed: int = 0) -> dict:
    key = jax.random.key(seed)
    ks = jax.random.split(key, 24)
    N, E, F_IN, H, C = 10000, 320000, 128, 64, 16
    inp = {}
    inp["x"] = jax.random.normal(ks[0], (N, F_IN), dtype=jnp.float32)
    inp["edge_index"] = jax.random.randint(ks[1], (2, E), 0, N, dtype=jnp.int32)
    inp["edge_weight"] = jax.random.uniform(ks[2], (E,), dtype=jnp.float32)
    # GCNConv weights (normalize=False so edge_weight used as-is, no self-loops added)
    inp["W1"] = jax.random.normal(ks[3], (F_IN, H), dtype=jnp.float32) * (1.0 / np.sqrt(F_IN))
    inp["b1"] = jnp.zeros((H,), dtype=jnp.float32)
    inp["W2"] = jax.random.normal(ks[4], (H, H), dtype=jnp.float32) * (1.0 / np.sqrt(H))
    inp["b2"] = jnp.zeros((H,), dtype=jnp.float32)
    inp["W3"] = jax.random.normal(ks[5], (H, H), dtype=jnp.float32) * (1.0 / np.sqrt(H))
    inp["b3"] = jnp.zeros((H,), dtype=jnp.float32)
    # BatchNorm1d params (eval mode: running_mean=0, running_var=1 -> affine only)
    inp["g1"] = jnp.ones((H,), dtype=jnp.float32)
    inp["be1"] = jnp.zeros((H,), dtype=jnp.float32)
    inp["g2"] = jnp.ones((H,), dtype=jnp.float32)
    inp["be2"] = jnp.zeros((H,), dtype=jnp.float32)
    inp["g3"] = jnp.ones((H,), dtype=jnp.float32)
    inp["be3"] = jnp.zeros((H,), dtype=jnp.float32)
    # Classifier MLP: H -> 2H -> H -> C
    inp["C1"] = jax.random.normal(ks[6], (H, 2 * H), dtype=jnp.float32) * (1.0 / np.sqrt(H))
    inp["cb1"] = jnp.zeros((2 * H,), dtype=jnp.float32)
    inp["C2"] = jax.random.normal(ks[7], (2 * H, H), dtype=jnp.float32) * (1.0 / np.sqrt(2 * H))
    inp["cb2"] = jnp.zeros((H,), dtype=jnp.float32)
    inp["C3"] = jax.random.normal(ks[8], (H, C), dtype=jnp.float32) * (1.0 / np.sqrt(H))
    inp["cb3"] = jnp.zeros((C,), dtype=jnp.float32)
    return inp


def reference(x, edge_index, edge_weight, W1, b1, W2, b2, W3, b3,
              g1, be1, g2, be2, g3, be3, C1, cb1, C2, cb2, C3, cb3):
    N = x.shape[0]
    src = edge_index[0]
    dst = edge_index[1]

    def gcn_conv(h, W, b):
        h = h @ W
        msg = h[src] * edge_weight[:, None]
        agg = jax.ops.segment_sum(msg, dst, num_segments=N)
        return agg + b

    h = x
    for (W, b, g, be) in ((W1, b1, g1, be1), (W2, b2, g2, be2), (W3, b3, g3, be3)):
        h = gcn_conv(h, W, b)
        h = jax.nn.elu(h)
        # dropout is identity in eval; BatchNorm1d in eval with running stats (0,1) -> affine
        h = h * g + be

    h = jax.nn.gelu(h @ C1 + cb1, approximate=False)
    h = jax.nn.gelu(h @ C2 + cb2, approximate=False)
    out = h @ C3 + cb3
    return out

if __name__ == "__main__":
    import jax
    _d = setup_inputs()
    print(jax.jit(kernel)(*tuple(_d.values())))

</pallas_src>

<mosaic_0001>
#map = affine_map<(d0, d1) -> (0, 0)>
#map1 = affine_map<(d0, d1) -> (0, 0, 0)>
module attributes {stable_mosaic.version = 14 : i64} {
  func.func @agg(%arg0: i32, %arg1: i32, %arg2: memref<10112x64xf32, #tpu.memory_space<hbm>>, %arg3: memref<32x79x128xi32, #tpu.memory_space<hbm>>, %arg4: memref<32x79x128xi32, #tpu.memory_space<hbm>>, %arg5: memref<32x79x128xf32, #tpu.memory_space<hbm>>, %arg6: memref<10112x64xf32, #tpu.memory_space<hbm>>, %arg7: memref<2x10112x64xf32, #tpu.memory_space<hbm>>, %arg8: memref<10112x64xf32, #tpu.memory_space<vmem_shared>>, %arg9: memref<10112x64xf32, #tpu.memory_space<vmem_shared>>, %arg10: memref<79x128xi32, #tpu.memory_space<vmem>>, %arg11: memref<79x128xi32, #tpu.memory_space<vmem>>, %arg12: memref<79x128xf32, #tpu.memory_space<vmem>>, %arg13: memref<128x64xf32, #tpu.memory_space<vmem>>, %arg14: memref<128xi32, #tpu.memory_space<vmem>>, %arg15: memref<!tpu.dma_semaphore, #tpu.memory_space<semaphore_mem>>) attributes {dimension_semantics = [#tpu.dimension_semantics<core_parallel>, #tpu.dimension_semantics<subcore_parallel>], iteration_bounds = array<i64: 2, 16>, scalar_prefetch = 0 : i64, scratch_operands = 8 : i64, tpu.core_type = #tpu.core_type<sc_vector_subcore>, window_params = [{transform_indices = #map}, {transform_indices = #map1}, {transform_indices = #map1}, {transform_indices = #map1}, {transform_indices = #map}, {transform_indices = #map1}]} {
    %mul3A = arith.constant 2 : i32
    %mul3A_0 = arith.muli %arg1, %mul3A : i32
    %add3A = arith.addi %mul3A_0, %arg0 : i32
    %mul3A_1 = arith.constant 632 : i32
    %mul3A_2 = arith.muli %arg1, %mul3A_1 : i32
    "tpu.region"() ({
      %run_scoped3A = tpu.sem_alloc : memref<!tpu.dma_semaphore, #tpu.memory_space<semaphore_mem>>
      %dma_start3A = arith.constant 0 : i32
      %dma_start3A_9 = tpu.memref_slice %arg8[%mul3A_2, %dma_start3A] : memref<10112x64xf32, #tpu.memory_space<vmem_shared>> -> memref<632x64xf32, #tpu.memory_space<vmem_shared>>
      %dma_start3A_10 = arith.constant 0 : i32
      %dma_start3A_11 = tpu.memref_slice %arg2[%mul3A_2, %dma_start3A_10] : memref<10112x64xf32, #tpu.memory_space<hbm>> -> memref<632x64xf32, #tpu.memory_space<hbm>>
      tpu.enqueue_dma source(%dma_start3A_11 : memref<632x64xf32, #tpu.memory_space<hbm>>) target(%dma_start3A_9 : memref<632x64xf32, #tpu.memory_space<vmem_shared>>) target_semaphore(%run_scoped3A : memref<!tpu.dma_semaphore, #tpu.memory_space<semaphore_mem>>)
      %dma_wait3A = arith.constant 0 : i32
      %dma_wait3A_12 = tpu.memref_slice %arg8[%mul3A_2, %dma_wait3A] : memref<10112x64xf32, #tpu.memory_space<vmem_shared>> -> memref<632x64xf32, #tpu.memory_space<vmem_shared>>
      %dma_wait3A_13 = arith.constant 0 : i32
      %dma_wait3A_14 = tpu.memref_slice %arg2[%mul3A_2, %dma_wait3A_13] : memref<10112x64xf32, #tpu.memory_space<hbm>> -> memref<632x64xf32, #tpu.memory_space<hbm>>
      tpu.wait_dma2 semaphore(%run_scoped3A : memref<!tpu.dma_semaphore, #tpu.memory_space<semaphore_mem>>) src(%dma_wait3A_14 : memref<632x64xf32, #tpu.memory_space<hbm>>) dst(%dma_wait3A_12 : memref<632x64xf32, #tpu.memory_space<vmem_shared>>)
      tpu.yield
    }) : () -> ()
    "tpu.region"() ({
      %run_scoped3A = tpu.sem_alloc : memref<!tpu.dma_semaphore, #tpu.memory_space<semaphore_mem>>
      %dma_start3A = arith.constant 0 : i32
      %dma_start3A_9 = tpu.memref_slice %arg9[%mul3A_2, %dma_start3A] : memref<10112x64xf32, #tpu.memory_space<vmem_shared>> -> memref<632x64xf32, #tpu.memory_space<vmem_shared>>
      %dma_start3A_10 = arith.constant 0 : i32
      %dma_start3A_11 = tpu.memref_slice %arg6[%mul3A_2, %dma_start3A_10] : memref<10112x64xf32, #tpu.memory_space<hbm>> -> memref<632x64xf32, #tpu.memory_space<hbm>>
      tpu.enqueue_dma source(%dma_start3A_11 : memref<632x64xf32, #tpu.memory_space<hbm>>) target(%dma_start3A_9 : memref<632x64xf32, #tpu.memory_space<vmem_shared>>) target_semaphore(%run_scoped3A : memref<!tpu.dma_semaphore, #tpu.memory_space<semaphore_mem>>)
      %dma_wait3A = arith.constant 0 : i32
      %dma_wait3A_12 = tpu.memref_slice %arg9[%mul3A_2, %dma_wait3A] : memref<10112x64xf32, #tpu.memory_space<vmem_shared>> -> memref<632x64xf32, #tpu.memory_space<vmem_shared>>
      %dma_wait3A_13 = arith.constant 0 : i32
      %dma_wait3A_14 = tpu.memref_slice %arg6[%mul3A_2, %dma_wait3A_13] : memref<10112x64xf32, #tpu.memory_space<hbm>> -> memref<632x64xf32, #tpu.memory_space<hbm>>
      tpu.wait_dma2 semaphore(%run_scoped3A : memref<!tpu.dma_semaphore, #tpu.memory_space<semaphore_mem>>) src(%dma_wait3A_14 : memref<632x64xf32, #tpu.memory_space<hbm>>) dst(%dma_wait3A_12 : memref<632x64xf32, #tpu.memory_space<vmem_shared>>)
      tpu.yield
    }) : () -> ()
    "tpu.region"() ({
      %run_scoped3A = tpu.sem_alloc : memref<!tpu.dma_semaphore, #tpu.memory_space<semaphore_mem>>
      %dma_start3A = arith.constant 0 : i32
      %dma_start3A_9 = arith.constant 0 : i32
      %dma_start3A_10 = tpu.memref_slice %arg3[%add3A, %dma_start3A, %dma_start3A_9] : memref<32x79x128xi32, #tpu.memory_space<hbm>> -> memref<1x79x128xi32, #tpu.memory_space<hbm>>
      %dma_start3A_11 = tpu.memref_squeeze %dma_start3A_10 : memref<1x79x128xi32, #tpu.memory_space<hbm>> -> memref<79x128xi32, #tpu.memory_space<hbm>>
      %dma_start3A_12 = arith.constant 0 : i32
      %dma_start3A_13 = arith.constant 0 : i32
      %dma_start3A_14 = tpu.memref_slice %arg3[%add3A, %dma_start3A_12, %dma_start3A_13] : memref<32x79x128xi32, #tpu.memory_space<hbm>> -> memref<1x79x128xi32, #tpu.memory_space<hbm>>
      %dma_start3A_15 = tpu.memref_squeeze %dma_start3A_14 : memref<1x79x128xi32, #tpu.memory_space<hbm>> -> memref<79x128xi32, #tpu.memory_space<hbm>>
      tpu.enqueue_dma source(%dma_start3A_15 : memref<79x128xi32, #tpu.memory_space<hbm>>) target(%arg10 : memref<79x128xi32, #tpu.memory_space<vmem>>) target_semaphore(%run_scoped3A : memref<!tpu.dma_semaphore, #tpu.memory_space<semaphore_mem>>)
      %dma_wait3A = arith.constant 0 : i32
      %dma_wait3A_16 = arith.constant 0 : i32
      %dma_wait3A_17 = tpu.memref_slice %arg3[%add3A, %dma_wait3A, %dma_wait3A_16] : memref<32x79x128xi32, #tpu.memory_space<hbm>> -> memref<1x79x128xi32, #tpu.memory_space<hbm>>
      %dma_wait3A_18 = tpu.memref_squeeze %dma_wait3A_17 : memref<1x79x128xi32, #tpu.memory_space<hbm>> -> memref<79x128xi32, #tpu.memory_space<hbm>>
      %dma_wait3A_19 = arith.constant 0 : i32
      %dma_wait3A_20 = arith.constant 0 : i32
      %dma_wait3A_21 = tpu.memref_slice %arg3[%add3A, %dma_wait3A_19, %dma_wait3A_20] : memref<32x79x128xi32, #tpu.memory_space<hbm>> -> memref<1x79x128xi32, #tpu.memory_space<hbm>>
      %dma_wait3A_22 = tpu.memref_squeeze %dma_wait3A_21 : memref<1x79x128xi32, #tpu.memory_space<hbm>> -> memref<79x128xi32, #tpu.memory_space<hbm>>
      tpu.wait_dma2 semaphore(%run_scoped3A : memref<!tpu.dma_semaphore, #tpu.memory_space<semaphore_mem>>) src(%dma_wait3A_22 : memref<79x128xi32, #tpu.memory_space<hbm>>) dst(%arg10 : memref<79x128xi32, #tpu.memory_space<vmem>>)
      tpu.yield
    }) : () -> ()
    "tpu.region"() ({
      %run_scoped3A = tpu.sem_alloc : memref<!tpu.dma_semaphore, #tpu.memory_space<semaphore_mem>>
      %dma_start3A = arith.constant 0 : i32
      %dma_start3A_9 = arith.constant 0 : i32
      %dma_start3A_10 = tpu.memref_slice %arg4[%add3A, %dma_start3A, %dma_start3A_9] : memref<32x79x128xi32, #tpu.memory_space<hbm>> -> memref<1x79x128xi32, #tpu.memory_space<hbm>>
      %dma_start3A_11 = tpu.memref_squeeze %dma_start3A_10 : memref<1x79x128xi32, #tpu.memory_space<hbm>> -> memref<79x128xi32, #tpu.memory_space<hbm>>
      %dma_start3A_12 = arith.constant 0 : i32
      %dma_start3A_13 = arith.constant 0 : i32
      %dma_start3A_14 = tpu.memref_slice %arg4[%add3A, %dma_start3A_12, %dma_start3A_13] : memref<32x79x128xi32, #tpu.memory_space<hbm>> -> memref<1x79x128xi32, #tpu.memory_space<hbm>>
      %dma_start3A_15 = tpu.memref_squeeze %dma_start3A_14 : memref<1x79x128xi32, #tpu.memory_space<hbm>> -> memref<79x128xi32, #tpu.memory_space<hbm>>
      tpu.enqueue_dma source(%dma_start3A_15 : memref<79x128xi32, #tpu.memory_space<hbm>>) target(%arg11 : memref<79x128xi32, #tpu.memory_space<vmem>>) target_semaphore(%run_scoped3A : memref<!tpu.dma_semaphore, #tpu.memory_space<semaphore_mem>>)
      %dma_wait3A = arith.constant 0 : i32
      %dma_wait3A_16 = arith.constant 0 : i32
      %dma_wait3A_17 = tpu.memref_slice %arg4[%add3A, %dma_wait3A, %dma_wait3A_16] : memref<32x79x128xi32, #tpu.memory_space<hbm>> -> memref<1x79x128xi32, #tpu.memory_space<hbm>>
      %dma_wait3A_18 = tpu.memref_squeeze %dma_wait3A_17 : memref<1x79x128xi32, #tpu.memory_space<hbm>> -> memref<79x128xi32, #tpu.memory_space<hbm>>
      %dma_wait3A_19 = arith.constant 0 : i32
      %dma_wait3A_20 = arith.constant 0 : i32
      %dma_wait3A_21 = tpu.memref_slice %arg4[%add3A, %dma_wait3A_19, %dma_wait3A_20] : memref<32x79x128xi32, #tpu.memory_space<hbm>> -> memref<1x79x128xi32, #tpu.memory_space<hbm>>
      %dma_wait3A_22 = tpu.memref_squeeze %dma_wait3A_21 : memref<1x79x128xi32, #tpu.memory_space<hbm>> -> memref<79x128xi32, #tpu.memory_space<hbm>>
      tpu.wait_dma2 semaphore(%run_scoped3A : memref<!tpu.dma_semaphore, #tpu.memory_space<semaphore_mem>>) src(%dma_wait3A_22 : memref<79x128xi32, #tpu.memory_space<hbm>>) dst(%arg11 : memref<79x128xi32, #tpu.memory_space<vmem>>)
      tpu.yield
    }) : () -> ()
    "tpu.region"() ({
      %run_scoped3A = tpu.sem_alloc : memref<!tpu.dma_semaphore, #tpu.memory_space<semaphore_mem>>
      %dma_start3A = arith.constant 0 : i32
      %dma_start3A_9 = arith.constant 0 : i32
      %dma_start3A_10 = tpu.memref_slice %arg5[%add3A, %dma_start3A, %dma_start3A_9] : memref<32x79x128xf32, #tpu.memory_space<hbm>> -> memref<1x79x128xf32, #tpu.memory_space<hbm>>
      %dma_start3A_11 = tpu.memref_squeeze %dma_start3A_10 : memref<1x79x128xf32, #tpu.memory_space<hbm>> -> memref<79x128xf32, #tpu.memory_space<hbm>>
      %dma_start3A_12 = arith.constant 0 : i32
      %dma_start3A_13 = arith.constant 0 : i32
      %dma_start3A_14 = tpu.memref_slice %arg5[%add3A, %dma_start3A_12, %dma_start3A_13] : memref<32x79x128xf32, #tpu.memory_space<hbm>> -> memref<1x79x128xf32, #tpu.memory_space<hbm>>
      %dma_start3A_15 = tpu.memref_squeeze %dma_start3A_14 : memref<1x79x128xf32, #tpu.memory_space<hbm>> -> memref<79x128xf32, #tpu.memory_space<hbm>>
      tpu.enqueue_dma source(%dma_start3A_15 : memref<79x128xf32, #tpu.memory_space<hbm>>) target(%arg12 : memref<79x128xf32, #tpu.memory_space<vmem>>) target_semaphore(%run_scoped3A : memref<!tpu.dma_semaphore, #tpu.memory_space<semaphore_mem>>)
      %dma_wait3A = arith.constant 0 : i32
      %dma_wait3A_16 = arith.constant 0 : i32
      %dma_wait3A_17 = tpu.memref_slice %arg5[%add3A, %dma_wait3A, %dma_wait3A_16] : memref<32x79x128xf32, #tpu.memory_space<hbm>> -> memref<1x79x128xf32, #tpu.memory_space<hbm>>
      %dma_wait3A_18 = tpu.memref_squeeze %dma_wait3A_17 : memref<1x79x128xf32, #tpu.memory_space<hbm>> -> memref<79x128xf32, #tpu.memory_space<hbm>>
      %dma_wait3A_19 = arith.constant 0 : i32
      %dma_wait3A_20 = arith.constant 0 : i32
      %dma_wait3A_21 = tpu.memref_slice %arg5[%add3A, %dma_wait3A_19, %dma_wait3A_20] : memref<32x79x128xf32, #tpu.memory_space<hbm>> -> memref<1x79x128xf32, #tpu.memory_space<hbm>>
      %dma_wait3A_22 = tpu.memref_squeeze %dma_wait3A_21 : memref<1x79x128xf32, #tpu.memory_space<hbm>> -> memref<79x128xf32, #tpu.memory_space<hbm>>
      tpu.wait_dma2 semaphore(%run_scoped3A : memref<!tpu.dma_semaphore, #tpu.memory_space<semaphore_mem>>) src(%dma_wait3A_22 : memref<79x128xf32, #tpu.memory_space<hbm>>) dst(%arg12 : memref<79x128xf32, #tpu.memory_space<vmem>>)
      tpu.yield
    }) : () -> ()
    %barrier3A = arith.constant 0 : index
    tpu.barrier barrier_id(%barrier3A)
    %scan3A = arith.constant 0 : i32
    %scan3A_3 = arith.constant 0 : i32
    %scan3A_4 = arith.constant 79 : i32
    %scan3A_5 = arith.addi %scan3A_3, %scan3A_4 : i32
    %scan3A_6 = arith.constant 1 : i32
    scf.for %scan3A_9 = %scan3A_3 to %scan3A_5 step %scan3A_6  : i32 {
      %get3A = arith.index_cast %scan3A_9 : i32 to index
      %get3A_10 = arith.constant 0 : index
      %get3A_11 = tpu.vector_load %arg11[%get3A, %get3A_10] {strides = array<i32>} : memref<79x128xi32, #tpu.memory_space<vmem>>, vector<1x16xi32>,
      %get3A_12 = vector.shape_cast %get3A_11 : vector<1x16xi32> to vector<16xi32>
      %swap3A = arith.constant 0 : index
      %swap3A_13 = tpu.vector_load %arg14[%swap3A] {strides = array<i32>} : memref<128xi32, #tpu.memory_space<vmem>>, vector<16xi32>,
      %swap3A_14 = vector.shape_cast %swap3A_13 : vector<16xi32> to vector<16xi32>
      %swap3A_15 = vector.shape_cast %get3A_12 : vector<16xi32> to vector<16xi32>
      tpu.vector_store %arg14[%swap3A], %swap3A_15 {strides = array<i32>} : memref<128xi32, #tpu.memory_space<vmem>>, vector<16xi32>,
      %get3A_16 = arith.index_cast %scan3A_9 : i32 to index
      %get3A_17 = arith.constant 16 : index
      %get3A_18 = tpu.vector_load %arg11[%get3A_16, %get3A_17] {strides = array<i32>} : memref<79x128xi32, #tpu.memory_space<vmem>>, vector<1x16xi32>,
      %get3A_19 = vector.shape_cast %get3A_18 : vector<1x16xi32> to vector<16xi32>
      %swap3A_20 = arith.constant 16 : index
      %swap3A_21 = tpu.vector_load %arg14[%swap3A_20] {strides = array<i32>} : memref<128xi32, #tpu.memory_space<vmem>>, vector<16xi32>,
      %swap3A_22 = vector.shape_cast %swap3A_21 : vector<16xi32> to vector<16xi32>
      %swap3A_23 = vector.shape_cast %get3A_19 : vector<16xi32> to vector<16xi32>
      tpu.vector_store %arg14[%swap3A_20], %swap3A_23 {strides = array<i32>} : memref<128xi32, #tpu.memory_space<vmem>>, vector<16xi32>,
      %get3A_24 = arith.index_cast %scan3A_9 : i32 to index
      %get3A_25 = arith.constant 32 : index
      %get3A_26 = tpu.vector_load %arg11[%get3A_24, %get3A_25] {strides = array<i32>} : memref<79x128xi32, #tpu.memory_space<vmem>>, vector<1x16xi32>,
      %get3A_27 = vector.shape_cast %get3A_26 : vector<1x16xi32> to vector<16xi32>
      %swap3A_28 = arith.constant 32 : index
      %swap3A_29 = tpu.vector_load %arg14[%swap3A_28] {strides = array<i32>} : memref<128xi32, #tpu.memory_space<vmem>>, vector<16xi32>,
      %swap3A_30 = vector.shape_cast %swap3A_29 : vector<16xi32> to vector<16xi32>
      %swap3A_31 = vector.shape_cast %get3A_27 : vector<16xi32> to vector<16xi32>
      tpu.vector_store %arg14[%swap3A_28], %swap3A_31 {strides = array<i32>} : memref<128xi32, #tpu.memory_space<vmem>>, vector<16xi32>,
      %get3A_32 = arith.index_cast %scan3A_9 : i32 to index
      %get3A_33 = arith.constant 48 : index
      %get3A_34 = tpu.vector_load %arg11[%get3A_32, %get3A_33] {strides = array<i32>} : memref<79x128xi32, #tpu.memory_space<vmem>>, vector<1x16xi32>,
      %get3A_35 = vector.shape_cast %get3A_34 : vector<1x16xi32> to vector<16xi32>
      %swap3A_36 = arith.constant 48 : index
      %swap3A_37 = tpu.vector_load %arg14[%swap3A_36] {strides = array<i32>} : memref<128xi32, #tpu.memory_space<vmem>>, vector<16xi32>,
      %swap3A_38 = vector.shape_cast %swap3A_37 : vector<16xi32> to vector<16xi32>
      %swap3A_39 = vector.shape_cast %get3A_35 : vector<16xi32> to vector<16xi32>
      tpu.vector_store %arg14[%swap3A_36], %swap3A_39 {strides = array<i32>} : memref<128xi32, #tpu.memory_space<vmem>>, vector<16xi32>,
      %get3A_40 = arith.index_cast %scan3A_9 : i32 to index
      %get3A_41 = arith.constant 64 : index
      %get3A_42 = tpu.vector_load %arg11[%get3A_40, %get3A_41] {strides = array<i32>} : memref<79x128xi32, #tpu.memory_space<vmem>>, vector<1x16xi32>,
      %get3A_43 = vector.shape_cast %get3A_42 : vector<1x16xi32> to vector<16xi32>
      %swap3A_44 = arith.constant 64 : index
      %swap3A_45 = tpu.vector_load %arg14[%swap3A_44] {strides = array<i32>} : memref<128xi32, #tpu.memory_space<vmem>>, vector<16xi32>,
      %swap3A_46 = vector.shape_cast %swap3A_45 : vector<16xi32> to vector<16xi32>
      %swap3A_47 = vector.shape_cast %get3A_43 : vector<16xi32> to vector<16xi32>
      tpu.vector_store %arg14[%swap3A_44], %swap3A_47 {strides = array<i32>} : memref<128xi32, #tpu.memory_space<vmem>>, vector<16xi32>,
      %get3A_48 = arith.index_cast %scan3A_9 : i32 to index
      %get3A_49 = arith.constant 80 : index
      %get3A_50 = tpu.vector_load %arg11[%get3A_48, %get3A_49] {strides = array<i32>} : memref<79x128xi32, #tpu.memory_space<vmem>>, vector<1x16xi32>,
      %get3A_51 = vector.shape_cast %get3A_50 : vector<1x16xi32> to vector<16xi32>
      %swap3A_52 = arith.constant 80 : index
      %swap3A_53 = tpu.vector_load %arg14[%swap3A_52] {strides = array<i32>} : memref<128xi32, #tpu.memory_space<vmem>>, vector<16xi32>,
      %swap3A_54 = vector.shape_cast %swap3A_53 : vector<16xi32> to vector<16xi32>
      %swap3A_55 = vector.shape_cast %get3A_51 : vector<16xi32> to vector<16xi32>
      tpu.vector_store %arg14[%swap3A_52], %swap3A_55 {strides = array<i32>} : memref<128xi32, #tpu.memory_space<vmem>>, vector<16xi32>,
      %get3A_56 = arith.index_cast %scan3A_9 : i32 to index
      %get3A_57 = arith.constant 96 : index
      %get3A_58 = tpu.vector_load %arg11[%get3A_56, %get3A_57] {strides = array<i32>} : memref<79x128xi32, #tpu.memory_space<vmem>>, vector<1x16xi32>,
      %get3A_59 = vector.shape_cast %get3A_58 : vector<1x16xi32> to vector<16xi32>
      %swap3A_60 = arith.constant 96 : index
      %swap3A_61 = tpu.vector_load %arg14[%swap3A_60] {strides = array<i32>} : memref<128xi32, #tpu.memory_space<vmem>>, vector<16xi32>,
      %swap3A_62 = vector.shape_cast %swap3A_61 : vector<16xi32> to vector<16xi32>
      %swap3A_63 = vector.shape_cast %get3A_59 : vector<16xi32> to vector<16xi32>
      tpu.vector_store %arg14[%swap3A_60], %swap3A_63 {strides = array<i32>} : memref<128xi32, #tpu.memory_space<vmem>>, vector<16xi32>,
      %get3A_64 = arith.index_cast %scan3A_9 : i32 to index
      %get3A_65 = arith.constant 112 : index
      %get3A_66 = tpu.vector_load %arg11[%get3A_64, %get3A_65] {strides = array<i32>} : memref<79x128xi32, #tpu.memory_space<vmem>>, vector<1x16xi32>,
      %get3A_67 = vector.shape_cast %get3A_66 : vector<1x16xi32> to vector<16xi32>
      %swap3A_68 = arith.constant 112 : index
      %swap3A_69 = tpu.vector_load %arg14[%swap3A_68] {strides = array<i32>} : memref<128xi32, #tpu.memory_space<vmem>>, vector<16xi32>,
      %swap3A_70 = vector.shape_cast %swap3A_69 : vector<16xi32> to vector<16xi32>
      %swap3A_71 = vector.shape_cast %get3A_67 : vector<16xi32> to vector<16xi32>
      tpu.vector_store %arg14[%swap3A_68], %swap3A_71 {strides = array<i32>} : memref<128xi32, #tpu.memory_space<vmem>>, vector<16xi32>,
      %dma_start3A = arith.constant 0 : i32
      %dma_start3A_72 = tpu.memref_slice %arg10[%scan3A_9, %dma_start3A] : memref<79x128xi32, #tpu.memory_space<vmem>> -> memref<1x128xi32, #tpu.memory_space<vmem>>
      %dma_start3A_73 = tpu.memref_squeeze %dma_start3A_72 : memref<1x128xi32, #tpu.memory_space<vmem>> -> memref<128xi32, #tpu.memory_space<vmem>>
      %dma_start3A_74 = arith.constant 0 : i32
      %dma_start3A_75 = arith.constant 0 : i32
      %dma_start3A_76 = tpu.memref_slice %arg8[%dma_start3A_74, %dma_start3A_75] : memref<10112x64xf32, #tpu.memory_space<vmem_shared>> -> memref<10112x64xf32, #tpu.memory_space<vmem_shared>>
      tpu.enqueue_indirect_dma source(%dma_start3A_76 : memref<10112x64xf32, #tpu.memory_space<vmem_shared>>) target(%arg13 : memref<128x64xf32, #tpu.memory_space<vmem>>) offsets(%dma_start3A_73 : memref<128xi32, #tpu.memory_space<vmem>>) semaphore(%arg15 : memref<!tpu.dma_semaphore, #tpu.memory_space<semaphore_mem>>)
      %dma_wait3A = arith.constant 0 : i32
      %dma_wait3A_77 = tpu.memref_slice %arg10[%scan3A_9, %dma_wait3A] : memref<79x128xi32, #tpu.memory_space<vmem>> -> memref<1x128xi32, #tpu.memory_space<vmem>>
      %dma_wait3A_78 = tpu.memref_squeeze %dma_wait3A_77 : memref<1x128xi32, #tpu.memory_space<vmem>> -> memref<128xi32, #tpu.memory_space<vmem>>
      %dma_wait3A_79 = arith.constant 0 : i32
      %dma_wait3A_80 = arith.constant 0 : i32
      %dma_wait3A_81 = tpu.memref_slice %arg8[%dma_wait3A_79, %dma_wait3A_80] : memref<10112x64xf32, #tpu.memory_space<vmem_shared>> -> memref<10112x64xf32, #tpu.memory_space<vmem_shared>>
      tpu.wait_indirect_dma semaphore(%arg15 : memref<!tpu.dma_semaphore, #tpu.memory_space<semaphore_mem>>) src(%dma_wait3A_81 : memref<10112x64xf32, #tpu.memory_space<vmem_shared>>) dst(%arg13 : memref<128x64xf32, #tpu.memory_space<vmem>>)
      %scan3A_82 = arith.constant 0 : i32
      %scan3A_83 = arith.constant 0 : i32
      %scan3A_84 = arith.constant 8 : i32
      %scan3A_85 = arith.addi %scan3A_83, %scan3A_84 : i32
      %scan3A_86 = arith.constant 1 : i32
      scf.for %scan3A_88 = %scan3A_83 to %scan3A_85 step %scan3A_86  : i32 {
        %mul3A_89 = arith.constant 16 : i32
        %mul3A_90 = arith.muli %scan3A_88, %mul3A_89 : i32
        %get3A_91 = arith.index_cast %scan3A_9 : i32 to index
        %get3A_92 = arith.index_cast %mul3A_90 : i32 to index
        %get3A_93 = tpu.vector_load %arg12[%get3A_91, %get3A_92] {strides = array<i32>} : memref<79x128xf32, #tpu.memory_space<vmem>>, vector<1x16xf32>,
        %get3A_94 = vector.shape_cast %get3A_93 : vector<1x16xf32> to vector<16xf32>
        %slice3A = vector.extract_strided_slice %get3A_94 {offsets = [0], sizes = [1], strides = [1]} : vector<16xf32> to vector<1xf32>
        %squeeze3A = vector.extract %slice3A[0] : f32 from vector<1xf32>
        %mul3A_95 = arith.constant 16 : i32
        %mul3A_96 = arith.muli %scan3A_88, %mul3A_95 : i32
        %add3A_97 = arith.constant 0 : i32
        %add3A_98 = arith.addi %mul3A_96, %add3A_97 : i32
        %get3A_99 = arith.index_cast %add3A_98 : i32 to index
        %get3A_100 = arith.constant 0 : index
        %get3A_101 = tpu.vector_load %arg13[%get3A_99, %get3A_100] {strides = array<i32>} : memref<128x64xf32, #tpu.memory_space<vmem>>, vector<1x16xf32>,
        %get3A_102 = vector.shape_cast %get3A_101 : vector<1x16xf32> to vector<16xf32>
        %mul3A_103 = vector.broadcast %squeeze3A : f32 to vector<16xf32>
        %mul3A_104 = arith.mulf %get3A_102, %mul3A_103 : vector<16xf32>
        %swap3A_105 = arith.index_cast %add3A_98 : i32 to index
        %swap3A_106 = arith.constant 0 : index
        %swap3A_107 = tpu.vector_load %arg13[%swap3A_105, %swap3A_106] {strides = array<i32>} : memref<128x64xf32, #tpu.memory_space<vmem>>, vector<1x16xf32>,
        %swap3A_108 = vector.shape_cast %swap3A_107 : vector<1x16xf32> to vector<16xf32>
        %swap3A_109 = vector.shape_cast %mul3A_104 : vector<16xf32> to vector<1x16xf32>
        tpu.vector_store %arg13[%swap3A_105, %swap3A_106], %swap3A_109 {strides = array<i32>} : memref<128x64xf32, #tpu.memory_space<vmem>>, vector<1x16xf32>,
        %get3A_110 = arith.index_cast %add3A_98 : i32 to index
        %get3A_111 = arith.constant 16 : index
        %get3A_112 = tpu.vector_load %arg13[%get3A_110, %get3A_111] {strides = array<i32>} : memref<128x64xf32, #tpu.memory_space<vmem>>, vector<1x16xf32>,
        %get3A_113 = vector.shape_cast %get3A_112 : vector<1x16xf32> to vector<16xf32>
        %mul3A_114 = vector.broadcast %squeeze3A : f32 to vector<16xf32>
        %mul3A_115 = arith.mulf %get3A_113, %mul3A_114 : vector<16xf32>
        %swap3A_116 = arith.index_cast %add3A_98 : i32 to index
        %swap3A_117 = arith.constant 16 : index
        %swap3A_118 = tpu.vector_load %arg13[%swap3A_116, %swap3A_117] {strides = array<i32>} : memref<128x64xf32, #tpu.memory_space<vmem>>, vector<1x16xf32>,
        %swap3A_119 = vector.shape_cast %swap3A_118 : vector<1x16xf32> to vector<16xf32>
        %swap3A_120 = vector.shape_cast %mul3A_115 : vector<16xf32> to vector<1x16xf32>
        tpu.vector_store %arg13[%swap3A_116, %swap3A_117], %swap3A_120 {strides = array<i32>} : memref<128x64xf32, #tpu.memory_space<vmem>>, vector<1x16xf32>,
        %get3A_121 = arith.index_cast %add3A_98 : i32 to index
        %get3A_122 = arith.constant 32 : index
        %get3A_123 = tpu.vector_load %arg13[%get3A_121, %get3A_122] {strides = array<i32>} : memref<128x64xf32, #tpu.memory_space<vmem>>, vector<1x16xf32>,
        %get3A_124 = vector.shape_cast %get3A_123 : vector<1x16xf32> to vector<16xf32>
        %mul3A_125 = vector.broadcast %squeeze3A : f32 to vector<16xf32>
        %mul3A_126 = arith.mulf %get3A_124, %mul3A_125 : vector<16xf32>
        %swap3A_127 = arith.index_cast %add3A_98 : i32 to index
        %swap3A_128 = arith.constant 32 : index
        %swap3A_129 = tpu.vector_load %arg13[%swap3A_127, %swap3A_128] {strides = array<i32>} : memref<128x64xf32, #tpu.memory_space<vmem>>, vector<1x16xf32>,
        %swap3A_130 = vector.shape_cast %swap3A_129 : vector<1x16xf32> to vector<16xf32>
        %swap3A_131 = vector.shape_cast %mul3A_126 : vector<16xf32> to vector<1x16xf32>
        tpu.vector_store %arg13[%swap3A_127, %swap3A_128], %swap3A_131 {strides = array<i32>} : memref<128x64xf32, #tpu.memory_space<vmem>>, vector<1x16xf32>,
        %get3A_132 = arith.index_cast %add3A_98 : i32 to index
        %get3A_133 = arith.constant 48 : index
        %get3A_134 = tpu.vector_load %arg13[%get3A_132, %get3A_133] {strides = array<i32>} : memref<128x64xf32, #tpu.memory_space<vmem>>, vector<1x16xf32>,
        %get3A_135 = vector.shape_cast %get3A_134 : vector<1x16xf32> to vector<16xf32>
        %mul3A_136 = vector.broadcast %squeeze3A : f32 to vector<16xf32>
        %mul3A_137 = arith.mulf %get3A_135, %mul3A_136 : vector<16xf32>
        %swap3A_138 = arith.index_cast %add3A_98 : i32 to index
        %swap3A_139 = arith.constant 48 : index
        %swap3A_140 = tpu.vector_load %arg13[%swap3A_138, %swap3A_139] {strides = array<i32>} : memref<128x64xf32, #tpu.memory_space<vmem>>, vector<1x16xf32>,
        %swap3A_141 = vector.shape_cast %swap3A_140 : vector<1x16xf32> to vector<16xf32>
        %swap3A_142 = vector.shape_cast %mul3A_137 : vector<16xf32> to vector<1x16xf32>
        tpu.vector_store %arg13[%swap3A_138, %swap3A_139], %swap3A_142 {strides = array<i32>} : memref<128x64xf32, #tpu.memory_space<vmem>>, vector<1x16xf32>,
        %slice3A_143 = vector.extract_strided_slice %get3A_94 {offsets = [1], sizes = [1], strides = [1]} : vector<16xf32> to vector<1xf32>
        %squeeze3A_144 = vector.extract %slice3A_143[0] : f32 from vector<1xf32>
        %mul3A_145 = arith.constant 16 : i32
        %mul3A_146 = arith.muli %scan3A_88, %mul3A_145 : i32
        %add3A_147 = arith.constant 1 : i32
        %add3A_148 = arith.addi %mul3A_146, %add3A_147 : i32
        %get3A_149 = arith.index_cast %add3A_148 : i32 to index
        %get3A_150 = arith.constant 0 : index
        %get3A_151 = tpu.vector_load %arg13[%get3A_149, %get3A_150] {strides = array<i32>} : memref<128x64xf32, #tpu.memory_space<vmem>>, vector<1x16xf32>,
        %get3A_152 = vector.shape_cast %get3A_151 : vector<1x16xf32> to vector<16xf32>
        %mul3A_153 = vector.broadcast %squeeze3A_144 : f32 to vector<16xf32>
        %mul3A_154 = arith.mulf %get3A_152, %mul3A_153 : vector<16xf32>
        %swap3A_155 = arith.index_cast %add3A_148 : i32 to index
        %swap3A_156 = arith.constant 0 : index
        %swap3A_157 = tpu.vector_load %arg13[%swap3A_155, %swap3A_156] {strides = array<i32>} : memref<128x64xf32, #tpu.memory_space<vmem>>, vector<1x16xf32>,
        %swap3A_158 = vector.shape_cast %swap3A_157 : vector<1x16xf32> to vector<16xf32>
        %swap3A_159 = vector.shape_cast %mul3A_154 : vector<16xf32> to vector<1x16xf32>
        tpu.vector_store %arg13[%swap3A_155, %swap3A_156], %swap3A_159 {strides = array<i32>} : memref<128x64xf32, #tpu.memory_space<vmem>>, vector<1x16xf32>,
        %get3A_160 = arith.index_cast %add3A_148 : i32 to index
        %get3A_161 = arith.constant 16 : index
        %get3A_162 = tpu.vector_load %arg13[%get3A_160, %get3A_161] {strides = array<i32>} : memref<128x64xf32, #tpu.memory_space<vmem>>, vector<1x16xf32>,
        %get3A_163 = vector.shape_cast %get3A_162 : vector<1x16xf32> to vector<16xf32>
        %mul3A_164 = vector.broadcast %squeeze3A_144 : f32 to vector<16xf32>
        %mul3A_165 = arith.mulf %get3A_163, %mul3A_164 : vector<16xf32>
        %swap3A_166 = arith.index_cast %add3A_148 : i32 to index
        %swap3A_167 = arith.constant 16 : index
        %swap3A_168 = tpu.vector_load %arg13[%swap3A_166, %swap3A_167] {strides = array<i32>} : memref<128x64xf32, #tpu.memory_space<vmem>>, vector<1x16xf32>,
        %swap3A_169 = vector.shape_cast %swap3A_168 : vector<1x16xf32> to vector<16xf32>
        %swap3A_170 = vector.shape_cast %mul3A_165 : vector<16xf32> to vector<1x16xf32>
        tpu.vector_store %arg13[%swap3A_166, %swap3A_167], %swap3A_170 {strides = array<i32>} : memref<128x64xf32, #tpu.memory_space<vmem>>, vector<1x16xf32>,
        %get3A_171 = arith.index_cast %add3A_148 : i32 to index
        %get3A_172 = arith.constant 32 : index
        %get3A_173 = tpu.vector_load %arg13[%get3A_171, %get3A_172] {strides = array<i32>} : memref<128x64xf32, #tpu.memory_space<vmem>>, vector<1x16xf32>,
        %get3A_174 = vector.shape_cast %get3A_173 : vector<1x16xf32> to vector<16xf32>
        %mul3A_175 = vector.broadcast %squeeze3A_144 : f32 to vector<16xf32>
        %mul3A_176 = arith.mulf %get3A_174, %mul3A_175 : vector<16xf32>
        %swap3A_177 = arith.index_cast %add3A_148 : i32 to index
        %swap3A_178 = arith.constant 32 : index
        %swap3A_179 = tpu.vector_load %arg13[%swap3A_177, %swap3A_178] {strides = array<i32>} : memref<128x64xf32, #tpu.memory_space<vmem>>, vector<1x16xf32>,
        %swap3A_180 = vector.shape_cast %swap3A_179 : vector<1x16xf32> to vector<16xf32>
        %swap3A_181 = vector.shape_cast %mul3A_176 : vector<16xf32> to vector<1x16xf32>
        tpu.vector_store %arg13[%swap3A_177, %swap3A_178], %swap3A_181 {strides = array<i32>} : memref<128x64xf32, #tpu.memory_space<vmem>>, vector<1x16xf32>,
        %get3A_182 = arith.index_cast %add3A_148 : i32 to index
        %get3A_183 = arith.constant 48 : index
        %get3A_184 = tpu.vector_load %arg13[%get3A_182, %get3A_183] {strides = array<i32>} : memref<128x64xf32, #tpu.memory_space<vmem>>, vector<1x16xf32>,
        %get3A_185 = vector.shape_cast %get3A_184 : vector<1x16xf32> to vector<16xf32>
        %mul3A_186 = vector.broadcast %squeeze3A_144 : f32 to vector<16xf32>
        %mul3A_187 = arith.mulf %get3A_185, %mul3A_186 : vector<16xf32>
        %swap3A_188 = arith.index_cast %add3A_148 : i32 to index
        %swap3A_189 = arith.constant 48 : index
        %swap3A_190 = tpu.vector_load %arg13[%swap3A_188, %swap3A_189] {strides = array<i32>} : memref<128x64xf32, #tpu.memory_space<vmem>>, vector<1x16xf32>,
        %swap3A_191 = vector.shape_cast %swap3A_190 : vector<1x16xf32> to vector<16xf32>
        %swap3A_192 = vector.shape_cast %mul3A_187 : vector<16xf32> to vector<1x16xf32>
        tpu.vector_store %arg13[%swap3A_188, %swap3A_189], %swap3A_192 {strides = array<i32>} : memref<128x64xf32, #tpu.memory_space<vmem>>, vector<1x16xf32>,
        %slice3A_193 = vector.extract_strided_slice %get3A_94 {offsets = [2], sizes = [1], strides = [1]} : vector<16xf32> to vector<1xf32>
        %squeeze3A_194 = vector.extract %slice3A_193[0] : f32 from vector<1xf32>
        %mul3A_195 = arith.constant 16 : i32
        %mul3A_196 = arith.muli %scan3A_88, %mul3A_195 : i32
        %add3A_197 = arith.constant 2 : i32
        %add3A_198 = arith.addi %mul3A_196, %add3A_197 : i32
        %get3A_199 = arith.index_cast %add3A_198 : i32 to index
        %get3A_200 = arith.constant 0 : index
        %get3A_201 = tpu.vector_load %arg13[%get3A_199, %get3A_200] {strides = array<i32>} : memref<128x64xf32, #tpu.memory_space<vmem>>, vector<1x16xf32>,
        %get3A_202 = vector.shape_cast %get3A_201 : vector<1x16xf32> to vector<16xf32>
        %mul3A_203 = vector.broadcast %squeeze3A_194 : f32 to vector<16xf32>
        %mul3A_204 = arith.mulf %get3A_202, %mul3A_203 : vector<16xf32>
        %swap3A_205 = arith.index_cast %add3A_198 : i32 to index
        %swap3A_206 = arith.constant 0 : index
        %swap3A_207 = tpu.vector_load %arg13[%swap3A_205, %swap3A_206] {strides = array<i32>} : memref<128x64xf32, #tpu.memory_space<vmem>>, vector<1x16xf32>,
        %swap3A_208 = vector.shape_cast %swap3A_207 : vector<1x16xf32> to vector<16xf32>
        %swap3A_209 = vector.shape_cast %mul3A_204 : vector<16xf32> to vector<1x16xf32>
        tpu.vector_store %arg13[%swap3A_205, %swap3A_206], %swap3A_209 {strides = array<i32>} : memref<128x64xf32, #tpu.memory_space<vmem>>, vector<1x16xf32>,
        %get3A_210 = arith.index_cast %add3A_198 : i32 to index
        %get3A_211 = arith.constant 16 : index
        %get3A_212 = tpu.vector_load %arg13[%get3A_210, %get3A_211] {strides = array<i32>} : memref<128x64xf32, #tpu.memory_space<vmem>>, vector<1x16xf32>,
        %get3A_213 = vector.shape_cast %get3A_212 : vector<1x16xf32> to vector<16xf32>
        %mul3A_214 = vector.broadcast %squeeze3A_194 : f32 to vector<16xf32>
        %mul3A_215 = arith.mulf %get3A_213, %mul3A_214 : vector<16xf32>
        %swap3A_216 = arith.index_cast %add3A_198 : i32 to index
        %swap3A_217 = arith.constant 16 : index
        %swap3A_218 = tpu.vector_load %arg13[%swap3A_216, %swap3A_217] {strides = array<i32>} : memref<128x64xf32, #tpu.memory_space<vmem>>, vector<1x16xf32>,
        %swap3A_219 = vector.shape_cast %swap3A_218 : vector<1x16xf32> to vector<16xf32>
        %swap3A_220 = vector.shape_cast %mul3A_215 : vector<16xf32> to vector<1x16xf32>
        tpu.vector_store %arg13[%swap3A_216, %swap3A_217], %swap3A_220 {strides = array<i32>} : memref<128x64xf32, #tpu.memory_space<vmem>>, vector<1x16xf32>,
        %get3A_221 = arith.index_cast %add3A_198 : i32 to index
        %get3A_222 = arith.constant 32 : index
        %get3A_223 = tpu.vector_load %arg13[%get3A_221, %get3A_222] {strides = array<i32>} : memref<128x64xf32, #tpu.memory_space<vmem>>, vector<1x16xf32>,
        %get3A_224 = vector.shape_cast %get3A_223 : vector<1x16xf32> to vector<16xf32>
        %mul3A_225 = vector.broadcast %squeeze3A_194 : f32 to vector<16xf32>
        %mul3A_226 = arith.mulf %get3A_224, %mul3A_225 : vector<16xf32>
        %swap3A_227 = arith.index_cast %add3A_198 : i32 to index
        %swap3A_228 = arith.constant 32 : index
        %swap3A_229 = tpu.vector_load %arg13[%swap3A_227, %swap3A_228] {strides = array<i32>} : memref<128x64xf32, #tpu.memory_space<vmem>>, vector<1x16xf32>,
        %swap3A_230 = vector.shape_cast %swap3A_229 : vector<1x16xf32> to vector<16xf32>
        %swap3A_231 = vector.shape_cast %mul3A_226 : vector<16xf32> to vector<1x16xf32>
        tpu.vector_store %arg13[%swap3A_227, %swap3A_228], %swap3A_231 {strides = array<i32>} : memref<128x64xf32, #tpu.memory_space<vmem>>, vector<1x16xf32>,
        %get3A_232 = arith.index_cast %add3A_198 : i32 to index
        %get3A_233 = arith.constant 48 : index
        %get3A_234 = tpu.vector_load %arg13[%get3A_232, %get3A_233] {strides = array<i32>} : memref<128x64xf32, #tpu.memory_space<vmem>>, vector<1x16xf32>,
        %get3A_235 = vector.shape_cast %get3A_234 : vector<1x16xf32> to vector<16xf32>
        %mul3A_236 = vector.broadcast %squeeze3A_194 : f32 to vector<16xf32>
        %mul3A_237 = arith.mulf %get3A_235, %mul3A_236 : vector<16xf32>
        %swap3A_238 = arith.index_cast %add3A_198 : i32 to index
        %swap3A_239 = arith.constant 48 : index
        %swap3A_240 = tpu.vector_load %arg13[%swap3A_238, %swap3A_239] {strides = array<i32>} : memref<128x64xf32, #tpu.memory_space<vmem>>, vector<1x16xf32>,
        %swap3A_241 = vector.shape_cast %swap3A_240 : vector<1x16xf32> to vector<16xf32>
        %swap3A_242 = vector.shape_cast %mul3A_237 : vector<16xf32> to vector<1x16xf32>
        tpu.vector_store %arg13[%swap3A_238, %swap3A_239], %swap3A_242 {strides = array<i32>} : memref<128x64xf32, #tpu.memory_space<vmem>>, vector<1x16xf32>,
        %slice3A_243 = vector.extract_strided_slice %get3A_94 {offsets = [3], sizes = [1], strides = [1]} : vector<16xf32> to vector<1xf32>
        %squeeze3A_244 = vector.extract %slice3A_243[0] : f32 from vector<1xf32>
        %mul3A_245 = arith.constant 16 : i32
        %mul3A_246 = arith.muli %scan3A_88, %mul3A_245 : i32
        %add3A_247 = arith.constant 3 : i32
        %add3A_248 = arith.addi %mul3A_246, %add3A_247 : i32
        %get3A_249 = arith.index_cast %add3A_248 : i32 to index
        %get3A_250 = arith.constant 0 : index
        %get3A_251 = tpu.vector_load %arg13[%get3A_249, %get3A_250] {strides = array<i32>} : memref<128x64xf32, #tpu.memory_space<vmem>>, vector<1x16xf32>,
        %get3A_252 = vector.shape_cast %get3A_251 : vector<1x16xf32> to vector<16xf32>
        %mul3A_253 = vector.broadcast %squeeze3A_244 : f32 to vector<16xf32>
        %mul3A_254 = arith.mulf %get3A_252, %mul3A_253 : vector<16xf32>
        %swap3A_255 = arith.index_cast %add3A_248 : i32 to index
        %swap3A_256 = arith.constant 0 : index
        %swap3A_257 = tpu.vector_load %arg13[%swap3A_255, %swap3A_256] {strides = array<i32>} : memref<128x64xf32, #tpu.memory_space<vmem>>, vector<1x16xf32>,
        %swap3A_258 = vector.shape_cast %swap3A_257 : vector<1x16xf32> to vector<16xf32>
        %swap3A_259 = vector.shape_cast %mul3A_254 : vector<16xf32> to vector<1x16xf32>
        tpu.vector_store %arg13[%swap3A_255, %swap3A_256], %swap3A_259 {strides = array<i32>} : memref<128x64xf32, #tpu.memory_space<vmem>>, vector<1x16xf32>,
        %get3A_260 = arith.index_cast %add3A_248 : i32 to index
        %get3A_261 = arith.constant 16 : index
        %get3A_262 = tpu.vector_load %arg13[%get3A_260, %get3A_261] {strides = array<i32>} : memref<128x64xf32, #tpu.memory_space<vmem>>, vector<1x16xf32>,
        %get3A_263 = vector.shape_cast %get3A_262 : vector<1x16xf32> to vector<16xf32>
        %mul3A_264 = vector.broadcast %squeeze3A_244 : f32 to vector<16xf32>
        %mul3A_265 = arith.mulf %get3A_263, %mul3A_264 : vector<16xf32>
        %swap3A_266 = arith.index_cast %add3A_248 : i32 to index
        %swap3A_267 = arith.constant 16 : index
        %swap3A_268 = tpu.vector_load %arg13[%swap3A_266, %swap3A_267] {strides = array<i32>} : memref<128x64xf32, #tpu.memory_space<vmem>>, vector<1x16xf32>,
        %swap3A_269 = vector.shape_cast %swap3A_268 : vector<1x16xf32> to vector<16xf32>
        %swap3A_270 = vector.shape_cast %mul3A_265 : vector<16xf32> to vector<1x16xf32>
        tpu.vector_store %arg13[%swap3A_266, %swap3A_267], %swap3A_270 {strides = array<i32>} : memref<128x64xf32, #tpu.memory_space<vmem>>, vector<1x16xf32>,
        %get3A_271 = arith.index_cast %add3A_248 : i32 to index
        %get3A_272 = arith.constant 32 : index
        %get3A_273 = tpu.vector_load %arg13[%get3A_271, %get3A_272] {strides = array<i32>} : memref<128x64xf32, #tpu.memory_space<vmem>>, vector<1x16xf32>,
        %get3A_274 = vector.shape_cast %get3A_273 : vector<1x16xf32> to vector<16xf32>
        %mul3A_275 = vector.broadcast %squeeze3A_244 : f32 to vector<16xf32>
        %mul3A_276 = arith.mulf %get3A_274, %mul3A_275 : vector<16xf32>
        %swap3A_277 = arith.index_cast %add3A_248 : i32 to index
        %swap3A_278 = arith.constant 32 : index
        %swap3A_279 = tpu.vector_load %arg13[%swap3A_277, %swap3A_278] {strides = array<i32>} : memref<128x64xf32, #tpu.memory_space<vmem>>, vector<1x16xf32>,
        %swap3A_280 = vector.shape_cast %swap3A_279 : vector<1x16xf32> to vector<16xf32>
        %swap3A_281 = vector.shape_cast %mul3A_276 : vector<16xf32> to vector<1x16xf32>
        tpu.vector_store %arg13[%swap3A_277, %swap3A_278], %swap3A_281 {strides = array<i32>} : memref<128x64xf32, #tpu.memory_space<vmem>>, vector<1x16xf32>,
        %get3A_282 = arith.index_cast %add3A_248 : i32 to index
        %get3A_283 = arith.constant 48 : index
        %get3A_284 = tpu.vector_load %arg13[%get3A_282, %get3A_283] {strides = array<i32>} : memref<128x64xf32, #tpu.memory_space<vmem>>, vector<1x16xf32>,
        %get3A_285 = vector.shape_cast %get3A_284 : vector<1x16xf32> to vector<16xf32>
        %mul3A_286 = vector.broadcast %squeeze3A_244 : f32 to vector<16xf32>
        %mul3A_287 = arith.mulf %get3A_285, %mul3A_286 : vector<16xf32>
        %swap3A_288 = arith.index_cast %add3A_248 : i32 to index
        %swap3A_289 = arith.constant 48 : index
        %swap3A_290 = tpu.vector_load %arg13[%swap3A_288, %swap3A_289] {strides = array<i32>} : memref<128x64xf32, #tpu.memory_space<vmem>>, vector<1x16xf32>,
        %swap3A_291 = vector.shape_cast %swap3A_290 : vector<1x16xf32> to vector<16xf32>
        %swap3A_292 = vector.shape_cast %mul3A_287 : vector<16xf32> to vector<1x16xf32>
        tpu.vector_store %arg13[%swap3A_288, %swap3A_289], %swap3A_292 {strides = array<i32>} : memref<128x64xf32, #tpu.memory_space<vmem>>, vector<1x16xf32>,
        %slice3A_293 = vector.extract_strided_slice %get3A_94 {offsets = [4], sizes = [1], strides = [1]} : vector<16xf32> to vector<1xf32>
        %squeeze3A_294 = vector.extract %slice3A_293[0] : f32 from vector<1xf32>
        %mul3A_295 = arith.constant 16 : i32
        %mul3A_296 = arith.muli %scan3A_88, %mul3A_295 : i32
        %add3A_297 = arith.constant 4 : i32
        %add3A_298 = arith.addi %mul3A_296, %add3A_297 : i32
        %get3A_299 = arith.index_cast %add3A_298 : i32 to index
        %get3A_300 = arith.constant 0 : index
        %get3A_301 = tpu.vector_load %arg13[%get3A_299, %get3A_300] {strides = array<i32>} : memref<128x64xf32, #tpu.memory_space<vmem>>, vector<1x16xf32>,
        %get3A_302 = vector.shape_cast %get3A_301 : vector<1x16xf32> to vector<16xf32>
        %mul3A_303 = vector.broadcast %squeeze3A_294 : f32 to vector<16xf32>
        %mul3A_304 = arith.mulf %get3A_302, %mul3A_303 : vector<16xf32>
        %swap3A_305 = arith.index_cast %add3A_298 : i32 to index
        %swap3A_306 = arith.constant 0 : index
        %swap3A_307 = tpu.vector_load %arg13[%swap3A_305, %swap3A_306] {strides = array<i32>} : memref<128x64xf32, #tpu.memory_space<vmem>>, vector<1x16xf32>,
        %swap3A_308 = vector.shape_cast %swap3A_307 : vector<1x16xf32> to vector<16xf32>
        %swap3A_309 = vector.shape_cast %mul3A_304 : vector<16xf32> to vector<1x16xf32>
        tpu.vector_store %arg13[%swap3A_305, %swap3A_306], %swap3A_309 {strides = array<i32>} : memref<128x64xf32, #tpu.memory_space<vmem>>, vector<1x16xf32>,
        %get3A_310 = arith.index_cast %add3A_298 : i32 to index
        %get3A_311 = arith.constant 16 : index
        %get3A_312 = tpu.vector_load %arg13[%get3A_310, %get3A_311] {strides = array<i32>} : memref<128x64xf32, #tpu.memory_space<vmem>>, vector<1x16xf32>,
        %get3A_313 = vector.shape_cast %get3A_312 : vector<1x16xf32> to vector<16xf32>
        %mul3A_314 = vector.broadcast %squeeze3A_294 : f32 to vector<16xf32>
        %mul3A_315 = arith.mulf %get3A_313, %mul3A_314 : vector<16xf32>
        %swap3A_316 = arith.index_cast %add3A_298 : i32 to index
        %swap3A_317 = arith.constant 16 : index
        %swap3A_318 = tpu.vector_load %arg13[%swap3A_316, %swap3A_317] {strides = array<i32>} : memref<128x64xf32, #tpu.memory_space<vmem>>, vector<1x16xf32>,
        %swap3A_319 = vector.shape_cast %swap3A_318 : vector<1x16xf32> to vector<16xf32>
        %swap3A_320 = vector.shape_cast %mul3A_315 : vector<16xf32> to vector<1x16xf32>
        tpu.vector_store %arg13[%swap3A_316, %swap3A_317], %swap3A_320 {strides = array<i32>} : memref<128x64xf32, #tpu.memory_space<vmem>>, vector<1x16xf32>,
        %get3A_321 = arith.index_cast %add3A_298 : i32 to index
        %get3A_322 = arith.constant 32 : index
        %get3A_323 = tpu.vector_load %arg13[%get3A_321, %get3A_322] {strides = array<i32>} : memref<128x64xf32, #tpu.memory_space<vmem>>, vector<1x16xf32>,
        %get3A_324 = vector.shape_cast %get3A_323 : vector<1x16xf32> to vector<16xf32>
        %mul3A_325 = vector.broadcast %squeeze3A_294 : f32 to vector<16xf32>
        %mul3A_326 = arith.mulf %get3A_324, %mul3A_325 : vector<16xf32>
        %swap3A_327 = arith.index_cast %add3A_298 : i32 to index
        %swap3A_328 = arith.constant 32 : index
        %swap3A_329 = tpu.vector_load %arg13[%swap3A_327, %swap3A_328] {strides = array<i32>} : memref<128x64xf32, #tpu.memory_space<vmem>>, vector<1x16xf32>,
        %swap3A_330 = vector.shape_cast %swap3A_329 : vector<1x16xf32> to vector<16xf32>
        %swap3A_331 = vector.shape_cast %mul3A_326 : vector<16xf32> to vector<1x16xf32>
        tpu.vector_store %arg13[%swap3A_327, %swap3A_328], %swap3A_331 {strides = array<i32>} : memref<128x64xf32, #tpu.memory_space<vmem>>, vector<1x16xf32>,
        %get3A_332 = arith.index_cast %add3A_298 : i32 to index
        %get3A_333 = arith.constant 48 : index
        %get3A_334 = tpu.vector_load %arg13[%get3A_332, %get3A_333] {strides = array<i32>} : memref<128x64xf32, #tpu.memory_space<vmem>>, vector<1x16xf32>,
        %get3A_335 = vector.shape_cast %get3A_334 : vector<1x16xf32> to vector<16xf32>
        %mul3A_336 = vector.broadcast %squeeze3A_294 : f32 to vector<16xf32>
        %mul3A_337 = arith.mulf %get3A_335, %mul3A_336 : vector<16xf32>
        %swap3A_338 = arith.index_cast %add3A_298 : i32 to index
        %swap3A_339 = arith.constant 48 : index
        %swap3A_340 = tpu.vector_load %arg13[%swap3A_338, %swap3A_339] {strides = array<i32>} : memref<128x64xf32, #tpu.memory_space<vmem>>, vector<1x16xf32>,
        %swap3A_341 = vector.shape_cast %swap3A_340 : vector<1x16xf32> to vector<16xf32>
        %swap3A_342 = vector.shape_cast %mul3A_337 : vector<16xf32> to vector<1x16xf32>
        tpu.vector_store %arg13[%swap3A_338, %swap3A_339], %swap3A_342 {strides = array<i32>} : memref<128x64xf32, #tpu.memory_space<vmem>>, vector<1x16xf32>,
        %slice3A_343 = vector.extract_strided_slice %get3A_94 {offsets = [5], sizes = [1], strides = [1]} : vector<16xf32> to vector<1xf32>
        %squeeze3A_344 = vector.extract %slice3A_343[0] : f32 from vector<1xf32>
        %mul3A_345 = arith.constant 16 : i32
        %mul3A_346 = arith.muli %scan3A_88, %mul3A_345 : i32
        %add3A_347 = arith.constant 5 : i32
        %add3A_348 = arith.addi %mul3A_346, %add3A_347 : i32
        %get3A_349 = arith.index_cast %add3A_348 : i32 to index
        %get3A_350 = arith.constant 0 : index
        %get3A_351 = tpu.vector_load %arg13[%get3A_349, %get3A_350] {strides = array<i32>} : memref<128x64xf32, #tpu.memory_space<vmem>>, vector<1x16xf32>,
        %get3A_352 = vector.shape_cast %get3A_351 : vector<1x16xf32> to vector<16xf32>
        %mul3A_353 = vector.broadcast %squeeze3A_344 : f32 to vector<16xf32>
        %mul3A_354 = arith.mulf %get3A_352, %mul3A_353 : vector<16xf32>
        %swap3A_355 = arith.index_cast %add3A_348 : i32 to index
        %swap3A_356 = arith.constant 0 : index
        %swap3A_357 = tpu.vector_load %arg13[%swap3A_355, %swap3A_356] {strides = array<i32>} : memref<128x64xf32, #tpu.memory_space<vmem>>, vector<1x16xf32>,
        %swap3A_358 = vector.shape_cast %swap3A_357 : vector<1x16xf32> to vector<16xf32>
        %swap3A_359 = vector.shape_cast %mul3A_354 : vector<16xf32> to vector<1x16xf32>
        tpu.vector_store %arg13[%swap3A_355, %swap3A_356], %swap3A_359 {strides = array<i32>} : memref<128x64xf32, #tpu.memory_space<vmem>>, vector<1x16xf32>,
        %get3A_360 = arith.index_cast %add3A_348 : i32 to index
        %get3A_361 = arith.constant 16 : index
        %get3A_362 = tpu.vector_load %arg13[%get3A_360, %get3A_361] {strides = array<i32>} : memref<128x64xf32, #tpu.memory_space<vmem>>, vector<1x16xf32>,
        %get3A_363 = vector.shape_cast %get3A_362 : vector<1x16xf32> to vector<16xf32>
        %mul3A_364 = vector.broadcast %squeeze3A_344 : f32 to vector<16xf32>
        %mul3A_365 = arith.mulf %get3A_363, %mul3A_364 : vector<16xf32>
        %swap3A_366 = arith.index_cast %add3A_348 : i32 to index
        %swap3A_367 = arith.constant 16 : index
        %swap3A_368 = tpu.vector_load %arg13[%swap3A_366, %swap3A_367] {strides = array<i32>} : memref<128x64xf32, #tpu.memory_space<vmem>>, vector<1x16xf32>,
        %swap3A_369 = vector.shape_cast %swap3A_368 : vector<1x16xf32> to vector<16xf32>
        %swap3A_370 = vector.shape_cast %mul3A_365 : vector<16xf32> to vector<1x16xf32>
        tpu.vector_store %arg13[%swap3A_366, %swap3A_367], %swap3A_370 {strides = array<i32>} : memref<128x64xf32, #tpu.memory_space<vmem>>, vector<1x16xf32>,
        %get3A_371 = arith.index_cast %add3A_348 : i32 to index
        %get3A_372 = arith.constant 32 : index
        %get3A_373 = tpu.vector_load %arg13[%get3A_371, %get3A_372] {strides = array<i32>} : memref<128x64xf32, #tpu.memory_space<vmem>>, vector<1x16xf32>,
        %get3A_374 = vector.shape_cast %get3A_373 : vector<1x16xf32> to vector<16xf32>
        %mul3A_375 = vector.broadcast %squeeze3A_344 : f32 to vector<16xf32>
        %mul3A_376 = arith.mulf %get3A_374, %mul3A_375 : vector<16xf32>
        %swap3A_377 = arith.index_cast %add3A_348 : i32 to index
        %swap3A_378 = arith.constant 32 : index
        %swap3A_379 = tpu.vector_load %arg13[%swap3A_377, %swap3A_378] {strides = array<i32>} : memref<128x64xf32, #tpu.memory_space<vmem>>, vector<1x16xf32>,
        %swap3A_380 = vector.shape_cast %swap3A_379 : vector<1x16xf32> to vector<16xf32>
        %swap3A_381 = vector.shape_cast %mul3A_376 : vector<16xf32> to vector<1x16xf32>
        tpu.vector_store %arg13[%swap3A_377, %swap3A_378], %swap3A_381 {strides = array<i32>} : memref<128x64xf32, #tpu.memory_space<vmem>>, vector<1x16xf32>,
        %get3A_382 = arith.index_cast %add3A_348 : i32 to index
        %get3A_383 = arith.constant 48 : index
        %get3A_384 = tpu.vector_load %arg13[%get3A_382, %get3A_383] {strides = array<i32>} : memref<128x64xf32, #tpu.memory_space<vmem>>, vector<1x16xf32>,
        %get3A_385 = vector.shape_cast %get3A_384 : vector<1x16xf32> to vector<16xf32>
        %mul3A_386 = vector.broadcast %squeeze3A_344 : f32 to vector<16xf32>
        %mul3A_387 = arith.mulf %get3A_385, %mul3A_386 : vector<16xf32>
        %swap3A_388 = arith.index_cast %add3A_348 : i32 to index
        %swap3A_389 = arith.constant 48 : index
        %swap3A_390 = tpu.vector_load %arg13[%swap3A_388, %swap3A_389] {strides = array<i32>} : memref<128x64xf32, #tpu.memory_space<vmem>>, vector<1x16xf32>,
        %swap3A_391 = vector.shape_cast %swap3A_390 : vector<1x16xf32> to vector<16xf32>
        %swap3A_392 = vector.shape_cast %mul3A_387 : vector<16xf32> to vector<1x16xf32>
        tpu.vector_store %arg13[%swap3A_388, %swap3A_389], %swap3A_392 {strides = array<i32>} : memref<128x64xf32, #tpu.memory_space<vmem>>, vector<1x16xf32>,
        %slice3A_393 = vector.extract_strided_slice %get3A_94 {offsets = [6], sizes = [1], strides = [1]} : vector<16xf32> to vector<1xf32>
        %squeeze3A_394 = vector.extract %slice3A_393[0] : f32 from vector<1xf32>
        %mul3A_395 = arith.constant 16 : i32
        %mul3A_396 = arith.muli %scan3A_88, %mul3A_395 : i32
        %add3A_397 = arith.constant 6 : i32
        %add3A_398 = arith.addi %mul3A_396, %add3A_397 : i32
        %get3A_399 = arith.index_cast %add3A_398 : i32 to index
        %get3A_400 = arith.constant 0 : index
        %get3A_401 = tpu.vector_load %arg13[%get3A_399, %get3A_400] {strides = array<i32>} : memref<128x64xf32, #tpu.memory_space<vmem>>, vector<1x16xf32>,
        %get3A_402 = vector.shape_cast %get3A_401 : vector<1x16xf32> to vector<16xf32>
        %mul3A_403 = vector.broadcast %squeeze3A_394 : f32 to vector<16xf32>
        %mul3A_404 = arith.mulf %get3A_402, %mul3A_403 : vector<16xf32>
        %swap3A_405 = arith.index_cast %add3A_398 : i32 to index
        %swap3A_406 = arith.constant 0 : index
        %swap3A_407 = tpu.vector_load %arg13[%swap3A_405, %swap3A_406] {strides = array<i32>} : memref<128x64xf32, #tpu.memory_space<vmem>>, vector<1x16xf32>,
        %swap3A_408 = vector.shape_cast %swap3A_407 : vector<1x16xf32> to vector<16xf32>
        %swap3A_409 = vector.shape_cast %mul3A_404 : vector<16xf32> to vector<1x16xf32>
        tpu.vector_store %arg13[%swap3A_405, %swap3A_406], %swap3A_409 {strides = array<i32>} : memref<128x64xf32, #tpu.memory_space<vmem>>, vector<1x16xf32>,
        %get3A_410 = arith.index_cast %add3A_398 : i32 to index
        %get3A_411 = arith.constant 16 : index
        %get3A_412 = tpu.vector_load %arg13[%get3A_410, %get3A_411] {strides = array<i32>} : memref<128x64xf32, #tpu.memory_space<vmem>>, vector<1x16xf32>,
        %get3A_413 = vector.shape_cast %get3A_412 : vector<1x16xf32> to vector<16xf32>
        %mul3A_414 = vector.broadcast %squeeze3A_394 : f32 to vector<16xf32>
        %mul3A_415 = arith.mulf %get3A_413, %mul3A_414 : vector<16xf32>
        %swap3A_416 = arith.index_cast %add3A_398 : i32 to index
        %swap3A_417 = arith.constant 16 : index
        %swap3A_418 = tpu.vector_load %arg13[%swap3A_416, %swap3A_417] {strides = array<i32>} : memref<128x64xf32, #tpu.memory_space<vmem>>, vector<1x16xf32>,
        %swap3A_419 = vector.shape_cast %swap3A_418 : vector<1x16xf32> to vector<16xf32>
        %swap3A_420 = vector.shape_cast %mul3A_415 : vector<16xf32> to vector<1x16xf32>
        tpu.vector_store %arg13[%swap3A_416, %swap3A_417], %swap3A_420 {strides = array<i32>} : memref<128x64xf32, #tpu.memory_space<vmem>>, vector<1x16xf32>,
        %get3A_421 = arith.index_cast %add3A_398 : i32 to index
        %get3A_422 = arith.constant 32 : index
        %get3A_423 = tpu.vector_load %arg13[%get3A_421, %get3A_422] {strides = array<i32>} : memref<128x64xf32, #tpu.memory_space<vmem>>, vector<1x16xf32>,
        %get3A_424 = vector.shape_cast %get3A_423 : vector<1x16xf32> to vector<16xf32>
        %mul3A_425 = vector.broadcast %squeeze3A_394 : f32 to vector<16xf32>
        %mul3A_426 = arith.mulf %get3A_424, %mul3A_425 : vector<16xf32>
        %swap3A_427 = arith.index_cast %add3A_398 : i32 to index
        %swap3A_428 = arith.constant 32 : index
        %swap3A_429 = tpu.vector_load %arg13[%swap3A_427, %swap3A_428] {strides = array<i32>} : memref<128x64xf32, #tpu.memory_space<vmem>>, vector<1x16xf32>,
        %swap3A_430 = vector.shape_cast %swap3A_429 : vector<1x16xf32> to vector<16xf32>
        %swap3A_431 = vector.shape_cast %mul3A_426 : vector<16xf32> to vector<1x16xf32>
        tpu.vector_store %arg13[%swap3A_427, %swap3A_428], %swap3A_431 {strides = array<i32>} : memref<128x64xf32, #tpu.memory_space<vmem>>, vector<1x16xf32>,
        %get3A_432 = arith.index_cast %add3A_398 : i32 to index
        %get3A_433 = arith.constant 48 : index
        %get3A_434 = tpu.vector_load %arg13[%get3A_432, %get3A_433] {strides = array<i32>} : memref<128x64xf32, #tpu.memory_space<vmem>>, vector<1x16xf32>,
        %get3A_435 = vector.shape_cast %get3A_434 : vector<1x16xf32> to vector<16xf32>
        %mul3A_436 = vector.broadcast %squeeze3A_394 : f32 to vector<16xf32>
        %mul3A_437 = arith.mulf %get3A_435, %mul3A_436 : vector<16xf32>
        %swap3A_438 = arith.index_cast %add3A_398 : i32 to index
        %swap3A_439 = arith.constant 48 : index
        %swap3A_440 = tpu.vector_load %arg13[%swap3A_438, %swap3A_439] {strides = array<i32>} : memref<128x64xf32, #tpu.memory_space<vmem>>, vector<1x16xf32>,
        %swap3A_441 = vector.shape_cast %swap3A_440 : vector<1x16xf32> to vector<16xf32>
        %swap3A_442 = vector.shape_cast %mul3A_437 : vector<16xf32> to vector<1x16xf32>
        tpu.vector_store %arg13[%swap3A_438, %swap3A_439], %swap3A_442 {strides = array<i32>} : memref<128x64xf32, #tpu.memory_space<vmem>>, vector<1x16xf32>,
        %slice3A_443 = vector.extract_strided_slice %get3A_94 {offsets = [7], sizes = [1], strides = [1]} : vector<16xf32> to vector<1xf32>
        %squeeze3A_444 = vector.extract %slice3A_443[0] : f32 from vector<1xf32>
        %mul3A_445 = arith.constant 16 : i32
        %mul3A_446 = arith.muli %scan3A_88, %mul3A_445 : i32
        %add3A_447 = arith.constant 7 : i32
        %add3A_448 = arith.addi %mul3A_446, %add3A_447 : i32
        %get3A_449 = arith.index_cast %add3A_448 : i32 to index
        %get3A_450 = arith.constant 0 : index
        %get3A_451 = tpu.vector_load %arg13[%get3A_449, %get3A_450] {strides = array<i32>} : memref<128x64xf32, #tpu.memory_space<vmem>>, vector<1x16xf32>,
        %get3A_452 = vector.shape_cast %get3A_451 : vector<1x16xf32> to vector<16xf32>
        %mul3A_453 = vector.broadcast %squeeze3A_444 : f32 to vector<16xf32>
        %mul3A_454 = arith.mulf %get3A_452, %mul3A_453 : vector<16xf32>
        %swap3A_455 = arith.index_cast %add3A_448 : i32 to index
        %swap3A_456 = arith.constant 0 : index
        %swap3A_457 = tpu.vector_load %arg13[%swap3A_455, %swap3A_456] {strides = array<i32>} : memref<128x64xf32, #tpu.memory_space<vmem>>, vector<1x16xf32>,
        %swap3A_458 = vector.shape_cast %swap3A_457 : vector<1x16xf32> to vector<16xf32>
        %swap3A_459 = vector.shape_cast %mul3A_454 : vector<16xf32> to vector<1x16xf32>
        tpu.vector_store %arg13[%swap3A_455, %swap3A_456], %swap3A_459 {strides = array<i32>} : memref<128x64xf32, #tpu.memory_space<vmem>>, vector<1x16xf32>,
        %get3A_460 = arith.index_cast %add3A_448 : i32 to index
        %get3A_461 = arith.constant 16 : index
        %get3A_462 = tpu.vector_load %arg13[%get3A_460, %get3A_461] {strides = array<i32>} : memref<128x64xf32, #tpu.memory_space<vmem>>, vector<1x16xf32>,
        %get3A_463 = vector.shape_cast %get3A_462 : vector<1x16xf32> to vector<16xf32>
        %mul3A_464 = vector.broadcast %squeeze3A_444 : f32 to vector<16xf32>
        %mul3A_465 = arith.mulf %get3A_463, %mul3A_464 : vector<16xf32>
        %swap3A_466 = arith.index_cast %add3A_448 : i32 to index
        %swap3A_467 = arith.constant 16 : index
        %swap3A_468 = tpu.vector_load %arg13[%swap3A_466, %swap3A_467] {strides = array<i32>} : memref<128x64xf32, #tpu.memory_space<vmem>>, vector<1x16xf32>,
        %swap3A_469 = vector.shape_cast %swap3A_468 : vector<1x16xf32> to vector<16xf32>
        %swap3A_470 = vector.shape_cast %mul3A_465 : vector<16xf32> to vector<1x16xf32>
        tpu.vector_store %arg13[%swap3A_466, %swap3A_467], %swap3A_470 {strides = array<i32>} : memref<128x64xf32, #tpu.memory_space<vmem>>, vector<1x16xf32>,
        %get3A_471 = arith.index_cast %add3A_448 : i32 to index
        %get3A_472 = arith.constant 32 : index
        %get3A_473 = tpu.vector_load %arg13[%get3A_471, %get3A_472] {strides = array<i32>} : memref<128x64xf32, #tpu.memory_space<vmem>>, vector<1x16xf32>,
        %get3A_474 = vector.shape_cast %get3A_473 : vector<1x16xf32> to vector<16xf32>
        %mul3A_475 = vector.broadcast %squeeze3A_444 : f32 to vector<16xf32>
        %mul3A_476 = arith.mulf %get3A_474, %mul3A_475 : vector<16xf32>
        %swap3A_477 = arith.index_cast %add3A_448 : i32 to index
        %swap3A_478 = arith.constant 32 : index
        %swap3A_479 = tpu.vector_load %arg13[%swap3A_477, %swap3A_478] {strides = array<i32>} : memref<128x64xf32, #tpu.memory_space<vmem>>, vector<1x16xf32>,
        %swap3A_480 = vector.shape_cast %swap3A_479 : vector<1x16xf32> to vector<16xf32>
        %swap3A_481 = vector.shape_cast %mul3A_476 : vector<16xf32> to vector<1x16xf32>
        tpu.vector_store %arg13[%swap3A_477, %swap3A_478], %swap3A_481 {strides = array<i32>} : memref<128x64xf32, #tpu.memory_space<vmem>>, vector<1x16xf32>,
        %get3A_482 = arith.index_cast %add3A_448 : i32 to index
        %get3A_483 = arith.constant 48 : index
        %get3A_484 = tpu.vector_load %arg13[%get3A_482, %get3A_483] {strides = array<i32>} : memref<128x64xf32, #tpu.memory_space<vmem>>, vector<1x16xf32>,
        %get3A_485 = vector.shape_cast %get3A_484 : vector<1x16xf32> to vector<16xf32>
        %mul3A_486 = vector.broadcast %squeeze3A_444 : f32 to vector<16xf32>
        %mul3A_487 = arith.mulf %get3A_485, %mul3A_486 : vector<16xf32>
        %swap3A_488 = arith.index_cast %add3A_448 : i32 to index
        %swap3A_489 = arith.constant 48 : index
        %swap3A_490 = tpu.vector_load %arg13[%swap3A_488, %swap3A_489] {strides = array<i32>} : memref<128x64xf32, #tpu.memory_space<vmem>>, vector<1x16xf32>,
        %swap3A_491 = vector.shape_cast %swap3A_490 : vector<1x16xf32> to vector<16xf32>
        %swap3A_492 = vector.shape_cast %mul3A_487 : vector<16xf32> to vector<1x16xf32>
        tpu.vector_store %arg13[%swap3A_488, %swap3A_489], %swap3A_492 {strides = array<i32>} : memref<128x64xf32, #tpu.memory_space<vmem>>, vector<1x16xf32>,
        %slice3A_493 = vector.extract_strided_slice %get3A_94 {offsets = [8], sizes = [1], strides = [1]} : vector<16xf32> to vector<1xf32>
        %squeeze3A_494 = vector.extract %slice3A_493[0] : f32 from vector<1xf32>
        %mul3A_495 = arith.constant 16 : i32
        %mul3A_496 = arith.muli %scan3A_88, %mul3A_495 : i32
        %add3A_497 = arith.constant 8 : i32
        %add3A_498 = arith.addi %mul3A_496, %add3A_497 : i32
        %get3A_499 = arith.index_cast %add3A_498 : i32 to index
        %get3A_500 = arith.constant 0 : index
        %get3A_501 = tpu.vector_load %arg13[%get3A_499, %get3A_500] {strides = array<i32>} : memref<128x64xf32, #tpu.memory_space<vmem>>, vector<1x16xf32>,
        %get3A_502 = vector.shape_cast %get3A_501 : vector<1x16xf32> to vector<16xf32>
        %mul3A_503 = vector.broadcast %squeeze3A_494 : f32 to vector<16xf32>
        %mul3A_504 = arith.mulf %get3A_502, %mul3A_503 : vector<16xf32>
        %swap3A_505 = arith.index_cast %add3A_498 : i32 to index
        %swap3A_506 = arith.constant 0 : index
        %swap3A_507 = tpu.vector_load %arg13[%swap3A_505, %swap3A_506] {strides = array<i32>} : memref<128x64xf32, #tpu.memory_space<vmem>>, vector<1x16xf32>,
        %swap3A_508 = vector.shape_cast %swap3A_507 : vector<1x16xf32> to vector<16xf32>
        %swap3A_509 = vector.shape_cast %mul3A_504 : vector<16xf32> to vector<1x16xf32>
        tpu.vector_store %arg13[%swap3A_505, %swap3A_506], %swap3A_509 {strides = array<i32>} : memref<128x64xf32, #tpu.memory_space<vmem>>, vector<1x16xf32>,
        %get3A_510 = arith.index_cast %add3A_498 : i32 to index
        %get3A_511 = arith.constant 16 : index
        %get3A_512 = tpu.vector_load %arg13[%get3A_510, %get3A_511] {strides = array<i32>} : memref<128x64xf32, #tpu.memory_space<vmem>>, vector<1x16xf32>,
        %get3A_513 = vector.shape_cast %get3A_512 : vector<1x16xf32> to vector<16xf32>
        %mul3A_514 = vector.broadcast %squeeze3A_494 : f32 to vector<16xf32>
        %mul3A_515 = arith.mulf %get3A_513, %mul3A_514 : vector<16xf32>
        %swap3A_516 = arith.index_cast %add3A_498 : i32 to index
        %swap3A_517 = arith.constant 16 : index
        %swap3A_518 = tpu.vector_load %arg13[%swap3A_516, %swap3A_517] {strides = array<i32>} : memref<128x64xf32, #tpu.memory_space<vmem>>, vector<1x16xf32>,
        %swap3A_519 = vector.shape_cast %swap3A_518 : vector<1x16xf32> to vector<16xf32>
        %swap3A_520 = vector.shape_cast %mul3A_515 : vector<16xf32> to vector<1x16xf32>
        tpu.vector_store %arg13[%swap3A_516, %swap3A_517], %swap3A_520 {strides = array<i32>} : memref<128x64xf32, #tpu.memory_space<vmem>>, vector<1x16xf32>,
        %get3A_521 = arith.index_cast %add3A_498 : i32 to index
        %get3A_522 = arith.constant 32 : index
        %get3A_523 = tpu.vector_load %arg13[%get3A_521, %get3A_522] {strides = array<i32>} : memref<128x64xf32, #tpu.memory_space<vmem>>, vector<1x16xf32>,
        %get3A_524 = vector.shape_cast %get3A_523 : vector<1x16xf32> to vector<16xf32>
        %mul3A_525 = vector.broadcast %squeeze3A_494 : f32 to vector<16xf32>
        %mul3A_526 = arith.mulf %get3A_524, %mul3A_525 : vector<16xf32>
        %swap3A_527 = arith.index_cast %add3A_498 : i32 to index
        %swap3A_528 = arith.constant 32 : index
        %swap3A_529 = tpu.vector_load %arg13[%swap3A_527, %swap3A_528] {strides = array<i32>} : memref<128x64xf32, #tpu.memory_space<vmem>>, vector<1x16xf32>,
        %swap3A_530 = vector.shape_cast %swap3A_529 : vector<1x16xf32> to vector<16xf32>
        %swap3A_531 = vector.shape_cast %mul3A_526 : vector<16xf32> to vector<1x16xf32>
        tpu.vector_store %arg13[%swap3A_527, %swap3A_528], %swap3A_531 {strides = array<i32>} : memref<128x64xf32, #tpu.memory_space<vmem>>, vector<1x16xf32>,
        %get3A_532 = arith.index_cast %add3A_498 : i32 to index
        %get3A_533 = arith.constant 48 : index
        %get3A_534 = tpu.vector_load %arg13[%get3A_532, %get3A_533] {strides = array<i32>} : memref<128x64xf32, #tpu.memory_space<vmem>>, vector<1x16xf32>,
        %get3A_535 = vector.shape_cast %get3A_534 : vector<1x16xf32> to vector<16xf32>
        %mul3A_536 = vector.broadcast %squeeze3A_494 : f32 to vector<16xf32>
        %mul3A_537 = arith.mulf %get3A_535, %mul3A_536 : vector<16xf32>
        %swap3A_538 = arith.index_cast %add3A_498 : i32 to index
        %swap3A_539 = arith.constant 48 : index
        %swap3A_540 = tpu.vector_load %arg13[%swap3A_538, %swap3A_539] {strides = array<i32>} : memref<128x64xf32, #tpu.memory_space<vmem>>, vector<1x16xf32>,
        %swap3A_541 = vector.shape_cast %swap3A_540 : vector<1x16xf32> to vector<16xf32>
        %swap3A_542 = vector.shape_cast %mul3A_537 : vector<16xf32> to vector<1x16xf32>
        tpu.vector_store %arg13[%swap3A_538, %swap3A_539], %swap3A_542 {strides = array<i32>} : memref<128x64xf32, #tpu.memory_space<vmem>>, vector<1x16xf32>,
        %slice3A_543 = vector.extract_strided_slice %get3A_94 {offsets = [9], sizes = [1], strides = [1]} : vector<16xf32> to vector<1xf32>
        %squeeze3A_544 = vector.extract %slice3A_543[0] : f32 from vector<1xf32>
        %mul3A_545 = arith.constant 16 : i32
        %mul3A_546 = arith.muli %scan3A_88, %mul3A_545 : i32
        %add3A_547 = arith.constant 9 : i32
        %add3A_548 = arith.addi %mul3A_546, %add3A_547 : i32
        %get3A_549 = arith.index_cast %add3A_548 : i32 to index
        %get3A_550 = arith.constant 0 : index
        %get3A_551 = tpu.vector_load %arg13[%get3A_549, %get3A_550] {strides = array<i32>} : memref<128x64xf32, #tpu.memory_space<vmem>>, vector<1x16xf32>,
        %get3A_552 = vector.shape_cast %get3A_551 : vector<1x16xf32> to vector<16xf32>
        %mul3A_553 = vector.broadcast %squeeze3A_544 : f32 to vector<16xf32>
        %mul3A_554 = arith.mulf %get3A_552, %mul3A_553 : vector<16xf32>
        %swap3A_555 = arith.index_cast %add3A_548 : i32 to index
        %swap3A_556 = arith.constant 0 : index
        %swap3A_557 = tpu.vector_load %arg13[%swap3A_555, %swap3A_556] {strides = array<i32>} : memref<128x64xf32, #tpu.memory_space<vmem>>, vector<1x16xf32>,
        %swap3A_558 = vector.shape_cast %swap3A_557 : vector<1x16xf32> to vector<16xf32>
        %swap3A_559 = vector.shape_cast %mul3A_554 : vector<16xf32> to vector<1x16xf32>
        tpu.vector_store %arg13[%swap3A_555, %swap3A_556], %swap3A_559 {strides = array<i32>} : memref<128x64xf32, #tpu.memory_space<vmem>>, vector<1x16xf32>,
        %get3A_560 = arith.index_cast %add3A_548 : i32 to index
        %get3A_561 = arith.constant 16 : index
        %get3A_562 = tpu.vector_load %arg13[%get3A_560, %get3A_561] {strides = array<i32>} : memref<128x64xf32, #tpu.memory_space<vmem>>, vector<1x16xf32>,
        %get3A_563 = vector.shape_cast %get3A_562 : vector<1x16xf32> to vector<16xf32>
        %mul3A_564 = vector.broadcast %squeeze3A_544 : f32 to vector<16xf32>
        %mul3A_565 = arith.mulf %get3A_563, %mul3A_564 : vector<16xf32>
        %swap3A_566 = arith.index_cast %add3A_548 : i32 to index
        %swap3A_567 = arith.constant 16 : index
        %swap3A_568 = tpu.vector_load %arg13[%swap3A_566, %swap3A_567] {strides = array<i32>} : memref<128x64xf32, #tpu.memory_space<vmem>>, vector<1x16xf32>,
        %swap3A_569 = vector.shape_cast %swap3A_568 : vector<1x16xf32> to vector<16xf32>
        %swap3A_570 = vector.shape_cast %mul3A_565 : vector<16xf32> to vector<1x16xf32>
        tpu.vector_store %arg13[%swap3A_566, %swap3A_567], %swap3A_570 {strides = array<i32>} : memref<128x64xf32, #tpu.memory_space<vmem>>, vector<1x16xf32>,
        %get3A_571 = arith.index_cast %add3A_548 : i32 to index
        %get3A_572 = arith.constant 32 : index
        %get3A_573 = tpu.vector_load %arg13[%get3A_571, %get3A_572] {strides = array<i32>} : memref<128x64xf32, #tpu.memory_space<vmem>>, vector<1x16xf32>,
        %get3A_574 = vector.shape_cast %get3A_573 : vector<1x16xf32> to vector<16xf32>
        %mul3A_575 = vector.broadcast %squeeze3A_544 : f32 to vector<16xf32>
        %mul3A_576 = arith.mulf %get3A_574, %mul3A_575 : vector<16xf32>
        %swap3A_577 = arith.index_cast %add3A_548 : i32 to index
        %swap3A_578 = arith.constant 32 : index
        %swap3A_579 = tpu.vector_load %arg13[%swap3A_577, %swap3A_578] {strides = array<i32>} : memref<128x64xf32, #tpu.memory_space<vmem>>, vector<1x16xf32>,
        %swap3A_580 = vector.shape_cast %swap3A_579 : vector<1x16xf32> to vector<16xf32>
        %swap3A_581 = vector.shape_cast %mul3A_576 : vector<16xf32> to vector<1x16xf32>
        tpu.vector_store %arg13[%swap3A_577, %swap3A_578], %swap3A_581 {strides = array<i32>} : memref<128x64xf32, #tpu.memory_space<vmem>>, vector<1x16xf32>,
        %get3A_582 = arith.index_cast %add3A_548 : i32 to index
        %get3A_583 = arith.constant 48 : index
        %get3A_584 = tpu.vector_load %arg13[%get3A_582, %get3A_583] {strides = array<i32>} : memref<128x64xf32, #tpu.memory_space<vmem>>, vector<1x16xf32>,
        %get3A_585 = vector.shape_cast %get3A_584 : vector<1x16xf32> to vector<16xf32>
        %mul3A_586 = vector.broadcast %squeeze3A_544 : f32 to vector<16xf32>
        %mul3A_587 = arith.mulf %get3A_585, %mul3A_586 : vector<16xf32>
        %swap3A_588 = arith.index_cast %add3A_548 : i32 to index
        %swap3A_589 = arith.constant 48 : index
        %swap3A_590 = tpu.vector_load %arg13[%swap3A_588, %swap3A_589] {strides = array<i32>} : memref<128x64xf32, #tpu.memory_space<vmem>>, vector<1x16xf32>,
        %swap3A_591 = vector.shape_cast %swap3A_590 : vector<1x16xf32> to vector<16xf32>
        %swap3A_592 = vector.shape_cast %mul3A_587 : vector<16xf32> to vector<1x16xf32>
        tpu.vector_store %arg13[%swap3A_588, %swap3A_589], %swap3A_592 {strides = array<i32>} : memref<128x64xf32, #tpu.memory_space<vmem>>, vector<1x16xf32>,
        %slice3A_593 = vector.extract_strided_slice %get3A_94 {offsets = [10], sizes = [1], strides = [1]} : vector<16xf32> to vector<1xf32>
        %squeeze3A_594 = vector.extract %slice3A_593[0] : f32 from vector<1xf32>
        %mul3A_595 = arith.constant 16 : i32
        %mul3A_596 = arith.muli %scan3A_88, %mul3A_595 : i32
        %add3A_597 = arith.constant 10 : i32
        %add3A_598 = arith.addi %mul3A_596, %add3A_597 : i32
        %get3A_599 = arith.index_cast %add3A_598 : i32 to index
        %get3A_600 = arith.constant 0 : index
        %get3A_601 = tpu.vector_load %arg13[%get3A_599, %get3A_600] {strides = array<i32>} : memref<128x64xf32, #tpu.memory_space<vmem>>, vector<1x16xf32>,
        %get3A_602 = vector.shape_cast %get3A_601 : vector<1x16xf32> to vector<16xf32>
        %mul3A_603 = vector.broadcast %squeeze3A_594 : f32 to vector<16xf32>
        %mul3A_604 = arith.mulf %get3A_602, %mul3A_603 : vector<16xf32>
        %swap3A_605 = arith.index_cast %add3A_598 : i32 to index
        %swap3A_606 = arith.constant 0 : index
        %swap3A_607 = tpu.vector_load %arg13[%swap3A_605, %swap3A_606] {strides = array<i32>} : memref<128x64xf32, #tpu.memory_space<vmem>>, vector<1x16xf32>,
        %swap3A_608 = vector.shape_cast %swap3A_607 : vector<1x16xf32> to vector<16xf32>
        %swap3A_609 = vector.shape_cast %mul3A_604 : vector<16xf32> to vector<1x16xf32>
        tpu.vector_store %arg13[%swap3A_605, %swap3A_606], %swap3A_609 {strides = array<i32>} : memref<128x64xf32, #tpu.memory_space<vmem>>, vector<1x16xf32>,
        %get3A_610 = arith.index_cast %add3A_598 : i32 to index
        %get3A_611 = arith.constant 16 : index
        %get3A_612 = tpu.vector_load %arg13[%get3A_610, %get3A_611] {strides = array<i32>} : memref<128x64xf32, #tpu.memory_space<vmem>>, vector<1x16xf32>,
        %get3A_613 = vector.shape_cast %get3A_612 : vector<1x16xf32> to vector<16xf32>
        %mul3A_614 = vector.broadcast %squeeze3A_594 : f32 to vector<16xf32>
        %mul3A_615 = arith.mulf %get3A_613, %mul3A_614 : vector<16xf32>
        %swap3A_616 = arith.index_cast %add3A_598 : i32 to index
        %swap3A_617 = arith.constant 16 : index
        %swap3A_618 = tpu.vector_load %arg13[%swap3A_616, %swap3A_617] {strides = array<i32>} : memref<128x64xf32, #tpu.memory_space<vmem>>, vector<1x16xf32>,
        %swap3A_619 = vector.shape_cast %swap3A_618 : vector<1x16xf32> to vector<16xf32>
        %swap3A_620 = vector.shape_cast %mul3A_615 : vector<16xf32> to vector<1x16xf32>
        tpu.vector_store %arg13[%swap3A_616, %swap3A_617], %swap3A_620 {strides = array<i32>} : memref<128x64xf32, #tpu.memory_space<vmem>>, vector<1x16xf32>,
        %get3A_621 = arith.index_cast %add3A_598 : i32 to index
        %get3A_622 = arith.constant 32 : index
        %get3A_623 = tpu.vector_load %arg13[%get3A_621, %get3A_622] {strides = array<i32>} : memref<128x64xf32, #tpu.memory_space<vmem>>, vector<1x16xf32>,
        %get3A_624 = vector.shape_cast %get3A_623 : vector<1x16xf32> to vector<16xf32>
        %mul3A_625 = vector.broadcast %squeeze3A_594 : f32 to vector<16xf32>
        %mul3A_626 = arith.mulf %get3A_624, %mul3A_625 : vector<16xf32>
        %swap3A_627 = arith.index_cast %add3A_598 : i32 to index
        %swap3A_628 = arith.constant 32 : index
        %swap3A_629 = tpu.vector_load %arg13[%swap3A_627, %swap3A_628] {strides = array<i32>} : memref<128x64xf32, #tpu.memory_space<vmem>>, vector<1x16xf32>,
        %swap3A_630 = vector.shape_cast %swap3A_629 : vector<1x16xf32> to vector<16xf32>
        %swap3A_631 = vector.shape_cast %mul3A_626 : vector<16xf32> to vector<1x16xf32>
        tpu.vector_store %arg13[%swap3A_627, %swap3A_628], %swap3A_631 {strides = array<i32>} : memref<128x64xf32, #tpu.memory_space<vmem>>, vector<1x16xf32>,
        %get3A_632 = arith.index_cast %add3A_598 : i32 to index
        %get3A_633 = arith.constant 48 : index
        %get3A_634 = tpu.vector_load %arg13[%get3A_632, %get3A_633] {strides = array<i32>} : memref<128x64xf32, #tpu.memory_space<vmem>>, vector<1x16xf32>,
        %get3A_635 = vector.shape_cast %get3A_634 : vector<1x16xf32> to vector<16xf32>
        %mul3A_636 = vector.broadcast %squeeze3A_594 : f32 to vector<16xf32>
        %mul3A_637 = arith.mulf %get3A_635, %mul3A_636 : vector<16xf32>
        %swap3A_638 = arith.index_cast %add3A_598 : i32 to index
        %swap3A_639 = arith.constant 48 : index
        %swap3A_640 = tpu.vector_load %arg13[%swap3A_638, %swap3A_639] {strides = array<i32>} : memref<128x64xf32, #tpu.memory_space<vmem>>, vector<1x16xf32>,
        %swap3A_641 = vector.shape_cast %swap3A_640 : vector<1x16xf32> to vector<16xf32>
        %swap3A_642 = vector.shape_cast %mul3A_637 : vector<16xf32> to vector<1x16xf32>
        tpu.vector_store %arg13[%swap3A_638, %swap3A_639], %swap3A_642 {strides = array<i32>} : memref<128x64xf32, #tpu.memory_space<vmem>>, vector<1x16xf32>,
        %slice3A_643 = vector.extract_strided_slice %get3A_94 {offsets = [11], sizes = [1], strides = [1]} : vector<16xf32> to vector<1xf32>
        %squeeze3A_644 = vector.extract %slice3A_643[0] : f32 from vector<1xf32>
        %mul3A_645 = arith.constant 16 : i32
        %mul3A_646 = arith.muli %scan3A_88, %mul3A_645 : i32
        %add3A_647 = arith.constant 11 : i32
        %add3A_648 = arith.addi %mul3A_646, %add3A_647 : i32
        %get3A_649 = arith.index_cast %add3A_648 : i32 to index
        %get3A_650 = arith.constant 0 : index
        %get3A_651 = tpu.vector_load %arg13[%get3A_649, %get3A_650] {strides = array<i32>} : memref<128x64xf32, #tpu.memory_space<vmem>>, vector<1x16xf32>,
        %get3A_652 = vector.shape_cast %get3A_651 : vector<1x16xf32> to vector<16xf32>
        %mul3A_653 = vector.broadcast %squeeze3A_644 : f32 to vector<16xf32>
        %mul3A_654 = arith.mulf %get3A_652, %mul3A_653 : vector<16xf32>
        %swap3A_655 = arith.index_cast %add3A_648 : i32 to index
        %swap3A_656 = arith.constant 0 : index
        %swap3A_657 = tpu.vector_load %arg13[%swap3A_655, %swap3A_656] {strides = array<i32>} : memref<128x64xf32, #tpu.memory_space<vmem>>, vector<1x16xf32>,
        %swap3A_658 = vector.shape_cast %swap3A_657 : vector<1x16xf32> to vector<16xf32>
        %swap3A_659 = vector.shape_cast %mul3A_654 : vector<16xf32> to vector<1x16xf32>
        tpu.vector_store %arg13[%swap3A_655, %swap3A_656], %swap3A_659 {strides = array<i32>} : memref<128x64xf32, #tpu.memory_space<vmem>>, vector<1x16xf32>,
        %get3A_660 = arith.index_cast %add3A_648 : i32 to index
        %get3A_661 = arith.constant 16 : index
        %get3A_662 = tpu.vector_load %arg13[%get3A_660, %get3A_661] {strides = array<i32>} : memref<128x64xf32, #tpu.memory_space<vmem>>, vector<1x16xf32>,
        %get3A_663 = vector.shape_cast %get3A_662 : vector<1x16xf32> to vector<16xf32>
        %mul3A_664 = vector.broadcast %squeeze3A_644 : f32 to vector<16xf32>
        %mul3A_665 = arith.mulf %get3A_663, %mul3A_664 : vector<16xf32>
        %swap3A_666 = arith.index_cast %add3A_648 : i32 to index
        %swap3A_667 = arith.constant 16 : index
        %swap3A_668 = tpu.vector_load %arg13[%swap3A_666, %swap3A_667] {strides = array<i32>} : memref<128x64xf32, #tpu.memory_space<vmem>>, vector<1x16xf32>,
        %swap3A_669 = vector.shape_cast %swap3A_668 : vector<1x16xf32> to vector<16xf32>
        %swap3A_670 = vector.shape_cast %mul3A_665 : vector<16xf32> to vector<1x16xf32>
        tpu.vector_store %arg13[%swap3A_666, %swap3A_667], %swap3A_670 {strides = array<i32>} : memref<128x64xf32, #tpu.memory_space<vmem>>, vector<1x16xf32>,
        %get3A_671 = arith.index_cast %add3A_648 : i32 to index
        %get3A_672 = arith.constant 32 : index
        %get3A_673 = tpu.vector_load %arg13[%get3A_671, %get3A_672] {strides = array<i32>} : memref<128x64xf32, #tpu.memory_space<vmem>>, vector<1x16xf32>,
        %get3A_674 = vector.shape_cast %get3A_673 : vector<1x16xf32> to vector<16xf32>
        %mul3A_675 = vector.broadcast %squeeze3A_644 : f32 to vector<16xf32>
        %mul3A_676 = arith.mulf %get3A_674, %mul3A_675 : vector<16xf32>
        %swap3A_677 = arith.index_cast %add3A_648 : i32 to index
        %swap3A_678 = arith.constant 32 : index
        %swap3A_679 = tpu.vector_load %arg13[%swap3A_677, %swap3A_678] {strides = array<i32>} : memref<128x64xf32, #tpu.memory_space<vmem>>, vector<1x16xf32>,
        %swap3A_680 = vector.shape_cast %swap3A_679 : vector<1x16xf32> to vector<16xf32>
        %swap3A_681 = vector.shape_cast %mul3A_676 : vector<16xf32> to vector<1x16xf32>
        tpu.vector_store %arg13[%swap3A_677, %swap3A_678], %swap3A_681 {strides = array<i32>} : memref<128x64xf32, #tpu.memory_space<vmem>>, vector<1x16xf32>,
        %get3A_682 = arith.index_cast %add3A_648 : i32 to index
        %get3A_683 = arith.constant 48 : index
        %get3A_684 = tpu.vector_load %arg13[%get3A_682, %get3A_683] {strides = array<i32>} : memref<128x64xf32, #tpu.memory_space<vmem>>, vector<1x16xf32>,
        %get3A_685 = vector.shape_cast %get3A_684 : vector<1x16xf32> to vector<16xf32>
        %mul3A_686 = vector.broadcast %squeeze3A_644 : f32 to vector<16xf32>
        %mul3A_687 = arith.mulf %get3A_685, %mul3A_686 : vector<16xf32>
        %swap3A_688 = arith.index_cast %add3A_648 : i32 to index
        %swap3A_689 = arith.constant 48 : index
        %swap3A_690 = tpu.vector_load %arg13[%swap3A_688, %swap3A_689] {strides = array<i32>} : memref<128x64xf32, #tpu.memory_space<vmem>>, vector<1x16xf32>,
        %swap3A_691 = vector.shape_cast %swap3A_690 : vector<1x16xf32> to vector<16xf32>
        %swap3A_692 = vector.shape_cast %mul3A_687 : vector<16xf32> to vector<1x16xf32>
        tpu.vector_store %arg13[%swap3A_688, %swap3A_689], %swap3A_692 {strides = array<i32>} : memref<128x64xf32, #tpu.memory_space<vmem>>, vector<1x16xf32>,
        %slice3A_693 = vector.extract_strided_slice %get3A_94 {offsets = [12], sizes = [1], strides = [1]} : vector<16xf32> to vector<1xf32>
        %squeeze3A_694 = vector.extract %slice3A_693[0] : f32 from vector<1xf32>
        %mul3A_695 = arith.constant 16 : i32
        %mul3A_696 = arith.muli %scan3A_88, %mul3A_695 : i32
        %add3A_697 = arith.constant 12 : i32
        %add3A_698 = arith.addi %mul3A_696, %add3A_697 : i32
        %get3A_699 = arith.index_cast %add3A_698 : i32 to index
        %get3A_700 = arith.constant 0 : index
        %get3A_701 = tpu.vector_load %arg13[%get3A_699, %get3A_700] {strides = array<i32>} : memref<128x64xf32, #tpu.memory_space<vmem>>, vector<1x16xf32>,
        %get3A_702 = vector.shape_cast %get3A_701 : vector<1x16xf32> to vector<16xf32>
        %mul3A_703 = vector.broadcast %squeeze3A_694 : f32 to vector<16xf32>
        %mul3A_704 = arith.mulf %get3A_702, %mul3A_703 : vector<16xf32>
        %swap3A_705 = arith.index_cast %add3A_698 : i32 to index
        %swap3A_706 = arith.constant 0 : index
        %swap3A_707 = tpu.vector_load %arg13[%swap3A_705, %swap3A_706] {strides = array<i32>} : memref<128x64xf32, #tpu.memory_space<vmem>>, vector<1x16xf32>,
        %swap3A_708 = vector.shape_cast %swap3A_707 : vector<1x16xf32> to vector<16xf32>
        %swap3A_709 = vector.shape_cast %mul3A_704 : vector<16xf32> to vector<1x16xf32>
        tpu.vector_store %arg13[%swap3A_705, %swap3A_706], %swap3A_709 {strides = array<i32>} : memref<128x64xf32, #tpu.memory_space<vmem>>, vector<1x16xf32>,
        %get3A_710 = arith.index_cast %add3A_698 : i32 to index
        %get3A_711 = arith.constant 16 : index
        %get3A_712 = tpu.vector_load %arg13[%get3A_710, %get3A_711] {strides = array<i32>} : memref<128x64xf32, #tpu.memory_space<vmem>>, vector<1x16xf32>,
        %get3A_713 = vector.shape_cast %get3A_712 : vector<1x16xf32> to vector<16xf32>
        %mul3A_714 = vector.broadcast %squeeze3A_694 : f32 to vector<16xf32>
        %mul3A_715 = arith.mulf %get3A_713, %mul3A_714 : vector<16xf32>
        %swap3A_716 = arith.index_cast %add3A_698 : i32 to index
        %swap3A_717 = arith.constant 16 : index
        %swap3A_718 = tpu.vector_load %arg13[%swap3A_716, %swap3A_717] {strides = array<i32>} : memref<128x64xf32, #tpu.memory_space<vmem>>, vector<1x16xf32>,
        %swap3A_719 = vector.shape_cast %swap3A_718 : vector<1x16xf32> to vector<16xf32>
        %swap3A_720 = vector.shape_cast %mul3A_715 : vector<16xf32> to vector<1x16xf32>
        tpu.vector_store %arg13[%swap3A_716, %swap3A_717], %swap3A_720 {strides = array<i32>} : memref<128x64xf32, #tpu.memory_space<vmem>>, vector<1x16xf32>,
        %get3A_721 = arith.index_cast %add3A_698 : i32 to index
        %get3A_722 = arith.constant 32 : index
        %get3A_723 = tpu.vector_load %arg13[%get3A_721, %get3A_722] {strides = array<i32>} : memref<128x64xf32, #tpu.memory_space<vmem>>, vector<1x16xf32>,
        %get3A_724 = vector.shape_cast %get3A_723 : vector<1x16xf32> to vector<16xf32>
        %mul3A_725 = vector.broadcast %squeeze3A_694 : f32 to vector<16xf32>
        %mul3A_726 = arith.mulf %get3A_724, %mul3A_725 : vector<16xf32>
        %swap3A_727 = arith.index_cast %add3A_698 : i32 to index
        %swap3A_728 = arith.constant 32 : index
        %swap3A_729 = tpu.vector_load %arg13[%swap3A_727, %swap3A_728] {strides = array<i32>} : memref<128x64xf32, #tpu.memory_space<vmem>>, vector<1x16xf32>,
        %swap3A_730 = vector.shape_cast %swap3A_729 : vector<1x16xf32> to vector<16xf32>
        %swap3A_731 = vector.shape_cast %mul3A_726 : vector<16xf32> to vector<1x16xf32>
        tpu.vector_store %arg13[%swap3A_727, %swap3A_728], %swap3A_731 {strides = array<i32>} : memref<128x64xf32, #tpu.memory_space<vmem>>, vector<1x16xf32>,
        %get3A_732 = arith.index_cast %add3A_698 : i32 to index
        %get3A_733 = arith.constant 48 : index
        %get3A_734 = tpu.vector_load %arg13[%get3A_732, %get3A_733] {strides = array<i32>} : memref<128x64xf32, #tpu.memory_space<vmem>>, vector<1x16xf32>,
        %get3A_735 = vector.shape_cast %get3A_734 : vector<1x16xf32> to vector<16xf32>
        %mul3A_736 = vector.broadcast %squeeze3A_694 : f32 to vector<16xf32>
        %mul3A_737 = arith.mulf %get3A_735, %mul3A_736 : vector<16xf32>
        %swap3A_738 = arith.index_cast %add3A_698 : i32 to index
        %swap3A_739 = arith.constant 48 : index
        %swap3A_740 = tpu.vector_load %arg13[%swap3A_738, %swap3A_739] {strides = array<i32>} : memref<128x64xf32, #tpu.memory_space<vmem>>, vector<1x16xf32>,
        %swap3A_741 = vector.shape_cast %swap3A_740 : vector<1x16xf32> to vector<16xf32>
        %swap3A_742 = vector.shape_cast %mul3A_737 : vector<16xf32> to vector<1x16xf32>
        tpu.vector_store %arg13[%swap3A_738, %swap3A_739], %swap3A_742 {strides = array<i32>} : memref<128x64xf32, #tpu.memory_space<vmem>>, vector<1x16xf32>,
        %slice3A_743 = vector.extract_strided_slice %get3A_94 {offsets = [13], sizes = [1], strides = [1]} : vector<16xf32> to vector<1xf32>
        %squeeze3A_744 = vector.extract %slice3A_743[0] : f32 from vector<1xf32>
        %mul3A_745 = arith.constant 16 : i32
        %mul3A_746 = arith.muli %scan3A_88, %mul3A_745 : i32
        %add3A_747 = arith.constant 13 : i32
        %add3A_748 = arith.addi %mul3A_746, %add3A_747 : i32
        %get3A_749 = arith.index_cast %add3A_748 : i32 to index
        %get3A_750 = arith.constant 0 : index
        %get3A_751 = tpu.vector_load %arg13[%get3A_749, %get3A_750] {strides = array<i32>} : memref<128x64xf32, #tpu.memory_space<vmem>>, vector<1x16xf32>,
        %get3A_752 = vector.shape_cast %get3A_751 : vector<1x16xf32> to vector<16xf32>
        %mul3A_753 = vector.broadcast %squeeze3A_744 : f32 to vector<16xf32>
        %mul3A_754 = arith.mulf %get3A_752, %mul3A_753 : vector<16xf32>
        %swap3A_755 = arith.index_cast %add3A_748 : i32 to index
        %swap3A_756 = arith.constant 0 : index
        %swap3A_757 = tpu.vector_load %arg13[%swap3A_755, %swap3A_756] {strides = array<i32>} : memref<128x64xf32, #tpu.memory_space<vmem>>, vector<1x16xf32>,
        %swap3A_758 = vector.shape_cast %swap3A_757 : vector<1x16xf32> to vector<16xf32>
        %swap3A_759 = vector.shape_cast %mul3A_754 : vector<16xf32> to vector<1x16xf32>
        tpu.vector_store %arg13[%swap3A_755, %swap3A_756], %swap3A_759 {strides = array<i32>} : memref<128x64xf32, #tpu.memory_space<vmem>>, vector<1x16xf32>,
        %get3A_760 = arith.index_cast %add3A_748 : i32 to index
        %get3A_761 = arith.constant 16 : index
        %get3A_762 = tpu.vector_load %arg13[%get3A_760, %get3A_761] {strides = array<i32>} : memref<128x64xf32, #tpu.memory_space<vmem>>, vector<1x16xf32>,
        %get3A_763 = vector.shape_cast %get3A_762 : vector<1x16xf32> to vector<16xf32>
        %mul3A_764 = vector.broadcast %squeeze3A_744 : f32 to vector<16xf32>
        %mul3A_765 = arith.mulf %get3A_763, %mul3A_764 : vector<16xf32>
        %swap3A_766 = arith.index_cast %add3A_748 : i32 to index
        %swap3A_767 = arith.constant 16 : index
        %swap3A_768 = tpu.vector_load %arg13[%swap3A_766, %swap3A_767] {strides = array<i32>} : memref<128x64xf32, #tpu.memory_space<vmem>>, vector<1x16xf32>,
        %swap3A_769 = vector.shape_cast %swap3A_768 : vector<1x16xf32> to vector<16xf32>
        %swap3A_770 = vector.shape_cast %mul3A_765 : vector<16xf32> to vector<1x16xf32>
        tpu.vector_store %arg13[%swap3A_766, %swap3A_767], %swap3A_770 {strides = array<i32>} : memref<128x64xf32, #tpu.memory_space<vmem>>, vector<1x16xf32>,
        %get3A_771 = arith.index_cast %add3A_748 : i32 to index
        %get3A_772 = arith.constant 32 : index
        %get3A_773 = tpu.vector_load %arg13[%get3A_771, %get3A_772] {strides = array<i32>} : memref<128x64xf32, #tpu.memory_space<vmem>>, vector<1x16xf32>,
        %get3A_774 = vector.shape_cast %get3A_773 : vector<1x16xf32> to vector<16xf32>
        %mul3A_775 = vector.broadcast %squeeze3A_744 : f32 to vector<16xf32>
        %mul3A_776 = arith.mulf %get3A_774, %mul3A_775 : vector<16xf32>
        %swap3A_777 = arith.index_cast %add3A_748 : i32 to index
        %swap3A_778 = arith.constant 32 : index
        %swap3A_779 = tpu.vector_load %arg13[%swap3A_777, %swap3A_778] {strides = array<i32>} : memref<128x64xf32, #tpu.memory_space<vmem>>, vector<1x16xf32>,
        %swap3A_780 = vector.shape_cast %swap3A_779 : vector<1x16xf32> to vector<16xf32>
        %swap3A_781 = vector.shape_cast %mul3A_776 : vector<16xf32> to vector<1x16xf32>
        tpu.vector_store %arg13[%swap3A_777, %swap3A_778], %swap3A_781 {strides = array<i32>} : memref<128x64xf32, #tpu.memory_space<vmem>>, vector<1x16xf32>,
        %get3A_782 = arith.index_cast %add3A_748 : i32 to index
        %get3A_783 = arith.constant 48 : index
        %get3A_784 = tpu.vector_load %arg13[%get3A_782, %get3A_783] {strides = array<i32>} : memref<128x64xf32, #tpu.memory_space<vmem>>, vector<1x16xf32>,
        %get3A_785 = vector.shape_cast %get3A_784 : vector<1x16xf32> to vector<16xf32>
        %mul3A_786 = vector.broadcast %squeeze3A_744 : f32 to vector<16xf32>
        %mul3A_787 = arith.mulf %get3A_785, %mul3A_786 : vector<16xf32>
        %swap3A_788 = arith.index_cast %add3A_748 : i32 to index
        %swap3A_789 = arith.constant 48 : index
        %swap3A_790 = tpu.vector_load %arg13[%swap3A_788, %swap3A_789] {strides = array<i32>} : memref<128x64xf32, #tpu.memory_space<vmem>>, vector<1x16xf32>,
        %swap3A_791 = vector.shape_cast %swap3A_790 : vector<1x16xf32> to vector<16xf32>
        %swap3A_792 = vector.shape_cast %mul3A_787 : vector<16xf32> to vector<1x16xf32>
        tpu.vector_store %arg13[%swap3A_788, %swap3A_789], %swap3A_792 {strides = array<i32>} : memref<128x64xf32, #tpu.memory_space<vmem>>, vector<1x16xf32>,
        %slice3A_793 = vector.extract_strided_slice %get3A_94 {offsets = [14], sizes = [1], strides = [1]} : vector<16xf32> to vector<1xf32>
        %squeeze3A_794 = vector.extract %slice3A_793[0] : f32 from vector<1xf32>
        %mul3A_795 = arith.constant 16 : i32
        %mul3A_796 = arith.muli %scan3A_88, %mul3A_795 : i32
        %add3A_797 = arith.constant 14 : i32
        %add3A_798 = arith.addi %mul3A_796, %add3A_797 : i32
        %get3A_799 = arith.index_cast %add3A_798 : i32 to index
        %get3A_800 = arith.constant 0 : index
        %get3A_801 = tpu.vector_load %arg13[%get3A_799, %get3A_800] {strides = array<i32>} : memref<128x64xf32, #tpu.memory_space<vmem>>, vector<1x16xf32>,
        %get3A_802 = vector.shape_cast %get3A_801 : vector<1x16xf32> to vector<16xf32>
        %mul3A_803 = vector.broadcast %squeeze3A_794 : f32 to vector<16xf32>
        %mul3A_804 = arith.mulf %get3A_802, %mul3A_803 : vector<16xf32>
        %swap3A_805 = arith.index_cast %add3A_798 : i32 to index
        %swap3A_806 = arith.constant 0 : index
        %swap3A_807 = tpu.vector_load %arg13[%swap3A_805, %swap3A_806] {strides = array<i32>} : memref<128x64xf32, #tpu.memory_space<vmem>>, vector<1x16xf32>,
        %swap3A_808 = vector.shape_cast %swap3A_807 : vector<1x16xf32> to vector<16xf32>
        %swap3A_809 = vector.shape_cast %mul3A_804 : vector<16xf32> to vector<1x16xf32>
        tpu.vector_store %arg13[%swap3A_805, %swap3A_806], %swap3A_809 {strides = array<i32>} : memref<128x64xf32, #tpu.memory_space<vmem>>, vector<1x16xf32>,
        %get3A_810 = arith.index_cast %add3A_798 : i32 to index
        %get3A_811 = arith.constant 16 : index
        %get3A_812 = tpu.vector_load %arg13[%get3A_810, %get3A_811] {strides = array<i32>} : memref<128x64xf32, #tpu.memory_space<vmem>>, vector<1x16xf32>,
        %get3A_813 = vector.shape_cast %get3A_812 : vector<1x16xf32> to vector<16xf32>
        %mul3A_814 = vector.broadcast %squeeze3A_794 : f32 to vector<16xf32>
        %mul3A_815 = arith.mulf %get3A_813, %mul3A_814 : vector<16xf32>
        %swap3A_816 = arith.index_cast %add3A_798 : i32 to index
        %swap3A_817 = arith.constant 16 : index
        %swap3A_818 = tpu.vector_load %arg13[%swap3A_816, %swap3A_817] {strides = array<i32>} : memref<128x64xf32, #tpu.memory_space<vmem>>, vector<1x16xf32>,
        %swap3A_819 = vector.shape_cast %swap3A_818 : vector<1x16xf32> to vector<16xf32>
        %swap3A_820 = vector.shape_cast %mul3A_815 : vector<16xf32> to vector<1x16xf32>
        tpu.vector_store %arg13[%swap3A_816, %swap3A_817], %swap3A_820 {strides = array<i32>} : memref<128x64xf32, #tpu.memory_space<vmem>>, vector<1x16xf32>,
        %get3A_821 = arith.index_cast %add3A_798 : i32 to index
        %get3A_822 = arith.constant 32 : index
        %get3A_823 = tpu.vector_load %arg13[%get3A_821, %get3A_822] {strides = array<i32>} : memref<128x64xf32, #tpu.memory_space<vmem>>, vector<1x16xf32>,
        %get3A_824 = vector.shape_cast %get3A_823 : vector<1x16xf32> to vector<16xf32>
        %mul3A_825 = vector.broadcast %squeeze3A_794 : f32 to vector<16xf32>
        %mul3A_826 = arith.mulf %get3A_824, %mul3A_825 : vector<16xf32>
        %swap3A_827 = arith.index_cast %add3A_798 : i32 to index
        %swap3A_828 = arith.constant 32 : index
        %swap3A_829 = tpu.vector_load %arg13[%swap3A_827, %swap3A_828] {strides = array<i32>} : memref<128x64xf32, #tpu.memory_space<vmem>>, vector<1x16xf32>,
        %swap3A_830 = vector.shape_cast %swap3A_829 : vector<1x16xf32> to vector<16xf32>
        %swap3A_831 = vector.shape_cast %mul3A_826 : vector<16xf32> to vector<1x16xf32>
        tpu.vector_store %arg13[%swap3A_827, %swap3A_828], %swap3A_831 {strides = array<i32>} : memref<128x64xf32, #tpu.memory_space<vmem>>, vector<1x16xf32>,
        %get3A_832 = arith.index_cast %add3A_798 : i32 to index
        %get3A_833 = arith.constant 48 : index
        %get3A_834 = tpu.vector_load %arg13[%get3A_832, %get3A_833] {strides = array<i32>} : memref<128x64xf32, #tpu.memory_space<vmem>>, vector<1x16xf32>,
        %get3A_835 = vector.shape_cast %get3A_834 : vector<1x16xf32> to vector<16xf32>
        %mul3A_836 = vector.broadcast %squeeze3A_794 : f32 to vector<16xf32>
        %mul3A_837 = arith.mulf %get3A_835, %mul3A_836 : vector<16xf32>
        %swap3A_838 = arith.index_cast %add3A_798 : i32 to index
        %swap3A_839 = arith.constant 48 : index
        %swap3A_840 = tpu.vector_load %arg13[%swap3A_838, %swap3A_839] {strides = array<i32>} : memref<128x64xf32, #tpu.memory_space<vmem>>, vector<1x16xf32>,
        %swap3A_841 = vector.shape_cast %swap3A_840 : vector<1x16xf32> to vector<16xf32>
        %swap3A_842 = vector.shape_cast %mul3A_837 : vector<16xf32> to vector<1x16xf32>
        tpu.vector_store %arg13[%swap3A_838, %swap3A_839], %swap3A_842 {strides = array<i32>} : memref<128x64xf32, #tpu.memory_space<vmem>>, vector<1x16xf32>,
        %slice3A_843 = vector.extract_strided_slice %get3A_94 {offsets = [15], sizes = [1], strides = [1]} : vector<16xf32> to vector<1xf32>
        %squeeze3A_844 = vector.extract %slice3A_843[0] : f32 from vector<1xf32>
        %mul3A_845 = arith.constant 16 : i32
        %mul3A_846 = arith.muli %scan3A_88, %mul3A_845 : i32
        %add3A_847 = arith.constant 15 : i32
        %add3A_848 = arith.addi %mul3A_846, %add3A_847 : i32
        %get3A_849 = arith.index_cast %add3A_848 : i32 to index
        %get3A_850 = arith.constant 0 : index
        %get3A_851 = tpu.vector_load %arg13[%get3A_849, %get3A_850] {strides = array<i32>} : memref<128x64xf32, #tpu.memory_space<vmem>>, vector<1x16xf32>,
        %get3A_852 = vector.shape_cast %get3A_851 : vector<1x16xf32> to vector<16xf32>
        %mul3A_853 = vector.broadcast %squeeze3A_844 : f32 to vector<16xf32>
        %mul3A_854 = arith.mulf %get3A_852, %mul3A_853 : vector<16xf32>
        %swap3A_855 = arith.index_cast %add3A_848 : i32 to index
        %swap3A_856 = arith.constant 0 : index
        %swap3A_857 = tpu.vector_load %arg13[%swap3A_855, %swap3A_856] {strides = array<i32>} : memref<128x64xf32, #tpu.memory_space<vmem>>, vector<1x16xf32>,
        %swap3A_858 = vector.shape_cast %swap3A_857 : vector<1x16xf32> to vector<16xf32>
        %swap3A_859 = vector.shape_cast %mul3A_854 : vector<16xf32> to vector<1x16xf32>
        tpu.vector_store %arg13[%swap3A_855, %swap3A_856], %swap3A_859 {strides = array<i32>} : memref<128x64xf32, #tpu.memory_space<vmem>>, vector<1x16xf32>,
        %get3A_860 = arith.index_cast %add3A_848 : i32 to index
        %get3A_861 = arith.constant 16 : index
        %get3A_862 = tpu.vector_load %arg13[%get3A_860, %get3A_861] {strides = array<i32>} : memref<128x64xf32, #tpu.memory_space<vmem>>, vector<1x16xf32>,
        %get3A_863 = vector.shape_cast %get3A_862 : vector<1x16xf32> to vector<16xf32>
        %mul3A_864 = vector.broadcast %squeeze3A_844 : f32 to vector<16xf32>
        %mul3A_865 = arith.mulf %get3A_863, %mul3A_864 : vector<16xf32>
        %swap3A_866 = arith.index_cast %add3A_848 : i32 to index
        %swap3A_867 = arith.constant 16 : index
        %swap3A_868 = tpu.vector_load %arg13[%swap3A_866, %swap3A_867] {strides = array<i32>} : memref<128x64xf32, #tpu.memory_space<vmem>>, vector<1x16xf32>,
        %swap3A_869 = vector.shape_cast %swap3A_868 : vector<1x16xf32> to vector<16xf32>
        %swap3A_870 = vector.shape_cast %mul3A_865 : vector<16xf32> to vector<1x16xf32>
        tpu.vector_store %arg13[%swap3A_866, %swap3A_867], %swap3A_870 {strides = array<i32>} : memref<128x64xf32, #tpu.memory_space<vmem>>, vector<1x16xf32>,
        %get3A_871 = arith.index_cast %add3A_848 : i32 to index
        %get3A_872 = arith.constant 32 : index
        %get3A_873 = tpu.vector_load %arg13[%get3A_871, %get3A_872] {strides = array<i32>} : memref<128x64xf32, #tpu.memory_space<vmem>>, vector<1x16xf32>,
        %get3A_874 = vector.shape_cast %get3A_873 : vector<1x16xf32> to vector<16xf32>
        %mul3A_875 = vector.broadcast %squeeze3A_844 : f32 to vector<16xf32>
        %mul3A_876 = arith.mulf %get3A_874, %mul3A_875 : vector<16xf32>
        %swap3A_877 = arith.index_cast %add3A_848 : i32 to index
        %swap3A_878 = arith.constant 32 : index
        %swap3A_879 = tpu.vector_load %arg13[%swap3A_877, %swap3A_878] {strides = array<i32>} : memref<128x64xf32, #tpu.memory_space<vmem>>, vector<1x16xf32>,
        %swap3A_880 = vector.shape_cast %swap3A_879 : vector<1x16xf32> to vector<16xf32>
        %swap3A_881 = vector.shape_cast %mul3A_876 : vector<16xf32> to vector<1x16xf32>
        tpu.vector_store %arg13[%swap3A_877, %swap3A_878], %swap3A_881 {strides = array<i32>} : memref<128x64xf32, #tpu.memory_space<vmem>>, vector<1x16xf32>,
        %get3A_882 = arith.index_cast %add3A_848 : i32 to index
        %get3A_883 = arith.constant 48 : index
        %get3A_884 = tpu.vector_load %arg13[%get3A_882, %get3A_883] {strides = array<i32>} : memref<128x64xf32, #tpu.memory_space<vmem>>, vector<1x16xf32>,
        %get3A_885 = vector.shape_cast %get3A_884 : vector<1x16xf32> to vector<16xf32>
        %mul3A_886 = vector.broadcast %squeeze3A_844 : f32 to vector<16xf32>
        %mul3A_887 = arith.mulf %get3A_885, %mul3A_886 : vector<16xf32>
        %swap3A_888 = arith.index_cast %add3A_848 : i32 to index
        %swap3A_889 = arith.constant 48 : index
        %swap3A_890 = tpu.vector_load %arg13[%swap3A_888, %swap3A_889] {strides = array<i32>} : memref<128x64xf32, #tpu.memory_space<vmem>>, vector<1x16xf32>,
        %swap3A_891 = vector.shape_cast %swap3A_890 : vector<1x16xf32> to vector<16xf32>
        %swap3A_892 = vector.shape_cast %mul3A_887 : vector<16xf32> to vector<1x16xf32>
        tpu.vector_store %arg13[%swap3A_888, %swap3A_889], %swap3A_892 {strides = array<i32>} : memref<128x64xf32, #tpu.memory_space<vmem>>, vector<1x16xf32>,
      }
      %scan3A_87 = arith.constant 8 : i32
      "tpu.region"() ({
        %run_scoped3A = tpu.sem_alloc : memref<!tpu.dma_semaphore, #tpu.memory_space<semaphore_mem>>
        %dma_start3A_88 = arith.constant 0 : i32
        %dma_start3A_89 = arith.constant 0 : i32
        %dma_start3A_90 = tpu.memref_slice %arg9[%dma_start3A_88, %dma_start3A_89] : memref<10112x64xf32, #tpu.memory_space<vmem_shared>> -> memref<10112x64xf32, #tpu.memory_space<vmem_shared>>
        tpu.enqueue_indirect_dma source(%arg13 : memref<128x64xf32, #tpu.memory_space<vmem>>) target(%dma_start3A_90 : memref<10112x64xf32, #tpu.memory_space<vmem_shared>>) offsets(%arg14 : memref<128xi32, #tpu.memory_space<vmem>>) semaphore(%run_scoped3A : memref<!tpu.dma_semaphore, #tpu.memory_space<semaphore_mem>>) {add = true}
        %dma_wait3A_91 = arith.constant 0 : i32
        %dma_wait3A_92 = arith.constant 0 : i32
        %dma_wait3A_93 = tpu.memref_slice %arg9[%dma_wait3A_91, %dma_wait3A_92] : memref<10112x64xf32, #tpu.memory_space<vmem_shared>> -> memref<10112x64xf32, #tpu.memory_space<vmem_shared>>
        tpu.wait_indirect_dma semaphore(%run_scoped3A : memref<!tpu.dma_semaphore, #tpu.memory_space<semaphore_mem>>) src(%arg13 : memref<128x64xf32, #tpu.memory_space<vmem>>) dst(%dma_wait3A_93 : memref<10112x64xf32, #tpu.memory_space<vmem_shared>>)
        tpu.yield
      }) : () -> ()
    }
    %scan3A_7 = arith.constant 79 : i32
    %barrier3A_8 = arith.constant 0 : index
    tpu.barrier barrier_id(%barrier3A_8)
    "tpu.region"() ({
      %run_scoped3A = tpu.sem_alloc : memref<!tpu.dma_semaphore, #tpu.memory_space<semaphore_mem>>
      %dma_start3A = arith.constant 0 : i32
      %dma_start3A_9 = tpu.memref_slice %arg7[%arg0, %mul3A_2, %dma_start3A] : memref<2x10112x64xf32, #tpu.memory_space<hbm>> -> memref<1x632x64xf32, #tpu.memory_space<hbm>>
      %dma_start3A_10 = tpu.memref_squeeze %dma_start3A_9 : memref<1x632x64xf32, #tpu.memory_space<hbm>> -> memref<632x64xf32, #tpu.memory_space<hbm>>
      %dma_start3A_11 = arith.constant 0 : i32
      %dma_start3A_12 = tpu.memref_slice %arg9[%mul3A_2, %dma_start3A_11] : memref<10112x64xf32, #tpu.memory_space<vmem_shared>> -> memref<632x64xf32, #tpu.memory_space<vmem_shared>>
      tpu.enqueue_dma source(%dma_start3A_12 : memref<632x64xf32, #tpu.memory_space<vmem_shared>>) target(%dma_start3A_10 : memref<632x64xf32, #tpu.memory_space<hbm>>) target_semaphore(%run_scoped3A : memref<!tpu.dma_semaphore, #tpu.memory_space<semaphore_mem>>)
      %dma_wait3A = arith.constant 0 : i32
      %dma_wait3A_13 = tpu.memref_slice %arg7[%arg0, %mul3A_2, %dma_wait3A] : memref<2x10112x64xf32, #tpu.memory_space<hbm>> -> memref<1x632x64xf32, #tpu.memory_space<hbm>>
      %dma_wait3A_14 = tpu.memref_squeeze %dma_wait3A_13 : memref<1x632x64xf32, #tpu.memory_space<hbm>> -> memref<632x64xf32, #tpu.memory_space<hbm>>
      %dma_wait3A_15 = arith.constant 0 : i32
      %dma_wait3A_16 = tpu.memref_slice %arg9[%mul3A_2, %dma_wait3A_15] : memref<10112x64xf32, #tpu.memory_space<vmem_shared>> -> memref<632x64xf32, #tpu.memory_space<vmem_shared>>
      tpu.wait_dma2 semaphore(%run_scoped3A : memref<!tpu.dma_semaphore, #tpu.memory_space<semaphore_mem>>) src(%dma_wait3A_16 : memref<632x64xf32, #tpu.memory_space<vmem_shared>>) dst(%dma_wait3A_14 : memref<632x64xf32, #tpu.memory_space<hbm>>)
      tpu.yield
    }) : () -> ()
    return
  }
}

#map = affine_map<(d0, d1) -> (0, 0)>
#map1 = affine_map<(d0, d1) -> (0, 0, 0)>
module attributes {stable_mosaic.version = 14 : i64} {
  func.func @agg(%arg0: i32, %arg1: i32, %arg2: memref<10112x64xf32, #tpu.memory_space<hbm>>, %arg3: memref<32x79x128xi32, #tpu.memory_space<hbm>>, %arg4: memref<32x79x128xi32, #tpu.memory_space<hbm>>, %arg5: memref<32x79x128xf32, #tpu.memory_space<hbm>>, %arg6: memref<10112x64xf32, #tpu.memory_space<hbm>>, %arg7: memref<2x10112x64xf32, #tpu.memory_space<hbm>>, %arg8: memref<10112x64xf32, #tpu.memory_space<vmem_shared>>, %arg9: memref<10112x64xf32, #tpu.memory_space<vmem_shared>>, %arg10: memref<79x128xi32, #tpu.memory_space<vmem>>, %arg11: memref<79x128xi32, #tpu.memory_space<vmem>>, %arg12: memref<79x128xf32, #tpu.memory_space<vmem>>, %arg13: memref<128x64xf32, #tpu.memory_space<vmem>>, %arg14: memref<128xi32, #tpu.memory_space<vmem>>, %arg15: memref<!tpu.dma_semaphore, #tpu.memory_space<semaphore_mem>>) attributes {dimension_semantics = [#tpu.dimension_semantics<core_parallel>, #tpu.dimension_semantics<subcore_parallel>], iteration_bounds = array<i64: 2, 16>, scalar_prefetch = 0 : i64, scratch_operands = 8 : i64, tpu.core_type = #tpu.core_type<sc_vector_subcore>, window_params = [{transform_indices = #map}, {transform_indices = #map1}, {transform_indices = #map1}, {transform_indices = #map1}, {transform_indices = #map}, {transform_indices = #map1}]} {
    %mul3A = arith.constant 2 : i32
    %mul3A_0 = arith.muli %arg1, %mul3A : i32
    %add3A = arith.addi %mul3A_0, %arg0 : i32
    %mul3A_1 = arith.constant 632 : i32
    %mul3A_2 = arith.muli %arg1, %mul3A_1 : i32
    "tpu.region"() ({
      %run_scoped3A = tpu.sem_alloc : memref<!tpu.dma_semaphore, #tpu.memory_space<semaphore_mem>>
      %dma_start3A = arith.constant 0 : i32
      %dma_start3A_9 = tpu.memref_slice %arg8[%mul3A_2, %dma_start3A] : memref<10112x64xf32, #tpu.memory_space<vmem_shared>> -> memref<632x64xf32, #tpu.memory_space<vmem_shared>>
      %dma_start3A_10 = arith.constant 0 : i32
      %dma_start3A_11 = tpu.memref_slice %arg2[%mul3A_2, %dma_start3A_10] : memref<10112x64xf32, #tpu.memory_space<hbm>> -> memref<632x64xf32, #tpu.memory_space<hbm>>
      tpu.enqueue_dma source(%dma_start3A_11 : memref<632x64xf32, #tpu.memory_space<hbm>>) target(%dma_start3A_9 : memref<632x64xf32, #tpu.memory_space<vmem_shared>>) target_semaphore(%run_scoped3A : memref<!tpu.dma_semaphore, #tpu.memory_space<semaphore_mem>>)
      %dma_wait3A = arith.constant 0 : i32
      %dma_wait3A_12 = tpu.memref_slice %arg8[%mul3A_2, %dma_wait3A] : memref<10112x64xf32, #tpu.memory_space<vmem_shared>> -> memref<632x64xf32, #tpu.memory_space<vmem_shared>>
      %dma_wait3A_13 = arith.constant 0 : i32
      %dma_wait3A_14 = tpu.memref_slice %arg2[%mul3A_2, %dma_wait3A_13] : memref<10112x64xf32, #tpu.memory_space<hbm>> -> memref<632x64xf32, #tpu.memory_space<hbm>>
      tpu.wait_dma2 semaphore(%run_scoped3A : memref<!tpu.dma_semaphore, #tpu.memory_space<semaphore_mem>>) src(%dma_wait3A_14 : memref<632x64xf32, #tpu.memory_space<hbm>>) dst(%dma_wait3A_12 : memref<632x64xf32, #tpu.memory_space<vmem_shared>>)
      tpu.yield
    }) : () -> ()
    "tpu.region"() ({
      %run_scoped3A = tpu.sem_alloc : memref<!tpu.dma_semaphore, #tpu.memory_space<semaphore_mem>>
      %dma_start3A = arith.constant 0 : i32
      %dma_start3A_9 = tpu.memref_slice %arg9[%mul3A_2, %dma_start3A] : memref<10112x64xf32, #tpu.memory_space<vmem_shared>> -> memref<632x64xf32, #tpu.memory_space<vmem_shared>>
      %dma_start3A_10 = arith.constant 0 : i32
      %dma_start3A_11 = tpu.memref_slice %arg6[%mul3A_2, %dma_start3A_10] : memref<10112x64xf32, #tpu.memory_space<hbm>> -> memref<632x64xf32, #tpu.memory_space<hbm>>
      tpu.enqueue_dma source(%dma_start3A_11 : memref<632x64xf32, #tpu.memory_space<hbm>>) target(%dma_start3A_9 : memref<632x64xf32, #tpu.memory_space<vmem_shared>>) target_semaphore(%run_scoped3A : memref<!tpu.dma_semaphore, #tpu.memory_space<semaphore_mem>>)
      %dma_wait3A = arith.constant 0 : i32
      %dma_wait3A_12 = tpu.memref_slice %arg9[%mul3A_2, %dma_wait3A] : memref<10112x64xf32, #tpu.memory_space<vmem_shared>> -> memref<632x64xf32, #tpu.memory_space<vmem_shared>>
      %dma_wait3A_13 = arith.constant 0 : i32
      %dma_wait3A_14 = tpu.memref_slice %arg6[%mul3A_2, %dma_wait3A_13] : memref<10112x64xf32, #tpu.memory_space<hbm>> -> memref<632x64xf32, #tpu.memory_space<hbm>>
      tpu.wait_dma2 semaphore(%run_scoped3A : memref<!tpu.dma_semaphore, #tpu.memory_space<semaphore_mem>>) src(%dma_wait3A_14 : memref<632x64xf32, #tpu.memory_space<hbm>>) dst(%dma_wait3A_12 : memref<632x64xf32, #tpu.memory_space<vmem_shared>>)
      tpu.yield
    }) : () -> ()
    "tpu.region"() ({
      %run_scoped3A = tpu.sem_alloc : memref<!tpu.dma_semaphore, #tpu.memory_space<semaphore_mem>>
      %dma_start3A = arith.constant 0 : i32
      %dma_start3A_9 = arith.constant 0 : i32
      %dma_start3A_10 = tpu.memref_slice %arg3[%add3A, %dma_start3A, %dma_start3A_9] : memref<32x79x128xi32, #tpu.memory_space<hbm>> -> memref<1x79x128xi32, #tpu.memory_space<hbm>>
      %dma_start3A_11 = tpu.memref_squeeze %dma_start3A_10 : memref<1x79x128xi32, #tpu.memory_space<hbm>> -> memref<79x128xi32, #tpu.memory_space<hbm>>
      %dma_start3A_12 = arith.constant 0 : i32
      %dma_start3A_13 = arith.constant 0 : i32
      %dma_start3A_14 = tpu.memref_slice %arg3[%add3A, %dma_start3A_12, %dma_start3A_13] : memref<32x79x128xi32, #tpu.memory_space<hbm>> -> memref<1x79x128xi32, #tpu.memory_space<hbm>>
      %dma_start3A_15 = tpu.memref_squeeze %dma_start3A_14 : memref<1x79x128xi32, #tpu.memory_space<hbm>> -> memref<79x128xi32, #tpu.memory_space<hbm>>
      tpu.enqueue_dma source(%dma_start3A_15 : memref<79x128xi32, #tpu.memory_space<hbm>>) target(%arg10 : memref<79x128xi32, #tpu.memory_space<vmem>>) target_semaphore(%run_scoped3A : memref<!tpu.dma_semaphore, #tpu.memory_space<semaphore_mem>>)
      %dma_wait3A = arith.constant 0 : i32
      %dma_wait3A_16 = arith.constant 0 : i32
      %dma_wait3A_17 = tpu.memref_slice %arg3[%add3A, %dma_wait3A, %dma_wait3A_16] : memref<32x79x128xi32, #tpu.memory_space<hbm>> -> memref<1x79x128xi32, #tpu.memory_space<hbm>>
      %dma_wait3A_18 = tpu.memref_squeeze %dma_wait3A_17 : memref<1x79x128xi32, #tpu.memory_space<hbm>> -> memref<79x128xi32, #tpu.memory_space<hbm>>
      %dma_wait3A_19 = arith.constant 0 : i32
      %dma_wait3A_20 = arith.constant 0 : i32
      %dma_wait3A_21 = tpu.memref_slice %arg3[%add3A, %dma_wait3A_19, %dma_wait3A_20] : memref<32x79x128xi32, #tpu.memory_space<hbm>> -> memref<1x79x128xi32, #tpu.memory_space<hbm>>
      %dma_wait3A_22 = tpu.memref_squeeze %dma_wait3A_21 : memref<1x79x128xi32, #tpu.memory_space<hbm>> -> memref<79x128xi32, #tpu.memory_space<hbm>>
      tpu.wait_dma2 semaphore(%run_scoped3A : memref<!tpu.dma_semaphore, #tpu.memory_space<semaphore_mem>>) src(%dma_wait3A_22 : memref<79x128xi32, #tpu.memory_space<hbm>>) dst(%arg10 : memref<79x128xi32, #tpu.memory_space<vmem>>)
      tpu.yield
    }) : () -> ()
    "tpu.region"() ({
      %run_scoped3A = tpu.sem_alloc : memref<!tpu.dma_semaphore, #tpu.memory_space<semaphore_mem>>
      %dma_start3A = arith.constant 0 : i32
      %dma_start3A_9 = arith.constant 0 : i32
      %dma_start3A_10 = tpu.memref_slice %arg4[%add3A, %dma_start3A, %dma_start3A_9] : memref<32x79x128xi32, #tpu.memory_space<hbm>> -> memref<1x79x128xi32, #tpu.memory_space<hbm>>
      %dma_start3A_11 = tpu.memref_squeeze %dma_start3A_10 : memref<1x79x128xi32, #tpu.memory_space<hbm>> -> memref<79x128xi32, #tpu.memory_space<hbm>>
      %dma_start3A_12 = arith.constant 0 : i32
      %dma_start3A_13 = arith.constant 0 : i32
      %dma_start3A_14 = tpu.memref_slice %arg4[%add3A, %dma_start3A_12, %dma_start3A_13] : memref<32x79x128xi32, #tpu.memory_space<hbm>> -> memref<1x79x128xi32, #tpu.memory_space<hbm>>
      %dma_start3A_15 = tpu.memref_squeeze %dma_start3A_14 : memref<1x79x128xi32, #tpu.memory_space<hbm>> -> memref<79x128xi32, #tpu.memory_space<hbm>>
      tpu.enqueue_dma source(%dma_start3A_15 : memref<79x128xi32, #tpu.memory_space<hbm>>) target(%arg11 : memref<79x128xi32, #tpu.memory_space<vmem>>) target_semaphore(%run_scoped3A : memref<!tpu.dma_semaphore, #tpu.memory_space<semaphore_mem>>)
      %dma_wait3A = arith.constant 0 : i32
      %dma_wait3A_16 = arith.constant 0 : i32
      %dma_wait3A_17 = tpu.memref_slice %arg4[%add3A, %dma_wait3A, %dma_wait3A_16] : memref<32x79x128xi32, #tpu.memory_space<hbm>> -> memref<1x79x128xi32, #tpu.memory_space<hbm>>
      %dma_wait3A_18 = tpu.memref_squeeze %dma_wait3A_17 : memref<1x79x128xi32, #tpu.memory_space<hbm>> -> memref<79x128xi32, #tpu.memory_space<hbm>>
      %dma_wait3A_19 = arith.constant 0 : i32
      %dma_wait3A_20 = arith.constant 0 : i32
      %dma_wait3A_21 = tpu.memref_slice %arg4[%add3A, %dma_wait3A_19, %dma_wait3A_20] : memref<32x79x128xi32, #tpu.memory_space<hbm>> -> memref<1x79x128xi32, #tpu.memory_space<hbm>>
      %dma_wait3A_22 = tpu.memref_squeeze %dma_wait3A_21 : memref<1x79x128xi32, #tpu.memory_space<hbm>> -> memref<79x128xi32, #tpu.memory_space<hbm>>
      tpu.wait_dma2 semaphore(%run_scoped3A : memref<!tpu.dma_semaphore, #tpu.memory_space<semaphore_mem>>) src(%dma_wait3A_22 : memref<79x128xi32, #tpu.memory_space<hbm>>) dst(%arg11 : memref<79x128xi32, #tpu.memory_space<vmem>>)
      tpu.yield
    }) : () -> ()
    "tpu.region"() ({
      %run_scoped3A = tpu.sem_alloc : memref<!tpu.dma_semaphore, #tpu.memory_space<semaphore_mem>>
      %dma_start3A = arith.constant 0 : i32
      %dma_start3A_9 = arith.constant 0 : i32
      %dma_start3A_10 = tpu.memref_slice %arg5[%add3A, %dma_start3A, %dma_start3A_9] : memref<32x79x128xf32, #tpu.memory_space<hbm>> -> memref<1x79x128xf32, #tpu.memory_space<hbm>>
      %dma_start3A_11 = tpu.memref_squeeze %dma_start3A_10 : memref<1x79x128xf32, #tpu.memory_space<hbm>> -> memref<79x128xf32, #tpu.memory_space<hbm>>
      %dma_start3A_12 = arith.constant 0 : i32
      %dma_start3A_13 = arith.constant 0 : i32
      %dma_start3A_14 = tpu.memref_slice %arg5[%add3A, %dma_start3A_12, %dma_start3A_13] : memref<32x79x128xf32, #tpu.memory_space<hbm>> -> memref<1x79x128xf32, #tpu.memory_space<hbm>>
      %dma_start3A_15 = tpu.memref_squeeze %dma_start3A_14 : memref<1x79x128xf32, #tpu.memory_space<hbm>> -> memref<79x128xf32, #tpu.memory_space<hbm>>
      tpu.enqueue_dma source(%dma_start3A_15 : memref<79x128xf32, #tpu.memory_space<hbm>>) target(%arg12 : memref<79x128xf32, #tpu.memory_space<vmem>>) target_semaphore(%run_scoped3A : memref<!tpu.dma_semaphore, #tpu.memory_space<semaphore_mem>>)
      %dma_wait3A = arith.constant 0 : i32
      %dma_wait3A_16 = arith.constant 0 : i32
      %dma_wait3A_17 = tpu.memref_slice %arg5[%add3A, %dma_wait3A, %dma_wait3A_16] : memref<32x79x128xf32, #tpu.memory_space<hbm>> -> memref<1x79x128xf32, #tpu.memory_space<hbm>>
      %dma_wait3A_18 = tpu.memref_squeeze %dma_wait3A_17 : memref<1x79x128xf32, #tpu.memory_space<hbm>> -> memref<79x128xf32, #tpu.memory_space<hbm>>
      %dma_wait3A_19 = arith.constant 0 : i32
      %dma_wait3A_20 = arith.constant 0 : i32
      %dma_wait3A_21 = tpu.memref_slice %arg5[%add3A, %dma_wait3A_19, %dma_wait3A_20] : memref<32x79x128xf32, #tpu.memory_space<hbm>> -> memref<1x79x128xf32, #tpu.memory_space<hbm>>
      %dma_wait3A_22 = tpu.memref_squeeze %dma_wait3A_21 : memref<1x79x128xf32, #tpu.memory_space<hbm>> -> memref<79x128xf32, #tpu.memory_space<hbm>>
      tpu.wait_dma2 semaphore(%run_scoped3A : memref<!tpu.dma_semaphore, #tpu.memory_space<semaphore_mem>>) src(%dma_wait3A_22 : memref<79x128xf32, #tpu.memory_space<hbm>>) dst(%arg12 : memref<79x128xf32, #tpu.memory_space<vmem>>)
      tpu.yield
    }) : () -> ()
    %barrier3A = arith.constant 0 : index
    tpu.barrier barrier_id(%barrier3A)
    %scan3A = arith.constant 0 : i32
    %scan3A_3 = arith.constant 0 : i32
    %scan3A_4 = arith.constant 79 : i32
    %scan3A_5 = arith.addi %scan3A_3, %scan3A_4 : i32
    %scan3A_6 = arith.constant 1 : i32
    scf.for %scan3A_9 = %scan3A_3 to %scan3A_5 step %scan3A_6  : i32 {
      %get3A = arith.index_cast %scan3A_9 : i32 to index
      %get3A_10 = arith.constant 0 : index
      %get3A_11 = tpu.vector_load %arg11[%get3A, %get3A_10] {strides = array<i32>} : memref<79x128xi32, #tpu.memory_space<vmem>>, vector<1x16xi32>,
      %get3A_12 = vector.shape_cast %get3A_11 : vector<1x16xi32> to vector<16xi32>
      %swap3A = arith.constant 0 : index
      %swap3A_13 = tpu.vector_load %arg14[%swap3A] {strides = array<i32>} : memref<128xi32, #tpu.memory_space<vmem>>, vector<16xi32>,
      %swap3A_14 = vector.shape_cast %swap3A_13 : vector<16xi32> to vector<16xi32>
      %swap3A_15 = vector.shape_cast %get3A_12 : vector<16xi32> to vector<16xi32>
      tpu.vector_store %arg14[%swap3A], %swap3A_15 {strides = array<i32>} : memref<128xi32, #tpu.memory_space<vmem>>, vector<16xi32>,
      %get3A_16 = arith.index_cast %scan3A_9 : i32 to index
      %get3A_17 = arith.constant 16 : index
      %get3A_18 = tpu.vector_load %arg11[%get3A_16, %get3A_17] {strides = array<i32>} : memref<79x128xi32, #tpu.memory_space<vmem>>, vector<1x16xi32>,
      %get3A_19 = vector.shape_cast %get3A_18 : vector<1x16xi32> to vector<16xi32>
      %swap3A_20 = arith.constant 16 : index
      %swap3A_21 = tpu.vector_load %arg14[%swap3A_20] {strides = array<i32>} : memref<128xi32, #tpu.memory_space<vmem>>, vector<16xi32>,
      %swap3A_22 = vector.shape_cast %swap3A_21 : vector<16xi32> to vector<16xi32>
      %swap3A_23 = vector.shape_cast %get3A_19 : vector<16xi32> to vector<16xi32>
      tpu.vector_store %arg14[%swap3A_20], %swap3A_23 {strides = array<i32>} : memref<128xi32, #tpu.memory_space<vmem>>, vector<16xi32>,
      %get3A_24 = arith.index_cast %scan3A_9 : i32 to index
      %get3A_25 = arith.constant 32 : index
      %get3A_26 = tpu.vector_load %arg11[%get3A_24, %get3A_25] {strides = array<i32>} : memref<79x128xi32, #tpu.memory_space<vmem>>, vector<1x16xi32>,
      %get3A_27 = vector.shape_cast %get3A_26 : vector<1x16xi32> to vector<16xi32>
      %swap3A_28 = arith.constant 32 : index
      %swap3A_29 = tpu.vector_load %arg14[%swap3A_28] {strides = array<i32>} : memref<128xi32, #tpu.memory_space<vmem>>, vector<16xi32>,
      %swap3A_30 = vector.shape_cast %swap3A_29 : vector<16xi32> to vector<16xi32>
      %swap3A_31 = vector.shape_cast %get3A_27 : vector<16xi32> to vector<16xi32>
      tpu.vector_store %arg14[%swap3A_28], %swap3A_31 {strides = array<i32>} : memref<128xi32, #tpu.memory_space<vmem>>, vector<16xi32>,
      %get3A_32 = arith.index_cast %scan3A_9 : i32 to index
      %get3A_33 = arith.constant 48 : index
      %get3A_34 = tpu.vector_load %arg11[%get3A_32, %get3A_33] {strides = array<i32>} : memref<79x128xi32, #tpu.memory_space<vmem>>, vector<1x16xi32>,
      %get3A_35 = vector.shape_cast %get3A_34 : vector<1x16xi32> to vector<16xi32>
      %swap3A_36 = arith.constant 48 : index
      %swap3A_37 = tpu.vector_load %arg14[%swap3A_36] {strides = array<i32>} : memref<128xi32, #tpu.memory_space<vmem>>, vector<16xi32>,
      %swap3A_38 = vector.shape_cast %swap3A_37 : vector<16xi32> to vector<16xi32>
      %swap3A_39 = vector.shape_cast %get3A_35 : vector<16xi32> to vector<16xi32>
      tpu.vector_store %arg14[%swap3A_36], %swap3A_39 {strides = array<i32>} : memref<128xi32, #tpu.memory_space<vmem>>, vector<16xi32>,
      %get3A_40 = arith.index_cast %scan3A_9 : i32 to index
      %get3A_41 = arith.constant 64 : index
      %get3A_42 = tpu.vector_load %arg11[%get3A_40, %get3A_41] {strides = array<i32>} : memref<79x128xi32, #tpu.memory_space<vmem>>, vector<1x16xi32>,
      %get3A_43 = vector.shape_cast %get3A_42 : vector<1x16xi32> to vector<16xi32>
      %swap3A_44 = arith.constant 64 : index
      %swap3A_45 = tpu.vector_load %arg14[%swap3A_44] {strides = array<i32>} : memref<128xi32, #tpu.memory_space<vmem>>, vector<16xi32>,
      %swap3A_46 = vector.shape_cast %swap3A_45 : vector<16xi32> to vector<16xi32>
      %swap3A_47 = vector.shape_cast %get3A_43 : vector<16xi32> to vector<16xi32>
      tpu.vector_store %arg14[%swap3A_44], %swap3A_47 {strides = array<i32>} : memref<128xi32, #tpu.memory_space<vmem>>, vector<16xi32>,
      %get3A_48 = arith.index_cast %scan3A_9 : i32 to index
      %get3A_49 = arith.constant 80 : index
      %get3A_50 = tpu.vector_load %arg11[%get3A_48, %get3A_49] {strides = array<i32>} : memref<79x128xi32, #tpu.memory_space<vmem>>, vector<1x16xi32>,
      %get3A_51 = vector.shape_cast %get3A_50 : vector<1x16xi32> to vector<16xi32>
      %swap3A_52 = arith.constant 80 : index
      %swap3A_53 = tpu.vector_load %arg14[%swap3A_52] {strides = array<i32>} : memref<128xi32, #tpu.memory_space<vmem>>, vector<16xi32>,
      %swap3A_54 = vector.shape_cast %swap3A_53 : vector<16xi32> to vector<16xi32>
      %swap3A_55 = vector.shape_cast %get3A_51 : vector<16xi32> to vector<16xi32>
      tpu.vector_store %arg14[%swap3A_52], %swap3A_55 {strides = array<i32>} : memref<128xi32, #tpu.memory_space<vmem>>, vector<16xi32>,
      %get3A_56 = arith.index_cast %scan3A_9 : i32 to index
      %get3A_57 = arith.constant 96 : index
      %get3A_58 = tpu.vector_load %arg11[%get3A_56, %get3A_57] {strides = array<i32>} : memref<79x128xi32, #tpu.memory_space<vmem>>, vector<1x16xi32>,
      %get3A_59 = vector.shape_cast %get3A_58 : vector<1x16xi32> to vector<16xi32>
      %swap3A_60 = arith.constant 96 : index
      %swap3A_61 = tpu.vector_load %arg14[%swap3A_60] {strides = array<i32>} : memref<128xi32, #tpu.memory_space<vmem>>, vector<16xi32>,
      %swap3A_62 = vector.shape_cast %swap3A_61 : vector<16xi32> to vector<16xi32>
      %swap3A_63 = vector.shape_cast %get3A_59 : vector<16xi32> to vector<16xi32>
      tpu.vector_store %arg14[%swap3A_60], %swap3A_63 {strides = array<i32>} : memref<128xi32, #tpu.memory_space<vmem>>, vector<16xi32>,
      %get3A_64 = arith.index_cast %scan3A_9 : i32 to index
      %get3A_65 = arith.constant 112 : index
      %get3A_66 = tpu.vector_load %arg11[%get3A_64, %get3A_65] {strides = array<i32>} : memref<79x128xi32, #tpu.memory_space<vmem>>, vector<1x16xi32>,
      %get3A_67 = vector.shape_cast %get3A_66 : vector<1x16xi32> to vector<16xi32>
      %swap3A_68 = arith.constant 112 : index
      %swap3A_69 = tpu.vector_load %arg14[%swap3A_68] {strides = array<i32>} : memref<128xi32, #tpu.memory_space<vmem>>, vector<16xi32>,
      %swap3A_70 = vector.shape_cast %swap3A_69 : vector<16xi32> to vector<16xi32>
      %swap3A_71 = vector.shape_cast %get3A_67 : vector<16xi32> to vector<16xi32>
      tpu.vector_store %arg14[%swap3A_68], %swap3A_71 {strides = array<i32>} : memref<128xi32, #tpu.memory_space<vmem>>, vector<16xi32>,
      %dma_start3A = arith.constant 0 : i32
      %dma_start3A_72 = tpu.memref_slice %arg10[%scan3A_9, %dma_start3A] : memref<79x128xi32, #tpu.memory_space<vmem>> -> memref<1x128xi32, #tpu.memory_space<vmem>>
      %dma_start3A_73 = tpu.memref_squeeze %dma_start3A_72 : memref<1x128xi32, #tpu.memory_space<vmem>> -> memref<128xi32, #tpu.memory_space<vmem>>
      %dma_start3A_74 = arith.constant 0 : i32
      %dma_start3A_75 = arith.constant 0 : i32
      %dma_start3A_76 = tpu.memref_slice %arg8[%dma_start3A_74, %dma_start3A_75] : memref<10112x64xf32, #tpu.memory_space<vmem_shared>> -> memref<10112x64xf32, #tpu.memory_space<vmem_shared>>
      tpu.enqueue_indirect_dma source(%dma_start3A_76 : memref<10112x64xf32, #tpu.memory_space<vmem_shared>>) target(%arg13 : memref<128x64xf32, #tpu.memory_space<vmem>>) offsets(%dma_start3A_73 : memref<128xi32, #tpu.memory_space<vmem>>) semaphore(%arg15 : memref<!tpu.dma_semaphore, #tpu.memory_space<semaphore_mem>>)
      %dma_wait3A = arith.constant 0 : i32
      %dma_wait3A_77 = tpu.memref_slice %arg10[%scan3A_9, %dma_wait3A] : memref<79x128xi32, #tpu.memory_space<vmem>> -> memref<1x128xi32, #tpu.memory_space<vmem>>
      %dma_wait3A_78 = tpu.memref_squeeze %dma_wait3A_77 : memref<1x128xi32, #tpu.memory_space<vmem>> -> memref<128xi32, #tpu.memory_space<vmem>>
      %dma_wait3A_79 = arith.constant 0 : i32
      %dma_wait3A_80 = arith.constant 0 : i32
      %dma_wait3A_81 = tpu.memref_slice %arg8[%dma_wait3A_79, %dma_wait3A_80] : memref<10112x64xf32, #tpu.memory_space<vmem_shared>> -> memref<10112x64xf32, #tpu.memory_space<vmem_shared>>
      tpu.wait_indirect_dma semaphore(%arg15 : memref<!tpu.dma_semaphore, #tpu.memory_space<semaphore_mem>>) src(%dma_wait3A_81 : memref<10112x64xf32, #tpu.memory_space<vmem_shared>>) dst(%arg13 : memref<128x64xf32, #tpu.memory_space<vmem>>)
      %scan3A_82 = arith.constant 0 : i32
      %scan3A_83 = arith.constant 0 : i32
      %scan3A_84 = arith.constant 8 : i32
      %scan3A_85 = arith.addi %scan3A_83, %scan3A_84 : i32
      %scan3A_86 = arith.constant 1 : i32
      scf.for %scan3A_88 = %scan3A_83 to %scan3A_85 step %scan3A_86  : i32 {
        %mul3A_89 = arith.constant 16 : i32
        %mul3A_90 = arith.muli %scan3A_88, %mul3A_89 : i32
        %get3A_91 = arith.index_cast %scan3A_9 : i32 to index
        %get3A_92 = arith.index_cast %mul3A_90 : i32 to index
        %get3A_93 = tpu.vector_load %arg12[%get3A_91, %get3A_92] {strides = array<i32>} : memref<79x128xf32, #tpu.memory_space<vmem>>, vector<1x16xf32>,
        %get3A_94 = vector.shape_cast %get3A_93 : vector<1x16xf32> to vector<16xf32>
        %slice3A = vector.extract_strided_slice %get3A_94 {offsets = [0], sizes = [1], strides = [1]} : vector<16xf32> to vector<1xf32>
        %squeeze3A = vector.extract %slice3A[0] : f32 from vector<1xf32>
        %mul3A_95 = arith.constant 16 : i32
        %mul3A_96 = arith.muli %scan3A_88, %mul3A_95 : i32
        %add3A_97 = arith.constant 0 : i32
        %add3A_98 = arith.addi %mul3A_96, %add3A_97 : i32
        %get3A_99 = arith.index_cast %add3A_98 : i32 to index
        %get3A_100 = arith.constant 0 : index
        %get3A_101 = tpu.vector_load %arg13[%get3A_99, %get3A_100] {strides = array<i32>} : memref<128x64xf32, #tpu.memory_space<vmem>>, vector<1x16xf32>,
        %get3A_102 = vector.shape_cast %get3A_101 : vector<1x16xf32> to vector<16xf32>
        %mul3A_103 = vector.broadcast %squeeze3A : f32 to vector<16xf32>
        %mul3A_104 = arith.mulf %get3A_102, %mul3A_103 : vector<16xf32>
        %swap3A_105 = arith.index_cast %add3A_98 : i32 to index
        %swap3A_106 = arith.constant 0 : index
        %swap3A_107 = tpu.vector_load %arg13[%swap3A_105, %swap3A_106] {strides = array<i32>} : memref<128x64xf32, #tpu.memory_space<vmem>>, vector<1x16xf32>,
        %swap3A_108 = vector.shape_cast %swap3A_107 : vector<1x16xf32> to vector<16xf32>
        %swap3A_109 = vector.shape_cast %mul3A_104 : vector<16xf32> to vector<1x16xf32>
        tpu.vector_store %arg13[%swap3A_105, %swap3A_106], %swap3A_109 {strides = array<i32>} : memref<128x64xf32, #tpu.memory_space<vmem>>, vector<1x16xf32>,
        %get3A_110 = arith.index_cast %add3A_98 : i32 to index
        %get3A_111 = arith.constant 16 : index
        %get3A_112 = tpu.vector_load %arg13[%get3A_110, %get3A_111] {strides = array<i32>} : memref<128x64xf32, #tpu.memory_space<vmem>>, vector<1x16xf32>,
        %get3A_113 = vector.shape_cast %get3A_112 : vector<1x16xf32> to vector<16xf32>
        %mul3A_114 = vector.broadcast %squeeze3A : f32 to vector<16xf32>
        %mul3A_115 = arith.mulf %get3A_113, %mul3A_114 : vector<16xf32>
        %swap3A_116 = arith.index_cast %add3A_98 : i32 to index
        %swap3A_117 = arith.constant 16 : index
        %swap3A_118 = tpu.vector_load %arg13[%swap3A_116, %swap3A_117] {strides = array<i32>} : memref<128x64xf32, #tpu.memory_space<vmem>>, vector<1x16xf32>,
        %swap3A_119 = vector.shape_cast %swap3A_118 : vector<1x16xf32> to vector<16xf32>
        %swap3A_120 = vector.shape_cast %mul3A_115 : vector<16xf32> to vector<1x16xf32>
        tpu.vector_store %arg13[%swap3A_116, %swap3A_117], %swap3A_120 {strides = array<i32>} : memref<128x64xf32, #tpu.memory_space<vmem>>, vector<1x16xf32>,
        %get3A_121 = arith.index_cast %add3A_98 : i32 to index
        %get3A_122 = arith.constant 32 : index
        %get3A_123 = tpu.vector_load %arg13[%get3A_121, %get3A_122] {strides = array<i32>} : memref<128x64xf32, #tpu.memory_space<vmem>>, vector<1x16xf32>,
        %get3A_124 = vector.shape_cast %get3A_123 : vector<1x16xf32> to vector<16xf32>
        %mul3A_125 = vector.broadcast %squeeze3A : f32 to vector<16xf32>
        %mul3A_126 = arith.mulf %get3A_124, %mul3A_125 : vector<16xf32>
        %swap3A_127 = arith.index_cast %add3A_98 : i32 to index
        %swap3A_128 = arith.constant 32 : index
        %swap3A_129 = tpu.vector_load %arg13[%swap3A_127, %swap3A_128] {strides = array<i32>} : memref<128x64xf32, #tpu.memory_space<vmem>>, vector<1x16xf32>,
        %swap3A_130 = vector.shape_cast %swap3A_129 : vector<1x16xf32> to vector<16xf32>
        %swap3A_131 = vector.shape_cast %mul3A_126 : vector<16xf32> to vector<1x16xf32>
        tpu.vector_store %arg13[%swap3A_127, %swap3A_128], %swap3A_131 {strides = array<i32>} : memref<128x64xf32, #tpu.memory_space<vmem>>, vector<1x16xf32>,
        %get3A_132 = arith.index_cast %add3A_98 : i32 to index
        %get3A_133 = arith.constant 48 : index
        %get3A_134 = tpu.vector_load %arg13[%get3A_132, %get3A_133] {strides = array<i32>} : memref<128x64xf32, #tpu.memory_space<vmem>>, vector<1x16xf32>,
        %get3A_135 = vector.shape_cast %get3A_134 : vector<1x16xf32> to vector<16xf32>
        %mul3A_136 = vector.broadcast %squeeze3A : f32 to vector<16xf32>
        %mul3A_137 = arith.mulf %get3A_135, %mul3A_136 : vector<16xf32>
        %swap3A_138 = arith.index_cast %add3A_98 : i32 to index
        %swap3A_139 = arith.constant 48 : index
        %swap3A_140 = tpu.vector_load %arg13[%swap3A_138, %swap3A_139] {strides = array<i32>} : memref<128x64xf32, #tpu.memory_space<vmem>>, vector<1x16xf32>,
        %swap3A_141 = vector.shape_cast %swap3A_140 : vector<1x16xf32> to vector<16xf32>
        %swap3A_142 = vector.shape_cast %mul3A_137 : vector<16xf32> to vector<1x16xf32>
        tpu.vector_store %arg13[%swap3A_138, %swap3A_139], %swap3A_142 {strides = array<i32>} : memref<128x64xf32, #tpu.memory_space<vmem>>, vector<1x16xf32>,
        %slice3A_143 = vector.extract_strided_slice %get3A_94 {offsets = [1], sizes = [1], strides = [1]} : vector<16xf32> to vector<1xf32>
        %squeeze3A_144 = vector.extract %slice3A_143[0] : f32 from vector<1xf32>
        %mul3A_145 = arith.constant 16 : i32
        %mul3A_146 = arith.muli %scan3A_88, %mul3A_145 : i32
        %add3A_147 = arith.constant 1 : i32
        %add3A_148 = arith.addi %mul3A_146, %add3A_147 : i32
        %get3A_149 = arith.index_cast %add3A_148 : i32 to index
        %get3A_150 = arith.constant 0 : index
        %get3A_151 = tpu.vector_load %arg13[%get3A_149, %get3A_150] {strides = array<i32>} : memref<128x64xf32, #tpu.memory_space<vmem>>, vector<1x16xf32>,
        %get3A_152 = vector.shape_cast %get3A_151 : vector<1x16xf32> to vector<16xf32>
        %mul3A_153 = vector.broadcast %squeeze3A_144 : f32 to vector<16xf32>
        %mul3A_154 = arith.mulf %get3A_152, %mul3A_153 : vector<16xf32>
        %swap3A_155 = arith.index_cast %add3A_148 : i32 to index
        %swap3A_156 = arith.constant 0 : index
        %swap3A_157 = tpu.vector_load %arg13[%swap3A_155, %swap3A_156] {strides = array<i32>} : memref<128x64xf32, #tpu.memory_space<vmem>>, vector<1x16xf32>,
        %swap3A_158 = vector.shape_cast %swap3A_157 : vector<1x16xf32> to vector<16xf32>
        %swap3A_159 = vector.shape_cast %mul3A_154 : vector<16xf32> to vector<1x16xf32>
        tpu.vector_store %arg13[%swap3A_155, %swap3A_156], %swap3A_159 {strides = array<i32>} : memref<128x64xf32, #tpu.memory_space<vmem>>, vector<1x16xf32>,
        %get3A_160 = arith.index_cast %add3A_148 : i32 to index
        %get3A_161 = arith.constant 16 : index
        %get3A_162 = tpu.vector_load %arg13[%get3A_160, %get3A_161] {strides = array<i32>} : memref<128x64xf32, #tpu.memory_space<vmem>>, vector<1x16xf32>,
        %get3A_163 = vector.shape_cast %get3A_162 : vector<1x16xf32> to vector<16xf32>
        %mul3A_164 = vector.broadcast %squeeze3A_144 : f32 to vector<16xf32>
        %mul3A_165 = arith.mulf %get3A_163, %mul3A_164 : vector<16xf32>
        %swap3A_166 = arith.index_cast %add3A_148 : i32 to index
        %swap3A_167 = arith.constant 16 : index
        %swap3A_168 = tpu.vector_load %arg13[%swap3A_166, %swap3A_167] {strides = array<i32>} : memref<128x64xf32, #tpu.memory_space<vmem>>, vector<1x16xf32>,
        %swap3A_169 = vector.shape_cast %swap3A_168 : vector<1x16xf32> to vector<16xf32>
        %swap3A_170 = vector.shape_cast %mul3A_165 : vector<16xf32> to vector<1x16xf32>
        tpu.vector_store %arg13[%swap3A_166, %swap3A_167], %swap3A_170 {strides = array<i32>} : memref<128x64xf32, #tpu.memory_space<vmem>>, vector<1x16xf32>,
        %get3A_171 = arith.index_cast %add3A_148 : i32 to index
        %get3A_172 = arith.constant 32 : index
        %get3A_173 = tpu.vector_load %arg13[%get3A_171, %get3A_172] {strides = array<i32>} : memref<128x64xf32, #tpu.memory_space<vmem>>, vector<1x16xf32>,
        %get3A_174 = vector.shape_cast %get3A_173 : vector<1x16xf32> to vector<16xf32>
        %mul3A_175 = vector.broadcast %squeeze3A_144 : f32 to vector<16xf32>
        %mul3A_176 = arith.mulf %get3A_174, %mul3A_175 : vector<16xf32>
        %swap3A_177 = arith.index_cast %add3A_148 : i32 to index
        %swap3A_178 = arith.constant 32 : index
        %swap3A_179 = tpu.vector_load %arg13[%swap3A_177, %swap3A_178] {strides = array<i32>} : memref<128x64xf32, #tpu.memory_space<vmem>>, vector<1x16xf32>,
        %swap3A_180 = vector.shape_cast %swap3A_179 : vector<1x16xf32> to vector<16xf32>
        %swap3A_181 = vector.shape_cast %mul3A_176 : vector<16xf32> to vector<1x16xf32>
        tpu.vector_store %arg13[%swap3A_177, %swap3A_178], %swap3A_181 {strides = array<i32>} : memref<128x64xf32, #tpu.memory_space<vmem>>, vector<1x16xf32>,
        %get3A_182 = arith.index_cast %add3A_148 : i32 to index
        %get3A_183 = arith.constant 48 : index
        %get3A_184 = tpu.vector_load %arg13[%get3A_182, %get3A_183] {strides = array<i32>} : memref<128x64xf32, #tpu.memory_space<vmem>>, vector<1x16xf32>,
        %get3A_185 = vector.shape_cast %get3A_184 : vector<1x16xf32> to vector<16xf32>
        %mul3A_186 = vector.broadcast %squeeze3A_144 : f32 to vector<16xf32>
        %mul3A_187 = arith.mulf %get3A_185, %mul3A_186 : vector<16xf32>
        %swap3A_188 = arith.index_cast %add3A_148 : i32 to index
        %swap3A_189 = arith.constant 48 : index
        %swap3A_190 = tpu.vector_load %arg13[%swap3A_188, %swap3A_189] {strides = array<i32>} : memref<128x64xf32, #tpu.memory_space<vmem>>, vector<1x16xf32>,
        %swap3A_191 = vector.shape_cast %swap3A_190 : vector<1x16xf32> to vector<16xf32>
        %swap3A_192 = vector.shape_cast %mul3A_187 : vector<16xf32> to vector<1x16xf32>
        tpu.vector_store %arg13[%swap3A_188, %swap3A_189], %swap3A_192 {strides = array<i32>} : memref<128x64xf32, #tpu.memory_space<vmem>>, vector<1x16xf32>,
        %slice3A_193 = vector.extract_strided_slice %get3A_94 {offsets = [2], sizes = [1], strides = [1]} : vector<16xf32> to vector<1xf32>
        %squeeze3A_194 = vector.extract %slice3A_193[0] : f32 from vector<1xf32>
        %mul3A_195 = arith.constant 16 : i32
        %mul3A_196 = arith.muli %scan3A_88, %mul3A_195 : i32
        %add3A_197 = arith.constant 2 : i32
        %add3A_198 = arith.addi %mul3A_196, %add3A_197 : i32
        %get3A_199 = arith.index_cast %add3A_198 : i32 to index
        %get3A_200 = arith.constant 0 : index
        %get3A_201 = tpu.vector_load %arg13[%get3A_199, %get3A_200] {strides = array<i32>} : memref<128x64xf32, #tpu.memory_space<vmem>>, vector<1x16xf32>,
        %get3A_202 = vector.shape_cast %get3A_201 : vector<1x16xf32> to vector<16xf32>
        %mul3A_203 = vector.broadcast %squeeze3A_194 : f32 to vector<16xf32>
        %mul3A_204 = arith.mulf %get3A_202, %mul3A_203 : vector<16xf32>
        %swap3A_205 = arith.index_cast %add3A_198 : i32 to index
        %swap3A_206 = arith.constant 0 : index
        %swap3A_207 = tpu.vector_load %arg13[%swap3A_205, %swap3A_206] {strides = array<i32>} : memref<128x64xf32, #tpu.memory_space<vmem>>, vector<1x16xf32>,
        %swap3A_208 = vector.shape_cast %swap3A_207 : vector<1x16xf32> to vector<16xf32>
        %swap3A_209 = vector.shape_cast %mul3A_204 : vector<16xf32> to vector<1x16xf32>
        tpu.vector_store %arg13[%swap3A_205, %swap3A_206], %swap3A_209 {strides = array<i32>} : memref<128x64xf32, #tpu.memory_space<vmem>>, vector<1x16xf32>,
        %get3A_210 = arith.index_cast %add3A_198 : i32 to index
        %get3A_211 = arith.constant 16 : index
        %get3A_212 = tpu.vector_load %arg13[%get3A_210, %get3A_211] {strides = array<i32>} : memref<128x64xf32, #tpu.memory_space<vmem>>, vector<1x16xf32>,
        %get3A_213 = vector.shape_cast %get3A_212 : vector<1x16xf32> to vector<16xf32>
        %mul3A_214 = vector.broadcast %squeeze3A_194 : f32 to vector<16xf32>
        %mul3A_215 = arith.mulf %get3A_213, %mul3A_214 : vector<16xf32>
        %swap3A_216 = arith.index_cast %add3A_198 : i32 to index
        %swap3A_217 = arith.constant 16 : index
        %swap3A_218 = tpu.vector_load %arg13[%swap3A_216, %swap3A_217] {strides = array<i32>} : memref<128x64xf32, #tpu.memory_space<vmem>>, vector<1x16xf32>,
        %swap3A_219 = vector.shape_cast %swap3A_218 : vector<1x16xf32> to vector<16xf32>
        %swap3A_220 = vector.shape_cast %mul3A_215 : vector<16xf32> to vector<1x16xf32>
        tpu.vector_store %arg13[%swap3A_216, %swap3A_217], %swap3A_220 {strides = array<i32>} : memref<128x64xf32, #tpu.memory_space<vmem>>, vector<1x16xf32>,
        %get3A_221 = arith.index_cast %add3A_198 : i32 to index
        %get3A_222 = arith.constant 32 : index
        %get3A_223 = tpu.vector_load %arg13[%get3A_221, %get3A_222] {strides = array<i32>} : memref<128x64xf32, #tpu.memory_space<vmem>>, vector<1x16xf32>,
        %get3A_224 = vector.shape_cast %get3A_223 : vector<1x16xf32> to vector<16xf32>
        %mul3A_225 = vector.broadcast %squeeze3A_194 : f32 to vector<16xf32>
        %mul3A_226 = arith.mulf %get3A_224, %mul3A_225 : vector<16xf32>
        %swap3A_227 = arith.index_cast %add3A_198 : i32 to index
        %swap3A_228 = arith.constant 32 : index
        %swap3A_229 = tpu.vector_load %arg13[%swap3A_227, %swap3A_228] {strides = array<i32>} : memref<128x64xf32, #tpu.memory_space<vmem>>, vector<1x16xf32>,
        %swap3A_230 = vector.shape_cast %swap3A_229 : vector<1x16xf32> to vector<16xf32>
        %swap3A_231 = vector.shape_cast %mul3A_226 : vector<16xf32> to vector<1x16xf32>
        tpu.vector_store %arg13[%swap3A_227, %swap3A_228], %swap3A_231 {strides = array<i32>} : memref<128x64xf32, #tpu.memory_space<vmem>>, vector<1x16xf32>,
        %get3A_232 = arith.index_cast %add3A_198 : i32 to index
        %get3A_233 = arith.constant 48 : index
        %get3A_234 = tpu.vector_load %arg13[%get3A_232, %get3A_233] {strides = array<i32>} : memref<128x64xf32, #tpu.memory_space<vmem>>, vector<1x16xf32>,
        %get3A_235 = vector.shape_cast %get3A_234 : vector<1x16xf32> to vector<16xf32>
        %mul3A_236 = vector.broadcast %squeeze3A_194 : f32 to vector<16xf32>
        %mul3A_237 = arith.mulf %get3A_235, %mul3A_236 : vector<16xf32>
        %swap3A_238 = arith.index_cast %add3A_198 : i32 to index
        %swap3A_239 = arith.constant 48 : index
        %swap3A_240 = tpu.vector_load %arg13[%swap3A_238, %swap3A_239] {strides = array<i32>} : memref<128x64xf32, #tpu.memory_space<vmem>>, vector<1x16xf32>,
        %swap3A_241 = vector.shape_cast %swap3A_240 : vector<1x16xf32> to vector<16xf32>
        %swap3A_242 = vector.shape_cast %mul3A_237 : vector<16xf32> to vector<1x16xf32>
        tpu.vector_store %arg13[%swap3A_238, %swap3A_239], %swap3A_242 {strides = array<i32>} : memref<128x64xf32, #tpu.memory_space<vmem>>, vector<1x16xf32>,
        %slice3A_243 = vector.extract_strided_slice %get3A_94 {offsets = [3], sizes = [1], strides = [1]} : vector<16xf32> to vector<1xf32>
        %squeeze3A_244 = vector.extract %slice3A_243[0] : f32 from vector<1xf32>
        %mul3A_245 = arith.constant 16 : i32
        %mul3A_246 = arith.muli %scan3A_88, %mul3A_245 : i32
        %add3A_247 = arith.constant 3 : i32
        %add3A_248 = arith.addi %mul3A_246, %add3A_247 : i32
        %get3A_249 = arith.index_cast %add3A_248 : i32 to index
        %get3A_250 = arith.constant 0 : index
        %get3A_251 = tpu.vector_load %arg13[%get3A_249, %get3A_250] {strides = array<i32>} : memref<128x64xf32, #tpu.memory_space<vmem>>, vector<1x16xf32>,
        %get3A_252 = vector.shape_cast %get3A_251 : vector<1x16xf32> to vector<16xf32>
        %mul3A_253 = vector.broadcast %squeeze3A_244 : f32 to vector<16xf32>
        %mul3A_254 = arith.mulf %get3A_252, %mul3A_253 : vector<16xf32>
        %swap3A_255 = arith.index_cast %add3A_248 : i32 to index
        %swap3A_256 = arith.constant 0 : index
        %swap3A_257 = tpu.vector_load %arg13[%swap3A_255, %swap3A_256] {strides = array<i32>} : memref<128x64xf32, #tpu.memory_space<vmem>>, vector<1x16xf32>,
        %swap3A_258 = vector.shape_cast %swap3A_257 : vector<1x16xf32> to vector<16xf32>
        %swap3A_259 = vector.shape_cast %mul3A_254 : vector<16xf32> to vector<1x16xf32>
        tpu.vector_store %arg13[%swap3A_255, %swap3A_256], %swap3A_259 {strides = array<i32>} : memref<128x64xf32, #tpu.memory_space<vmem>>, vector<1x16xf32>,
        %get3A_260 = arith.index_cast %add3A_248 : i32 to index
        %get3A_261 = arith.constant 16 : index
        %get3A_262 = tpu.vector_load %arg13[%get3A_260, %get3A_261] {strides = array<i32>} : memref<128x64xf32, #tpu.memory_space<vmem>>, vector<1x16xf32>,
        %get3A_263 = vector.shape_cast %get3A_262 : vector<1x16xf32> to vector<16xf32>
        %mul3A_264 = vector.broadcast %squeeze3A_244 : f32 to vector<16xf32>
        %mul3A_265 = arith.mulf %get3A_263, %mul3A_264 : vector<16xf32>
        %swap3A_266 = arith.index_cast %add3A_248 : i32 to index
        %swap3A_267 = arith.constant 16 : index
        %swap3A_268 = tpu.vector_load %arg13[%swap3A_266, %swap3A_267] {strides = array<i32>} : memref<128x64xf32, #tpu.memory_space<vmem>>, vector<1x16xf32>,
        %swap3A_269 = vector.shape_cast %swap3A_268 : vector<1x16xf32> to vector<16xf32>
        %swap3A_270 = vector.shape_cast %mul3A_265 : vector<16xf32> to vector<1x16xf32>
        tpu.vector_store %arg13[%swap3A_266, %swap3A_267], %swap3A_270 {strides = array<i32>} : memref<128x64xf32, #tpu.memory_space<vmem>>, vector<1x16xf32>,
        %get3A_271 = arith.index_cast %add3A_248 : i32 to index
        %get3A_272 = arith.constant 32 : index
        %get3A_273 = tpu.vector_load %arg13[%get3A_271, %get3A_272] {strides = array<i32>} : memref<128x64xf32, #tpu.memory_space<vmem>>, vector<1x16xf32>,
        %get3A_274 = vector.shape_cast %get3A_273 : vector<1x16xf32> to vector<16xf32>
        %mul3A_275 = vector.broadcast %squeeze3A_244 : f32 to vector<16xf32>
        %mul3A_276 = arith.mulf %get3A_274, %mul3A_275 : vector<16xf32>
        %swap3A_277 = arith.index_cast %add3A_248 : i32 to index
        %swap3A_278 = arith.constant 32 : index
        %swap3A_279 = tpu.vector_load %arg13[%swap3A_277, %swap3A_278] {strides = array<i32>} : memref<128x64xf32, #tpu.memory_space<vmem>>, vector<1x16xf32>,
        %swap3A_280 = vector.shape_cast %swap3A_279 : vector<1x16xf32> to vector<16xf32>
        %swap3A_281 = vector.shape_cast %mul3A_276 : vector<16xf32> to vector<1x16xf32>
        tpu.vector_store %arg13[%swap3A_277, %swap3A_278], %swap3A_281 {strides = array<i32>} : memref<128x64xf32, #tpu.memory_space<vmem>>, vector<1x16xf32>,
        %get3A_282 = arith.index_cast %add3A_248 : i32 to index
        %get3A_283 = arith.constant 48 : index
        %get3A_284 = tpu.vector_load %arg13[%get3A_282, %get3A_283] {strides = array<i32>} : memref<128x64xf32, #tpu.memory_space<vmem>>, vector<1x16xf32>,
        %get3A_285 = vector.shape_cast %get3A_284 : vector<1x16xf32> to vector<16xf32>
        %mul3A_286 = vector.broadcast %squeeze3A_244 : f32 to vector<16xf32>
        %mul3A_287 = arith.mulf %get3A_285, %mul3A_286 : vector<16xf32>
        %swap3A_288 = arith.index_cast %add3A_248 : i32 to index
        %swap3A_289 = arith.constant 48 : index
        %swap3A_290 = tpu.vector_load %arg13[%swap3A_288, %swap3A_289] {strides = array<i32>} : memref<128x64xf32, #tpu.memory_space<vmem>>, vector<1x16xf32>,
        %swap3A_291 = vector.shape_cast %swap3A_290 : vector<1x16xf32> to vector<16xf32>
        %swap3A_292 = vector.shape_cast %mul3A_287 : vector<16xf32> to vector<1x16xf32>
        tpu.vector_store %arg13[%swap3A_288, %swap3A_289], %swap3A_292 {strides = array<i32>} : memref<128x64xf32, #tpu.memory_space<vmem>>, vector<1x16xf32>,
        %slice3A_293 = vector.extract_strided_slice %get3A_94 {offsets = [4], sizes = [1], strides = [1]} : vector<16xf32> to vector<1xf32>
        %squeeze3A_294 = vector.extract %slice3A_293[0] : f32 from vector<1xf32>
        %mul3A_295 = arith.constant 16 : i32
        %mul3A_296 = arith.muli %scan3A_88, %mul3A_295 : i32
        %add3A_297 = arith.constant 4 : i32
        %add3A_298 = arith.addi %mul3A_296, %add3A_297 : i32
        %get3A_299 = arith.index_cast %add3A_298 : i32 to index
        %get3A_300 = arith.constant 0 : index
        %get3A_301 = tpu.vector_load %arg13[%get3A_299, %get3A_300] {strides = array<i32>} : memref<128x64xf32, #tpu.memory_space<vmem>>, vector<1x16xf32>,
        %get3A_302 = vector.shape_cast %get3A_301 : vector<1x16xf32> to vector<16xf32>
        %mul3A_303 = vector.broadcast %squeeze3A_294 : f32 to vector<16xf32>
        %mul3A_304 = arith.mulf %get3A_302, %mul3A_303 : vector<16xf32>
        %swap3A_305 = arith.index_cast %add3A_298 : i32 to index
        %swap3A_306 = arith.constant 0 : index
        %swap3A_307 = tpu.vector_load %arg13[%swap3A_305, %swap3A_306] {strides = array<i32>} : memref<128x64xf32, #tpu.memory_space<vmem>>, vector<1x16xf32>,
        %swap3A_308 = vector.shape_cast %swap3A_307 : vector<1x16xf32> to vector<16xf32>
        %swap3A_309 = vector.shape_cast %mul3A_304 : vector<16xf32> to vector<1x16xf32>
        tpu.vector_store %arg13[%swap3A_305, %swap3A_306], %swap3A_309 {strides = array<i32>} : memref<128x64xf32, #tpu.memory_space<vmem>>, vector<1x16xf32>,
        %get3A_310 = arith.index_cast %add3A_298 : i32 to index
        %get3A_311 = arith.constant 16 : index
        %get3A_312 = tpu.vector_load %arg13[%get3A_310, %get3A_311] {strides = array<i32>} : memref<128x64xf32, #tpu.memory_space<vmem>>, vector<1x16xf32>,
        %get3A_313 = vector.shape_cast %get3A_312 : vector<1x16xf32> to vector<16xf32>
        %mul3A_314 = vector.broadcast %squeeze3A_294 : f32 to vector<16xf32>
        %mul3A_315 = arith.mulf %get3A_313, %mul3A_314 : vector<16xf32>
        %swap3A_316 = arith.index_cast %add3A_298 : i32 to index
        %swap3A_317 = arith.constant 16 : index
        %swap3A_318 = tpu.vector_load %arg13[%swap3A_316, %swap3A_317] {strides = array<i32>} : memref<128x64xf32, #tpu.memory_space<vmem>>, vector<1x16xf32>,
        %swap3A_319 = vector.shape_cast %swap3A_318 : vector<1x16xf32> to vector<16xf32>
        %swap3A_320 = vector.shape_cast %mul3A_315 : vector<16xf32> to vector<1x16xf32>
        tpu.vector_store %arg13[%swap3A_316, %swap3A_317], %swap3A_320 {strides = array<i32>} : memref<128x64xf32, #tpu.memory_space<vmem>>, vector<1x16xf32>,
        %get3A_321 = arith.index_cast %add3A_298 : i32 to index
        %get3A_322 = arith.constant 32 : index
        %get3A_323 = tpu.vector_load %arg13[%get3A_321, %get3A_322] {strides = array<i32>} : memref<128x64xf32, #tpu.memory_space<vmem>>, vector<1x16xf32>,
        %get3A_324 = vector.shape_cast %get3A_323 : vector<1x16xf32> to vector<16xf32>
        %mul3A_325 = vector.broadcast %squeeze3A_294 : f32 to vector<16xf32>
        %mul3A_326 = arith.mulf %get3A_324, %mul3A_325 : vector<16xf32>
        %swap3A_327 = arith.index_cast %add3A_298 : i32 to index
        %swap3A_328 = arith.constant 32 : index
        %swap3A_329 = tpu.vector_load %arg13[%swap3A_327, %swap3A_328] {strides = array<i32>} : memref<128x64xf32, #tpu.memory_space<vmem>>, vector<1x16xf32>,
        %swap3A_330 = vector.shape_cast %swap3A_329 : vector<1x16xf32> to vector<16xf32>
        %swap3A_331 = vector.shape_cast %mul3A_326 : vector<16xf32> to vector<1x16xf32>
        tpu.vector_store %arg13[%swap3A_327, %swap3A_328], %swap3A_331 {strides = array<i32>} : memref<128x64xf32, #tpu.memory_space<vmem>>, vector<1x16xf32>,
        %get3A_332 = arith.index_cast %add3A_298 : i32 to index
        %get3A_333 = arith.constant 48 : index
        %get3A_334 = tpu.vector_load %arg13[%get3A_332, %get3A_333] {strides = array<i32>} : memref<128x64xf32, #tpu.memory_space<vmem>>, vector<1x16xf32>,
        %get3A_335 = vector.shape_cast %get3A_334 : vector<1x16xf32> to vector<16xf32>
        %mul3A_336 = vector.broadcast %squeeze3A_294 : f32 to vector<16xf32>
        %mul3A_337 = arith.mulf %get3A_335, %mul3A_336 : vector<16xf32>
        %swap3A_338 = arith.index_cast %add3A_298 : i32 to index
        %swap3A_339 = arith.constant 48 : index
        %swap3A_340 = tpu.vector_load %arg13[%swap3A_338, %swap3A_339] {strides = array<i32>} : memref<128x64xf32, #tpu.memory_space<vmem>>, vector<1x16xf32>,
        %swap3A_341 = vector.shape_cast %swap3A_340 : vector<1x16xf32> to vector<16xf32>
        %swap3A_342 = vector.shape_cast %mul3A_337 : vector<16xf32> to vector<1x16xf32>
        tpu.vector_store %arg13[%swap3A_338, %swap3A_339], %swap3A_342 {strides = array<i32>} : memref<128x64xf32, #tpu.memory_space<vmem>>, vector<1x16xf32>,
        %slice3A_343 = vector.extract_strided_slice %get3A_94 {offsets = [5], sizes = [1], strides = [1]} : vector<16xf32> to vector<1xf32>
        %squeeze3A_344 = vector.extract %slice3A_343[0] : f32 from vector<1xf32>
        %mul3A_345 = arith.constant 16 : i32
        %mul3A_346 = arith.muli %scan3A_88, %mul3A_345 : i32
        %add3A_347 = arith.constant 5 : i32
        %add3A_348 = arith.addi %mul3A_346, %add3A_347 : i32
        %get3A_349 = arith.index_cast %add3A_348 : i32 to index
        %get3A_350 = arith.constant 0 : index
        %get3A_351 = tpu.vector_load %arg13[%get3A_349, %get3A_350] {strides = array<i32>} : memref<128x64xf32, #tpu.memory_space<vmem>>, vector<1x16xf32>,
        %get3A_352 = vector.shape_cast %get3A_351 : vector<1x16xf32> to vector<16xf32>
        %mul3A_353 = vector.broadcast %squeeze3A_344 : f32 to vector<16xf32>
        %mul3A_354 = arith.mulf %get3A_352, %mul3A_353 : vector<16xf32>
        %swap3A_355 = arith.index_cast %add3A_348 : i32 to index
        %swap3A_356 = arith.constant 0 : index
        %swap3A_357 = tpu.vector_load %arg13[%swap3A_355, %swap3A_356] {strides = array<i32>} : memref<128x64xf32, #tpu.memory_space<vmem>>, vector<1x16xf32>,
        %swap3A_358 = vector.shape_cast %swap3A_357 : vector<1x16xf32> to vector<16xf32>
        %swap3A_359 = vector.shape_cast %mul3A_354 : vector<16xf32> to vector<1x16xf32>
        tpu.vector_store %arg13[%swap3A_355, %swap3A_356], %swap3A_359 {strides = array<i32>} : memref<128x64xf32, #tpu.memory_space<vmem>>, vector<1x16xf32>,
        %get3A_360 = arith.index_cast %add3A_348 : i32 to index
        %get3A_361 = arith.constant 16 : index
        %get3A_362 = tpu.vector_load %arg13[%get3A_360, %get3A_361] {strides = array<i32>} : memref<128x64xf32, #tpu.memory_space<vmem>>, vector<1x16xf32>,
        %get3A_363 = vector.shape_cast %get3A_362 : vector<1x16xf32> to vector<16xf32>
        %mul3A_364 = vector.broadcast %squeeze3A_344 : f32 to vector<16xf32>
        %mul3A_365 = arith.mulf %get3A_363, %mul3A_364 : vector<16xf32>
        %swap3A_366 = arith.index_cast %add3A_348 : i32 to index
        %swap3A_367 = arith.constant 16 : index
        %swap3A_368 = tpu.vector_load %arg13[%swap3A_366, %swap3A_367] {strides = array<i32>} : memref<128x64xf32, #tpu.memory_space<vmem>>, vector<1x16xf32>,
        %swap3A_369 = vector.shape_cast %swap3A_368 : vector<1x16xf32> to vector<16xf32>
        %swap3A_370 = vector.shape_cast %mul3A_365 : vector<16xf32> to vector<1x16xf32>
        tpu.vector_store %arg13[%swap3A_366, %swap3A_367], %swap3A_370 {strides = array<i32>} : memref<128x64xf32, #tpu.memory_space<vmem>>, vector<1x16xf32>,
        %get3A_371 = arith.index_cast %add3A_348 : i32 to index
        %get3A_372 = arith.constant 32 : index
        %get3A_373 = tpu.vector_load %arg13[%get3A_371, %get3A_372] {strides = array<i32>} : memref<128x64xf32, #tpu.memory_space<vmem>>, vector<1x16xf32>,
        %get3A_374 = vector.shape_cast %get3A_373 : vector<1x16xf32> to vector<16xf32>
        %mul3A_375 = vector.broadcast %squeeze3A_344 : f32 to vector<16xf32>
        %mul3A_376 = arith.mulf %get3A_374, %mul3A_375 : vector<16xf32>
        %swap3A_377 = arith.index_cast %add3A_348 : i32 to index
        %swap3A_378 = arith.constant 32 : index
        %swap3A_379 = tpu.vector_load %arg13[%swap3A_377, %swap3A_378] {strides = array<i32>} : memref<128x64xf32, #tpu.memory_space<vmem>>, vector<1x16xf32>,
        %swap3A_380 = vector.shape_cast %swap3A_379 : vector<1x16xf32> to vector<16xf32>
        %swap3A_381 = vector.shape_cast %mul3A_376 : vector<16xf32> to vector<1x16xf32>
        tpu.vector_store %arg13[%swap3A_377, %swap3A_378], %swap3A_381 {strides = array<i32>} : memref<128x64xf32, #tpu.memory_space<vmem>>, vector<1x16xf32>,
        %get3A_382 = arith.index_cast %add3A_348 : i32 to index
        %get3A_383 = arith.constant 48 : index
        %get3A_384 = tpu.vector_load %arg13[%get3A_382, %get3A_383] {strides = array<i32>} : memref<128x64xf32, #tpu.memory_space<vmem>>, vector<1x16xf32>,
        %get3A_385 = vector.shape_cast %get3A_384 : vector<1x16xf32> to vector<16xf32>
        %mul3A_386 = vector.broadcast %squeeze3A_344 : f32 to vector<16xf32>
        %mul3A_387 = arith.mulf %get3A_385, %mul3A_386 : vector<16xf32>
        %swap3A_388 = arith.index_cast %add3A_348 : i32 to index
        %swap3A_389 = arith.constant 48 : index
        %swap3A_390 = tpu.vector_load %arg13[%swap3A_388, %swap3A_389] {strides = array<i32>} : memref<128x64xf32, #tpu.memory_space<vmem>>, vector<1x16xf32>,
        %swap3A_391 = vector.shape_cast %swap3A_390 : vector<1x16xf32> to vector<16xf32>
        %swap3A_392 = vector.shape_cast %mul3A_387 : vector<16xf32> to vector<1x16xf32>
        tpu.vector_store %arg13[%swap3A_388, %swap3A_389], %swap3A_392 {strides = array<i32>} : memref<128x64xf32, #tpu.memory_space<vmem>>, vector<1x16xf32>,
        %slice3A_393 = vector.extract_strided_slice %get3A_94 {offsets = [6], sizes = [1], strides = [1]} : vector<16xf32> to vector<1xf32>
        %squeeze3A_394 = vector.extract %slice3A_393[0] : f32 from vector<1xf32>
        %mul3A_395 = arith.constant 16 : i32
        %mul3A_396 = arith.muli %scan3A_88, %mul3A_395 : i32
        %add3A_397 = arith.constant 6 : i32
        %add3A_398 = arith.addi %mul3A_396, %add3A_397 : i32
        %get3A_399 = arith.index_cast %add3A_398 : i32 to index
        %get3A_400 = arith.constant 0 : index
        %get3A_401 = tpu.vector_load %arg13[%get3A_399, %get3A_400] {strides = array<i32>} : memref<128x64xf32, #tpu.memory_space<vmem>>, vector<1x16xf32>,
        %get3A_402 = vector.shape_cast %get3A_401 : vector<1x16xf32> to vector<16xf32>
        %mul3A_403 = vector.broadcast %squeeze3A_394 : f32 to vector<16xf32>
        %mul3A_404 = arith.mulf %get3A_402, %mul3A_403 : vector<16xf32>
        %swap3A_405 = arith.index_cast %add3A_398 : i32 to index
        %swap3A_406 = arith.constant 0 : index
        %swap3A_407 = tpu.vector_load %arg13[%swap3A_405, %swap3A_406] {strides = array<i32>} : memref<128x64xf32, #tpu.memory_space<vmem>>, vector<1x16xf32>,
        %swap3A_408 = vector.shape_cast %swap3A_407 : vector<1x16xf32> to vector<16xf32>
        %swap3A_409 = vector.shape_cast %mul3A_404 : vector<16xf32> to vector<1x16xf32>
        tpu.vector_store %arg13[%swap3A_405, %swap3A_406], %swap3A_409 {strides = array<i32>} : memref<128x64xf32, #tpu.memory_space<vmem>>, vector<1x16xf32>,
        %get3A_410 = arith.index_cast %add3A_398 : i32 to index
        %get3A_411 = arith.constant 16 : index
        %get3A_412 = tpu.vector_load %arg13[%get3A_410, %get3A_411] {strides = array<i32>} : memref<128x64xf32, #tpu.memory_space<vmem>>, vector<1x16xf32>,
        %get3A_413 = vector.shape_cast %get3A_412 : vector<1x16xf32> to vector<16xf32>
        %mul3A_414 = vector.broadcast %squeeze3A_394 : f32 to vector<16xf32>
        %mul3A_415 = arith.mulf %get3A_413, %mul3A_414 : vector<16xf32>
        %swap3A_416 = arith.index_cast %add3A_398 : i32 to index
        %swap3A_417 = arith.constant 16 : index
        %swap3A_418 = tpu.vector_load %arg13[%swap3A_416, %swap3A_417] {strides = array<i32>} : memref<128x64xf32, #tpu.memory_space<vmem>>, vector<1x16xf32>,
        %swap3A_419 = vector.shape_cast %swap3A_418 : vector<1x16xf32> to vector<16xf32>
        %swap3A_420 = vector.shape_cast %mul3A_415 : vector<16xf32> to vector<1x16xf32>
        tpu.vector_store %arg13[%swap3A_416, %swap3A_417], %swap3A_420 {strides = array<i32>} : memref<128x64xf32, #tpu.memory_space<vmem>>, vector<1x16xf32>,
        %get3A_421 = arith.index_cast %add3A_398 : i32 to index
        %get3A_422 = arith.constant 32 : index
        %get3A_423 = tpu.vector_load %arg13[%get3A_421, %get3A_422] {strides = array<i32>} : memref<128x64xf32, #tpu.memory_space<vmem>>, vector<1x16xf32>,
        %get3A_424 = vector.shape_cast %get3A_423 : vector<1x16xf32> to vector<16xf32>
        %mul3A_425 = vector.broadcast %squeeze3A_394 : f32 to vector<16xf32>
        %mul3A_426 = arith.mulf %get3A_424, %mul3A_425 : vector<16xf32>
        %swap3A_427 = arith.index_cast %add3A_398 : i32 to index
        %swap3A_428 = arith.constant 32 : index
        %swap3A_429 = tpu.vector_load %arg13[%swap3A_427, %swap3A_428] {strides = array<i32>} : memref<128x64xf32, #tpu.memory_space<vmem>>, vector<1x16xf32>,
        %swap3A_430 = vector.shape_cast %swap3A_429 : vector<1x16xf32> to vector<16xf32>
        %swap3A_431 = vector.shape_cast %mul3A_426 : vector<16xf32> to vector<1x16xf32>
        tpu.vector_store %arg13[%swap3A_427, %swap3A_428], %swap3A_431 {strides = array<i32>} : memref<128x64xf32, #tpu.memory_space<vmem>>, vector<1x16xf32>,
        %get3A_432 = arith.index_cast %add3A_398 : i32 to index
        %get3A_433 = arith.constant 48 : index
        %get3A_434 = tpu.vector_load %arg13[%get3A_432, %get3A_433] {strides = array<i32>} : memref<128x64xf32, #tpu.memory_space<vmem>>, vector<1x16xf32>,
        %get3A_435 = vector.shape_cast %get3A_434 : vector<1x16xf32> to vector<16xf32>
        %mul3A_436 = vector.broadcast %squeeze3A_394 : f32 to vector<16xf32>
        %mul3A_437 = arith.mulf %get3A_435, %mul3A_436 : vector<16xf32>
        %swap3A_438 = arith.index_cast %add3A_398 : i32 to index
        %swap3A_439 = arith.constant 48 : index
        %swap3A_440 = tpu.vector_load %arg13[%swap3A_438, %swap3A_439] {strides = array<i32>} : memref<128x64xf32, #tpu.memory_space<vmem>>, vector<1x16xf32>,
        %swap3A_441 = vector.shape_cast %swap3A_440 : vector<1x16xf32> to vector<16xf32>
        %swap3A_442 = vector.shape_cast %mul3A_437 : vector<16xf32> to vector<1x16xf32>
        tpu.vector_store %arg13[%swap3A_438, %swap3A_439], %swap3A_442 {strides = array<i32>} : memref<128x64xf32, #tpu.memory_space<vmem>>, vector<1x16xf32>,
        %slice3A_443 = vector.extract_strided_slice %get3A_94 {offsets = [7], sizes = [1], strides = [1]} : vector<16xf32> to vector<1xf32>
        %squeeze3A_444 = vector.extract %slice3A_443[0] : f32 from vector<1xf32>
        %mul3A_445 = arith.constant 16 : i32
        %mul3A_446 = arith.muli %scan3A_88, %mul3A_445 : i32
        %add3A_447 = arith.constant 7 : i32
        %add3A_448 = arith.addi %mul3A_446, %add3A_447 : i32
        %get3A_449 = arith.index_cast %add3A_448 : i32 to index
        %get3A_450 = arith.constant 0 : index
        %get3A_451 = tpu.vector_load %arg13[%get3A_449, %get3A_450] {strides = array<i32>} : memref<128x64xf32, #tpu.memory_space<vmem>>, vector<1x16xf32>,
        %get3A_452 = vector.shape_cast %get3A_451 : vector<1x16xf32> to vector<16xf32>
        %mul3A_453 = vector.broadcast %squeeze3A_444 : f32 to vector<16xf32>
        %mul3A_454 = arith.mulf %get3A_452, %mul3A_453 : vector<16xf32>
        %swap3A_455 = arith.index_cast %add3A_448 : i32 to index
        %swap3A_456 = arith.constant 0 : index
        %swap3A_457 = tpu.vector_load %arg13[%swap3A_455, %swap3A_456] {strides = array<i32>} : memref<128x64xf32, #tpu.memory_space<vmem>>, vector<1x16xf32>,
        %swap3A_458 = vector.shape_cast %swap3A_457 : vector<1x16xf32> to vector<16xf32>
        %swap3A_459 = vector.shape_cast %mul3A_454 : vector<16xf32> to vector<1x16xf32>
        tpu.vector_store %arg13[%swap3A_455, %swap3A_456], %swap3A_459 {strides = array<i32>} : memref<128x64xf32, #tpu.memory_space<vmem>>, vector<1x16xf32>,
        %get3A_460 = arith.index_cast %add3A_448 : i32 to index
        %get3A_461 = arith.constant 16 : index
        %get3A_462 = tpu.vector_load %arg13[%get3A_460, %get3A_461] {strides = array<i32>} : memref<128x64xf32, #tpu.memory_space<vmem>>, vector<1x16xf32>,
        %get3A_463 = vector.shape_cast %get3A_462 : vector<1x16xf32> to vector<16xf32>
        %mul3A_464 = vector.broadcast %squeeze3A_444 : f32 to vector<16xf32>
        %mul3A_465 = arith.mulf %get3A_463, %mul3A_464 : vector<16xf32>
        %swap3A_466 = arith.index_cast %add3A_448 : i32 to index
        %swap3A_467 = arith.constant 16 : index
        %swap3A_468 = tpu.vector_load %arg13[%swap3A_466, %swap3A_467] {strides = array<i32>} : memref<128x64xf32, #tpu.memory_space<vmem>>, vector<1x16xf32>,
        %swap3A_469 = vector.shape_cast %swap3A_468 : vector<1x16xf32> to vector<16xf32>
        %swap3A_470 = vector.shape_cast %mul3A_465 : vector<16xf32> to vector<1x16xf32>
        tpu.vector_store %arg13[%swap3A_466, %swap3A_467], %swap3A_470 {strides = array<i32>} : memref<128x64xf32, #tpu.memory_space<vmem>>, vector<1x16xf32>,
        %get3A_471 = arith.index_cast %add3A_448 : i32 to index
        %get3A_472 = arith.constant 32 : index
        %get3A_473 = tpu.vector_load %arg13[%get3A_471, %get3A_472] {strides = array<i32>} : memref<128x64xf32, #tpu.memory_space<vmem>>, vector<1x16xf32>,
        %get3A_474 = vector.shape_cast %get3A_473 : vector<1x16xf32> to vector<16xf32>
        %mul3A_475 = vector.broadcast %squeeze3A_444 : f32 to vector<16xf32>
        %mul3A_476 = arith.mulf %get3A_474, %mul3A_475 : vector<16xf32>
        %swap3A_477 = arith.index_cast %add3A_448 : i32 to index
        %swap3A_478 = arith.constant 32 : index
        %swap3A_479 = tpu.vector_load %arg13[%swap3A_477, %swap3A_478] {strides = array<i32>} : memref<128x64xf32, #tpu.memory_space<vmem>>, vector<1x16xf32>,
        %swap3A_480 = vector.shape_cast %swap3A_479 : vector<1x16xf32> to vector<16xf32>
        %swap3A_481 = vector.shape_cast %mul3A_476 : vector<16xf32> to vector<1x16xf32>
        tpu.vector_store %arg13[%swap3A_477, %swap3A_478], %swap3A_481 {strides = array<i32>} : memref<128x64xf32, #tpu.memory_space<vmem>>, vector<1x16xf32>,
        %get3A_482 = arith.index_cast %add3A_448 : i32 to index
        %get3A_483 = arith.constant 48 : index
        %get3A_484 = tpu.vector_load %arg13[%get3A_482, %get3A_483] {strides = array<i32>} : memref<128x64xf32, #tpu.memory_space<vmem>>, vector<1x16xf32>,
        %get3A_485 = vector.shape_cast %get3A_484 : vector<1x16xf32> to vector<16xf32>
        %mul3A_486 = vector.broadcast %squeeze3A_444 : f32 to vector<16xf32>
        %mul3A_487 = arith.mulf %get3A_485, %mul3A_486 : vector<16xf32>
        %swap3A_488 = arith.index_cast %add3A_448 : i32 to index
        %swap3A_489 = arith.constant 48 : index
        %swap3A_490 = tpu.vector_load %arg13[%swap3A_488, %swap3A_489] {strides = array<i32>} : memref<128x64xf32, #tpu.memory_space<vmem>>, vector<1x16xf32>,
        %swap3A_491 = vector.shape_cast %swap3A_490 : vector<1x16xf32> to vector<16xf32>
        %swap3A_492 = vector.shape_cast %mul3A_487 : vector<16xf32> to vector<1x16xf32>
        tpu.vector_store %arg13[%swap3A_488, %swap3A_489], %swap3A_492 {strides = array<i32>} : memref<128x64xf32, #tpu.memory_space<vmem>>, vector<1x16xf32>,
        %slice3A_493 = vector.extract_strided_slice %get3A_94 {offsets = [8], sizes = [1], strides = [1]} : vector<16xf32> to vector<1xf32>
        %squeeze3A_494 = vector.extract %slice3A_493[0] : f32 from vector<1xf32>
        %mul3A_495 = arith.constant 16 : i32
        %mul3A_496 = arith.muli %scan3A_88, %mul3A_495 : i32
        %add3A_497 = arith.constant 8 : i32
        %add3A_498 = arith.addi %mul3A_496, %add3A_497 : i32
        %get3A_499 = arith.index_cast %add3A_498 : i32 to index
        %get3A_500 = arith.constant 0 : index
        %get3A_501 = tpu.vector_load %arg13[%get3A_499, %get3A_500] {strides = array<i32>} : memref<128x64xf32, #tpu.memory_space<vmem>>, vector<1x16xf32>,
        %get3A_502 = vector.shape_cast %get3A_501 : vector<1x16xf32> to vector<16xf32>
        %mul3A_503 = vector.broadcast %squeeze3A_494 : f32 to vector<16xf32>
        %mul3A_504 = arith.mulf %get3A_502, %mul3A_503 : vector<16xf32>
        %swap3A_505 = arith.index_cast %add3A_498 : i32 to index
        %swap3A_506 = arith.constant 0 : index
        %swap3A_507 = tpu.vector_load %arg13[%swap3A_505, %swap3A_506] {strides = array<i32>} : memref<128x64xf32, #tpu.memory_space<vmem>>, vector<1x16xf32>,
        %swap3A_508 = vector.shape_cast %swap3A_507 : vector<1x16xf32> to vector<16xf32>
        %swap3A_509 = vector.shape_cast %mul3A_504 : vector<16xf32> to vector<1x16xf32>
        tpu.vector_store %arg13[%swap3A_505, %swap3A_506], %swap3A_509 {strides = array<i32>} : memref<128x64xf32, #tpu.memory_space<vmem>>, vector<1x16xf32>,
        %get3A_510 = arith.index_cast %add3A_498 : i32 to index
        %get3A_511 = arith.constant 16 : index
        %get3A_512 = tpu.vector_load %arg13[%get3A_510, %get3A_511] {strides = array<i32>} : memref<128x64xf32, #tpu.memory_space<vmem>>, vector<1x16xf32>,
        %get3A_513 = vector.shape_cast %get3A_512 : vector<1x16xf32> to vector<16xf32>
        %mul3A_514 = vector.broadcast %squeeze3A_494 : f32 to vector<16xf32>
        %mul3A_515 = arith.mulf %get3A_513, %mul3A_514 : vector<16xf32>
        %swap3A_516 = arith.index_cast %add3A_498 : i32 to index
        %swap3A_517 = arith.constant 16 : index
        %swap3A_518 = tpu.vector_load %arg13[%swap3A_516, %swap3A_517] {strides = array<i32>} : memref<128x64xf32, #tpu.memory_space<vmem>>, vector<1x16xf32>,
        %swap3A_519 = vector.shape_cast %swap3A_518 : vector<1x16xf32> to vector<16xf32>
        %swap3A_520 = vector.shape_cast %mul3A_515 : vector<16xf32> to vector<1x16xf32>
        tpu.vector_store %arg13[%swap3A_516, %swap3A_517], %swap3A_520 {strides = array<i32>} : memref<128x64xf32, #tpu.memory_space<vmem>>, vector<1x16xf32>,
        %get3A_521 = arith.index_cast %add3A_498 : i32 to index
        %get3A_522 = arith.constant 32 : index
        %get3A_523 = tpu.vector_load %arg13[%get3A_521, %get3A_522] {strides = array<i32>} : memref<128x64xf32, #tpu.memory_space<vmem>>, vector<1x16xf32>,
        %get3A_524 = vector.shape_cast %get3A_523 : vector<1x16xf32> to vector<16xf32>
        %mul3A_525 = vector.broadcast %squeeze3A_494 : f32 to vector<16xf32>
        %mul3A_526 = arith.mulf %get3A_524, %mul3A_525 : vector<16xf32>
        %swap3A_527 = arith.index_cast %add3A_498 : i32 to index
        %swap3A_528 = arith.constant 32 : index
        %swap3A_529 = tpu.vector_load %arg13[%swap3A_527, %swap3A_528] {strides = array<i32>} : memref<128x64xf32, #tpu.memory_space<vmem>>, vector<1x16xf32>,
        %swap3A_530 = vector.shape_cast %swap3A_529 : vector<1x16xf32> to vector<16xf32>
        %swap3A_531 = vector.shape_cast %mul3A_526 : vector<16xf32> to vector<1x16xf32>
        tpu.vector_store %arg13[%swap3A_527, %swap3A_528], %swap3A_531 {strides = array<i32>} : memref<128x64xf32, #tpu.memory_space<vmem>>, vector<1x16xf32>,
        %get3A_532 = arith.index_cast %add3A_498 : i32 to index
        %get3A_533 = arith.constant 48 : index
        %get3A_534 = tpu.vector_load %arg13[%get3A_532, %get3A_533] {strides = array<i32>} : memref<128x64xf32, #tpu.memory_space<vmem>>, vector<1x16xf32>,
        %get3A_535 = vector.shape_cast %get3A_534 : vector<1x16xf32> to vector<16xf32>
        %mul3A_536 = vector.broadcast %squeeze3A_494 : f32 to vector<16xf32>
        %mul3A_537 = arith.mulf %get3A_535, %mul3A_536 : vector<16xf32>
        %swap3A_538 = arith.index_cast %add3A_498 : i32 to index
        %swap3A_539 = arith.constant 48 : index
        %swap3A_540 = tpu.vector_load %arg13[%swap3A_538, %swap3A_539] {strides = array<i32>} : memref<128x64xf32, #tpu.memory_space<vmem>>, vector<1x16xf32>,
        %swap3A_541 = vector.shape_cast %swap3A_540 : vector<1x16xf32> to vector<16xf32>
        %swap3A_542 = vector.shape_cast %mul3A_537 : vector<16xf32> to vector<1x16xf32>
        tpu.vector_store %arg13[%swap3A_538, %swap3A_539], %swap3A_542 {strides = array<i32>} : memref<128x64xf32, #tpu.memory_space<vmem>>, vector<1x16xf32>,
        %slice3A_543 = vector.extract_strided_slice %get3A_94 {offsets = [9], sizes = [1], strides = [1]} : vector<16xf32> to vector<1xf32>
        %squeeze3A_544 = vector.extract %slice3A_543[0] : f32 from vector<1xf32>
        %mul3A_545 = arith.constant 16 : i32
        %mul3A_546 = arith.muli %scan3A_88, %mul3A_545 : i32
        %add3A_547 = arith.constant 9 : i32
        %add3A_548 = arith.addi %mul3A_546, %add3A_547 : i32
        %get3A_549 = arith.index_cast %add3A_548 : i32 to index
        %get3A_550 = arith.constant 0 : index
        %get3A_551 = tpu.vector_load %arg13[%get3A_549, %get3A_550] {strides = array<i32>} : memref<128x64xf32, #tpu.memory_space<vmem>>, vector<1x16xf32>,
        %get3A_552 = vector.shape_cast %get3A_551 : vector<1x16xf32> to vector<16xf32>
        %mul3A_553 = vector.broadcast %squeeze3A_544 : f32 to vector<16xf32>
        %mul3A_554 = arith.mulf %get3A_552, %mul3A_553 : vector<16xf32>
        %swap3A_555 = arith.index_cast %add3A_548 : i32 to index
        %swap3A_556 = arith.constant 0 : index
        %swap3A_557 = tpu.vector_load %arg13[%swap3A_555, %swap3A_556] {strides = array<i32>} : memref<128x64xf32, #tpu.memory_space<vmem>>, vector<1x16xf32>,
        %swap3A_558 = vector.shape_cast %swap3A_557 : vector<1x16xf32> to vector<16xf32>
        %swap3A_559 = vector.shape_cast %mul3A_554 : vector<16xf32> to vector<1x16xf32>
        tpu.vector_store %arg13[%swap3A_555, %swap3A_556], %swap3A_559 {strides = array<i32>} : memref<128x64xf32, #tpu.memory_space<vmem>>, vector<1x16xf32>,
        %get3A_560 = arith.index_cast %add3A_548 : i32 to index
        %get3A_561 = arith.constant 16 : index
        %get3A_562 = tpu.vector_load %arg13[%get3A_560, %get3A_561] {strides = array<i32>} : memref<128x64xf32, #tpu.memory_space<vmem>>, vector<1x16xf32>,
        %get3A_563 = vector.shape_cast %get3A_562 : vector<1x16xf32> to vector<16xf32>
        %mul3A_564 = vector.broadcast %squeeze3A_544 : f32 to vector<16xf32>
        %mul3A_565 = arith.mulf %get3A_563, %mul3A_564 : vector<16xf32>
        %swap3A_566 = arith.index_cast %add3A_548 : i32 to index
        %swap3A_567 = arith.constant 16 : index
        %swap3A_568 = tpu.vector_load %arg13[%swap3A_566, %swap3A_567] {strides = array<i32>} : memref<128x64xf32, #tpu.memory_space<vmem>>, vector<1x16xf32>,
        %swap3A_569 = vector.shape_cast %swap3A_568 : vector<1x16xf32> to vector<16xf32>
        %swap3A_570 = vector.shape_cast %mul3A_565 : vector<16xf32> to vector<1x16xf32>
        tpu.vector_store %arg13[%swap3A_566, %swap3A_567], %swap3A_570 {strides = array<i32>} : memref<128x64xf32, #tpu.memory_space<vmem>>, vector<1x16xf32>,
        %get3A_571 = arith.index_cast %add3A_548 : i32 to index
        %get3A_572 = arith.constant 32 : index
        %get3A_573 = tpu.vector_load %arg13[%get3A_571, %get3A_572] {strides = array<i32>} : memref<128x64xf32, #tpu.memory_space<vmem>>, vector<1x16xf32>,
        %get3A_574 = vector.shape_cast %get3A_573 : vector<1x16xf32> to vector<16xf32>
        %mul3A_575 = vector.broadcast %squeeze3A_544 : f32 to vector<16xf32>
        %mul3A_576 = arith.mulf %get3A_574, %mul3A_575 : vector<16xf32>
        %swap3A_577 = arith.index_cast %add3A_548 : i32 to index
        %swap3A_578 = arith.constant 32 : index
        %swap3A_579 = tpu.vector_load %arg13[%swap3A_577, %swap3A_578] {strides = array<i32>} : memref<128x64xf32, #tpu.memory_space<vmem>>, vector<1x16xf32>,
        %swap3A_580 = vector.shape_cast %swap3A_579 : vector<1x16xf32> to vector<16xf32>
        %swap3A_581 = vector.shape_cast %mul3A_576 : vector<16xf32> to vector<1x16xf32>
        tpu.vector_store %arg13[%swap3A_577, %swap3A_578], %swap3A_581 {strides = array<i32>} : memref<128x64xf32, #tpu.memory_space<vmem>>, vector<1x16xf32>,
        %get3A_582 = arith.index_cast %add3A_548 : i32 to index
        %get3A_583 = arith.constant 48 : index
        %get3A_584 = tpu.vector_load %arg13[%get3A_582, %get3A_583] {strides = array<i32>} : memref<128x64xf32, #tpu.memory_space<vmem>>, vector<1x16xf32>,
        %get3A_585 = vector.shape_cast %get3A_584 : vector<1x16xf32> to vector<16xf32>
        %mul3A_586 = vector.broadcast %squeeze3A_544 : f32 to vector<16xf32>
        %mul3A_587 = arith.mulf %get3A_585, %mul3A_586 : vector<16xf32>
        %swap3A_588 = arith.index_cast %add3A_548 : i32 to index
        %swap3A_589 = arith.constant 48 : index
        %swap3A_590 = tpu.vector_load %arg13[%swap3A_588, %swap3A_589] {strides = array<i32>} : memref<128x64xf32, #tpu.memory_space<vmem>>, vector<1x16xf32>,
        %swap3A_591 = vector.shape_cast %swap3A_590 : vector<1x16xf32> to vector<16xf32>
        %swap3A_592 = vector.shape_cast %mul3A_587 : vector<16xf32> to vector<1x16xf32>
        tpu.vector_store %arg13[%swap3A_588, %swap3A_589], %swap3A_592 {strides = array<i32>} : memref<128x64xf32, #tpu.memory_space<vmem>>, vector<1x16xf32>,
        %slice3A_593 = vector.extract_strided_slice %get3A_94 {offsets = [10], sizes = [1], strides = [1]} : vector<16xf32> to vector<1xf32>
        %squeeze3A_594 = vector.extract %slice3A_593[0] : f32 from vector<1xf32>
        %mul3A_595 = arith.constant 16 : i32
        %mul3A_596 = arith.muli %scan3A_88, %mul3A_595 : i32
        %add3A_597 = arith.constant 10 : i32
        %add3A_598 = arith.addi %mul3A_596, %add3A_597 : i32
        %get3A_599 = arith.index_cast %add3A_598 : i32 to index
        %get3A_600 = arith.constant 0 : index
        %get3A_601 = tpu.vector_load %arg13[%get3A_599, %get3A_600] {strides = array<i32>} : memref<128x64xf32, #tpu.memory_space<vmem>>, vector<1x16xf32>,
        %get3A_602 = vector.shape_cast %get3A_601 : vector<1x16xf32> to vector<16xf32>
        %mul3A_603 = vector.broadcast %squeeze3A_594 : f32 to vector<16xf32>
        %mul3A_604 = arith.mulf %get3A_602, %mul3A_603 : vector<16xf32>
        %swap3A_605 = arith.index_cast %add3A_598 : i32 to index
        %swap3A_606 = arith.constant 0 : index
        %swap3A_607 = tpu.vector_load %arg13[%swap3A_605, %swap3A_606] {strides = array<i32>} : memref<128x64xf32, #tpu.memory_space<vmem>>, vector<1x16xf32>,
        %swap3A_608 = vector.shape_cast %swap3A_607 : vector<1x16xf32> to vector<16xf32>
        %swap3A_609 = vector.shape_cast %mul3A_604 : vector<16xf32> to vector<1x16xf32>
        tpu.vector_store %arg13[%swap3A_605, %swap3A_606], %swap3A_609 {strides = array<i32>} : memref<128x64xf32, #tpu.memory_space<vmem>>, vector<1x16xf32>,
        %get3A_610 = arith.index_cast %add3A_598 : i32 to index
        %get3A_611 = arith.constant 16 : index
        %get3A_612 = tpu.vector_load %arg13[%get3A_610, %get3A_611] {strides = array<i32>} : memref<128x64xf32, #tpu.memory_space<vmem>>, vector<1x16xf32>,
        %get3A_613 = vector.shape_cast %get3A_612 : vector<1x16xf32> to vector<16xf32>
        %mul3A_614 = vector.broadcast %squeeze3A_594 : f32 to vector<16xf32>
        %mul3A_615 = arith.mulf %get3A_613, %mul3A_614 : vector<16xf32>
        %swap3A_616 = arith.index_cast %add3A_598 : i32 to index
        %swap3A_617 = arith.constant 16 : index
        %swap3A_618 = tpu.vector_load %arg13[%swap3A_616, %swap3A_617] {strides = array<i32>} : memref<128x64xf32, #tpu.memory_space<vmem>>, vector<1x16xf32>,
        %swap3A_619 = vector.shape_cast %swap3A_618 : vector<1x16xf32> to vector<16xf32>
        %swap3A_620 = vector.shape_cast %mul3A_615 : vector<16xf32> to vector<1x16xf32>
        tpu.vector_store %arg13[%swap3A_616, %swap3A_617], %swap3A_620 {strides = array<i32>} : memref<128x64xf32, #tpu.memory_space<vmem>>, vector<1x16xf32>,
        %get3A_621 = arith.index_cast %add3A_598 : i32 to index
        %get3A_622 = arith.constant 32 : index
        %get3A_623 = tpu.vector_load %arg13[%get3A_621, %get3A_622] {strides = array<i32>} : memref<128x64xf32, #tpu.memory_space<vmem>>, vector<1x16xf32>,
        %get3A_624 = vector.shape_cast %get3A_623 : vector<1x16xf32> to vector<16xf32>
        %mul3A_625 = vector.broadcast %squeeze3A_594 : f32 to vector<16xf32>
        %mul3A_626 = arith.mulf %get3A_624, %mul3A_625 : vector<16xf32>
        %swap3A_627 = arith.index_cast %add3A_598 : i32 to index
        %swap3A_628 = arith.constant 32 : index
        %swap3A_629 = tpu.vector_load %arg13[%swap3A_627, %swap3A_628] {strides = array<i32>} : memref<128x64xf32, #tpu.memory_space<vmem>>, vector<1x16xf32>,
        %swap3A_630 = vector.shape_cast %swap3A_629 : vector<1x16xf32> to vector<16xf32>
        %swap3A_631 = vector.shape_cast %mul3A_626 : vector<16xf32> to vector<1x16xf32>
        tpu.vector_store %arg13[%swap3A_627, %swap3A_628], %swap3A_631 {strides = array<i32>} : memref<128x64xf32, #tpu.memory_space<vmem>>, vector<1x16xf32>,
        %get3A_632 = arith.index_cast %add3A_598 : i32 to index
        %get3A_633 = arith.constant 48 : index
        %get3A_634 = tpu.vector_load %arg13[%get3A_632, %get3A_633] {strides = array<i32>} : memref<128x64xf32, #tpu.memory_space<vmem>>, vector<1x16xf32>,
        %get3A_635 = vector.shape_cast %get3A_634 : vector<1x16xf32> to vector<16xf32>
        %mul3A_636 = vector.broadcast %squeeze3A_594 : f32 to vector<16xf32>
        %mul3A_637 = arith.mulf %get3A_635, %mul3A_636 : vector<16xf32>
        %swap3A_638 = arith.index_cast %add3A_598 : i32 to index
        %swap3A_639 = arith.constant 48 : index
        %swap3A_640 = tpu.vector_load %arg13[%swap3A_638, %swap3A_639] {strides = array<i32>} : memref<128x64xf32, #tpu.memory_space<vmem>>, vector<1x16xf32>,
        %swap3A_641 = vector.shape_cast %swap3A_640 : vector<1x16xf32> to vector<16xf32>
        %swap3A_642 = vector.shape_cast %mul3A_637 : vector<16xf32> to vector<1x16xf32>
        tpu.vector_store %arg13[%swap3A_638, %swap3A_639], %swap3A_642 {strides = array<i32>} : memref<128x64xf32, #tpu.memory_space<vmem>>, vector<1x16xf32>,
        %slice3A_643 = vector.extract_strided_slice %get3A_94 {offsets = [11], sizes = [1], strides = [1]} : vector<16xf32> to vector<1xf32>
        %squeeze3A_644 = vector.extract %slice3A_643[0] : f32 from vector<1xf32>
        %mul3A_645 = arith.constant 16 : i32
        %mul3A_646 = arith.muli %scan3A_88, %mul3A_645 : i32
        %add3A_647 = arith.constant 11 : i32
        %add3A_648 = arith.addi %mul3A_646, %add3A_647 : i32
        %get3A_649 = arith.index_cast %add3A_648 : i32 to index
        %get3A_650 = arith.constant 0 : index
        %get3A_651 = tpu.vector_load %arg13[%get3A_649, %get3A_650] {strides = array<i32>} : memref<128x64xf32, #tpu.memory_space<vmem>>, vector<1x16xf32>,
        %get3A_652 = vector.shape_cast %get3A_651 : vector<1x16xf32> to vector<16xf32>
        %mul3A_653 = vector.broadcast %squeeze3A_644 : f32 to vector<16xf32>
        %mul3A_654 = arith.mulf %get3A_652, %mul3A_653 : vector<16xf32>
        %swap3A_655 = arith.index_cast %add3A_648 : i32 to index
        %swap3A_656 = arith.constant 0 : index
        %swap3A_657 = tpu.vector_load %arg13[%swap3A_655, %swap3A_656] {strides = array<i32>} : memref<128x64xf32, #tpu.memory_space<vmem>>, vector<1x16xf32>,
        %swap3A_658 = vector.shape_cast %swap3A_657 : vector<1x16xf32> to vector<16xf32>
        %swap3A_659 = vector.shape_cast %mul3A_654 : vector<16xf32> to vector<1x16xf32>
        tpu.vector_store %arg13[%swap3A_655, %swap3A_656], %swap3A_659 {strides = array<i32>} : memref<128x64xf32, #tpu.memory_space<vmem>>, vector<1x16xf32>,
        %get3A_660 = arith.index_cast %add3A_648 : i32 to index
        %get3A_661 = arith.constant 16 : index
        %get3A_662 = tpu.vector_load %arg13[%get3A_660, %get3A_661] {strides = array<i32>} : memref<128x64xf32, #tpu.memory_space<vmem>>, vector<1x16xf32>,
        %get3A_663 = vector.shape_cast %get3A_662 : vector<1x16xf32> to vector<16xf32>
        %mul3A_664 = vector.broadcast %squeeze3A_644 : f32 to vector<16xf32>
        %mul3A_665 = arith.mulf %get3A_663, %mul3A_664 : vector<16xf32>
        %swap3A_666 = arith.index_cast %add3A_648 : i32 to index
        %swap3A_667 = arith.constant 16 : index
        %swap3A_668 = tpu.vector_load %arg13[%swap3A_666, %swap3A_667] {strides = array<i32>} : memref<128x64xf32, #tpu.memory_space<vmem>>, vector<1x16xf32>,
        %swap3A_669 = vector.shape_cast %swap3A_668 : vector<1x16xf32> to vector<16xf32>
        %swap3A_670 = vector.shape_cast %mul3A_665 : vector<16xf32> to vector<1x16xf32>
        tpu.vector_store %arg13[%swap3A_666, %swap3A_667], %swap3A_670 {strides = array<i32>} : memref<128x64xf32, #tpu.memory_space<vmem>>, vector<1x16xf32>,
        %get3A_671 = arith.index_cast %add3A_648 : i32 to index
        %get3A_672 = arith.constant 32 : index
        %get3A_673 = tpu.vector_load %arg13[%get3A_671, %get3A_672] {strides = array<i32>} : memref<128x64xf32, #tpu.memory_space<vmem>>, vector<1x16xf32>,
        %get3A_674 = vector.shape_cast %get3A_673 : vector<1x16xf32> to vector<16xf32>
        %mul3A_675 = vector.broadcast %squeeze3A_644 : f32 to vector<16xf32>
        %mul3A_676 = arith.mulf %get3A_674, %mul3A_675 : vector<16xf32>
        %swap3A_677 = arith.index_cast %add3A_648 : i32 to index
        %swap3A_678 = arith.constant 32 : index
        %swap3A_679 = tpu.vector_load %arg13[%swap3A_677, %swap3A_678] {strides = array<i32>} : memref<128x64xf32, #tpu.memory_space<vmem>>, vector<1x16xf32>,
        %swap3A_680 = vector.shape_cast %swap3A_679 : vector<1x16xf32> to vector<16xf32>
        %swap3A_681 = vector.shape_cast %mul3A_676 : vector<16xf32> to vector<1x16xf32>
        tpu.vector_store %arg13[%swap3A_677, %swap3A_678], %swap3A_681 {strides = array<i32>} : memref<128x64xf32, #tpu.memory_space<vmem>>, vector<1x16xf32>,
        %get3A_682 = arith.index_cast %add3A_648 : i32 to index
        %get3A_683 = arith.constant 48 : index
        %get3A_684 = tpu.vector_load %arg13[%get3A_682, %get3A_683] {strides = array<i32>} : memref<128x64xf32, #tpu.memory_space<vmem>>, vector<1x16xf32>,
        %get3A_685 = vector.shape_cast %get3A_684 : vector<1x16xf32> to vector<16xf32>
        %mul3A_686 = vector.broadcast %squeeze3A_644 : f32 to vector<16xf32>
        %mul3A_687 = arith.mulf %get3A_685, %mul3A_686 : vector<16xf32>
        %swap3A_688 = arith.index_cast %add3A_648 : i32 to index
        %swap3A_689 = arith.constant 48 : index
        %swap3A_690 = tpu.vector_load %arg13[%swap3A_688, %swap3A_689] {strides = array<i32>} : memref<128x64xf32, #tpu.memory_space<vmem>>, vector<1x16xf32>,
        %swap3A_691 = vector.shape_cast %swap3A_690 : vector<1x16xf32> to vector<16xf32>
        %swap3A_692 = vector.shape_cast %mul3A_687 : vector<16xf32> to vector<1x16xf32>
        tpu.vector_store %arg13[%swap3A_688, %swap3A_689], %swap3A_692 {strides = array<i32>} : memref<128x64xf32, #tpu.memory_space<vmem>>, vector<1x16xf32>,
        %slice3A_693 = vector.extract_strided_slice %get3A_94 {offsets = [12], sizes = [1], strides = [1]} : vector<16xf32> to vector<1xf32>
        %squeeze3A_694 = vector.extract %slice3A_693[0] : f32 from vector<1xf32>
        %mul3A_695 = arith.constant 16 : i32
        %mul3A_696 = arith.muli %scan3A_88, %mul3A_695 : i32
        %add3A_697 = arith.constant 12 : i32
        %add3A_698 = arith.addi %mul3A_696, %add3A_697 : i32
        %get3A_699 = arith.index_cast %add3A_698 : i32 to index
        %get3A_700 = arith.constant 0 : index
        %get3A_701 = tpu.vector_load %arg13[%get3A_699, %get3A_700] {strides = array<i32>} : memref<128x64xf32, #tpu.memory_space<vmem>>, vector<1x16xf32>,
        %get3A_702 = vector.shape_cast %get3A_701 : vector<1x16xf32> to vector<16xf32>
        %mul3A_703 = vector.broadcast %squeeze3A_694 : f32 to vector<16xf32>
        %mul3A_704 = arith.mulf %get3A_702, %mul3A_703 : vector<16xf32>
        %swap3A_705 = arith.index_cast %add3A_698 : i32 to index
        %swap3A_706 = arith.constant 0 : index
        %swap3A_707 = tpu.vector_load %arg13[%swap3A_705, %swap3A_706] {strides = array<i32>} : memref<128x64xf32, #tpu.memory_space<vmem>>, vector<1x16xf32>,
        %swap3A_708 = vector.shape_cast %swap3A_707 : vector<1x16xf32> to vector<16xf32>
        %swap3A_709 = vector.shape_cast %mul3A_704 : vector<16xf32> to vector<1x16xf32>
        tpu.vector_store %arg13[%swap3A_705, %swap3A_706], %swap3A_709 {strides = array<i32>} : memref<128x64xf32, #tpu.memory_space<vmem>>, vector<1x16xf32>,
        %get3A_710 = arith.index_cast %add3A_698 : i32 to index
        %get3A_711 = arith.constant 16 : index
        %get3A_712 = tpu.vector_load %arg13[%get3A_710, %get3A_711] {strides = array<i32>} : memref<128x64xf32, #tpu.memory_space<vmem>>, vector<1x16xf32>,
        %get3A_713 = vector.shape_cast %get3A_712 : vector<1x16xf32> to vector<16xf32>
        %mul3A_714 = vector.broadcast %squeeze3A_694 : f32 to vector<16xf32>
        %mul3A_715 = arith.mulf %get3A_713, %mul3A_714 : vector<16xf32>
        %swap3A_716 = arith.index_cast %add3A_698 : i32 to index
        %swap3A_717 = arith.constant 16 : index
        %swap3A_718 = tpu.vector_load %arg13[%swap3A_716, %swap3A_717] {strides = array<i32>} : memref<128x64xf32, #tpu.memory_space<vmem>>, vector<1x16xf32>,
        %swap3A_719 = vector.shape_cast %swap3A_718 : vector<1x16xf32> to vector<16xf32>
        %swap3A_720 = vector.shape_cast %mul3A_715 : vector<16xf32> to vector<1x16xf32>
        tpu.vector_store %arg13[%swap3A_716, %swap3A_717], %swap3A_720 {strides = array<i32>} : memref<128x64xf32, #tpu.memory_space<vmem>>, vector<1x16xf32>,
        %get3A_721 = arith.index_cast %add3A_698 : i32 to index
        %get3A_722 = arith.constant 32 : index
        %get3A_723 = tpu.vector_load %arg13[%get3A_721, %get3A_722] {strides = array<i32>} : memref<128x64xf32, #tpu.memory_space<vmem>>, vector<1x16xf32>,
        %get3A_724 = vector.shape_cast %get3A_723 : vector<1x16xf32> to vector<16xf32>
        %mul3A_725 = vector.broadcast %squeeze3A_694 : f32 to vector<16xf32>
        %mul3A_726 = arith.mulf %get3A_724, %mul3A_725 : vector<16xf32>
        %swap3A_727 = arith.index_cast %add3A_698 : i32 to index
        %swap3A_728 = arith.constant 32 : index
        %swap3A_729 = tpu.vector_load %arg13[%swap3A_727, %swap3A_728] {strides = array<i32>} : memref<128x64xf32, #tpu.memory_space<vmem>>, vector<1x16xf32>,
        %swap3A_730 = vector.shape_cast %swap3A_729 : vector<1x16xf32> to vector<16xf32>
        %swap3A_731 = vector.shape_cast %mul3A_726 : vector<16xf32> to vector<1x16xf32>
        tpu.vector_store %arg13[%swap3A_727, %swap3A_728], %swap3A_731 {strides = array<i32>} : memref<128x64xf32, #tpu.memory_space<vmem>>, vector<1x16xf32>,
        %get3A_732 = arith.index_cast %add3A_698 : i32 to index
        %get3A_733 = arith.constant 48 : index
        %get3A_734 = tpu.vector_load %arg13[%get3A_732, %get3A_733] {strides = array<i32>} : memref<128x64xf32, #tpu.memory_space<vmem>>, vector<1x16xf32>,
        %get3A_735 = vector.shape_cast %get3A_734 : vector<1x16xf32> to vector<16xf32>
        %mul3A_736 = vector.broadcast %squeeze3A_694 : f32 to vector<16xf32>
        %mul3A_737 = arith.mulf %get3A_735, %mul3A_736 : vector<16xf32>
        %swap3A_738 = arith.index_cast %add3A_698 : i32 to index
        %swap3A_739 = arith.constant 48 : index
        %swap3A_740 = tpu.vector_load %arg13[%swap3A_738, %swap3A_739] {strides = array<i32>} : memref<128x64xf32, #tpu.memory_space<vmem>>, vector<1x16xf32>,
        %swap3A_741 = vector.shape_cast %swap3A_740 : vector<1x16xf32> to vector<16xf32>
        %swap3A_742 = vector.shape_cast %mul3A_737 : vector<16xf32> to vector<1x16xf32>
        tpu.vector_store %arg13[%swap3A_738, %swap3A_739], %swap3A_742 {strides = array<i32>} : memref<128x64xf32, #tpu.memory_space<vmem>>, vector<1x16xf32>,
        %slice3A_743 = vector.extract_strided_slice %get3A_94 {offsets = [13], sizes = [1], strides = [1]} : vector<16xf32> to vector<1xf32>
        %squeeze3A_744 = vector.extract %slice3A_743[0] : f32 from vector<1xf32>
        %mul3A_745 = arith.constant 16 : i32
        %mul3A_746 = arith.muli %scan3A_88, %mul3A_745 : i32
        %add3A_747 = arith.constant 13 : i32
        %add3A_748 = arith.addi %mul3A_746, %add3A_747 : i32
        %get3A_749 = arith.index_cast %add3A_748 : i32 to index
        %get3A_750 = arith.constant 0 : index
        %get3A_751 = tpu.vector_load %arg13[%get3A_749, %get3A_750] {strides = array<i32>} : memref<128x64xf32, #tpu.memory_space<vmem>>, vector<1x16xf32>,
        %get3A_752 = vector.shape_cast %get3A_751 : vector<1x16xf32> to vector<16xf32>
        %mul3A_753 = vector.broadcast %squeeze3A_744 : f32 to vector<16xf32>
        %mul3A_754 = arith.mulf %get3A_752, %mul3A_753 : vector<16xf32>
        %swap3A_755 = arith.index_cast %add3A_748 : i32 to index
        %swap3A_756 = arith.constant 0 : index
        %swap3A_757 = tpu.vector_load %arg13[%swap3A_755, %swap3A_756] {strides = array<i32>} : memref<128x64xf32, #tpu.memory_space<vmem>>, vector<1x16xf32>,
        %swap3A_758 = vector.shape_cast %swap3A_757 : vector<1x16xf32> to vector<16xf32>
        %swap3A_759 = vector.shape_cast %mul3A_754 : vector<16xf32> to vector<1x16xf32>
        tpu.vector_store %arg13[%swap3A_755, %swap3A_756], %swap3A_759 {strides = array<i32>} : memref<128x64xf32, #tpu.memory_space<vmem>>, vector<1x16xf32>,
        %get3A_760 = arith.index_cast %add3A_748 : i32 to index
        %get3A_761 = arith.constant 16 : index
        %get3A_762 = tpu.vector_load %arg13[%get3A_760, %get3A_761] {strides = array<i32>} : memref<128x64xf32, #tpu.memory_space<vmem>>, vector<1x16xf32>,
        %get3A_763 = vector.shape_cast %get3A_762 : vector<1x16xf32> to vector<16xf32>
        %mul3A_764 = vector.broadcast %squeeze3A_744 : f32 to vector<16xf32>
        %mul3A_765 = arith.mulf %get3A_763, %mul3A_764 : vector<16xf32>
        %swap3A_766 = arith.index_cast %add3A_748 : i32 to index
        %swap3A_767 = arith.constant 16 : index
        %swap3A_768 = tpu.vector_load %arg13[%swap3A_766, %swap3A_767] {strides = array<i32>} : memref<128x64xf32, #tpu.memory_space<vmem>>, vector<1x16xf32>,
        %swap3A_769 = vector.shape_cast %swap3A_768 : vector<1x16xf32> to vector<16xf32>
        %swap3A_770 = vector.shape_cast %mul3A_765 : vector<16xf32> to vector<1x16xf32>
        tpu.vector_store %arg13[%swap3A_766, %swap3A_767], %swap3A_770 {strides = array<i32>} : memref<128x64xf32, #tpu.memory_space<vmem>>, vector<1x16xf32>,
        %get3A_771 = arith.index_cast %add3A_748 : i32 to index
        %get3A_772 = arith.constant 32 : index
        %get3A_773 = tpu.vector_load %arg13[%get3A_771, %get3A_772] {strides = array<i32>} : memref<128x64xf32, #tpu.memory_space<vmem>>, vector<1x16xf32>,
        %get3A_774 = vector.shape_cast %get3A_773 : vector<1x16xf32> to vector<16xf32>
        %mul3A_775 = vector.broadcast %squeeze3A_744 : f32 to vector<16xf32>
        %mul3A_776 = arith.mulf %get3A_774, %mul3A_775 : vector<16xf32>
        %swap3A_777 = arith.index_cast %add3A_748 : i32 to index
        %swap3A_778 = arith.constant 32 : index
        %swap3A_779 = tpu.vector_load %arg13[%swap3A_777, %swap3A_778] {strides = array<i32>} : memref<128x64xf32, #tpu.memory_space<vmem>>, vector<1x16xf32>,
        %swap3A_780 = vector.shape_cast %swap3A_779 : vector<1x16xf32> to vector<16xf32>
        %swap3A_781 = vector.shape_cast %mul3A_776 : vector<16xf32> to vector<1x16xf32>
        tpu.vector_store %arg13[%swap3A_777, %swap3A_778], %swap3A_781 {strides = array<i32>} : memref<128x64xf32, #tpu.memory_space<vmem>>, vector<1x16xf32>,
        %get3A_782 = arith.index_cast %add3A_748 : i32 to index
        %get3A_783 = arith.constant 48 : index
        %get3A_784 = tpu.vector_load %arg13[%get3A_782, %get3A_783] {strides = array<i32>} : memref<128x64xf32, #tpu.memory_space<vmem>>, vector<1x16xf32>,
        %get3A_785 = vector.shape_cast %get3A_784 : vector<1x16xf32> to vector<16xf32>
        %mul3A_786 = vector.broadcast %squeeze3A_744 : f32 to vector<16xf32>
        %mul3A_787 = arith.mulf %get3A_785, %mul3A_786 : vector<16xf32>
        %swap3A_788 = arith.index_cast %add3A_748 : i32 to index
        %swap3A_789 = arith.constant 48 : index
        %swap3A_790 = tpu.vector_load %arg13[%swap3A_788, %swap3A_789] {strides = array<i32>} : memref<128x64xf32, #tpu.memory_space<vmem>>, vector<1x16xf32>,
        %swap3A_791 = vector.shape_cast %swap3A_790 : vector<1x16xf32> to vector<16xf32>
        %swap3A_792 = vector.shape_cast %mul3A_787 : vector<16xf32> to vector<1x16xf32>
        tpu.vector_store %arg13[%swap3A_788, %swap3A_789], %swap3A_792 {strides = array<i32>} : memref<128x64xf32, #tpu.memory_space<vmem>>, vector<1x16xf32>,
        %slice3A_793 = vector.extract_strided_slice %get3A_94 {offsets = [14], sizes = [1], strides = [1]} : vector<16xf32> to vector<1xf32>
        %squeeze3A_794 = vector.extract %slice3A_793[0] : f32 from vector<1xf32>
        %mul3A_795 = arith.constant 16 : i32
        %mul3A_796 = arith.muli %scan3A_88, %mul3A_795 : i32
        %add3A_797 = arith.constant 14 : i32
        %add3A_798 = arith.addi %mul3A_796, %add3A_797 : i32
        %get3A_799 = arith.index_cast %add3A_798 : i32 to index
        %get3A_800 = arith.constant 0 : index
        %get3A_801 = tpu.vector_load %arg13[%get3A_799, %get3A_800] {strides = array<i32>} : memref<128x64xf32, #tpu.memory_space<vmem>>, vector<1x16xf32>,
        %get3A_802 = vector.shape_cast %get3A_801 : vector<1x16xf32> to vector<16xf32>
        %mul3A_803 = vector.broadcast %squeeze3A_794 : f32 to vector<16xf32>
        %mul3A_804 = arith.mulf %get3A_802, %mul3A_803 : vector<16xf32>
        %swap3A_805 = arith.index_cast %add3A_798 : i32 to index
        %swap3A_806 = arith.constant 0 : index
        %swap3A_807 = tpu.vector_load %arg13[%swap3A_805, %swap3A_806] {strides = array<i32>} : memref<128x64xf32, #tpu.memory_space<vmem>>, vector<1x16xf32>,
        %swap3A_808 = vector.shape_cast %swap3A_807 : vector<1x16xf32> to vector<16xf32>
        %swap3A_809 = vector.shape_cast %mul3A_804 : vector<16xf32> to vector<1x16xf32>
        tpu.vector_store %arg13[%swap3A_805, %swap3A_806], %swap3A_809 {strides = array<i32>} : memref<128x64xf32, #tpu.memory_space<vmem>>, vector<1x16xf32>,
        %get3A_810 = arith.index_cast %add3A_798 : i32 to index
        %get3A_811 = arith.constant 16 : index
        %get3A_812 = tpu.vector_load %arg13[%get3A_810, %get3A_811] {strides = array<i32>} : memref<128x64xf32, #tpu.memory_space<vmem>>, vector<1x16xf32>,
        %get3A_813 = vector.shape_cast %get3A_812 : vector<1x16xf32> to vector<16xf32>
        %mul3A_814 = vector.broadcast %squeeze3A_794 : f32 to vector<16xf32>
        %mul3A_815 = arith.mulf %get3A_813, %mul3A_814 : vector<16xf32>
        %swap3A_816 = arith.index_cast %add3A_798 : i32 to index
        %swap3A_817 = arith.constant 16 : index
        %swap3A_818 = tpu.vector_load %arg13[%swap3A_816, %swap3A_817] {strides = array<i32>} : memref<128x64xf32, #tpu.memory_space<vmem>>, vector<1x16xf32>,
        %swap3A_819 = vector.shape_cast %swap3A_818 : vector<1x16xf32> to vector<16xf32>
        %swap3A_820 = vector.shape_cast %mul3A_815 : vector<16xf32> to vector<1x16xf32>
        tpu.vector_store %arg13[%swap3A_816, %swap3A_817], %swap3A_820 {strides = array<i32>} : memref<128x64xf32, #tpu.memory_space<vmem>>, vector<1x16xf32>,
        %get3A_821 = arith.index_cast %add3A_798 : i32 to index
        %get3A_822 = arith.constant 32 : index
        %get3A_823 = tpu.vector_load %arg13[%get3A_821, %get3A_822] {strides = array<i32>} : memref<128x64xf32, #tpu.memory_space<vmem>>, vector<1x16xf32>,
        %get3A_824 = vector.shape_cast %get3A_823 : vector<1x16xf32> to vector<16xf32>
        %mul3A_825 = vector.broadcast %squeeze3A_794 : f32 to vector<16xf32>
        %mul3A_826 = arith.mulf %get3A_824, %mul3A_825 : vector<16xf32>
        %swap3A_827 = arith.index_cast %add3A_798 : i32 to index
        %swap3A_828 = arith.constant 32 : index
        %swap3A_829 = tpu.vector_load %arg13[%swap3A_827, %swap3A_828] {strides = array<i32>} : memref<128x64xf32, #tpu.memory_space<vmem>>, vector<1x16xf32>,
        %swap3A_830 = vector.shape_cast %swap3A_829 : vector<1x16xf32> to vector<16xf32>
        %swap3A_831 = vector.shape_cast %mul3A_826 : vector<16xf32> to vector<1x16xf32>
        tpu.vector_store %arg13[%swap3A_827, %swap3A_828], %swap3A_831 {strides = array<i32>} : memref<128x64xf32, #tpu.memory_space<vmem>>, vector<1x16xf32>,
        %get3A_832 = arith.index_cast %add3A_798 : i32 to index
        %get3A_833 = arith.constant 48 : index
        %get3A_834 = tpu.vector_load %arg13[%get3A_832, %get3A_833] {strides = array<i32>} : memref<128x64xf32, #tpu.memory_space<vmem>>, vector<1x16xf32>,
        %get3A_835 = vector.shape_cast %get3A_834 : vector<1x16xf32> to vector<16xf32>
        %mul3A_836 = vector.broadcast %squeeze3A_794 : f32 to vector<16xf32>
        %mul3A_837 = arith.mulf %get3A_835, %mul3A_836 : vector<16xf32>
        %swap3A_838 = arith.index_cast %add3A_798 : i32 to index
        %swap3A_839 = arith.constant 48 : index
        %swap3A_840 = tpu.vector_load %arg13[%swap3A_838, %swap3A_839] {strides = array<i32>} : memref<128x64xf32, #tpu.memory_space<vmem>>, vector<1x16xf32>,
        %swap3A_841 = vector.shape_cast %swap3A_840 : vector<1x16xf32> to vector<16xf32>
        %swap3A_842 = vector.shape_cast %mul3A_837 : vector<16xf32> to vector<1x16xf32>
        tpu.vector_store %arg13[%swap3A_838, %swap3A_839], %swap3A_842 {strides = array<i32>} : memref<128x64xf32, #tpu.memory_space<vmem>>, vector<1x16xf32>,
        %slice3A_843 = vector.extract_strided_slice %get3A_94 {offsets = [15], sizes = [1], strides = [1]} : vector<16xf32> to vector<1xf32>
        %squeeze3A_844 = vector.extract %slice3A_843[0] : f32 from vector<1xf32>
        %mul3A_845 = arith.constant 16 : i32
        %mul3A_846 = arith.muli %scan3A_88, %mul3A_845 : i32
        %add3A_847 = arith.constant 15 : i32
        %add3A_848 = arith.addi %mul3A_846, %add3A_847 : i32
        %get3A_849 = arith.index_cast %add3A_848 : i32 to index
        %get3A_850 = arith.constant 0 : index
        %get3A_851 = tpu.vector_load %arg13[%get3A_849, %get3A_850] {strides = array<i32>} : memref<128x64xf32, #tpu.memory_space<vmem>>, vector<1x16xf32>,
        %get3A_852 = vector.shape_cast %get3A_851 : vector<1x16xf32> to vector<16xf32>
        %mul3A_853 = vector.broadcast %squeeze3A_844 : f32 to vector<16xf32>
        %mul3A_854 = arith.mulf %get3A_852, %mul3A_853 : vector<16xf32>
        %swap3A_855 = arith.index_cast %add3A_848 : i32 to index
        %swap3A_856 = arith.constant 0 : index
        %swap3A_857 = tpu.vector_load %arg13[%swap3A_855, %swap3A_856] {strides = array<i32>} : memref<128x64xf32, #tpu.memory_space<vmem>>, vector<1x16xf32>,
        %swap3A_858 = vector.shape_cast %swap3A_857 : vector<1x16xf32> to vector<16xf32>
        %swap3A_859 = vector.shape_cast %mul3A_854 : vector<16xf32> to vector<1x16xf32>
        tpu.vector_store %arg13[%swap3A_855, %swap3A_856], %swap3A_859 {strides = array<i32>} : memref<128x64xf32, #tpu.memory_space<vmem>>, vector<1x16xf32>,
        %get3A_860 = arith.index_cast %add3A_848 : i32 to index
        %get3A_861 = arith.constant 16 : index
        %get3A_862 = tpu.vector_load %arg13[%get3A_860, %get3A_861] {strides = array<i32>} : memref<128x64xf32, #tpu.memory_space<vmem>>, vector<1x16xf32>,
        %get3A_863 = vector.shape_cast %get3A_862 : vector<1x16xf32> to vector<16xf32>
        %mul3A_864 = vector.broadcast %squeeze3A_844 : f32 to vector<16xf32>
        %mul3A_865 = arith.mulf %get3A_863, %mul3A_864 : vector<16xf32>
        %swap3A_866 = arith.index_cast %add3A_848 : i32 to index
        %swap3A_867 = arith.constant 16 : index
        %swap3A_868 = tpu.vector_load %arg13[%swap3A_866, %swap3A_867] {strides = array<i32>} : memref<128x64xf32, #tpu.memory_space<vmem>>, vector<1x16xf32>,
        %swap3A_869 = vector.shape_cast %swap3A_868 : vector<1x16xf32> to vector<16xf32>
        %swap3A_870 = vector.shape_cast %mul3A_865 : vector<16xf32> to vector<1x16xf32>
        tpu.vector_store %arg13[%swap3A_866, %swap3A_867], %swap3A_870 {strides = array<i32>} : memref<128x64xf32, #tpu.memory_space<vmem>>, vector<1x16xf32>,
        %get3A_871 = arith.index_cast %add3A_848 : i32 to index
        %get3A_872 = arith.constant 32 : index
        %get3A_873 = tpu.vector_load %arg13[%get3A_871, %get3A_872] {strides = array<i32>} : memref<128x64xf32, #tpu.memory_space<vmem>>, vector<1x16xf32>,
        %get3A_874 = vector.shape_cast %get3A_873 : vector<1x16xf32> to vector<16xf32>
        %mul3A_875 = vector.broadcast %squeeze3A_844 : f32 to vector<16xf32>
        %mul3A_876 = arith.mulf %get3A_874, %mul3A_875 : vector<16xf32>
        %swap3A_877 = arith.index_cast %add3A_848 : i32 to index
        %swap3A_878 = arith.constant 32 : index
        %swap3A_879 = tpu.vector_load %arg13[%swap3A_877, %swap3A_878] {strides = array<i32>} : memref<128x64xf32, #tpu.memory_space<vmem>>, vector<1x16xf32>,
        %swap3A_880 = vector.shape_cast %swap3A_879 : vector<1x16xf32> to vector<16xf32>
        %swap3A_881 = vector.shape_cast %mul3A_876 : vector<16xf32> to vector<1x16xf32>
        tpu.vector_store %arg13[%swap3A_877, %swap3A_878], %swap3A_881 {strides = array<i32>} : memref<128x64xf32, #tpu.memory_space<vmem>>, vector<1x16xf32>,
        %get3A_882 = arith.index_cast %add3A_848 : i32 to index
        %get3A_883 = arith.constant 48 : index
        %get3A_884 = tpu.vector_load %arg13[%get3A_882, %get3A_883] {strides = array<i32>} : memref<128x64xf32, #tpu.memory_space<vmem>>, vector<1x16xf32>,
        %get3A_885 = vector.shape_cast %get3A_884 : vector<1x16xf32> to vector<16xf32>
        %mul3A_886 = vector.broadcast %squeeze3A_844 : f32 to vector<16xf32>
        %mul3A_887 = arith.mulf %get3A_885, %mul3A_886 : vector<16xf32>
        %swap3A_888 = arith.index_cast %add3A_848 : i32 to index
        %swap3A_889 = arith.constant 48 : index
        %swap3A_890 = tpu.vector_load %arg13[%swap3A_888, %swap3A_889] {strides = array<i32>} : memref<128x64xf32, #tpu.memory_space<vmem>>, vector<1x16xf32>,
        %swap3A_891 = vector.shape_cast %swap3A_890 : vector<1x16xf32> to vector<16xf32>
        %swap3A_892 = vector.shape_cast %mul3A_887 : vector<16xf32> to vector<1x16xf32>
        tpu.vector_store %arg13[%swap3A_888, %swap3A_889], %swap3A_892 {strides = array<i32>} : memref<128x64xf32, #tpu.memory_space<vmem>>, vector<1x16xf32>,
      }
      %scan3A_87 = arith.constant 8 : i32
      "tpu.region"() ({
        %run_scoped3A = tpu.sem_alloc : memref<!tpu.dma_semaphore, #tpu.memory_space<semaphore_mem>>
        %dma_start3A_88 = arith.constant 0 : i32
        %dma_start3A_89 = arith.constant 0 : i32
        %dma_start3A_90 = tpu.memref_slice %arg9[%dma_start3A_88, %dma_start3A_89] : memref<10112x64xf32, #tpu.memory_space<vmem_shared>> -> memref<10112x64xf32, #tpu.memory_space<vmem_shared>>
        tpu.enqueue_indirect_dma source(%arg13 : memref<128x64xf32, #tpu.memory_space<vmem>>) target(%dma_start3A_90 : memref<10112x64xf32, #tpu.memory_space<vmem_shared>>) offsets(%arg14 : memref<128xi32, #tpu.memory_space<vmem>>) semaphore(%run_scoped3A : memref<!tpu.dma_semaphore, #tpu.memory_space<semaphore_mem>>) {add = true}
        %dma_wait3A_91 = arith.constant 0 : i32
        %dma_wait3A_92 = arith.constant 0 : i32
        %dma_wait3A_93 = tpu.memref_slice %arg9[%dma_wait3A_91, %dma_wait3A_92] : memref<10112x64xf32, #tpu.memory_space<vmem_shared>> -> memref<10112x64xf32, #tpu.memory_space<vmem_shared>>
        tpu.wait_indirect_dma semaphore(%run_scoped3A : memref<!tpu.dma_semaphore, #tpu.memory_space<semaphore_mem>>) src(%arg13 : memref<128x64xf32, #tpu.memory_space<vmem>>) dst(%dma_wait3A_93 : memref<10112x64xf32, #tpu.memory_space<vmem_shared>>)
        tpu.yield
      }) : () -> ()
    }
    %scan3A_7 = arith.constant 79 : i32
    %barrier3A_8 = arith.constant 0 : index
    tpu.barrier barrier_id(%barrier3A_8)
    "tpu.region"() ({
      %run_scoped3A = tpu.sem_alloc : memref<!tpu.dma_semaphore, #tpu.memory_space<semaphore_mem>>
      %dma_start3A = arith.constant 0 : i32
      %dma_start3A_9 = tpu.memref_slice %arg7[%arg0, %mul3A_2, %dma_start3A] : memref<2x10112x64xf32, #tpu.memory_space<hbm>> -> memref<1x632x64xf32, #tpu.memory_space<hbm>>
      %dma_start3A_10 = tpu.memref_squeeze %dma_start3A_9 : memref<1x632x64xf32, #tpu.memory_space<hbm>> -> memref<632x64xf32, #tpu.memory_space<hbm>>
      %dma_start3A_11 = arith.constant 0 : i32
      %dma_start3A_12 = tpu.memref_slice %arg9[%mul3A_2, %dma_start3A_11] : memref<10112x64xf32, #tpu.memory_space<vmem_shared>> -> memref<632x64xf32, #tpu.memory_space<vmem_shared>>
      tpu.enqueue_dma source(%dma_start3A_12 : memref<632x64xf32, #tpu.memory_space<vmem_shared>>) target(%dma_start3A_10 : memref<632x64xf32, #tpu.memory_space<hbm>>) target_semaphore(%run_scoped3A : memref<!tpu.dma_semaphore, #tpu.memory_space<semaphore_mem>>)
      %dma_wait3A = arith.constant 0 : i32
      %dma_wait3A_13 = tpu.memref_slice %arg7[%arg0, %mul3A_2, %dma_wait3A] : memref<2x10112x64xf32, #tpu.memory_space<hbm>> -> memref<1x632x64xf32, #tpu.memory_space<hbm>>
      %dma_wait3A_14 = tpu.memref_squeeze %dma_wait3A_13 : memref<1x632x64xf32, #tpu.memory_space<hbm>> -> memref<632x64xf32, #tpu.memory_space<hbm>>
      %dma_wait3A_15 = arith.constant 0 : i32
      %dma_wait3A_16 = tpu.memref_slice %arg9[%mul3A_2, %dma_wait3A_15] : memref<10112x64xf32, #tpu.memory_space<vmem_shared>> -> memref<632x64xf32, #tpu.memory_space<vmem_shared>>
      tpu.wait_dma2 semaphore(%run_scoped3A : memref<!tpu.dma_semaphore, #tpu.memory_space<semaphore_mem>>) src(%dma_wait3A_16 : memref<632x64xf32, #tpu.memory_space<vmem_shared>>) dst(%dma_wait3A_14 : memref<632x64xf32, #tpu.memory_space<hbm>>)
      tpu.yield
    }) : () -> ()
    return
  }
}

#map = affine_map<(d0, d1) -> (0, 0)>
#map1 = affine_map<(d0, d1) -> (0, 0, 0)>
module attributes {stable_mosaic.version = 14 : i64} {
  func.func @agg(%arg0: i32, %arg1: i32, %arg2: memref<10112x64xf32, #tpu.memory_space<hbm>>, %arg3: memref<32x79x128xi32, #tpu.memory_space<hbm>>, %arg4: memref<32x79x128xi32, #tpu.memory_space<hbm>>, %arg5: memref<32x79x128xf32, #tpu.memory_space<hbm>>, %arg6: memref<10112x64xf32, #tpu.memory_space<hbm>>, %arg7: memref<2x10112x64xf32, #tpu.memory_space<hbm>>, %arg8: memref<10112x64xf32, #tpu.memory_space<vmem_shared>>, %arg9: memref<10112x64xf32, #tpu.memory_space<vmem_shared>>, %arg10: memref<79x128xi32, #tpu.memory_space<vmem>>, %arg11: memref<79x128xi32, #tpu.memory_space<vmem>>, %arg12: memref<79x128xf32, #tpu.memory_space<vmem>>, %arg13: memref<128x64xf32, #tpu.memory_space<vmem>>, %arg14: memref<128xi32, #tpu.memory_space<vmem>>, %arg15: memref<!tpu.dma_semaphore, #tpu.memory_space<semaphore_mem>>) attributes {dimension_semantics = [#tpu.dimension_semantics<core_parallel>, #tpu.dimension_semantics<subcore_parallel>], iteration_bounds = array<i64: 2, 16>, scalar_prefetch = 0 : i64, scratch_operands = 8 : i64, tpu.core_type = #tpu.core_type<sc_vector_subcore>, window_params = [{transform_indices = #map}, {transform_indices = #map1}, {transform_indices = #map1}, {transform_indices = #map1}, {transform_indices = #map}, {transform_indices = #map1}]} {
    %mul3A = arith.constant 2 : i32
    %mul3A_0 = arith.muli %arg1, %mul3A : i32
    %add3A = arith.addi %mul3A_0, %arg0 : i32
    %mul3A_1 = arith.constant 632 : i32
    %mul3A_2 = arith.muli %arg1, %mul3A_1 : i32
    "tpu.region"() ({
      %run_scoped3A = tpu.sem_alloc : memref<!tpu.dma_semaphore, #tpu.memory_space<semaphore_mem>>
      %dma_start3A = arith.constant 0 : i32
      %dma_start3A_9 = tpu.memref_slice %arg8[%mul3A_2, %dma_start3A] : memref<10112x64xf32, #tpu.memory_space<vmem_shared>> -> memref<632x64xf32, #tpu.memory_space<vmem_shared>>
      %dma_start3A_10 = arith.constant 0 : i32
      %dma_start3A_11 = tpu.memref_slice %arg2[%mul3A_2, %dma_start3A_10] : memref<10112x64xf32, #tpu.memory_space<hbm>> -> memref<632x64xf32, #tpu.memory_space<hbm>>
      tpu.enqueue_dma source(%dma_start3A_11 : memref<632x64xf32, #tpu.memory_space<hbm>>) target(%dma_start3A_9 : memref<632x64xf32, #tpu.memory_space<vmem_shared>>) target_semaphore(%run_scoped3A : memref<!tpu.dma_semaphore, #tpu.memory_space<semaphore_mem>>)
      %dma_wait3A = arith.constant 0 : i32
      %dma_wait3A_12 = tpu.memref_slice %arg8[%mul3A_2, %dma_wait3A] : memref<10112x64xf32, #tpu.memory_space<vmem_shared>> -> memref<632x64xf32, #tpu.memory_space<vmem_shared>>
      %dma_wait3A_13 = arith.constant 0 : i32
      %dma_wait3A_14 = tpu.memref_slice %arg2[%mul3A_2, %dma_wait3A_13] : memref<10112x64xf32, #tpu.memory_space<hbm>> -> memref<632x64xf32, #tpu.memory_space<hbm>>
      tpu.wait_dma2 semaphore(%run_scoped3A : memref<!tpu.dma_semaphore, #tpu.memory_space<semaphore_mem>>) src(%dma_wait3A_14 : memref<632x64xf32, #tpu.memory_space<hbm>>) dst(%dma_wait3A_12 : memref<632x64xf32, #tpu.memory_space<vmem_shared>>)
      tpu.yield
    }) : () -> ()
    "tpu.region"() ({
      %run_scoped3A = tpu.sem_alloc : memref<!tpu.dma_semaphore, #tpu.memory_space<semaphore_mem>>
      %dma_start3A = arith.constant 0 : i32
      %dma_start3A_9 = tpu.memref_slice %arg9[%mul3A_2, %dma_start3A] : memref<10112x64xf32, #tpu.memory_space<vmem_shared>> -> memref<632x64xf32, #tpu.memory_space<vmem_shared>>
      %dma_start3A_10 = arith.constant 0 : i32
      %dma_start3A_11 = tpu.memref_slice %arg6[%mul3A_2, %dma_start3A_10] : memref<10112x64xf32, #tpu.memory_space<hbm>> -> memref<632x64xf32, #tpu.memory_space<hbm>>
      tpu.enqueue_dma source(%dma_start3A_11 : memref<632x64xf32, #tpu.memory_space<hbm>>) target(%dma_start3A_9 : memref<632x64xf32, #tpu.memory_space<vmem_shared>>) target_semaphore(%run_scoped3A : memref<!tpu.dma_semaphore, #tpu.memory_space<semaphore_mem>>)
      %dma_wait3A = arith.constant 0 : i32
      %dma_wait3A_12 = tpu.memref_slice %arg9[%mul3A_2, %dma_wait3A] : memref<10112x64xf32, #tpu.memory_space<vmem_shared>> -> memref<632x64xf32, #tpu.memory_space<vmem_shared>>
      %dma_wait3A_13 = arith.constant 0 : i32
      %dma_wait3A_14 = tpu.memref_slice %arg6[%mul3A_2, %dma_wait3A_13] : memref<10112x64xf32, #tpu.memory_space<hbm>> -> memref<632x64xf32, #tpu.memory_space<hbm>>
      tpu.wait_dma2 semaphore(%run_scoped3A : memref<!tpu.dma_semaphore, #tpu.memory_space<semaphore_mem>>) src(%dma_wait3A_14 : memref<632x64xf32, #tpu.memory_space<hbm>>) dst(%dma_wait3A_12 : memref<632x64xf32, #tpu.memory_space<vmem_shared>>)
      tpu.yield
    }) : () -> ()
    "tpu.region"() ({
      %run_scoped3A = tpu.sem_alloc : memref<!tpu.dma_semaphore, #tpu.memory_space<semaphore_mem>>
      %dma_start3A = arith.constant 0 : i32
      %dma_start3A_9 = arith.constant 0 : i32
      %dma_start3A_10 = tpu.memref_slice %arg3[%add3A, %dma_start3A, %dma_start3A_9] : memref<32x79x128xi32, #tpu.memory_space<hbm>> -> memref<1x79x128xi32, #tpu.memory_space<hbm>>
      %dma_start3A_11 = tpu.memref_squeeze %dma_start3A_10 : memref<1x79x128xi32, #tpu.memory_space<hbm>> -> memref<79x128xi32, #tpu.memory_space<hbm>>
      %dma_start3A_12 = arith.constant 0 : i32
      %dma_start3A_13 = arith.constant 0 : i32
      %dma_start3A_14 = tpu.memref_slice %arg3[%add3A, %dma_start3A_12, %dma_start3A_13] : memref<32x79x128xi32, #tpu.memory_space<hbm>> -> memref<1x79x128xi32, #tpu.memory_space<hbm>>
      %dma_start3A_15 = tpu.memref_squeeze %dma_start3A_14 : memref<1x79x128xi32, #tpu.memory_space<hbm>> -> memref<79x128xi32, #tpu.memory_space<hbm>>
      tpu.enqueue_dma source(%dma_start3A_15 : memref<79x128xi32, #tpu.memory_space<hbm>>) target(%arg10 : memref<79x128xi32, #tpu.memory_space<vmem>>) target_semaphore(%run_scoped3A : memref<!tpu.dma_semaphore, #tpu.memory_space<semaphore_mem>>)
      %dma_wait3A = arith.constant 0 : i32
      %dma_wait3A_16 = arith.constant 0 : i32
      %dma_wait3A_17 = tpu.memref_slice %arg3[%add3A, %dma_wait3A, %dma_wait3A_16] : memref<32x79x128xi32, #tpu.memory_space<hbm>> -> memref<1x79x128xi32, #tpu.memory_space<hbm>>
      %dma_wait3A_18 = tpu.memref_squeeze %dma_wait3A_17 : memref<1x79x128xi32, #tpu.memory_space<hbm>> -> memref<79x128xi32, #tpu.memory_space<hbm>>
      %dma_wait3A_19 = arith.constant 0 : i32
      %dma_wait3A_20 = arith.constant 0 : i32
      %dma_wait3A_21 = tpu.memref_slice %arg3[%add3A, %dma_wait3A_19, %dma_wait3A_20] : memref<32x79x128xi32, #tpu.memory_space<hbm>> -> memref<1x79x128xi32, #tpu.memory_space<hbm>>
      %dma_wait3A_22 = tpu.memref_squeeze %dma_wait3A_21 : memref<1x79x128xi32, #tpu.memory_space<hbm>> -> memref<79x128xi32, #tpu.memory_space<hbm>>
      tpu.wait_dma2 semaphore(%run_scoped3A : memref<!tpu.dma_semaphore, #tpu.memory_space<semaphore_mem>>) src(%dma_wait3A_22 : memref<79x128xi32, #tpu.memory_space<hbm>>) dst(%arg10 : memref<79x128xi32, #tpu.memory_space<vmem>>)
      tpu.yield
    }) : () -> ()
    "tpu.region"() ({
      %run_scoped3A = tpu.sem_alloc : memref<!tpu.dma_semaphore, #tpu.memory_space<semaphore_mem>>
      %dma_start3A = arith.constant 0 : i32
      %dma_start3A_9 = arith.constant 0 : i32
      %dma_start3A_10 = tpu.memref_slice %arg4[%add3A, %dma_start3A, %dma_start3A_9] : memref<32x79x128xi32, #tpu.memory_space<hbm>> -> memref<1x79x128xi32, #tpu.memory_space<hbm>>
      %dma_start3A_11 = tpu.memref_squeeze %dma_start3A_10 : memref<1x79x128xi32, #tpu.memory_space<hbm>> -> memref<79x128xi32, #tpu.memory_space<hbm>>
      %dma_start3A_12 = arith.constant 0 : i32
      %dma_start3A_13 = arith.constant 0 : i32
      %dma_start3A_14 = tpu.memref_slice %arg4[%add3A, %dma_start3A_12, %dma_start3A_13] : memref<32x79x128xi32, #tpu.memory_space<hbm>> -> memref<1x79x128xi32, #tpu.memory_space<hbm>>
      %dma_start3A_15 = tpu.memref_squeeze %dma_start3A_14 : memref<1x79x128xi32, #tpu.memory_space<hbm>> -> memref<79x128xi32, #tpu.memory_space<hbm>>
      tpu.enqueue_dma source(%dma_start3A_15 : memref<79x128xi32, #tpu.memory_space<hbm>>) target(%arg11 : memref<79x128xi32, #tpu.memory_space<vmem>>) target_semaphore(%run_scoped3A : memref<!tpu.dma_semaphore, #tpu.memory_space<semaphore_mem>>)
      %dma_wait3A = arith.constant 0 : i32
      %dma_wait3A_16 = arith.constant 0 : i32
      %dma_wait3A_17 = tpu.memref_slice %arg4[%add3A, %dma_wait3A, %dma_wait3A_16] : memref<32x79x128xi32, #tpu.memory_space<hbm>> -> memref<1x79x128xi32, #tpu.memory_space<hbm>>
      %dma_wait3A_18 = tpu.memref_squeeze %dma_wait3A_17 : memref<1x79x128xi32, #tpu.memory_space<hbm>> -> memref<79x128xi32, #tpu.memory_space<hbm>>
      %dma_wait3A_19 = arith.constant 0 : i32
      %dma_wait3A_20 = arith.constant 0 : i32
      %dma_wait3A_21 = tpu.memref_slice %arg4[%add3A, %dma_wait3A_19, %dma_wait3A_20] : memref<32x79x128xi32, #tpu.memory_space<hbm>> -> memref<1x79x128xi32, #tpu.memory_space<hbm>>
      %dma_wait3A_22 = tpu.memref_squeeze %dma_wait3A_21 : memref<1x79x128xi32, #tpu.memory_space<hbm>> -> memref<79x128xi32, #tpu.memory_space<hbm>>
      tpu.wait_dma2 semaphore(%run_scoped3A : memref<!tpu.dma_semaphore, #tpu.memory_space<semaphore_mem>>) src(%dma_wait3A_22 : memref<79x128xi32, #tpu.memory_space<hbm>>) dst(%arg11 : memref<79x128xi32, #tpu.memory_space<vmem>>)
      tpu.yield
    }) : () -> ()
    "tpu.region"() ({
      %run_scoped3A = tpu.sem_alloc : memref<!tpu.dma_semaphore, #tpu.memory_space<semaphore_mem>>
      %dma_start3A = arith.constant 0 : i32
      %dma_start3A_9 = arith.constant 0 : i32
      %dma_start3A_10 = tpu.memref_slice %arg5[%add3A, %dma_start3A, %dma_start3A_9] : memref<32x79x128xf32, #tpu.memory_space<hbm>> -> memref<1x79x128xf32, #tpu.memory_space<hbm>>
      %dma_start3A_11 = tpu.memref_squeeze %dma_start3A_10 : memref<1x79x128xf32, #tpu.memory_space<hbm>> -> memref<79x128xf32, #tpu.memory_space<hbm>>
      %dma_start3A_12 = arith.constant 0 : i32
      %dma_start3A_13 = arith.constant 0 : i32
      %dma_start3A_14 = tpu.memref_slice %arg5[%add3A, %dma_start3A_12, %dma_start3A_13] : memref<32x79x128xf32, #tpu.memory_space<hbm>> -> memref<1x79x128xf32, #tpu.memory_space<hbm>>
      %dma_start3A_15 = tpu.memref_squeeze %dma_start3A_14 : memref<1x79x128xf32, #tpu.memory_space<hbm>> -> memref<79x128xf32, #tpu.memory_space<hbm>>
      tpu.enqueue_dma source(%dma_start3A_15 : memref<79x128xf32, #tpu.memory_space<hbm>>) target(%arg12 : memref<79x128xf32, #tpu.memory_space<vmem>>) target_semaphore(%run_scoped3A : memref<!tpu.dma_semaphore, #tpu.memory_space<semaphore_mem>>)
      %dma_wait3A = arith.constant 0 : i32
      %dma_wait3A_16 = arith.constant 0 : i32
      %dma_wait3A_17 = tpu.memref_slice %arg5[%add3A, %dma_wait3A, %dma_wait3A_16] : memref<32x79x128xf32, #tpu.memory_space<hbm>> -> memref<1x79x128xf32, #tpu.memory_space<hbm>>
      %dma_wait3A_18 = tpu.memref_squeeze %dma_wait3A_17 : memref<1x79x128xf32, #tpu.memory_space<hbm>> -> memref<79x128xf32, #tpu.memory_space<hbm>>
      %dma_wait3A_19 = arith.constant 0 : i32
      %dma_wait3A_20 = arith.constant 0 : i32
      %dma_wait3A_21 = tpu.memref_slice %arg5[%add3A, %dma_wait3A_19, %dma_wait3A_20] : memref<32x79x128xf32, #tpu.memory_space<hbm>> -> memref<1x79x128xf32, #tpu.memory_space<hbm>>
      %dma_wait3A_22 = tpu.memref_squeeze %dma_wait3A_21 : memref<1x79x128xf32, #tpu.memory_space<hbm>> -> memref<79x128xf32, #tpu.memory_space<hbm>>
      tpu.wait_dma2 semaphore(%run_scoped3A : memref<!tpu.dma_semaphore, #tpu.memory_space<semaphore_mem>>) src(%dma_wait3A_22 : memref<79x128xf32, #tpu.memory_space<hbm>>) dst(%arg12 : memref<79x128xf32, #tpu.memory_space<vmem>>)
      tpu.yield
    }) : () -> ()
    %barrier3A = arith.constant 0 : index
    tpu.barrier barrier_id(%barrier3A)
    %scan3A = arith.constant 0 : i32
    %scan3A_3 = arith.constant 0 : i32
    %scan3A_4 = arith.constant 79 : i32
    %scan3A_5 = arith.addi %scan3A_3, %scan3A_4 : i32
    %scan3A_6 = arith.constant 1 : i32
    scf.for %scan3A_9 = %scan3A_3 to %scan3A_5 step %scan3A_6  : i32 {
      %get3A = arith.index_cast %scan3A_9 : i32 to index
      %get3A_10 = arith.constant 0 : index
      %get3A_11 = tpu.vector_load %arg11[%get3A, %get3A_10] {strides = array<i32>} : memref<79x128xi32, #tpu.memory_space<vmem>>, vector<1x16xi32>,
      %get3A_12 = vector.shape_cast %get3A_11 : vector<1x16xi32> to vector<16xi32>
      %swap3A = arith.constant 0 : index
      %swap3A_13 = tpu.vector_load %arg14[%swap3A] {strides = array<i32>} : memref<128xi32, #tpu.memory_space<vmem>>, vector<16xi32>,
      %swap3A_14 = vector.shape_cast %swap3A_13 : vector<16xi32> to vector<16xi32>
      %swap3A_15 = vector.shape_cast %get3A_12 : vector<16xi32> to vector<16xi32>
      tpu.vector_store %arg14[%swap3A], %swap3A_15 {strides = array<i32>} : memref<128xi32, #tpu.memory_space<vmem>>, vector<16xi32>,
      %get3A_16 = arith.index_cast %scan3A_9 : i32 to index
      %get3A_17 = arith.constant 16 : index
      %get3A_18 = tpu.vector_load %arg11[%get3A_16, %get3A_17] {strides = array<i32>} : memref<79x128xi32, #tpu.memory_space<vmem>>, vector<1x16xi32>,
      %get3A_19 = vector.shape_cast %get3A_18 : vector<1x16xi32> to vector<16xi32>
      %swap3A_20 = arith.constant 16 : index
      %swap3A_21 = tpu.vector_load %arg14[%swap3A_20] {strides = array<i32>} : memref<128xi32, #tpu.memory_space<vmem>>, vector<16xi32>,
      %swap3A_22 = vector.shape_cast %swap3A_21 : vector<16xi32> to vector<16xi32>
      %swap3A_23 = vector.shape_cast %get3A_19 : vector<16xi32> to vector<16xi32>
      tpu.vector_store %arg14[%swap3A_20], %swap3A_23 {strides = array<i32>} : memref<128xi32, #tpu.memory_space<vmem>>, vector<16xi32>,
      %get3A_24 = arith.index_cast %scan3A_9 : i32 to index
      %get3A_25 = arith.constant 32 : index
      %get3A_26 = tpu.vector_load %arg11[%get3A_24, %get3A_25] {strides = array<i32>} : memref<79x128xi32, #tpu.memory_space<vmem>>, vector<1x16xi32>,
      %get3A_27 = vector.shape_cast %get3A_26 : vector<1x16xi32> to vector<16xi32>
      %swap3A_28 = arith.constant 32 : index
      %swap3A_29 = tpu.vector_load %arg14[%swap3A_28] {strides = array<i32>} : memref<128xi32, #tpu.memory_space<vmem>>, vector<16xi32>,
      %swap3A_30 = vector.shape_cast %swap3A_29 : vector<16xi32> to vector<16xi32>
      %swap3A_31 = vector.shape_cast %get3A_27 : vector<16xi32> to vector<16xi32>
      tpu.vector_store %arg14[%swap3A_28], %swap3A_31 {strides = array<i32>} : memref<128xi32, #tpu.memory_space<vmem>>, vector<16xi32>,
      %get3A_32 = arith.index_cast %scan3A_9 : i32 to index
      %get3A_33 = arith.constant 48 : index
      %get3A_34 = tpu.vector_load %arg11[%get3A_32, %get3A_33] {strides = array<i32>} : memref<79x128xi32, #tpu.memory_space<vmem>>, vector<1x16xi32>,
      %get3A_35 = vector.shape_cast %get3A_34 : vector<1x16xi32> to vector<16xi32>
      %swap3A_36 = arith.constant 48 : index
      %swap3A_37 = tpu.vector_load %arg14[%swap3A_36] {strides = array<i32>} : memref<128xi32, #tpu.memory_space<vmem>>, vector<16xi32>,
      %swap3A_38 = vector.shape_cast %swap3A_37 : vector<16xi32> to vector<16xi32>
      %swap3A_39 = vector.shape_cast %get3A_35 : vector<16xi32> to vector<16xi32>
      tpu.vector_store %arg14[%swap3A_36], %swap3A_39 {strides = array<i32>} : memref<128xi32, #tpu.memory_space<vmem>>, vector<16xi32>,
      %get3A_40 = arith.index_cast %scan3A_9 : i32 to index
      %get3A_41 = arith.constant 64 : index
      %get3A_42 = tpu.vector_load %arg11[%get3A_40, %get3A_41] {strides = array<i32>} : memref<79x128xi32, #tpu.memory_space<vmem>>, vector<1x16xi32>,
      %get3A_43 = vector.shape_cast %get3A_42 : vector<1x16xi32> to vector<16xi32>
      %swap3A_44 = arith.constant 64 : index
      %swap3A_45 = tpu.vector_load %arg14[%swap3A_44] {strides = array<i32>} : memref<128xi32, #tpu.memory_space<vmem>>, vector<16xi32>,
      %swap3A_46 = vector.shape_cast %swap3A_45 : vector<16xi32> to vector<16xi32>
      %swap3A_47 = vector.shape_cast %get3A_43 : vector<16xi32> to vector<16xi32>
      tpu.vector_store %arg14[%swap3A_44], %swap3A_47 {strides = array<i32>} : memref<128xi32, #tpu.memory_space<vmem>>, vector<16xi32>,
      %get3A_48 = arith.index_cast %scan3A_9 : i32 to index
      %get3A_49 = arith.constant 80 : index
      %get3A_50 = tpu.vector_load %arg11[%get3A_48, %get3A_49] {strides = array<i32>} : memref<79x128xi32, #tpu.memory_space<vmem>>, vector<1x16xi32>,
      %get3A_51 = vector.shape_cast %get3A_50 : vector<1x16xi32> to vector<16xi32>
      %swap3A_52 = arith.constant 80 : index
      %swap3A_53 = tpu.vector_load %arg14[%swap3A_52] {strides = array<i32>} : memref<128xi32, #tpu.memory_space<vmem>>, vector<16xi32>,
      %swap3A_54 = vector.shape_cast %swap3A_53 : vector<16xi32> to vector<16xi32>
      %swap3A_55 = vector.shape_cast %get3A_51 : vector<16xi32> to vector<16xi32>
      tpu.vector_store %arg14[%swap3A_52], %swap3A_55 {strides = array<i32>} : memref<128xi32, #tpu.memory_space<vmem>>, vector<16xi32>,
      %get3A_56 = arith.index_cast %scan3A_9 : i32 to index
      %get3A_57 = arith.constant 96 : index
      %get3A_58 = tpu.vector_load %arg11[%get3A_56, %get3A_57] {strides = array<i32>} : memref<79x128xi32, #tpu.memory_space<vmem>>, vector<1x16xi32>,
      %get3A_59 = vector.shape_cast %get3A_58 : vector<1x16xi32> to vector<16xi32>
      %swap3A_60 = arith.constant 96 : index
      %swap3A_61 = tpu.vector_load %arg14[%swap3A_60] {strides = array<i32>} : memref<128xi32, #tpu.memory_space<vmem>>, vector<16xi32>,
      %swap3A_62 = vector.shape_cast %swap3A_61 : vector<16xi32> to vector<16xi32>
      %swap3A_63 = vector.shape_cast %get3A_59 : vector<16xi32> to vector<16xi32>
      tpu.vector_store %arg14[%swap3A_60], %swap3A_63 {strides = array<i32>} : memref<128xi32, #tpu.memory_space<vmem>>, vector<16xi32>,
      %get3A_64 = arith.index_cast %scan3A_9 : i32 to index
      %get3A_65 = arith.constant 112 : index
      %get3A_66 = tpu.vector_load %arg11[%get3A_64, %get3A_65] {strides = array<i32>} : memref<79x128xi32, #tpu.memory_space<vmem>>, vector<1x16xi32>,
      %get3A_67 = vector.shape_cast %get3A_66 : vector<1x16xi32> to vector<16xi32>
      %swap3A_68 = arith.constant 112 : index
      %swap3A_69 = tpu.vector_load %arg14[%swap3A_68] {strides = array<i32>} : memref<128xi32, #tpu.memory_space<vmem>>, vector<16xi32>,
      %swap3A_70 = vector.shape_cast %swap3A_69 : vector<16xi32> to vector<16xi32>
      %swap3A_71 = vector.shape_cast %get3A_67 : vector<16xi32> to vector<16xi32>
      tpu.vector_store %arg14[%swap3A_68], %swap3A_71 {strides = array<i32>} : memref<128xi32, #tpu.memory_space<vmem>>, vector<16xi32>,
      %dma_start3A = arith.constant 0 : i32
      %dma_start3A_72 = tpu.memref_slice %arg10[%scan3A_9, %dma_start3A] : memref<79x128xi32, #tpu.memory_space<vmem>> -> memref<1x128xi32, #tpu.memory_space<vmem>>
      %dma_start3A_73 = tpu.memref_squeeze %dma_start3A_72 : memref<1x128xi32, #tpu.memory_space<vmem>> -> memref<128xi32, #tpu.memory_space<vmem>>
      %dma_start3A_74 = arith.constant 0 : i32
      %dma_start3A_75 = arith.constant 0 : i32
      %dma_start3A_76 = tpu.memref_slice %arg8[%dma_start3A_74, %dma_start3A_75] : memref<10112x64xf32, #tpu.memory_space<vmem_shared>> -> memref<10112x64xf32, #tpu.memory_space<vmem_shared>>
      tpu.enqueue_indirect_dma source(%dma_start3A_76 : memref<10112x64xf32, #tpu.memory_space<vmem_shared>>) target(%arg13 : memref<128x64xf32, #tpu.memory_space<vmem>>) offsets(%dma_start3A_73 : memref<128xi32, #tpu.memory_space<vmem>>) semaphore(%arg15 : memref<!tpu.dma_semaphore, #tpu.memory_space<semaphore_mem>>)
      %dma_wait3A = arith.constant 0 : i32
      %dma_wait3A_77 = tpu.memref_slice %arg10[%scan3A_9, %dma_wait3A] : memref<79x128xi32, #tpu.memory_space<vmem>> -> memref<1x128xi32, #tpu.memory_space<vmem>>
      %dma_wait3A_78 = tpu.memref_squeeze %dma_wait3A_77 : memref<1x128xi32, #tpu.memory_space<vmem>> -> memref<128xi32, #tpu.memory_space<vmem>>
      %dma_wait3A_79 = arith.constant 0 : i32
      %dma_wait3A_80 = arith.constant 0 : i32
      %dma_wait3A_81 = tpu.memref_slice %arg8[%dma_wait3A_79, %dma_wait3A_80] : memref<10112x64xf32, #tpu.memory_space<vmem_shared>> -> memref<10112x64xf32, #tpu.memory_space<vmem_shared>>
      tpu.wait_indirect_dma semaphore(%arg15 : memref<!tpu.dma_semaphore, #tpu.memory_space<semaphore_mem>>) src(%dma_wait3A_81 : memref<10112x64xf32, #tpu.memory_space<vmem_shared>>) dst(%arg13 : memref<128x64xf32, #tpu.memory_space<vmem>>)
      %scan3A_82 = arith.constant 0 : i32
      %scan3A_83 = arith.constant 0 : i32
      %scan3A_84 = arith.constant 8 : i32
      %scan3A_85 = arith.addi %scan3A_83, %scan3A_84 : i32
      %scan3A_86 = arith.constant 1 : i32
      scf.for %scan3A_88 = %scan3A_83 to %scan3A_85 step %scan3A_86  : i32 {
        %mul3A_89 = arith.constant 16 : i32
        %mul3A_90 = arith.muli %scan3A_88, %mul3A_89 : i32
        %get3A_91 = arith.index_cast %scan3A_9 : i32 to index
        %get3A_92 = arith.index_cast %mul3A_90 : i32 to index
        %get3A_93 = tpu.vector_load %arg12[%get3A_91, %get3A_92] {strides = array<i32>} : memref<79x128xf32, #tpu.memory_space<vmem>>, vector<1x16xf32>,
        %get3A_94 = vector.shape_cast %get3A_93 : vector<1x16xf32> to vector<16xf32>
        %slice3A = vector.extract_strided_slice %get3A_94 {offsets = [0], sizes = [1], strides = [1]} : vector<16xf32> to vector<1xf32>
        %squeeze3A = vector.extract %slice3A[0] : f32 from vector<1xf32>
        %mul3A_95 = arith.constant 16 : i32
        %mul3A_96 = arith.muli %scan3A_88, %mul3A_95 : i32
        %add3A_97 = arith.constant 0 : i32
        %add3A_98 = arith.addi %mul3A_96, %add3A_97 : i32
        %get3A_99 = arith.index_cast %add3A_98 : i32 to index
        %get3A_100 = arith.constant 0 : index
        %get3A_101 = tpu.vector_load %arg13[%get3A_99, %get3A_100] {strides = array<i32>} : memref<128x64xf32, #tpu.memory_space<vmem>>, vector<1x16xf32>,
        %get3A_102 = vector.shape_cast %get3A_101 : vector<1x16xf32> to vector<16xf32>
        %mul3A_103 = vector.broadcast %squeeze3A : f32 to vector<16xf32>
        %mul3A_104 = arith.mulf %get3A_102, %mul3A_103 : vector<16xf32>
        %swap3A_105 = arith.index_cast %add3A_98 : i32 to index
        %swap3A_106 = arith.constant 0 : index
        %swap3A_107 = tpu.vector_load %arg13[%swap3A_105, %swap3A_106] {strides = array<i32>} : memref<128x64xf32, #tpu.memory_space<vmem>>, vector<1x16xf32>,
        %swap3A_108 = vector.shape_cast %swap3A_107 : vector<1x16xf32> to vector<16xf32>
        %swap3A_109 = vector.shape_cast %mul3A_104 : vector<16xf32> to vector<1x16xf32>
        tpu.vector_store %arg13[%swap3A_105, %swap3A_106], %swap3A_109 {strides = array<i32>} : memref<128x64xf32, #tpu.memory_space<vmem>>, vector<1x16xf32>,
        %get3A_110 = arith.index_cast %add3A_98 : i32 to index
        %get3A_111 = arith.constant 16 : index
        %get3A_112 = tpu.vector_load %arg13[%get3A_110, %get3A_111] {strides = array<i32>} : memref<128x64xf32, #tpu.memory_space<vmem>>, vector<1x16xf32>,
        %get3A_113 = vector.shape_cast %get3A_112 : vector<1x16xf32> to vector<16xf32>
        %mul3A_114 = vector.broadcast %squeeze3A : f32 to vector<16xf32>
        %mul3A_115 = arith.mulf %get3A_113, %mul3A_114 : vector<16xf32>
        %swap3A_116 = arith.index_cast %add3A_98 : i32 to index
        %swap3A_117 = arith.constant 16 : index
        %swap3A_118 = tpu.vector_load %arg13[%swap3A_116, %swap3A_117] {strides = array<i32>} : memref<128x64xf32, #tpu.memory_space<vmem>>, vector<1x16xf32>,
        %swap3A_119 = vector.shape_cast %swap3A_118 : vector<1x16xf32> to vector<16xf32>
        %swap3A_120 = vector.shape_cast %mul3A_115 : vector<16xf32> to vector<1x16xf32>
        tpu.vector_store %arg13[%swap3A_116, %swap3A_117], %swap3A_120 {strides = array<i32>} : memref<128x64xf32, #tpu.memory_space<vmem>>, vector<1x16xf32>,
        %get3A_121 = arith.index_cast %add3A_98 : i32 to index
        %get3A_122 = arith.constant 32 : index
        %get3A_123 = tpu.vector_load %arg13[%get3A_121, %get3A_122] {strides = array<i32>} : memref<128x64xf32, #tpu.memory_space<vmem>>, vector<1x16xf32>,
        %get3A_124 = vector.shape_cast %get3A_123 : vector<1x16xf32> to vector<16xf32>
        %mul3A_125 = vector.broadcast %squeeze3A : f32 to vector<16xf32>
        %mul3A_126 = arith.mulf %get3A_124, %mul3A_125 : vector<16xf32>
        %swap3A_127 = arith.index_cast %add3A_98 : i32 to index
        %swap3A_128 = arith.constant 32 : index
        %swap3A_129 = tpu.vector_load %arg13[%swap3A_127, %swap3A_128] {strides = array<i32>} : memref<128x64xf32, #tpu.memory_space<vmem>>, vector<1x16xf32>,
        %swap3A_130 = vector.shape_cast %swap3A_129 : vector<1x16xf32> to vector<16xf32>
        %swap3A_131 = vector.shape_cast %mul3A_126 : vector<16xf32> to vector<1x16xf32>
        tpu.vector_store %arg13[%swap3A_127, %swap3A_128], %swap3A_131 {strides = array<i32>} : memref<128x64xf32, #tpu.memory_space<vmem>>, vector<1x16xf32>,
        %get3A_132 = arith.index_cast %add3A_98 : i32 to index
        %get3A_133 = arith.constant 48 : index
        %get3A_134 = tpu.vector_load %arg13[%get3A_132, %get3A_133] {strides = array<i32>} : memref<128x64xf32, #tpu.memory_space<vmem>>, vector<1x16xf32>,
        %get3A_135 = vector.shape_cast %get3A_134 : vector<1x16xf32> to vector<16xf32>
        %mul3A_136 = vector.broadcast %squeeze3A : f32 to vector<16xf32>
        %mul3A_137 = arith.mulf %get3A_135, %mul3A_136 : vector<16xf32>
        %swap3A_138 = arith.index_cast %add3A_98 : i32 to index
        %swap3A_139 = arith.constant 48 : index
        %swap3A_140 = tpu.vector_load %arg13[%swap3A_138, %swap3A_139] {strides = array<i32>} : memref<128x64xf32, #tpu.memory_space<vmem>>, vector<1x16xf32>,
        %swap3A_141 = vector.shape_cast %swap3A_140 : vector<1x16xf32> to vector<16xf32>
        %swap3A_142 = vector.shape_cast %mul3A_137 : vector<16xf32> to vector<1x16xf32>
        tpu.vector_store %arg13[%swap3A_138, %swap3A_139], %swap3A_142 {strides = array<i32>} : memref<128x64xf32, #tpu.memory_space<vmem>>, vector<1x16xf32>,
        %slice3A_143 = vector.extract_strided_slice %get3A_94 {offsets = [1], sizes = [1], strides = [1]} : vector<16xf32> to vector<1xf32>
        %squeeze3A_144 = vector.extract %slice3A_143[0] : f32 from vector<1xf32>
        %mul3A_145 = arith.constant 16 : i32
        %mul3A_146 = arith.muli %scan3A_88, %mul3A_145 : i32
        %add3A_147 = arith.constant 1 : i32
        %add3A_148 = arith.addi %mul3A_146, %add3A_147 : i32
        %get3A_149 = arith.index_cast %add3A_148 : i32 to index
        %get3A_150 = arith.constant 0 : index
        %get3A_151 = tpu.vector_load %arg13[%get3A_149, %get3A_150] {strides = array<i32>} : memref<128x64xf32, #tpu.memory_space<vmem>>, vector<1x16xf32>,
        %get3A_152 = vector.shape_cast %get3A_151 : vector<1x16xf32> to vector<16xf32>
        %mul3A_153 = vector.broadcast %squeeze3A_144 : f32 to vector<16xf32>
        %mul3A_154 = arith.mulf %get3A_152, %mul3A_153 : vector<16xf32>
        %swap3A_155 = arith.index_cast %add3A_148 : i32 to index
        %swap3A_156 = arith.constant 0 : index
        %swap3A_157 = tpu.vector_load %arg13[%swap3A_155, %swap3A_156] {strides = array<i32>} : memref<128x64xf32, #tpu.memory_space<vmem>>, vector<1x16xf32>,
        %swap3A_158 = vector.shape_cast %swap3A_157 : vector<1x16xf32> to vector<16xf32>
        %swap3A_159 = vector.shape_cast %mul3A_154 : vector<16xf32> to vector<1x16xf32>
        tpu.vector_store %arg13[%swap3A_155, %swap3A_156], %swap3A_159 {strides = array<i32>} : memref<128x64xf32, #tpu.memory_space<vmem>>, vector<1x16xf32>,
        %get3A_160 = arith.index_cast %add3A_148 : i32 to index
        %get3A_161 = arith.constant 16 : index
        %get3A_162 = tpu.vector_load %arg13[%get3A_160, %get3A_161] {strides = array<i32>} : memref<128x64xf32, #tpu.memory_space<vmem>>, vector<1x16xf32>,
        %get3A_163 = vector.shape_cast %get3A_162 : vector<1x16xf32> to vector<16xf32>
        %mul3A_164 = vector.broadcast %squeeze3A_144 : f32 to vector<16xf32>
        %mul3A_165 = arith.mulf %get3A_163, %mul3A_164 : vector<16xf32>
        %swap3A_166 = arith.index_cast %add3A_148 : i32 to index
        %swap3A_167 = arith.constant 16 : index
        %swap3A_168 = tpu.vector_load %arg13[%swap3A_166, %swap3A_167] {strides = array<i32>} : memref<128x64xf32, #tpu.memory_space<vmem>>, vector<1x16xf32>,
        %swap3A_169 = vector.shape_cast %swap3A_168 : vector<1x16xf32> to vector<16xf32>
        %swap3A_170 = vector.shape_cast %mul3A_165 : vector<16xf32> to vector<1x16xf32>
        tpu.vector_store %arg13[%swap3A_166, %swap3A_167], %swap3A_170 {strides = array<i32>} : memref<128x64xf32, #tpu.memory_space<vmem>>, vector<1x16xf32>,
        %get3A_171 = arith.index_cast %add3A_148 : i32 to index
        %get3A_172 = arith.constant 32 : index
        %get3A_173 = tpu.vector_load %arg13[%get3A_171, %get3A_172] {strides = array<i32>} : memref<128x64xf32, #tpu.memory_space<vmem>>, vector<1x16xf32>,
        %get3A_174 = vector.shape_cast %get3A_173 : vector<1x16xf32> to vector<16xf32>
        %mul3A_175 = vector.broadcast %squeeze3A_144 : f32 to vector<16xf32>
        %mul3A_176 = arith.mulf %get3A_174, %mul3A_175 : vector<16xf32>
        %swap3A_177 = arith.index_cast %add3A_148 : i32 to index
        %swap3A_178 = arith.constant 32 : index
        %swap3A_179 = tpu.vector_load %arg13[%swap3A_177, %swap3A_178] {strides = array<i32>} : memref<128x64xf32, #tpu.memory_space<vmem>>, vector<1x16xf32>,
        %swap3A_180 = vector.shape_cast %swap3A_179 : vector<1x16xf32> to vector<16xf32>
        %swap3A_181 = vector.shape_cast %mul3A_176 : vector<16xf32> to vector<1x16xf32>
        tpu.vector_store %arg13[%swap3A_177, %swap3A_178], %swap3A_181 {strides = array<i32>} : memref<128x64xf32, #tpu.memory_space<vmem>>, vector<1x16xf32>,
        %get3A_182 = arith.index_cast %add3A_148 : i32 to index
        %get3A_183 = arith.constant 48 : index
        %get3A_184 = tpu.vector_load %arg13[%get3A_182, %get3A_183] {strides = array<i32>} : memref<128x64xf32, #tpu.memory_space<vmem>>, vector<1x16xf32>,
        %get3A_185 = vector.shape_cast %get3A_184 : vector<1x16xf32> to vector<16xf32>
        %mul3A_186 = vector.broadcast %squeeze3A_144 : f32 to vector<16xf32>
        %mul3A_187 = arith.mulf %get3A_185, %mul3A_186 : vector<16xf32>
        %swap3A_188 = arith.index_cast %add3A_148 : i32 to index
        %swap3A_189 = arith.constant 48 : index
        %swap3A_190 = tpu.vector_load %arg13[%swap3A_188, %swap3A_189] {strides = array<i32>} : memref<128x64xf32, #tpu.memory_space<vmem>>, vector<1x16xf32>,
        %swap3A_191 = vector.shape_cast %swap3A_190 : vector<1x16xf32> to vector<16xf32>
        %swap3A_192 = vector.shape_cast %mul3A_187 : vector<16xf32> to vector<1x16xf32>
        tpu.vector_store %arg13[%swap3A_188, %swap3A_189], %swap3A_192 {strides = array<i32>} : memref<128x64xf32, #tpu.memory_space<vmem>>, vector<1x16xf32>,
        %slice3A_193 = vector.extract_strided_slice %get3A_94 {offsets = [2], sizes = [1], strides = [1]} : vector<16xf32> to vector<1xf32>
        %squeeze3A_194 = vector.extract %slice3A_193[0] : f32 from vector<1xf32>
        %mul3A_195 = arith.constant 16 : i32
        %mul3A_196 = arith.muli %scan3A_88, %mul3A_195 : i32
        %add3A_197 = arith.constant 2 : i32
        %add3A_198 = arith.addi %mul3A_196, %add3A_197 : i32
        %get3A_199 = arith.index_cast %add3A_198 : i32 to index
        %get3A_200 = arith.constant 0 : index
        %get3A_201 = tpu.vector_load %arg13[%get3A_199, %get3A_200] {strides = array<i32>} : memref<128x64xf32, #tpu.memory_space<vmem>>, vector<1x16xf32>,
        %get3A_202 = vector.shape_cast %get3A_201 : vector<1x16xf32> to vector<16xf32>
        %mul3A_203 = vector.broadcast %squeeze3A_194 : f32 to vector<16xf32>
        %mul3A_204 = arith.mulf %get3A_202, %mul3A_203 : vector<16xf32>
        %swap3A_205 = arith.index_cast %add3A_198 : i32 to index
        %swap3A_206 = arith.constant 0 : index
        %swap3A_207 = tpu.vector_load %arg13[%swap3A_205, %swap3A_206] {strides = array<i32>} : memref<128x64xf32, #tpu.memory_space<vmem>>, vector<1x16xf32>,
        %swap3A_208 = vector.shape_cast %swap3A_207 : vector<1x16xf32> to vector<16xf32>
        %swap3A_209 = vector.shape_cast %mul3A_204 : vector<16xf32> to vector<1x16xf32>
        tpu.vector_store %arg13[%swap3A_205, %swap3A_206], %swap3A_209 {strides = array<i32>} : memref<128x64xf32, #tpu.memory_space<vmem>>, vector<1x16xf32>,
        %get3A_210 = arith.index_cast %add3A_198 : i32 to index
        %get3A_211 = arith.constant 16 : index
        %get3A_212 = tpu.vector_load %arg13[%get3A_210, %get3A_211] {strides = array<i32>} : memref<128x64xf32, #tpu.memory_space<vmem>>, vector<1x16xf32>,
        %get3A_213 = vector.shape_cast %get3A_212 : vector<1x16xf32> to vector<16xf32>
        %mul3A_214 = vector.broadcast %squeeze3A_194 : f32 to vector<16xf32>
        %mul3A_215 = arith.mulf %get3A_213, %mul3A_214 : vector<16xf32>
        %swap3A_216 = arith.index_cast %add3A_198 : i32 to index
        %swap3A_217 = arith.constant 16 : index
        %swap3A_218 = tpu.vector_load %arg13[%swap3A_216, %swap3A_217] {strides = array<i32>} : memref<128x64xf32, #tpu.memory_space<vmem>>, vector<1x16xf32>,
        %swap3A_219 = vector.shape_cast %swap3A_218 : vector<1x16xf32> to vector<16xf32>
        %swap3A_220 = vector.shape_cast %mul3A_215 : vector<16xf32> to vector<1x16xf32>
        tpu.vector_store %arg13[%swap3A_216, %swap3A_217], %swap3A_220 {strides = array<i32>} : memref<128x64xf32, #tpu.memory_space<vmem>>, vector<1x16xf32>,
        %get3A_221 = arith.index_cast %add3A_198 : i32 to index
        %get3A_222 = arith.constant 32 : index
        %get3A_223 = tpu.vector_load %arg13[%get3A_221, %get3A_222] {strides = array<i32>} : memref<128x64xf32, #tpu.memory_space<vmem>>, vector<1x16xf32>,
        %get3A_224 = vector.shape_cast %get3A_223 : vector<1x16xf32> to vector<16xf32>
        %mul3A_225 = vector.broadcast %squeeze3A_194 : f32 to vector<16xf32>
        %mul3A_226 = arith.mulf %get3A_224, %mul3A_225 : vector<16xf32>
        %swap3A_227 = arith.index_cast %add3A_198 : i32 to index
        %swap3A_228 = arith.constant 32 : index
        %swap3A_229 = tpu.vector_load %arg13[%swap3A_227, %swap3A_228] {strides = array<i32>} : memref<128x64xf32, #tpu.memory_space<vmem>>, vector<1x16xf32>,
        %swap3A_230 = vector.shape_cast %swap3A_229 : vector<1x16xf32> to vector<16xf32>
        %swap3A_231 = vector.shape_cast %mul3A_226 : vector<16xf32> to vector<1x16xf32>
        tpu.vector_store %arg13[%swap3A_227, %swap3A_228], %swap3A_231 {strides = array<i32>} : memref<128x64xf32, #tpu.memory_space<vmem>>, vector<1x16xf32>,
        %get3A_232 = arith.index_cast %add3A_198 : i32 to index
        %get3A_233 = arith.constant 48 : index
        %get3A_234 = tpu.vector_load %arg13[%get3A_232, %get3A_233] {strides = array<i32>} : memref<128x64xf32, #tpu.memory_space<vmem>>, vector<1x16xf32>,
        %get3A_235 = vector.shape_cast %get3A_234 : vector<1x16xf32> to vector<16xf32>
        %mul3A_236 = vector.broadcast %squeeze3A_194 : f32 to vector<16xf32>
        %mul3A_237 = arith.mulf %get3A_235, %mul3A_236 : vector<16xf32>
        %swap3A_238 = arith.index_cast %add3A_198 : i32 to index
        %swap3A_239 = arith.constant 48 : index
        %swap3A_240 = tpu.vector_load %arg13[%swap3A_238, %swap3A_239] {strides = array<i32>} : memref<128x64xf32, #tpu.memory_space<vmem>>, vector<1x16xf32>,
        %swap3A_241 = vector.shape_cast %swap3A_240 : vector<1x16xf32> to vector<16xf32>
        %swap3A_242 = vector.shape_cast %mul3A_237 : vector<16xf32> to vector<1x16xf32>
        tpu.vector_store %arg13[%swap3A_238, %swap3A_239], %swap3A_242 {strides = array<i32>} : memref<128x64xf32, #tpu.memory_space<vmem>>, vector<1x16xf32>,
        %slice3A_243 = vector.extract_strided_slice %get3A_94 {offsets = [3], sizes = [1], strides = [1]} : vector<16xf32> to vector<1xf32>
        %squeeze3A_244 = vector.extract %slice3A_243[0] : f32 from vector<1xf32>
        %mul3A_245 = arith.constant 16 : i32
        %mul3A_246 = arith.muli %scan3A_88, %mul3A_245 : i32
        %add3A_247 = arith.constant 3 : i32
        %add3A_248 = arith.addi %mul3A_246, %add3A_247 : i32
        %get3A_249 = arith.index_cast %add3A_248 : i32 to index
        %get3A_250 = arith.constant 0 : index
        %get3A_251 = tpu.vector_load %arg13[%get3A_249, %get3A_250] {strides = array<i32>} : memref<128x64xf32, #tpu.memory_space<vmem>>, vector<1x16xf32>,
        %get3A_252 = vector.shape_cast %get3A_251 : vector<1x16xf32> to vector<16xf32>
        %mul3A_253 = vector.broadcast %squeeze3A_244 : f32 to vector<16xf32>
        %mul3A_254 = arith.mulf %get3A_252, %mul3A_253 : vector<16xf32>
        %swap3A_255 = arith.index_cast %add3A_248 : i32 to index
        %swap3A_256 = arith.constant 0 : index
        %swap3A_257 = tpu.vector_load %arg13[%swap3A_255, %swap3A_256] {strides = array<i32>} : memref<128x64xf32, #tpu.memory_space<vmem>>, vector<1x16xf32>,
        %swap3A_258 = vector.shape_cast %swap3A_257 : vector<1x16xf32> to vector<16xf32>
        %swap3A_259 = vector.shape_cast %mul3A_254 : vector<16xf32> to vector<1x16xf32>
        tpu.vector_store %arg13[%swap3A_255, %swap3A_256], %swap3A_259 {strides = array<i32>} : memref<128x64xf32, #tpu.memory_space<vmem>>, vector<1x16xf32>,
        %get3A_260 = arith.index_cast %add3A_248 : i32 to index
        %get3A_261 = arith.constant 16 : index
        %get3A_262 = tpu.vector_load %arg13[%get3A_260, %get3A_261] {strides = array<i32>} : memref<128x64xf32, #tpu.memory_space<vmem>>, vector<1x16xf32>,
        %get3A_263 = vector.shape_cast %get3A_262 : vector<1x16xf32> to vector<16xf32>
        %mul3A_264 = vector.broadcast %squeeze3A_244 : f32 to vector<16xf32>
        %mul3A_265 = arith.mulf %get3A_263, %mul3A_264 : vector<16xf32>
        %swap3A_266 = arith.index_cast %add3A_248 : i32 to index
        %swap3A_267 = arith.constant 16 : index
        %swap3A_268 = tpu.vector_load %arg13[%swap3A_266, %swap3A_267] {strides = array<i32>} : memref<128x64xf32, #tpu.memory_space<vmem>>, vector<1x16xf32>,
        %swap3A_269 = vector.shape_cast %swap3A_268 : vector<1x16xf32> to vector<16xf32>
        %swap3A_270 = vector.shape_cast %mul3A_265 : vector<16xf32> to vector<1x16xf32>
        tpu.vector_store %arg13[%swap3A_266, %swap3A_267], %swap3A_270 {strides = array<i32>} : memref<128x64xf32, #tpu.memory_space<vmem>>, vector<1x16xf32>,
        %get3A_271 = arith.index_cast %add3A_248 : i32 to index
        %get3A_272 = arith.constant 32 : index
        %get3A_273 = tpu.vector_load %arg13[%get3A_271, %get3A_272] {strides = array<i32>} : memref<128x64xf32, #tpu.memory_space<vmem>>, vector<1x16xf32>,
        %get3A_274 = vector.shape_cast %get3A_273 : vector<1x16xf32> to vector<16xf32>
        %mul3A_275 = vector.broadcast %squeeze3A_244 : f32 to vector<16xf32>
        %mul3A_276 = arith.mulf %get3A_274, %mul3A_275 : vector<16xf32>
        %swap3A_277 = arith.index_cast %add3A_248 : i32 to index
        %swap3A_278 = arith.constant 32 : index
        %swap3A_279 = tpu.vector_load %arg13[%swap3A_277, %swap3A_278] {strides = array<i32>} : memref<128x64xf32, #tpu.memory_space<vmem>>, vector<1x16xf32>,
        %swap3A_280 = vector.shape_cast %swap3A_279 : vector<1x16xf32> to vector<16xf32>
        %swap3A_281 = vector.shape_cast %mul3A_276 : vector<16xf32> to vector<1x16xf32>
        tpu.vector_store %arg13[%swap3A_277, %swap3A_278], %swap3A_281 {strides = array<i32>} : memref<128x64xf32, #tpu.memory_space<vmem>>, vector<1x16xf32>,
        %get3A_282 = arith.index_cast %add3A_248 : i32 to index
        %get3A_283 = arith.constant 48 : index
        %get3A_284 = tpu.vector_load %arg13[%get3A_282, %get3A_283] {strides = array<i32>} : memref<128x64xf32, #tpu.memory_space<vmem>>, vector<1x16xf32>,
        %get3A_285 = vector.shape_cast %get3A_284 : vector<1x16xf32> to vector<16xf32>
        %mul3A_286 = vector.broadcast %squeeze3A_244 : f32 to vector<16xf32>
        %mul3A_287 = arith.mulf %get3A_285, %mul3A_286 : vector<16xf32>
        %swap3A_288 = arith.index_cast %add3A_248 : i32 to index
        %swap3A_289 = arith.constant 48 : index
        %swap3A_290 = tpu.vector_load %arg13[%swap3A_288, %swap3A_289] {strides = array<i32>} : memref<128x64xf32, #tpu.memory_space<vmem>>, vector<1x16xf32>,
        %swap3A_291 = vector.shape_cast %swap3A_290 : vector<1x16xf32> to vector<16xf32>
        %swap3A_292 = vector.shape_cast %mul3A_287 : vector<16xf32> to vector<1x16xf32>
        tpu.vector_store %arg13[%swap3A_288, %swap3A_289], %swap3A_292 {strides = array<i32>} : memref<128x64xf32, #tpu.memory_space<vmem>>, vector<1x16xf32>,
        %slice3A_293 = vector.extract_strided_slice %get3A_94 {offsets = [4], sizes = [1], strides = [1]} : vector<16xf32> to vector<1xf32>
        %squeeze3A_294 = vector.extract %slice3A_293[0] : f32 from vector<1xf32>
        %mul3A_295 = arith.constant 16 : i32
        %mul3A_296 = arith.muli %scan3A_88, %mul3A_295 : i32
        %add3A_297 = arith.constant 4 : i32
        %add3A_298 = arith.addi %mul3A_296, %add3A_297 : i32
        %get3A_299 = arith.index_cast %add3A_298 : i32 to index
        %get3A_300 = arith.constant 0 : index
        %get3A_301 = tpu.vector_load %arg13[%get3A_299, %get3A_300] {strides = array<i32>} : memref<128x64xf32, #tpu.memory_space<vmem>>, vector<1x16xf32>,
        %get3A_302 = vector.shape_cast %get3A_301 : vector<1x16xf32> to vector<16xf32>
        %mul3A_303 = vector.broadcast %squeeze3A_294 : f32 to vector<16xf32>
        %mul3A_304 = arith.mulf %get3A_302, %mul3A_303 : vector<16xf32>
        %swap3A_305 = arith.index_cast %add3A_298 : i32 to index
        %swap3A_306 = arith.constant 0 : index
        %swap3A_307 = tpu.vector_load %arg13[%swap3A_305, %swap3A_306] {strides = array<i32>} : memref<128x64xf32, #tpu.memory_space<vmem>>, vector<1x16xf32>,
        %swap3A_308 = vector.shape_cast %swap3A_307 : vector<1x16xf32> to vector<16xf32>
        %swap3A_309 = vector.shape_cast %mul3A_304 : vector<16xf32> to vector<1x16xf32>
        tpu.vector_store %arg13[%swap3A_305, %swap3A_306], %swap3A_309 {strides = array<i32>} : memref<128x64xf32, #tpu.memory_space<vmem>>, vector<1x16xf32>,
        %get3A_310 = arith.index_cast %add3A_298 : i32 to index
        %get3A_311 = arith.constant 16 : index
        %get3A_312 = tpu.vector_load %arg13[%get3A_310, %get3A_311] {strides = array<i32>} : memref<128x64xf32, #tpu.memory_space<vmem>>, vector<1x16xf32>,
        %get3A_313 = vector.shape_cast %get3A_312 : vector<1x16xf32> to vector<16xf32>
        %mul3A_314 = vector.broadcast %squeeze3A_294 : f32 to vector<16xf32>
        %mul3A_315 = arith.mulf %get3A_313, %mul3A_314 : vector<16xf32>
        %swap3A_316 = arith.index_cast %add3A_298 : i32 to index
        %swap3A_317 = arith.constant 16 : index
        %swap3A_318 = tpu.vector_load %arg13[%swap3A_316, %swap3A_317] {strides = array<i32>} : memref<128x64xf32, #tpu.memory_space<vmem>>, vector<1x16xf32>,
        %swap3A_319 = vector.shape_cast %swap3A_318 : vector<1x16xf32> to vector<16xf32>
        %swap3A_320 = vector.shape_cast %mul3A_315 : vector<16xf32> to vector<1x16xf32>
        tpu.vector_store %arg13[%swap3A_316, %swap3A_317], %swap3A_320 {strides = array<i32>} : memref<128x64xf32, #tpu.memory_space<vmem>>, vector<1x16xf32>,
        %get3A_321 = arith.index_cast %add3A_298 : i32 to index
        %get3A_322 = arith.constant 32 : index
        %get3A_323 = tpu.vector_load %arg13[%get3A_321, %get3A_322] {strides = array<i32>} : memref<128x64xf32, #tpu.memory_space<vmem>>, vector<1x16xf32>,
        %get3A_324 = vector.shape_cast %get3A_323 : vector<1x16xf32> to vector<16xf32>
        %mul3A_325 = vector.broadcast %squeeze3A_294 : f32 to vector<16xf32>
        %mul3A_326 = arith.mulf %get3A_324, %mul3A_325 : vector<16xf32>
        %swap3A_327 = arith.index_cast %add3A_298 : i32 to index
        %swap3A_328 = arith.constant 32 : index
        %swap3A_329 = tpu.vector_load %arg13[%swap3A_327, %swap3A_328] {strides = array<i32>} : memref<128x64xf32, #tpu.memory_space<vmem>>, vector<1x16xf32>,
        %swap3A_330 = vector.shape_cast %swap3A_329 : vector<1x16xf32> to vector<16xf32>
        %swap3A_331 = vector.shape_cast %mul3A_326 : vector<16xf32> to vector<1x16xf32>
        tpu.vector_store %arg13[%swap3A_327, %swap3A_328], %swap3A_331 {strides = array<i32>} : memref<128x64xf32, #tpu.memory_space<vmem>>, vector<1x16xf32>,
        %get3A_332 = arith.index_cast %add3A_298 : i32 to index
        %get3A_333 = arith.constant 48 : index
        %get3A_334 = tpu.vector_load %arg13[%get3A_332, %get3A_333] {strides = array<i32>} : memref<128x64xf32, #tpu.memory_space<vmem>>, vector<1x16xf32>,
        %get3A_335 = vector.shape_cast %get3A_334 : vector<1x16xf32> to vector<16xf32>
        %mul3A_336 = vector.broadcast %squeeze3A_294 : f32 to vector<16xf32>
        %mul3A_337 = arith.mulf %get3A_335, %mul3A_336 : vector<16xf32>
        %swap3A_338 = arith.index_cast %add3A_298 : i32 to index
        %swap3A_339 = arith.constant 48 : index
        %swap3A_340 = tpu.vector_load %arg13[%swap3A_338, %swap3A_339] {strides = array<i32>} : memref<128x64xf32, #tpu.memory_space<vmem>>, vector<1x16xf32>,
        %swap3A_341 = vector.shape_cast %swap3A_340 : vector<1x16xf32> to vector<16xf32>
        %swap3A_342 = vector.shape_cast %mul3A_337 : vector<16xf32> to vector<1x16xf32>
        tpu.vector_store %arg13[%swap3A_338, %swap3A_339], %swap3A_342 {strides = array<i32>} : memref<128x64xf32, #tpu.memory_space<vmem>>, vector<1x16xf32>,
        %slice3A_343 = vector.extract_strided_slice %get3A_94 {offsets = [5], sizes = [1], strides = [1]} : vector<16xf32> to vector<1xf32>
        %squeeze3A_344 = vector.extract %slice3A_343[0] : f32 from vector<1xf32>
        %mul3A_345 = arith.constant 16 : i32
        %mul3A_346 = arith.muli %scan3A_88, %mul3A_345 : i32
        %add3A_347 = arith.constant 5 : i32
        %add3A_348 = arith.addi %mul3A_346, %add3A_347 : i32
        %get3A_349 = arith.index_cast %add3A_348 : i32 to index
        %get3A_350 = arith.constant 0 : index
        %get3A_351 = tpu.vector_load %arg13[%get3A_349, %get3A_350] {strides = array<i32>} : memref<128x64xf32, #tpu.memory_space<vmem>>, vector<1x16xf32>,
        %get3A_352 = vector.shape_cast %get3A_351 : vector<1x16xf32> to vector<16xf32>
        %mul3A_353 = vector.broadcast %squeeze3A_344 : f32 to vector<16xf32>
        %mul3A_354 = arith.mulf %get3A_352, %mul3A_353 : vector<16xf32>
        %swap3A_355 = arith.index_cast %add3A_348 : i32 to index
        %swap3A_356 = arith.constant 0 : index
        %swap3A_357 = tpu.vector_load %arg13[%swap3A_355, %swap3A_356] {strides = array<i32>} : memref<128x64xf32, #tpu.memory_space<vmem>>, vector<1x16xf32>,
        %swap3A_358 = vector.shape_cast %swap3A_357 : vector<1x16xf32> to vector<16xf32>
        %swap3A_359 = vector.shape_cast %mul3A_354 : vector<16xf32> to vector<1x16xf32>
        tpu.vector_store %arg13[%swap3A_355, %swap3A_356], %swap3A_359 {strides = array<i32>} : memref<128x64xf32, #tpu.memory_space<vmem>>, vector<1x16xf32>,
        %get3A_360 = arith.index_cast %add3A_348 : i32 to index
        %get3A_361 = arith.constant 16 : index
        %get3A_362 = tpu.vector_load %arg13[%get3A_360, %get3A_361] {strides = array<i32>} : memref<128x64xf32, #tpu.memory_space<vmem>>, vector<1x16xf32>,
        %get3A_363 = vector.shape_cast %get3A_362 : vector<1x16xf32> to vector<16xf32>
        %mul3A_364 = vector.broadcast %squeeze3A_344 : f32 to vector<16xf32>
        %mul3A_365 = arith.mulf %get3A_363, %mul3A_364 : vector<16xf32>
        %swap3A_366 = arith.index_cast %add3A_348 : i32 to index
        %swap3A_367 = arith.constant 16 : index
        %swap3A_368 = tpu.vector_load %arg13[%swap3A_366, %swap3A_367] {strides = array<i32>} : memref<128x64xf32, #tpu.memory_space<vmem>>, vector<1x16xf32>,
        %swap3A_369 = vector.shape_cast %swap3A_368 : vector<1x16xf32> to vector<16xf32>
        %swap3A_370 = vector.shape_cast %mul3A_365 : vector<16xf32> to vector<1x16xf32>
        tpu.vector_store %arg13[%swap3A_366, %swap3A_367], %swap3A_370 {strides = array<i32>} : memref<128x64xf32, #tpu.memory_space<vmem>>, vector<1x16xf32>,
        %get3A_371 = arith.index_cast %add3A_348 : i32 to index
        %get3A_372 = arith.constant 32 : index
        %get3A_373 = tpu.vector_load %arg13[%get3A_371, %get3A_372] {strides = array<i32>} : memref<128x64xf32, #tpu.memory_space<vmem>>, vector<1x16xf32>,
        %get3A_374 = vector.shape_cast %get3A_373 : vector<1x16xf32> to vector<16xf32>
        %mul3A_375 = vector.broadcast %squeeze3A_344 : f32 to vector<16xf32>
        %mul3A_376 = arith.mulf %get3A_374, %mul3A_375 : vector<16xf32>
        %swap3A_377 = arith.index_cast %add3A_348 : i32 to index
        %swap3A_378 = arith.constant 32 : index
        %swap3A_379 = tpu.vector_load %arg13[%swap3A_377, %swap3A_378] {strides = array<i32>} : memref<128x64xf32, #tpu.memory_space<vmem>>, vector<1x16xf32>,
        %swap3A_380 = vector.shape_cast %swap3A_379 : vector<1x16xf32> to vector<16xf32>
        %swap3A_381 = vector.shape_cast %mul3A_376 : vector<16xf32> to vector<1x16xf32>
        tpu.vector_store %arg13[%swap3A_377, %swap3A_378], %swap3A_381 {strides = array<i32>} : memref<128x64xf32, #tpu.memory_space<vmem>>, vector<1x16xf32>,
        %get3A_382 = arith.index_cast %add3A_348 : i32 to index
        %get3A_383 = arith.constant 48 : index
        %get3A_384 = tpu.vector_load %arg13[%get3A_382, %get3A_383] {strides = array<i32>} : memref<128x64xf32, #tpu.memory_space<vmem>>, vector<1x16xf32>,
        %get3A_385 = vector.shape_cast %get3A_384 : vector<1x16xf32> to vector<16xf32>
        %mul3A_386 = vector.broadcast %squeeze3A_344 : f32 to vector<16xf32>
        %mul3A_387 = arith.mulf %get3A_385, %mul3A_386 : vector<16xf32>
        %swap3A_388 = arith.index_cast %add3A_348 : i32 to index
        %swap3A_389 = arith.constant 48 : index
        %swap3A_390 = tpu.vector_load %arg13[%swap3A_388, %swap3A_389] {strides = array<i32>} : memref<128x64xf32, #tpu.memory_space<vmem>>, vector<1x16xf32>,
        %swap3A_391 = vector.shape_cast %swap3A_390 : vector<1x16xf32> to vector<16xf32>
        %swap3A_392 = vector.shape_cast %mul3A_387 : vector<16xf32> to vector<1x16xf32>
        tpu.vector_store %arg13[%swap3A_388, %swap3A_389], %swap3A_392 {strides = array<i32>} : memref<128x64xf32, #tpu.memory_space<vmem>>, vector<1x16xf32>,
        %slice3A_393 = vector.extract_strided_slice %get3A_94 {offsets = [6], sizes = [1], strides = [1]} : vector<16xf32> to vector<1xf32>
        %squeeze3A_394 = vector.extract %slice3A_393[0] : f32 from vector<1xf32>
        %mul3A_395 = arith.constant 16 : i32
        %mul3A_396 = arith.muli %scan3A_88, %mul3A_395 : i32
        %add3A_397 = arith.constant 6 : i32
        %add3A_398 = arith.addi %mul3A_396, %add3A_397 : i32
        %get3A_399 = arith.index_cast %add3A_398 : i32 to index
        %get3A_400 = arith.constant 0 : index
        %get3A_401 = tpu.vector_load %arg13[%get3A_399, %get3A_400] {strides = array<i32>} : memref<128x64xf32, #tpu.memory_space<vmem>>, vector<1x16xf32>,
        %get3A_402 = vector.shape_cast %get3A_401 : vector<1x16xf32> to vector<16xf32>
        %mul3A_403 = vector.broadcast %squeeze3A_394 : f32 to vector<16xf32>
        %mul3A_404 = arith.mulf %get3A_402, %mul3A_403 : vector<16xf32>
        %swap3A_405 = arith.index_cast %add3A_398 : i32 to index
        %swap3A_406 = arith.constant 0 : index
        %swap3A_407 = tpu.vector_load %arg13[%swap3A_405, %swap3A_406] {strides = array<i32>} : memref<128x64xf32, #tpu.memory_space<vmem>>, vector<1x16xf32>,
        %swap3A_408 = vector.shape_cast %swap3A_407 : vector<1x16xf32> to vector<16xf32>
        %swap3A_409 = vector.shape_cast %mul3A_404 : vector<16xf32> to vector<1x16xf32>
        tpu.vector_store %arg13[%swap3A_405, %swap3A_406], %swap3A_409 {strides = array<i32>} : memref<128x64xf32, #tpu.memory_space<vmem>>, vector<1x16xf32>,
        %get3A_410 = arith.index_cast %add3A_398 : i32 to index
        %get3A_411 = arith.constant 16 : index
        %get3A_412 = tpu.vector_load %arg13[%get3A_410, %get3A_411] {strides = array<i32>} : memref<128x64xf32, #tpu.memory_space<vmem>>, vector<1x16xf32>,
        %get3A_413 = vector.shape_cast %get3A_412 : vector<1x16xf32> to vector<16xf32>
        %mul3A_414 = vector.broadcast %squeeze3A_394 : f32 to vector<16xf32>
        %mul3A_415 = arith.mulf %get3A_413, %mul3A_414 : vector<16xf32>
        %swap3A_416 = arith.index_cast %add3A_398 : i32 to index
        %swap3A_417 = arith.constant 16 : index
        %swap3A_418 = tpu.vector_load %arg13[%swap3A_416, %swap3A_417] {strides = array<i32>} : memref<128x64xf32, #tpu.memory_space<vmem>>, vector<1x16xf32>,
        %swap3A_419 = vector.shape_cast %swap3A_418 : vector<1x16xf32> to vector<16xf32>
        %swap3A_420 = vector.shape_cast %mul3A_415 : vector<16xf32> to vector<1x16xf32>
        tpu.vector_store %arg13[%swap3A_416, %swap3A_417], %swap3A_420 {strides = array<i32>} : memref<128x64xf32, #tpu.memory_space<vmem>>, vector<1x16xf32>,
        %get3A_421 = arith.index_cast %add3A_398 : i32 to index
        %get3A_422 = arith.constant 32 : index
        %get3A_423 = tpu.vector_load %arg13[%get3A_421, %get3A_422] {strides = array<i32>} : memref<128x64xf32, #tpu.memory_space<vmem>>, vector<1x16xf32>,
        %get3A_424 = vector.shape_cast %get3A_423 : vector<1x16xf32> to vector<16xf32>
        %mul3A_425 = vector.broadcast %squeeze3A_394 : f32 to vector<16xf32>
        %mul3A_426 = arith.mulf %get3A_424, %mul3A_425 : vector<16xf32>
        %swap3A_427 = arith.index_cast %add3A_398 : i32 to index
        %swap3A_428 = arith.constant 32 : index
        %swap3A_429 = tpu.vector_load %arg13[%swap3A_427, %swap3A_428] {strides = array<i32>} : memref<128x64xf32, #tpu.memory_space<vmem>>, vector<1x16xf32>,
        %swap3A_430 = vector.shape_cast %swap3A_429 : vector<1x16xf32> to vector<16xf32>
        %swap3A_431 = vector.shape_cast %mul3A_426 : vector<16xf32> to vector<1x16xf32>
        tpu.vector_store %arg13[%swap3A_427, %swap3A_428], %swap3A_431 {strides = array<i32>} : memref<128x64xf32, #tpu.memory_space<vmem>>, vector<1x16xf32>,
        %get3A_432 = arith.index_cast %add3A_398 : i32 to index
        %get3A_433 = arith.constant 48 : index
        %get3A_434 = tpu.vector_load %arg13[%get3A_432, %get3A_433] {strides = array<i32>} : memref<128x64xf32, #tpu.memory_space<vmem>>, vector<1x16xf32>,
        %get3A_435 = vector.shape_cast %get3A_434 : vector<1x16xf32> to vector<16xf32>
        %mul3A_436 = vector.broadcast %squeeze3A_394 : f32 to vector<16xf32>
        %mul3A_437 = arith.mulf %get3A_435, %mul3A_436 : vector<16xf32>
        %swap3A_438 = arith.index_cast %add3A_398 : i32 to index
        %swap3A_439 = arith.constant 48 : index
        %swap3A_440 = tpu.vector_load %arg13[%swap3A_438, %swap3A_439] {strides = array<i32>} : memref<128x64xf32, #tpu.memory_space<vmem>>, vector<1x16xf32>,
        %swap3A_441 = vector.shape_cast %swap3A_440 : vector<1x16xf32> to vector<16xf32>
        %swap3A_442 = vector.shape_cast %mul3A_437 : vector<16xf32> to vector<1x16xf32>
        tpu.vector_store %arg13[%swap3A_438, %swap3A_439], %swap3A_442 {strides = array<i32>} : memref<128x64xf32, #tpu.memory_space<vmem>>, vector<1x16xf32>,
        %slice3A_443 = vector.extract_strided_slice %get3A_94 {offsets = [7], sizes = [1], strides = [1]} : vector<16xf32> to vector<1xf32>
        %squeeze3A_444 = vector.extract %slice3A_443[0] : f32 from vector<1xf32>
        %mul3A_445 = arith.constant 16 : i32
        %mul3A_446 = arith.muli %scan3A_88, %mul3A_445 : i32
        %add3A_447 = arith.constant 7 : i32
        %add3A_448 = arith.addi %mul3A_446, %add3A_447 : i32
        %get3A_449 = arith.index_cast %add3A_448 : i32 to index
        %get3A_450 = arith.constant 0 : index
        %get3A_451 = tpu.vector_load %arg13[%get3A_449, %get3A_450] {strides = array<i32>} : memref<128x64xf32, #tpu.memory_space<vmem>>, vector<1x16xf32>,
        %get3A_452 = vector.shape_cast %get3A_451 : vector<1x16xf32> to vector<16xf32>
        %mul3A_453 = vector.broadcast %squeeze3A_444 : f32 to vector<16xf32>
        %mul3A_454 = arith.mulf %get3A_452, %mul3A_453 : vector<16xf32>
        %swap3A_455 = arith.index_cast %add3A_448 : i32 to index
        %swap3A_456 = arith.constant 0 : index
        %swap3A_457 = tpu.vector_load %arg13[%swap3A_455, %swap3A_456] {strides = array<i32>} : memref<128x64xf32, #tpu.memory_space<vmem>>, vector<1x16xf32>,
        %swap3A_458 = vector.shape_cast %swap3A_457 : vector<1x16xf32> to vector<16xf32>
        %swap3A_459 = vector.shape_cast %mul3A_454 : vector<16xf32> to vector<1x16xf32>
        tpu.vector_store %arg13[%swap3A_455, %swap3A_456], %swap3A_459 {strides = array<i32>} : memref<128x64xf32, #tpu.memory_space<vmem>>, vector<1x16xf32>,
        %get3A_460 = arith.index_cast %add3A_448 : i32 to index
        %get3A_461 = arith.constant 16 : index
        %get3A_462 = tpu.vector_load %arg13[%get3A_460, %get3A_461] {strides = array<i32>} : memref<128x64xf32, #tpu.memory_space<vmem>>, vector<1x16xf32>,
        %get3A_463 = vector.shape_cast %get3A_462 : vector<1x16xf32> to vector<16xf32>
        %mul3A_464 = vector.broadcast %squeeze3A_444 : f32 to vector<16xf32>
        %mul3A_465 = arith.mulf %get3A_463, %mul3A_464 : vector<16xf32>
        %swap3A_466 = arith.index_cast %add3A_448 : i32 to index
        %swap3A_467 = arith.constant 16 : index
        %swap3A_468 = tpu.vector_load %arg13[%swap3A_466, %swap3A_467] {strides = array<i32>} : memref<128x64xf32, #tpu.memory_space<vmem>>, vector<1x16xf32>,
        %swap3A_469 = vector.shape_cast %swap3A_468 : vector<1x16xf32> to vector<16xf32>
        %swap3A_470 = vector.shape_cast %mul3A_465 : vector<16xf32> to vector<1x16xf32>
        tpu.vector_store %arg13[%swap3A_466, %swap3A_467], %swap3A_470 {strides = array<i32>} : memref<128x64xf32, #tpu.memory_space<vmem>>, vector<1x16xf32>,
        %get3A_471 = arith.index_cast %add3A_448 : i32 to index
        %get3A_472 = arith.constant 32 : index
        %get3A_473 = tpu.vector_load %arg13[%get3A_471, %get3A_472] {strides = array<i32>} : memref<128x64xf32, #tpu.memory_space<vmem>>, vector<1x16xf32>,
        %get3A_474 = vector.shape_cast %get3A_473 : vector<1x16xf32> to vector<16xf32>
        %mul3A_475 = vector.broadcast %squeeze3A_444 : f32 to vector<16xf32>
        %mul3A_476 = arith.mulf %get3A_474, %mul3A_475 : vector<16xf32>
        %swap3A_477 = arith.index_cast %add3A_448 : i32 to index
        %swap3A_478 = arith.constant 32 : index
        %swap3A_479 = tpu.vector_load %arg13[%swap3A_477, %swap3A_478] {strides = array<i32>} : memref<128x64xf32, #tpu.memory_space<vmem>>, vector<1x16xf32>,
        %swap3A_480 = vector.shape_cast %swap3A_479 : vector<1x16xf32> to vector<16xf32>
        %swap3A_481 = vector.shape_cast %mul3A_476 : vector<16xf32> to vector<1x16xf32>
        tpu.vector_store %arg13[%swap3A_477, %swap3A_478], %swap3A_481 {strides = array<i32>} : memref<128x64xf32, #tpu.memory_space<vmem>>, vector<1x16xf32>,
        %get3A_482 = arith.index_cast %add3A_448 : i32 to index
        %get3A_483 = arith.constant 48 : index
        %get3A_484 = tpu.vector_load %arg13[%get3A_482, %get3A_483] {strides = array<i32>} : memref<128x64xf32, #tpu.memory_space<vmem>>, vector<1x16xf32>,
        %get3A_485 = vector.shape_cast %get3A_484 : vector<1x16xf32> to vector<16xf32>
        %mul3A_486 = vector.broadcast %squeeze3A_444 : f32 to vector<16xf32>
        %mul3A_487 = arith.mulf %get3A_485, %mul3A_486 : vector<16xf32>
        %swap3A_488 = arith.index_cast %add3A_448 : i32 to index
        %swap3A_489 = arith.constant 48 : index
        %swap3A_490 = tpu.vector_load %arg13[%swap3A_488, %swap3A_489] {strides = array<i32>} : memref<128x64xf32, #tpu.memory_space<vmem>>, vector<1x16xf32>,
        %swap3A_491 = vector.shape_cast %swap3A_490 : vector<1x16xf32> to vector<16xf32>
        %swap3A_492 = vector.shape_cast %mul3A_487 : vector<16xf32> to vector<1x16xf32>
        tpu.vector_store %arg13[%swap3A_488, %swap3A_489], %swap3A_492 {strides = array<i32>} : memref<128x64xf32, #tpu.memory_space<vmem>>, vector<1x16xf32>,
        %slice3A_493 = vector.extract_strided_slice %get3A_94 {offsets = [8], sizes = [1], strides = [1]} : vector<16xf32> to vector<1xf32>
        %squeeze3A_494 = vector.extract %slice3A_493[0] : f32 from vector<1xf32>
        %mul3A_495 = arith.constant 16 : i32
        %mul3A_496 = arith.muli %scan3A_88, %mul3A_495 : i32
        %add3A_497 = arith.constant 8 : i32
        %add3A_498 = arith.addi %mul3A_496, %add3A_497 : i32
        %get3A_499 = arith.index_cast %add3A_498 : i32 to index
        %get3A_500 = arith.constant 0 : index
        %get3A_501 = tpu.vector_load %arg13[%get3A_499, %get3A_500] {strides = array<i32>} : memref<128x64xf32, #tpu.memory_space<vmem>>, vector<1x16xf32>,
        %get3A_502 = vector.shape_cast %get3A_501 : vector<1x16xf32> to vector<16xf32>
        %mul3A_503 = vector.broadcast %squeeze3A_494 : f32 to vector<16xf32>
        %mul3A_504 = arith.mulf %get3A_502, %mul3A_503 : vector<16xf32>
        %swap3A_505 = arith.index_cast %add3A_498 : i32 to index
        %swap3A_506 = arith.constant 0 : index
        %swap3A_507 = tpu.vector_load %arg13[%swap3A_505, %swap3A_506] {strides = array<i32>} : memref<128x64xf32, #tpu.memory_space<vmem>>, vector<1x16xf32>,
        %swap3A_508 = vector.shape_cast %swap3A_507 : vector<1x16xf32> to vector<16xf32>
        %swap3A_509 = vector.shape_cast %mul3A_504 : vector<16xf32> to vector<1x16xf32>
        tpu.vector_store %arg13[%swap3A_505, %swap3A_506], %swap3A_509 {strides = array<i32>} : memref<128x64xf32, #tpu.memory_space<vmem>>, vector<1x16xf32>,
        %get3A_510 = arith.index_cast %add3A_498 : i32 to index
        %get3A_511 = arith.constant 16 : index
        %get3A_512 = tpu.vector_load %arg13[%get3A_510, %get3A_511] {strides = array<i32>} : memref<128x64xf32, #tpu.memory_space<vmem>>, vector<1x16xf32>,
        %get3A_513 = vector.shape_cast %get3A_512 : vector<1x16xf32> to vector<16xf32>
        %mul3A_514 = vector.broadcast %squeeze3A_494 : f32 to vector<16xf32>
        %mul3A_515 = arith.mulf %get3A_513, %mul3A_514 : vector<16xf32>
        %swap3A_516 = arith.index_cast %add3A_498 : i32 to index
        %swap3A_517 = arith.constant 16 : index
        %swap3A_518 = tpu.vector_load %arg13[%swap3A_516, %swap3A_517] {strides = array<i32>} : memref<128x64xf32, #tpu.memory_space<vmem>>, vector<1x16xf32>,
        %swap3A_519 = vector.shape_cast %swap3A_518 : vector<1x16xf32> to vector<16xf32>
        %swap3A_520 = vector.shape_cast %mul3A_515 : vector<16xf32> to vector<1x16xf32>
        tpu.vector_store %arg13[%swap3A_516, %swap3A_517], %swap3A_520 {strides = array<i32>} : memref<128x64xf32, #tpu.memory_space<vmem>>, vector<1x16xf32>,
        %get3A_521 = arith.index_cast %add3A_498 : i32 to index
        %get3A_522 = arith.constant 32 : index
        %get3A_523 = tpu.vector_load %arg13[%get3A_521, %get3A_522] {strides = array<i32>} : memref<128x64xf32, #tpu.memory_space<vmem>>, vector<1x16xf32>,
        %get3A_524 = vector.shape_cast %get3A_523 : vector<1x16xf32> to vector<16xf32>
        %mul3A_525 = vector.broadcast %squeeze3A_494 : f32 to vector<16xf32>
        %mul3A_526 = arith.mulf %get3A_524, %mul3A_525 : vector<16xf32>
        %swap3A_527 = arith.index_cast %add3A_498 : i32 to index
        %swap3A_528 = arith.constant 32 : index
        %swap3A_529 = tpu.vector_load %arg13[%swap3A_527, %swap3A_528] {strides = array<i32>} : memref<128x64xf32, #tpu.memory_space<vmem>>, vector<1x16xf32>,
        %swap3A_530 = vector.shape_cast %swap3A_529 : vector<1x16xf32> to vector<16xf32>
        %swap3A_531 = vector.shape_cast %mul3A_526 : vector<16xf32> to vector<1x16xf32>
        tpu.vector_store %arg13[%swap3A_527, %swap3A_528], %swap3A_531 {strides = array<i32>} : memref<128x64xf32, #tpu.memory_space<vmem>>, vector<1x16xf32>,
        %get3A_532 = arith.index_cast %add3A_498 : i32 to index
        %get3A_533 = arith.constant 48 : index
        %get3A_534 = tpu.vector_load %arg13[%get3A_532, %get3A_533] {strides = array<i32>} : memref<128x64xf32, #tpu.memory_space<vmem>>, vector<1x16xf32>,
        %get3A_535 = vector.shape_cast %get3A_534 : vector<1x16xf32> to vector<16xf32>
        %mul3A_536 = vector.broadcast %squeeze3A_494 : f32 to vector<16xf32>
        %mul3A_537 = arith.mulf %get3A_535, %mul3A_536 : vector<16xf32>
        %swap3A_538 = arith.index_cast %add3A_498 : i32 to index
        %swap3A_539 = arith.constant 48 : index
        %swap3A_540 = tpu.vector_load %arg13[%swap3A_538, %swap3A_539] {strides = array<i32>} : memref<128x64xf32, #tpu.memory_space<vmem>>, vector<1x16xf32>,
        %swap3A_541 = vector.shape_cast %swap3A_540 : vector<1x16xf32> to vector<16xf32>
        %swap3A_542 = vector.shape_cast %mul3A_537 : vector<16xf32> to vector<1x16xf32>
        tpu.vector_store %arg13[%swap3A_538, %swap3A_539], %swap3A_542 {strides = array<i32>} : memref<128x64xf32, #tpu.memory_space<vmem>>, vector<1x16xf32>,
        %slice3A_543 = vector.extract_strided_slice %get3A_94 {offsets = [9], sizes = [1], strides = [1]} : vector<16xf32> to vector<1xf32>
        %squeeze3A_544 = vector.extract %slice3A_543[0] : f32 from vector<1xf32>
        %mul3A_545 = arith.constant 16 : i32
        %mul3A_546 = arith.muli %scan3A_88, %mul3A_545 : i32
        %add3A_547 = arith.constant 9 : i32
        %add3A_548 = arith.addi %mul3A_546, %add3A_547 : i32
        %get3A_549 = arith.index_cast %add3A_548 : i32 to index
        %get3A_550 = arith.constant 0 : index
        %get3A_551 = tpu.vector_load %arg13[%get3A_549, %get3A_550] {strides = array<i32>} : memref<128x64xf32, #tpu.memory_space<vmem>>, vector<1x16xf32>,
        %get3A_552 = vector.shape_cast %get3A_551 : vector<1x16xf32> to vector<16xf32>
        %mul3A_553 = vector.broadcast %squeeze3A_544 : f32 to vector<16xf32>
        %mul3A_554 = arith.mulf %get3A_552, %mul3A_553 : vector<16xf32>
        %swap3A_555 = arith.index_cast %add3A_548 : i32 to index
        %swap3A_556 = arith.constant 0 : index
        %swap3A_557 = tpu.vector_load %arg13[%swap3A_555, %swap3A_556] {strides = array<i32>} : memref<128x64xf32, #tpu.memory_space<vmem>>, vector<1x16xf32>,
        %swap3A_558 = vector.shape_cast %swap3A_557 : vector<1x16xf32> to vector<16xf32>
        %swap3A_559 = vector.shape_cast %mul3A_554 : vector<16xf32> to vector<1x16xf32>
        tpu.vector_store %arg13[%swap3A_555, %swap3A_556], %swap3A_559 {strides = array<i32>} : memref<128x64xf32, #tpu.memory_space<vmem>>, vector<1x16xf32>,
        %get3A_560 = arith.index_cast %add3A_548 : i32 to index
        %get3A_561 = arith.constant 16 : index
        %get3A_562 = tpu.vector_load %arg13[%get3A_560, %get3A_561] {strides = array<i32>} : memref<128x64xf32, #tpu.memory_space<vmem>>, vector<1x16xf32>,
        %get3A_563 = vector.shape_cast %get3A_562 : vector<1x16xf32> to vector<16xf32>
        %mul3A_564 = vector.broadcast %squeeze3A_544 : f32 to vector<16xf32>
        %mul3A_565 = arith.mulf %get3A_563, %mul3A_564 : vector<16xf32>
        %swap3A_566 = arith.index_cast %add3A_548 : i32 to index
        %swap3A_567 = arith.constant 16 : index
        %swap3A_568 = tpu.vector_load %arg13[%swap3A_566, %swap3A_567] {strides = array<i32>} : memref<128x64xf32, #tpu.memory_space<vmem>>, vector<1x16xf32>,
        %swap3A_569 = vector.shape_cast %swap3A_568 : vector<1x16xf32> to vector<16xf32>
        %swap3A_570 = vector.shape_cast %mul3A_565 : vector<16xf32> to vector<1x16xf32>
        tpu.vector_store %arg13[%swap3A_566, %swap3A_567], %swap3A_570 {strides = array<i32>} : memref<128x64xf32, #tpu.memory_space<vmem>>, vector<1x16xf32>,
        %get3A_571 = arith.index_cast %add3A_548 : i32 to index
        %get3A_572 = arith.constant 32 : index
        %get3A_573 = tpu.vector_load %arg13[%get3A_571, %get3A_572] {strides = array<i32>} : memref<128x64xf32, #tpu.memory_space<vmem>>, vector<1x16xf32>,
        %get3A_574 = vector.shape_cast %get3A_573 : vector<1x16xf32> to vector<16xf32>
        %mul3A_575 = vector.broadcast %squeeze3A_544 : f32 to vector<16xf32>
        %mul3A_576 = arith.mulf %get3A_574, %mul3A_575 : vector<16xf32>
        %swap3A_577 = arith.index_cast %add3A_548 : i32 to index
        %swap3A_578 = arith.constant 32 : index
        %swap3A_579 = tpu.vector_load %arg13[%swap3A_577, %swap3A_578] {strides = array<i32>} : memref<128x64xf32, #tpu.memory_space<vmem>>, vector<1x16xf32>,
        %swap3A_580 = vector.shape_cast %swap3A_579 : vector<1x16xf32> to vector<16xf32>
        %swap3A_581 = vector.shape_cast %mul3A_576 : vector<16xf32> to vector<1x16xf32>
        tpu.vector_store %arg13[%swap3A_577, %swap3A_578], %swap3A_581 {strides = array<i32>} : memref<128x64xf32, #tpu.memory_space<vmem>>, vector<1x16xf32>,
        %get3A_582 = arith.index_cast %add3A_548 : i32 to index
        %get3A_583 = arith.constant 48 : index
        %get3A_584 = tpu.vector_load %arg13[%get3A_582, %get3A_583] {strides = array<i32>} : memref<128x64xf32, #tpu.memory_space<vmem>>, vector<1x16xf32>,
        %get3A_585 = vector.shape_cast %get3A_584 : vector<1x16xf32> to vector<16xf32>
        %mul3A_586 = vector.broadcast %squeeze3A_544 : f32 to vector<16xf32>
        %mul3A_587 = arith.mulf %get3A_585, %mul3A_586 : vector<16xf32>
        %swap3A_588 = arith.index_cast %add3A_548 : i32 to index
        %swap3A_589 = arith.constant 48 : index
        %swap3A_590 = tpu.vector_load %arg13[%swap3A_588, %swap3A_589] {strides = array<i32>} : memref<128x64xf32, #tpu.memory_space<vmem>>, vector<1x16xf32>,
        %swap3A_591 = vector.shape_cast %swap3A_590 : vector<1x16xf32> to vector<16xf32>
        %swap3A_592 = vector.shape_cast %mul3A_587 : vector<16xf32> to vector<1x16xf32>
        tpu.vector_store %arg13[%swap3A_588, %swap3A_589], %swap3A_592 {strides = array<i32>} : memref<128x64xf32, #tpu.memory_space<vmem>>, vector<1x16xf32>,
        %slice3A_593 = vector.extract_strided_slice %get3A_94 {offsets = [10], sizes = [1], strides = [1]} : vector<16xf32> to vector<1xf32>
        %squeeze3A_594 = vector.extract %slice3A_593[0] : f32 from vector<1xf32>
        %mul3A_595 = arith.constant 16 : i32
        %mul3A_596 = arith.muli %scan3A_88, %mul3A_595 : i32
        %add3A_597 = arith.constant 10 : i32
        %add3A_598 = arith.addi %mul3A_596, %add3A_597 : i32
        %get3A_599 = arith.index_cast %add3A_598 : i32 to index
        %get3A_600 = arith.constant 0 : index
        %get3A_601 = tpu.vector_load %arg13[%get3A_599, %get3A_600] {strides = array<i32>} : memref<128x64xf32, #tpu.memory_space<vmem>>, vector<1x16xf32>,
        %get3A_602 = vector.shape_cast %get3A_601 : vector<1x16xf32> to vector<16xf32>
        %mul3A_603 = vector.broadcast %squeeze3A_594 : f32 to vector<16xf32>
        %mul3A_604 = arith.mulf %get3A_602, %mul3A_603 : vector<16xf32>
        %swap3A_605 = arith.index_cast %add3A_598 : i32 to index
        %swap3A_606 = arith.constant 0 : index
        %swap3A_607 = tpu.vector_load %arg13[%swap3A_605, %swap3A_606] {strides = array<i32>} : memref<128x64xf32, #tpu.memory_space<vmem>>, vector<1x16xf32>,
        %swap3A_608 = vector.shape_cast %swap3A_607 : vector<1x16xf32> to vector<16xf32>
        %swap3A_609 = vector.shape_cast %mul3A_604 : vector<16xf32> to vector<1x16xf32>
        tpu.vector_store %arg13[%swap3A_605, %swap3A_606], %swap3A_609 {strides = array<i32>} : memref<128x64xf32, #tpu.memory_space<vmem>>, vector<1x16xf32>,
        %get3A_610 = arith.index_cast %add3A_598 : i32 to index
        %get3A_611 = arith.constant 16 : index
        %get3A_612 = tpu.vector_load %arg13[%get3A_610, %get3A_611] {strides = array<i32>} : memref<128x64xf32, #tpu.memory_space<vmem>>, vector<1x16xf32>,
        %get3A_613 = vector.shape_cast %get3A_612 : vector<1x16xf32> to vector<16xf32>
        %mul3A_614 = vector.broadcast %squeeze3A_594 : f32 to vector<16xf32>
        %mul3A_615 = arith.mulf %get3A_613, %mul3A_614 : vector<16xf32>
        %swap3A_616 = arith.index_cast %add3A_598 : i32 to index
        %swap3A_617 = arith.constant 16 : index
        %swap3A_618 = tpu.vector_load %arg13[%swap3A_616, %swap3A_617] {strides = array<i32>} : memref<128x64xf32, #tpu.memory_space<vmem>>, vector<1x16xf32>,
        %swap3A_619 = vector.shape_cast %swap3A_618 : vector<1x16xf32> to vector<16xf32>
        %swap3A_620 = vector.shape_cast %mul3A_615 : vector<16xf32> to vector<1x16xf32>
        tpu.vector_store %arg13[%swap3A_616, %swap3A_617], %swap3A_620 {strides = array<i32>} : memref<128x64xf32, #tpu.memory_space<vmem>>, vector<1x16xf32>,
        %get3A_621 = arith.index_cast %add3A_598 : i32 to index
        %get3A_622 = arith.constant 32 : index
        %get3A_623 = tpu.vector_load %arg13[%get3A_621, %get3A_622] {strides = array<i32>} : memref<128x64xf32, #tpu.memory_space<vmem>>, vector<1x16xf32>,
        %get3A_624 = vector.shape_cast %get3A_623 : vector<1x16xf32> to vector<16xf32>
        %mul3A_625 = vector.broadcast %squeeze3A_594 : f32 to vector<16xf32>
        %mul3A_626 = arith.mulf %get3A_624, %mul3A_625 : vector<16xf32>
        %swap3A_627 = arith.index_cast %add3A_598 : i32 to index
        %swap3A_628 = arith.constant 32 : index
        %swap3A_629 = tpu.vector_load %arg13[%swap3A_627, %swap3A_628] {strides = array<i32>} : memref<128x64xf32, #tpu.memory_space<vmem>>, vector<1x16xf32>,
        %swap3A_630 = vector.shape_cast %swap3A_629 : vector<1x16xf32> to vector<16xf32>
        %swap3A_631 = vector.shape_cast %mul3A_626 : vector<16xf32> to vector<1x16xf32>
        tpu.vector_store %arg13[%swap3A_627, %swap3A_628], %swap3A_631 {strides = array<i32>} : memref<128x64xf32, #tpu.memory_space<vmem>>, vector<1x16xf32>,
        %get3A_632 = arith.index_cast %add3A_598 : i32 to index
        %get3A_633 = arith.constant 48 : index
        %get3A_634 = tpu.vector_load %arg13[%get3A_632, %get3A_633] {strides = array<i32>} : memref<128x64xf32, #tpu.memory_space<vmem>>, vector<1x16xf32>,
        %get3A_635 = vector.shape_cast %get3A_634 : vector<1x16xf32> to vector<16xf32>
        %mul3A_636 = vector.broadcast %squeeze3A_594 : f32 to vector<16xf32>
        %mul3A_637 = arith.mulf %get3A_635, %mul3A_636 : vector<16xf32>
        %swap3A_638 = arith.index_cast %add3A_598 : i32 to index
        %swap3A_639 = arith.constant 48 : index
        %swap3A_640 = tpu.vector_load %arg13[%swap3A_638, %swap3A_639] {strides = array<i32>} : memref<128x64xf32, #tpu.memory_space<vmem>>, vector<1x16xf32>,
        %swap3A_641 = vector.shape_cast %swap3A_640 : vector<1x16xf32> to vector<16xf32>
        %swap3A_642 = vector.shape_cast %mul3A_637 : vector<16xf32> to vector<1x16xf32>
        tpu.vector_store %arg13[%swap3A_638, %swap3A_639], %swap3A_642 {strides = array<i32>} : memref<128x64xf32, #tpu.memory_space<vmem>>, vector<1x16xf32>,
        %slice3A_643 = vector.extract_strided_slice %get3A_94 {offsets = [11], sizes = [1], strides = [1]} : vector<16xf32> to vector<1xf32>
        %squeeze3A_644 = vector.extract %slice3A_643[0] : f32 from vector<1xf32>
        %mul3A_645 = arith.constant 16 : i32
        %mul3A_646 = arith.muli %scan3A_88, %mul3A_645 : i32
        %add3A_647 = arith.constant 11 : i32
        %add3A_648 = arith.addi %mul3A_646, %add3A_647 : i32
        %get3A_649 = arith.index_cast %add3A_648 : i32 to index
        %get3A_650 = arith.constant 0 : index
        %get3A_651 = tpu.vector_load %arg13[%get3A_649, %get3A_650] {strides = array<i32>} : memref<128x64xf32, #tpu.memory_space<vmem>>, vector<1x16xf32>,
        %get3A_652 = vector.shape_cast %get3A_651 : vector<1x16xf32> to vector<16xf32>
        %mul3A_653 = vector.broadcast %squeeze3A_644 : f32 to vector<16xf32>
        %mul3A_654 = arith.mulf %get3A_652, %mul3A_653 : vector<16xf32>
        %swap3A_655 = arith.index_cast %add3A_648 : i32 to index
        %swap3A_656 = arith.constant 0 : index
        %swap3A_657 = tpu.vector_load %arg13[%swap3A_655, %swap3A_656] {strides = array<i32>} : memref<128x64xf32, #tpu.memory_space<vmem>>, vector<1x16xf32>,
        %swap3A_658 = vector.shape_cast %swap3A_657 : vector<1x16xf32> to vector<16xf32>
        %swap3A_659 = vector.shape_cast %mul3A_654 : vector<16xf32> to vector<1x16xf32>
        tpu.vector_store %arg13[%swap3A_655, %swap3A_656], %swap3A_659 {strides = array<i32>} : memref<128x64xf32, #tpu.memory_space<vmem>>, vector<1x16xf32>,
        %get3A_660 = arith.index_cast %add3A_648 : i32 to index
        %get3A_661 = arith.constant 16 : index
        %get3A_662 = tpu.vector_load %arg13[%get3A_660, %get3A_661] {strides = array<i32>} : memref<128x64xf32, #tpu.memory_space<vmem>>, vector<1x16xf32>,
        %get3A_663 = vector.shape_cast %get3A_662 : vector<1x16xf32> to vector<16xf32>
        %mul3A_664 = vector.broadcast %squeeze3A_644 : f32 to vector<16xf32>
        %mul3A_665 = arith.mulf %get3A_663, %mul3A_664 : vector<16xf32>
        %swap3A_666 = arith.index_cast %add3A_648 : i32 to index
        %swap3A_667 = arith.constant 16 : index
        %swap3A_668 = tpu.vector_load %arg13[%swap3A_666, %swap3A_667] {strides = array<i32>} : memref<128x64xf32, #tpu.memory_space<vmem>>, vector<1x16xf32>,
        %swap3A_669 = vector.shape_cast %swap3A_668 : vector<1x16xf32> to vector<16xf32>
        %swap3A_670 = vector.shape_cast %mul3A_665 : vector<16xf32> to vector<1x16xf32>
        tpu.vector_store %arg13[%swap3A_666, %swap3A_667], %swap3A_670 {strides = array<i32>} : memref<128x64xf32, #tpu.memory_space<vmem>>, vector<1x16xf32>,
        %get3A_671 = arith.index_cast %add3A_648 : i32 to index
        %get3A_672 = arith.constant 32 : index
        %get3A_673 = tpu.vector_load %arg13[%get3A_671, %get3A_672] {strides = array<i32>} : memref<128x64xf32, #tpu.memory_space<vmem>>, vector<1x16xf32>,
        %get3A_674 = vector.shape_cast %get3A_673 : vector<1x16xf32> to vector<16xf32>
        %mul3A_675 = vector.broadcast %squeeze3A_644 : f32 to vector<16xf32>
        %mul3A_676 = arith.mulf %get3A_674, %mul3A_675 : vector<16xf32>
        %swap3A_677 = arith.index_cast %add3A_648 : i32 to index
        %swap3A_678 = arith.constant 32 : index
        %swap3A_679 = tpu.vector_load %arg13[%swap3A_677, %swap3A_678] {strides = array<i32>} : memref<128x64xf32, #tpu.memory_space<vmem>>, vector<1x16xf32>,
        %swap3A_680 = vector.shape_cast %swap3A_679 : vector<1x16xf32> to vector<16xf32>
        %swap3A_681 = vector.shape_cast %mul3A_676 : vector<16xf32> to vector<1x16xf32>
        tpu.vector_store %arg13[%swap3A_677, %swap3A_678], %swap3A_681 {strides = array<i32>} : memref<128x64xf32, #tpu.memory_space<vmem>>, vector<1x16xf32>,
        %get3A_682 = arith.index_cast %add3A_648 : i32 to index
        %get3A_683 = arith.constant 48 : index
        %get3A_684 = tpu.vector_load %arg13[%get3A_682, %get3A_683] {strides = array<i32>} : memref<128x64xf32, #tpu.memory_space<vmem>>, vector<1x16xf32>,
        %get3A_685 = vector.shape_cast %get3A_684 : vector<1x16xf32> to vector<16xf32>
        %mul3A_686 = vector.broadcast %squeeze3A_644 : f32 to vector<16xf32>
        %mul3A_687 = arith.mulf %get3A_685, %mul3A_686 : vector<16xf32>
        %swap3A_688 = arith.index_cast %add3A_648 : i32 to index
        %swap3A_689 = arith.constant 48 : index
        %swap3A_690 = tpu.vector_load %arg13[%swap3A_688, %swap3A_689] {strides = array<i32>} : memref<128x64xf32, #tpu.memory_space<vmem>>, vector<1x16xf32>,
        %swap3A_691 = vector.shape_cast %swap3A_690 : vector<1x16xf32> to vector<16xf32>
        %swap3A_692 = vector.shape_cast %mul3A_687 : vector<16xf32> to vector<1x16xf32>
        tpu.vector_store %arg13[%swap3A_688, %swap3A_689], %swap3A_692 {strides = array<i32>} : memref<128x64xf32, #tpu.memory_space<vmem>>, vector<1x16xf32>,
        %slice3A_693 = vector.extract_strided_slice %get3A_94 {offsets = [12], sizes = [1], strides = [1]} : vector<16xf32> to vector<1xf32>
        %squeeze3A_694 = vector.extract %slice3A_693[0] : f32 from vector<1xf32>
        %mul3A_695 = arith.constant 16 : i32
        %mul3A_696 = arith.muli %scan3A_88, %mul3A_695 : i32
        %add3A_697 = arith.constant 12 : i32
        %add3A_698 = arith.addi %mul3A_696, %add3A_697 : i32
        %get3A_699 = arith.index_cast %add3A_698 : i32 to index
        %get3A_700 = arith.constant 0 : index
        %get3A_701 = tpu.vector_load %arg13[%get3A_699, %get3A_700] {strides = array<i32>} : memref<128x64xf32, #tpu.memory_space<vmem>>, vector<1x16xf32>,
        %get3A_702 = vector.shape_cast %get3A_701 : vector<1x16xf32> to vector<16xf32>
        %mul3A_703 = vector.broadcast %squeeze3A_694 : f32 to vector<16xf32>
        %mul3A_704 = arith.mulf %get3A_702, %mul3A_703 : vector<16xf32>
        %swap3A_705 = arith.index_cast %add3A_698 : i32 to index
        %swap3A_706 = arith.constant 0 : index
        %swap3A_707 = tpu.vector_load %arg13[%swap3A_705, %swap3A_706] {strides = array<i32>} : memref<128x64xf32, #tpu.memory_space<vmem>>, vector<1x16xf32>,
        %swap3A_708 = vector.shape_cast %swap3A_707 : vector<1x16xf32> to vector<16xf32>
        %swap3A_709 = vector.shape_cast %mul3A_704 : vector<16xf32> to vector<1x16xf32>
        tpu.vector_store %arg13[%swap3A_705, %swap3A_706], %swap3A_709 {strides = array<i32>} : memref<128x64xf32, #tpu.memory_space<vmem>>, vector<1x16xf32>,
        %get3A_710 = arith.index_cast %add3A_698 : i32 to index
        %get3A_711 = arith.constant 16 : index
        %get3A_712 = tpu.vector_load %arg13[%get3A_710, %get3A_711] {strides = array<i32>} : memref<128x64xf32, #tpu.memory_space<vmem>>, vector<1x16xf32>,
        %get3A_713 = vector.shape_cast %get3A_712 : vector<1x16xf32> to vector<16xf32>
        %mul3A_714 = vector.broadcast %squeeze3A_694 : f32 to vector<16xf32>
        %mul3A_715 = arith.mulf %get3A_713, %mul3A_714 : vector<16xf32>
        %swap3A_716 = arith.index_cast %add3A_698 : i32 to index
        %swap3A_717 = arith.constant 16 : index
        %swap3A_718 = tpu.vector_load %arg13[%swap3A_716, %swap3A_717] {strides = array<i32>} : memref<128x64xf32, #tpu.memory_space<vmem>>, vector<1x16xf32>,
        %swap3A_719 = vector.shape_cast %swap3A_718 : vector<1x16xf32> to vector<16xf32>
        %swap3A_720 = vector.shape_cast %mul3A_715 : vector<16xf32> to vector<1x16xf32>
        tpu.vector_store %arg13[%swap3A_716, %swap3A_717], %swap3A_720 {strides = array<i32>} : memref<128x64xf32, #tpu.memory_space<vmem>>, vector<1x16xf32>,
        %get3A_721 = arith.index_cast %add3A_698 : i32 to index
        %get3A_722 = arith.constant 32 : index
        %get3A_723 = tpu.vector_load %arg13[%get3A_721, %get3A_722] {strides = array<i32>} : memref<128x64xf32, #tpu.memory_space<vmem>>, vector<1x16xf32>,
        %get3A_724 = vector.shape_cast %get3A_723 : vector<1x16xf32> to vector<16xf32>
        %mul3A_725 = vector.broadcast %squeeze3A_694 : f32 to vector<16xf32>
        %mul3A_726 = arith.mulf %get3A_724, %mul3A_725 : vector<16xf32>
        %swap3A_727 = arith.index_cast %add3A_698 : i32 to index
        %swap3A_728 = arith.constant 32 : index
        %swap3A_729 = tpu.vector_load %arg13[%swap3A_727, %swap3A_728] {strides = array<i32>} : memref<128x64xf32, #tpu.memory_space<vmem>>, vector<1x16xf32>,
        %swap3A_730 = vector.shape_cast %swap3A_729 : vector<1x16xf32> to vector<16xf32>
        %swap3A_731 = vector.shape_cast %mul3A_726 : vector<16xf32> to vector<1x16xf32>
        tpu.vector_store %arg13[%swap3A_727, %swap3A_728], %swap3A_731 {strides = array<i32>} : memref<128x64xf32, #tpu.memory_space<vmem>>, vector<1x16xf32>,
        %get3A_732 = arith.index_cast %add3A_698 : i32 to index
        %get3A_733 = arith.constant 48 : index
        %get3A_734 = tpu.vector_load %arg13[%get3A_732, %get3A_733] {strides = array<i32>} : memref<128x64xf32, #tpu.memory_space<vmem>>, vector<1x16xf32>,
        %get3A_735 = vector.shape_cast %get3A_734 : vector<1x16xf32> to vector<16xf32>
        %mul3A_736 = vector.broadcast %squeeze3A_694 : f32 to vector<16xf32>
        %mul3A_737 = arith.mulf %get3A_735, %mul3A_736 : vector<16xf32>
        %swap3A_738 = arith.index_cast %add3A_698 : i32 to index
        %swap3A_739 = arith.constant 48 : index
        %swap3A_740 = tpu.vector_load %arg13[%swap3A_738, %swap3A_739] {strides = array<i32>} : memref<128x64xf32, #tpu.memory_space<vmem>>, vector<1x16xf32>,
        %swap3A_741 = vector.shape_cast %swap3A_740 : vector<1x16xf32> to vector<16xf32>
        %swap3A_742 = vector.shape_cast %mul3A_737 : vector<16xf32> to vector<1x16xf32>
        tpu.vector_store %arg13[%swap3A_738, %swap3A_739], %swap3A_742 {strides = array<i32>} : memref<128x64xf32, #tpu.memory_space<vmem>>, vector<1x16xf32>,
        %slice3A_743 = vector.extract_strided_slice %get3A_94 {offsets = [13], sizes = [1], strides = [1]} : vector<16xf32> to vector<1xf32>
        %squeeze3A_744 = vector.extract %slice3A_743[0] : f32 from vector<1xf32>
        %mul3A_745 = arith.constant 16 : i32
        %mul3A_746 = arith.muli %scan3A_88, %mul3A_745 : i32
        %add3A_747 = arith.constant 13 : i32
        %add3A_748 = arith.addi %mul3A_746, %add3A_747 : i32
        %get3A_749 = arith.index_cast %add3A_748 : i32 to index
        %get3A_750 = arith.constant 0 : index
        %get3A_751 = tpu.vector_load %arg13[%get3A_749, %get3A_750] {strides = array<i32>} : memref<128x64xf32, #tpu.memory_space<vmem>>, vector<1x16xf32>,
        %get3A_752 = vector.shape_cast %get3A_751 : vector<1x16xf32> to vector<16xf32>
        %mul3A_753 = vector.broadcast %squeeze3A_744 : f32 to vector<16xf32>
        %mul3A_754 = arith.mulf %get3A_752, %mul3A_753 : vector<16xf32>
        %swap3A_755 = arith.index_cast %add3A_748 : i32 to index
        %swap3A_756 = arith.constant 0 : index
        %swap3A_757 = tpu.vector_load %arg13[%swap3A_755, %swap3A_756] {strides = array<i32>} : memref<128x64xf32, #tpu.memory_space<vmem>>, vector<1x16xf32>,
        %swap3A_758 = vector.shape_cast %swap3A_757 : vector<1x16xf32> to vector<16xf32>
        %swap3A_759 = vector.shape_cast %mul3A_754 : vector<16xf32> to vector<1x16xf32>
        tpu.vector_store %arg13[%swap3A_755, %swap3A_756], %swap3A_759 {strides = array<i32>} : memref<128x64xf32, #tpu.memory_space<vmem>>, vector<1x16xf32>,
        %get3A_760 = arith.index_cast %add3A_748 : i32 to index
        %get3A_761 = arith.constant 16 : index
        %get3A_762 = tpu.vector_load %arg13[%get3A_760, %get3A_761] {strides = array<i32>} : memref<128x64xf32, #tpu.memory_space<vmem>>, vector<1x16xf32>,
        %get3A_763 = vector.shape_cast %get3A_762 : vector<1x16xf32> to vector<16xf32>
        %mul3A_764 = vector.broadcast %squeeze3A_744 : f32 to vector<16xf32>
        %mul3A_765 = arith.mulf %get3A_763, %mul3A_764 : vector<16xf32>
        %swap3A_766 = arith.index_cast %add3A_748 : i32 to index
        %swap3A_767 = arith.constant 16 : index
        %swap3A_768 = tpu.vector_load %arg13[%swap3A_766, %swap3A_767] {strides = array<i32>} : memref<128x64xf32, #tpu.memory_space<vmem>>, vector<1x16xf32>,
        %swap3A_769 = vector.shape_cast %swap3A_768 : vector<1x16xf32> to vector<16xf32>
        %swap3A_770 = vector.shape_cast %mul3A_765 : vector<16xf32> to vector<1x16xf32>
        tpu.vector_store %arg13[%swap3A_766, %swap3A_767], %swap3A_770 {strides = array<i32>} : memref<128x64xf32, #tpu.memory_space<vmem>>, vector<1x16xf32>,
        %get3A_771 = arith.index_cast %add3A_748 : i32 to index
        %get3A_772 = arith.constant 32 : index
        %get3A_773 = tpu.vector_load %arg13[%get3A_771, %get3A_772] {strides = array<i32>} : memref<128x64xf32, #tpu.memory_space<vmem>>, vector<1x16xf32>,
        %get3A_774 = vector.shape_cast %get3A_773 : vector<1x16xf32> to vector<16xf32>
        %mul3A_775 = vector.broadcast %squeeze3A_744 : f32 to vector<16xf32>
        %mul3A_776 = arith.mulf %get3A_774, %mul3A_775 : vector<16xf32>
        %swap3A_777 = arith.index_cast %add3A_748 : i32 to index
        %swap3A_778 = arith.constant 32 : index
        %swap3A_779 = tpu.vector_load %arg13[%swap3A_777, %swap3A_778] {strides = array<i32>} : memref<128x64xf32, #tpu.memory_space<vmem>>, vector<1x16xf32>,
        %swap3A_780 = vector.shape_cast %swap3A_779 : vector<1x16xf32> to vector<16xf32>
        %swap3A_781 = vector.shape_cast %mul3A_776 : vector<16xf32> to vector<1x16xf32>
        tpu.vector_store %arg13[%swap3A_777, %swap3A_778], %swap3A_781 {strides = array<i32>} : memref<128x64xf32, #tpu.memory_space<vmem>>, vector<1x16xf32>,
        %get3A_782 = arith.index_cast %add3A_748 : i32 to index
        %get3A_783 = arith.constant 48 : index
        %get3A_784 = tpu.vector_load %arg13[%get3A_782, %get3A_783] {strides = array<i32>} : memref<128x64xf32, #tpu.memory_space<vmem>>, vector<1x16xf32>,
        %get3A_785 = vector.shape_cast %get3A_784 : vector<1x16xf32> to vector<16xf32>
        %mul3A_786 = vector.broadcast %squeeze3A_744 : f32 to vector<16xf32>
        %mul3A_787 = arith.mulf %get3A_785, %mul3A_786 : vector<16xf32>
        %swap3A_788 = arith.index_cast %add3A_748 : i32 to index
        %swap3A_789 = arith.constant 48 : index
        %swap3A_790 = tpu.vector_load %arg13[%swap3A_788, %swap3A_789] {strides = array<i32>} : memref<128x64xf32, #tpu.memory_space<vmem>>, vector<1x16xf32>,
        %swap3A_791 = vector.shape_cast %swap3A_790 : vector<1x16xf32> to vector<16xf32>
        %swap3A_792 = vector.shape_cast %mul3A_787 : vector<16xf32> to vector<1x16xf32>
        tpu.vector_store %arg13[%swap3A_788, %swap3A_789], %swap3A_792 {strides = array<i32>} : memref<128x64xf32, #tpu.memory_space<vmem>>, vector<1x16xf32>,
        %slice3A_793 = vector.extract_strided_slice %get3A_94 {offsets = [14], sizes = [1], strides = [1]} : vector<16xf32> to vector<1xf32>
        %squeeze3A_794 = vector.extract %slice3A_793[0] : f32 from vector<1xf32>
        %mul3A_795 = arith.constant 16 : i32
        %mul3A_796 = arith.muli %scan3A_88, %mul3A_795 : i32
        %add3A_797 = arith.constant 14 : i32
        %add3A_798 = arith.addi %mul3A_796, %add3A_797 : i32
        %get3A_799 = arith.index_cast %add3A_798 : i32 to index
        %get3A_800 = arith.constant 0 : index
        %get3A_801 = tpu.vector_load %arg13[%get3A_799, %get3A_800] {strides = array<i32>} : memref<128x64xf32, #tpu.memory_space<vmem>>, vector<1x16xf32>,
        %get3A_802 = vector.shape_cast %get3A_801 : vector<1x16xf32> to vector<16xf32>
        %mul3A_803 = vector.broadcast %squeeze3A_794 : f32 to vector<16xf32>
        %mul3A_804 = arith.mulf %get3A_802, %mul3A_803 : vector<16xf32>
        %swap3A_805 = arith.index_cast %add3A_798 : i32 to index
        %swap3A_806 = arith.constant 0 : index
        %swap3A_807 = tpu.vector_load %arg13[%swap3A_805, %swap3A_806] {strides = array<i32>} : memref<128x64xf32, #tpu.memory_space<vmem>>, vector<1x16xf32>,
        %swap3A_808 = vector.shape_cast %swap3A_807 : vector<1x16xf32> to vector<16xf32>
        %swap3A_809 = vector.shape_cast %mul3A_804 : vector<16xf32> to vector<1x16xf32>
        tpu.vector_store %arg13[%swap3A_805, %swap3A_806], %swap3A_809 {strides = array<i32>} : memref<128x64xf32, #tpu.memory_space<vmem>>, vector<1x16xf32>,
        %get3A_810 = arith.index_cast %add3A_798 : i32 to index
        %get3A_811 = arith.constant 16 : index
        %get3A_812 = tpu.vector_load %arg13[%get3A_810, %get3A_811] {strides = array<i32>} : memref<128x64xf32, #tpu.memory_space<vmem>>, vector<1x16xf32>,
        %get3A_813 = vector.shape_cast %get3A_812 : vector<1x16xf32> to vector<16xf32>
        %mul3A_814 = vector.broadcast %squeeze3A_794 : f32 to vector<16xf32>
        %mul3A_815 = arith.mulf %get3A_813, %mul3A_814 : vector<16xf32>
        %swap3A_816 = arith.index_cast %add3A_798 : i32 to index
        %swap3A_817 = arith.constant 16 : index
        %swap3A_818 = tpu.vector_load %arg13[%swap3A_816, %swap3A_817] {strides = array<i32>} : memref<128x64xf32, #tpu.memory_space<vmem>>, vector<1x16xf32>,
        %swap3A_819 = vector.shape_cast %swap3A_818 : vector<1x16xf32> to vector<16xf32>
        %swap3A_820 = vector.shape_cast %mul3A_815 : vector<16xf32> to vector<1x16xf32>
        tpu.vector_store %arg13[%swap3A_816, %swap3A_817], %swap3A_820 {strides = array<i32>} : memref<128x64xf32, #tpu.memory_space<vmem>>, vector<1x16xf32>,
        %get3A_821 = arith.index_cast %add3A_798 : i32 to index
        %get3A_822 = arith.constant 32 : index
        %get3A_823 = tpu.vector_load %arg13[%get3A_821, %get3A_822] {strides = array<i32>} : memref<128x64xf32, #tpu.memory_space<vmem>>, vector<1x16xf32>,
        %get3A_824 = vector.shape_cast %get3A_823 : vector<1x16xf32> to vector<16xf32>
        %mul3A_825 = vector.broadcast %squeeze3A_794 : f32 to vector<16xf32>
        %mul3A_826 = arith.mulf %get3A_824, %mul3A_825 : vector<16xf32>
        %swap3A_827 = arith.index_cast %add3A_798 : i32 to index
        %swap3A_828 = arith.constant 32 : index
        %swap3A_829 = tpu.vector_load %arg13[%swap3A_827, %swap3A_828] {strides = array<i32>} : memref<128x64xf32, #tpu.memory_space<vmem>>, vector<1x16xf32>,
        %swap3A_830 = vector.shape_cast %swap3A_829 : vector<1x16xf32> to vector<16xf32>
        %swap3A_831 = vector.shape_cast %mul3A_826 : vector<16xf32> to vector<1x16xf32>
        tpu.vector_store %arg13[%swap3A_827, %swap3A_828], %swap3A_831 {strides = array<i32>} : memref<128x64xf32, #tpu.memory_space<vmem>>, vector<1x16xf32>,
        %get3A_832 = arith.index_cast %add3A_798 : i32 to index
        %get3A_833 = arith.constant 48 : index
        %get3A_834 = tpu.vector_load %arg13[%get3A_832, %get3A_833] {strides = array<i32>} : memref<128x64xf32, #tpu.memory_space<vmem>>, vector<1x16xf32>,
        %get3A_835 = vector.shape_cast %get3A_834 : vector<1x16xf32> to vector<16xf32>
        %mul3A_836 = vector.broadcast %squeeze3A_794 : f32 to vector<16xf32>
        %mul3A_837 = arith.mulf %get3A_835, %mul3A_836 : vector<16xf32>
        %swap3A_838 = arith.index_cast %add3A_798 : i32 to index
        %swap3A_839 = arith.constant 48 : index
        %swap3A_840 = tpu.vector_load %arg13[%swap3A_838, %swap3A_839] {strides = array<i32>} : memref<128x64xf32, #tpu.memory_space<vmem>>, vector<1x16xf32>,
        %swap3A_841 = vector.shape_cast %swap3A_840 : vector<1x16xf32> to vector<16xf32>
        %swap3A_842 = vector.shape_cast %mul3A_837 : vector<16xf32> to vector<1x16xf32>
        tpu.vector_store %arg13[%swap3A_838, %swap3A_839], %swap3A_842 {strides = array<i32>} : memref<128x64xf32, #tpu.memory_space<vmem>>, vector<1x16xf32>,
        %slice3A_843 = vector.extract_strided_slice %get3A_94 {offsets = [15], sizes = [1], strides = [1]} : vector<16xf32> to vector<1xf32>
        %squeeze3A_844 = vector.extract %slice3A_843[0] : f32 from vector<1xf32>
        %mul3A_845 = arith.constant 16 : i32
        %mul3A_846 = arith.muli %scan3A_88, %mul3A_845 : i32
        %add3A_847 = arith.constant 15 : i32
        %add3A_848 = arith.addi %mul3A_846, %add3A_847 : i32
        %get3A_849 = arith.index_cast %add3A_848 : i32 to index
        %get3A_850 = arith.constant 0 : index
        %get3A_851 = tpu.vector_load %arg13[%get3A_849, %get3A_850] {strides = array<i32>} : memref<128x64xf32, #tpu.memory_space<vmem>>, vector<1x16xf32>,
        %get3A_852 = vector.shape_cast %get3A_851 : vector<1x16xf32> to vector<16xf32>
        %mul3A_853 = vector.broadcast %squeeze3A_844 : f32 to vector<16xf32>
        %mul3A_854 = arith.mulf %get3A_852, %mul3A_853 : vector<16xf32>
        %swap3A_855 = arith.index_cast %add3A_848 : i32 to index
        %swap3A_856 = arith.constant 0 : index
        %swap3A_857 = tpu.vector_load %arg13[%swap3A_855, %swap3A_856] {strides = array<i32>} : memref<128x64xf32, #tpu.memory_space<vmem>>, vector<1x16xf32>,
        %swap3A_858 = vector.shape_cast %swap3A_857 : vector<1x16xf32> to vector<16xf32>
        %swap3A_859 = vector.shape_cast %mul3A_854 : vector<16xf32> to vector<1x16xf32>
        tpu.vector_store %arg13[%swap3A_855, %swap3A_856], %swap3A_859 {strides = array<i32>} : memref<128x64xf32, #tpu.memory_space<vmem>>, vector<1x16xf32>,
        %get3A_860 = arith.index_cast %add3A_848 : i32 to index
        %get3A_861 = arith.constant 16 : index
        %get3A_862 = tpu.vector_load %arg13[%get3A_860, %get3A_861] {strides = array<i32>} : memref<128x64xf32, #tpu.memory_space<vmem>>, vector<1x16xf32>,
        %get3A_863 = vector.shape_cast %get3A_862 : vector<1x16xf32> to vector<16xf32>
        %mul3A_864 = vector.broadcast %squeeze3A_844 : f32 to vector<16xf32>
        %mul3A_865 = arith.mulf %get3A_863, %mul3A_864 : vector<16xf32>
        %swap3A_866 = arith.index_cast %add3A_848 : i32 to index
        %swap3A_867 = arith.constant 16 : index
        %swap3A_868 = tpu.vector_load %arg13[%swap3A_866, %swap3A_867] {strides = array<i32>} : memref<128x64xf32, #tpu.memory_space<vmem>>, vector<1x16xf32>,
        %swap3A_869 = vector.shape_cast %swap3A_868 : vector<1x16xf32> to vector<16xf32>
        %swap3A_870 = vector.shape_cast %mul3A_865 : vector<16xf32> to vector<1x16xf32>
        tpu.vector_store %arg13[%swap3A_866, %swap3A_867], %swap3A_870 {strides = array<i32>} : memref<128x64xf32, #tpu.memory_space<vmem>>, vector<1x16xf32>,
        %get3A_871 = arith.index_cast %add3A_848 : i32 to index
        %get3A_872 = arith.constant 32 : index
        %get3A_873 = tpu.vector_load %arg13[%get3A_871, %get3A_872] {strides = array<i32>} : memref<128x64xf32, #tpu.memory_space<vmem>>, vector<1x16xf32>,
        %get3A_874 = vector.shape_cast %get3A_873 : vector<1x16xf32> to vector<16xf32>
        %mul3A_875 = vector.broadcast %squeeze3A_844 : f32 to vector<16xf32>
        %mul3A_876 = arith.mulf %get3A_874, %mul3A_875 : vector<16xf32>
        %swap3A_877 = arith.index_cast %add3A_848 : i32 to index
        %swap3A_878 = arith.constant 32 : index
        %swap3A_879 = tpu.vector_load %arg13[%swap3A_877, %swap3A_878] {strides = array<i32>} : memref<128x64xf32, #tpu.memory_space<vmem>>, vector<1x16xf32>,
        %swap3A_880 = vector.shape_cast %swap3A_879 : vector<1x16xf32> to vector<16xf32>
        %swap3A_881 = vector.shape_cast %mul3A_876 : vector<16xf32> to vector<1x16xf32>
        tpu.vector_store %arg13[%swap3A_877, %swap3A_878], %swap3A_881 {strides = array<i32>} : memref<128x64xf32, #tpu.memory_space<vmem>>, vector<1x16xf32>,
        %get3A_882 = arith.index_cast %add3A_848 : i32 to index
        %get3A_883 = arith.constant 48 : index
        %get3A_884 = tpu.vector_load %arg13[%get3A_882, %get3A_883] {strides = array<i32>} : memref<128x64xf32, #tpu.memory_space<vmem>>, vector<1x16xf32>,
        %get3A_885 = vector.shape_cast %get3A_884 : vector<1x16xf32> to vector<16xf32>
        %mul3A_886 = vector.broadcast %squeeze3A_844 : f32 to vector<16xf32>
        %mul3A_887 = arith.mulf %get3A_885, %mul3A_886 : vector<16xf32>
        %swap3A_888 = arith.index_cast %add3A_848 : i32 to index
        %swap3A_889 = arith.constant 48 : index
        %swap3A_890 = tpu.vector_load %arg13[%swap3A_888, %swap3A_889] {strides = array<i32>} : memref<128x64xf32, #tpu.memory_space<vmem>>, vector<1x16xf32>,
        %swap3A_891 = vector.shape_cast %swap3A_890 : vector<1x16xf32> to vector<16xf32>
        %swap3A_892 = vector.shape_cast %mul3A_887 : vector<16xf32> to vector<1x16xf32>
        tpu.vector_store %arg13[%swap3A_888, %swap3A_889], %swap3A_892 {strides = array<i32>} : memref<128x64xf32, #tpu.memory_space<vmem>>, vector<1x16xf32>,
      }
      %scan3A_87 = arith.constant 8 : i32
      "tpu.region"() ({
        %run_scoped3A = tpu.sem_alloc : memref<!tpu.dma_semaphore, #tpu.memory_space<semaphore_mem>>
        %dma_start3A_88 = arith.constant 0 : i32
        %dma_start3A_89 = arith.constant 0 : i32
        %dma_start3A_90 = tpu.memref_slice %arg9[%dma_start3A_88, %dma_start3A_89] : memref<10112x64xf32, #tpu.memory_space<vmem_shared>> -> memref<10112x64xf32, #tpu.memory_space<vmem_shared>>
        tpu.enqueue_indirect_dma source(%arg13 : memref<128x64xf32, #tpu.memory_space<vmem>>) target(%dma_start3A_90 : memref<10112x64xf32, #tpu.memory_space<vmem_shared>>) offsets(%arg14 : memref<128xi32, #tpu.memory_space<vmem>>) semaphore(%run_scoped3A : memref<!tpu.dma_semaphore, #tpu.memory_space<semaphore_mem>>) {add = true}
        %dma_wait3A_91 = arith.constant 0 : i32
        %dma_wait3A_92 = arith.constant 0 : i32
        %dma_wait3A_93 = tpu.memref_slice %arg9[%dma_wait3A_91, %dma_wait3A_92] : memref<10112x64xf32, #tpu.memory_space<vmem_shared>> -> memref<10112x64xf32, #tpu.memory_space<vmem_shared>>
        tpu.wait_indirect_dma semaphore(%run_scoped3A : memref<!tpu.dma_semaphore, #tpu.memory_space<semaphore_mem>>) src(%arg13 : memref<128x64xf32, #tpu.memory_space<vmem>>) dst(%dma_wait3A_93 : memref<10112x64xf32, #tpu.memory_space<vmem_shared>>)
        tpu.yield
      }) : () -> ()
    }
    %scan3A_7 = arith.constant 79 : i32
    %barrier3A_8 = arith.constant 0 : index
    tpu.barrier barrier_id(%barrier3A_8)
    "tpu.region"() ({
      %run_scoped3A = tpu.sem_alloc : memref<!tpu.dma_semaphore, #tpu.memory_space<semaphore_mem>>
      %dma_start3A = arith.constant 0 : i32
      %dma_start3A_9 = tpu.memref_slice %arg7[%arg0, %mul3A_2, %dma_start3A] : memref<2x10112x64xf32, #tpu.memory_space<hbm>> -> memref<1x632x64xf32, #tpu.memory_space<hbm>>
      %dma_start3A_10 = tpu.memref_squeeze %dma_start3A_9 : memref<1x632x64xf32, #tpu.memory_space<hbm>> -> memref<632x64xf32, #tpu.memory_space<hbm>>
      %dma_start3A_11 = arith.constant 0 : i32
      %dma_start3A_12 = tpu.memref_slice %arg9[%mul3A_2, %dma_start3A_11] : memref<10112x64xf32, #tpu.memory_space<vmem_shared>> -> memref<632x64xf32, #tpu.memory_space<vmem_shared>>
      tpu.enqueue_dma source(%dma_start3A_12 : memref<632x64xf32, #tpu.memory_space<vmem_shared>>) target(%dma_start3A_10 : memref<632x64xf32, #tpu.memory_space<hbm>>) target_semaphore(%run_scoped3A : memref<!tpu.dma_semaphore, #tpu.memory_space<semaphore_mem>>)
      %dma_wait3A = arith.constant 0 : i32
      %dma_wait3A_13 = tpu.memref_slice %arg7[%arg0, %mul3A_2, %dma_wait3A] : memref<2x10112x64xf32, #tpu.memory_space<hbm>> -> memref<1x632x64xf32, #tpu.memory_space<hbm>>
      %dma_wait3A_14 = tpu.memref_squeeze %dma_wait3A_13 : memref<1x632x64xf32, #tpu.memory_space<hbm>> -> memref<632x64xf32, #tpu.memory_space<hbm>>
      %dma_wait3A_15 = arith.constant 0 : i32
      %dma_wait3A_16 = tpu.memref_slice %arg9[%mul3A_2, %dma_wait3A_15] : memref<10112x64xf32, #tpu.memory_space<vmem_shared>> -> memref<632x64xf32, #tpu.memory_space<vmem_shared>>
      tpu.wait_dma2 semaphore(%run_scoped3A : memref<!tpu.dma_semaphore, #tpu.memory_space<semaphore_mem>>) src(%dma_wait3A_16 : memref<632x64xf32, #tpu.memory_space<vmem_shared>>) dst(%dma_wait3A_14 : memref<632x64xf32, #tpu.memory_space<hbm>>)
      tpu.yield
    }) : () -> ()
    return
  }
}

module attributes {stable_mosaic.version = 14 : i64} {
  func.func @_mm_body(%arg0: i32, %arg1: memref<1000x128xf32, #tpu.memory_space<vmem>>, %arg2: memref<128x64xf32, #tpu.memory_space<vmem>>, %arg3: memref<1000x64xf32, #tpu.memory_space<vmem>>) attributes {dimension_semantics = [#tpu.dimension_semantics<arbitrary>], iteration_bounds = array<i64: 10>, scalar_prefetch = 0 : i64, scratch_operands = 0 : i64, tpu.core_type = #tpu.core_type<tc>, window_params = [{transform_indices = @transform_0, window_bounds = array<i64: 1000, 128>}, {pipeline_mode = #tpu.pipeline_mode<synchronous>, transform_indices = @transform_1, window_bounds = array<i64: 128, 64>}, {transform_indices = @transform_2, window_bounds = array<i64: 1000, 64>}]} {
    %get3A = arith.constant 0 : index
    %get3A_0 = arith.constant 0 : index
    %get3A_1 = vector.load %arg1[%get3A, %get3A_0] : memref<1000x128xf32, #tpu.memory_space<vmem>>, vector<1000x128xf32>
    %get3A_2 = arith.constant 0 : index
    %get3A_3 = arith.constant 0 : index
    %get3A_4 = vector.load %arg2[%get3A_2, %get3A_3] : memref<128x64xf32, #tpu.memory_space<vmem>>, vector<128x64xf32>
    %dot_general3A = arith.constant dense<0.000000e+00> : vector<1000x64xf32>
    %dot_general3A_5 = tpu.matmul %get3A_1, %get3A_4, %dot_general3A {dimension_numbers = #tpu.dot_dimension_numbers<[1], [0], [0], [1], [0, 0, 1, 1], [], []>, transpose_lhs_hint = false} : vector<1000x128xf32>, vector<128x64xf32>, vector<1000x64xf32> -> vector<1000x64xf32>
    %swap3A = arith.constant 0 : index
    %swap3A_6 = arith.constant 0 : index
    %swap3A_7 = vector.load %arg3[%swap3A, %swap3A_6] : memref<1000x64xf32, #tpu.memory_space<vmem>>, vector<1000x64xf32>
    tpu.vector_store %arg3[%swap3A, %swap3A_6], %dot_general3A_5 {strides = array<i32>} : memref<1000x64xf32, #tpu.memory_space<vmem>>, vector<1000x64xf32>,
    return
  }
  func.func @transform_0(%arg0: i32) -> (i32, i32) {
    %c0_i32 = arith.constant 0 : i32
    %c0_i32_0 = arith.constant 0 : i32
    return %arg0, %c0_i32 : i32, i32
  }
  func.func @transform_1(%arg0: i32) -> (i32, i32) {
    %c0_i32 = arith.constant 0 : i32
    %c0_i32_0 = arith.constant 0 : i32
    %c0_i32_1 = arith.constant 0 : i32
    return %c0_i32, %c0_i32_0 : i32, i32
  }
  func.func @transform_2(%arg0: i32) -> (i32, i32) {
    %c0_i32 = arith.constant 0 : i32
    %c0_i32_0 = arith.constant 0 : i32
    return %arg0, %c0_i32 : i32, i32
  }
}

module attributes {stable_mosaic.version = 14 : i64} {
  func.func @_combine_body(%arg0: i32, %arg1: memref<2x1000x64xf32, #tpu.memory_space<vmem>>, %arg2: memref<1x64xf32, #tpu.memory_space<vmem>>, %arg3: memref<1x64xf32, #tpu.memory_space<vmem>>, %arg4: memref<1x64xf32, #tpu.memory_space<vmem>>, %arg5: memref<64x64xf32, #tpu.memory_space<vmem>>, %arg6: memref<1000x64xf32, #tpu.memory_space<vmem>>) attributes {dimension_semantics = [#tpu.dimension_semantics<arbitrary>], iteration_bounds = array<i64: 10>, scalar_prefetch = 0 : i64, scratch_operands = 0 : i64, tpu.core_type = #tpu.core_type<tc>, window_params = [{transform_indices = @transform_0, window_bounds = array<i64: 2, 1000, 64>}, {pipeline_mode = #tpu.pipeline_mode<synchronous>, transform_indices = @transform_1, window_bounds = array<i64: 1, 64>}, {pipeline_mode = #tpu.pipeline_mode<synchronous>, transform_indices = @transform_2, window_bounds = array<i64: 1, 64>}, {pipeline_mode = #tpu.pipeline_mode<synchronous>, transform_indices = @transform_3, window_bounds = array<i64: 1, 64>}, {pipeline_mode = #tpu.pipeline_mode<synchronous>, transform_indices = @transform_4, window_bounds = array<i64: 64, 64>}, {transform_indices = @transform_5, window_bounds = array<i64: 1000, 64>}]} {
    %get3A = arith.constant 0 : index
    %get3A_0 = arith.constant 0 : index
    %get3A_1 = arith.constant 0 : index
    %get3A_2 = vector.load %arg1[%get3A, %get3A_0, %get3A_1] : memref<2x1000x64xf32, #tpu.memory_space<vmem>>, vector<1x1000x64xf32>
    %get3A_3 = vector.shape_cast %get3A_2 : vector<1x1000x64xf32> to vector<1000x64xf32>
    %get3A_4 = arith.constant 1 : index
    %get3A_5 = arith.constant 0 : index
    %get3A_6 = arith.constant 0 : index
    %get3A_7 = vector.load %arg1[%get3A_4, %get3A_5, %get3A_6] : memref<2x1000x64xf32, #tpu.memory_space<vmem>>, vector<1x1000x64xf32>
    %get3A_8 = vector.shape_cast %get3A_7 : vector<1x1000x64xf32> to vector<1000x64xf32>
    %add3A = arith.addf %get3A_3, %get3A_8 : vector<1000x64xf32>
    %get3A_9 = arith.constant 0 : index
    %get3A_10 = arith.constant 0 : index
    %get3A_11 = vector.load %arg2[%get3A_9, %get3A_10] : memref<1x64xf32, #tpu.memory_space<vmem>>, vector<1x64xf32>
    %add3A_12 = vector.broadcast %get3A_11 : vector<1x64xf32> to vector<1000x64xf32>
    %add3A_13 = arith.addf %add3A, %add3A_12 : vector<1000x64xf32>
    %gt3A = arith.constant 0.000000e+00 : f32
    %gt3A_14 = vector.broadcast %gt3A : f32 to vector<1000x64xf32>
    %gt3A_15 = arith.cmpf ogt, %add3A_13, %gt3A_14 : vector<1000x64xf32>
    %min3A = arith.constant 0.000000e+00 : f32
    %min3A_16 = vector.broadcast %min3A : f32 to vector<1000x64xf32>
    %min3A_17 = arith.minimumf %add3A_13, %min3A_16 : vector<1000x64xf32>
    %exp3A = math.exp %min3A_17 : vector<1000x64xf32>
    %sub3A = arith.constant 1.000000e+00 : f32
    %sub3A_18 = vector.broadcast %sub3A : f32 to vector<1000x64xf32>
    %sub3A_19 = arith.subf %exp3A, %sub3A_18 : vector<1000x64xf32>
    %select_n3A = arith.select %gt3A_15, %add3A_13, %sub3A_19 : vector<1000x64xi1>, vector<1000x64xf32>
    %get3A_20 = arith.constant 0 : index
    %get3A_21 = arith.constant 0 : index
    %get3A_22 = vector.load %arg3[%get3A_20, %get3A_21] : memref<1x64xf32, #tpu.memory_space<vmem>>, vector<1x64xf32>
    %mul3A = vector.broadcast %get3A_22 : vector<1x64xf32> to vector<1000x64xf32>
    %mul3A_23 = arith.mulf %select_n3A, %mul3A : vector<1000x64xf32>
    %get3A_24 = arith.constant 0 : index
    %get3A_25 = arith.constant 0 : index
    %get3A_26 = vector.load %arg4[%get3A_24, %get3A_25] : memref<1x64xf32, #tpu.memory_space<vmem>>, vector<1x64xf32>
    %add3A_27 = vector.broadcast %get3A_26 : vector<1x64xf32> to vector<1000x64xf32>
    %add3A_28 = arith.addf %mul3A_23, %add3A_27 : vector<1000x64xf32>
    %get3A_29 = arith.constant 0 : index
    %get3A_30 = arith.constant 0 : index
    %get3A_31 = vector.load %arg5[%get3A_29, %get3A_30] : memref<64x64xf32, #tpu.memory_space<vmem>>, vector<64x64xf32>
    %dot_general3A = arith.constant dense<0.000000e+00> : vector<1000x64xf32>
    %dot_general3A_32 = tpu.matmul %add3A_28, %get3A_31, %dot_general3A {dimension_numbers = #tpu.dot_dimension_numbers<[1], [0], [0], [1], [0, 0, 1, 1], [], []>, transpose_lhs_hint = false} : vector<1000x64xf32>, vector<64x64xf32>, vector<1000x64xf32> -> vector<1000x64xf32>
    %swap3A = arith.constant 0 : index
    %swap3A_33 = arith.constant 0 : index
    %swap3A_34 = vector.load %arg6[%swap3A, %swap3A_33] : memref<1000x64xf32, #tpu.memory_space<vmem>>, vector<1000x64xf32>
    tpu.vector_store %arg6[%swap3A, %swap3A_33], %dot_general3A_32 {strides = array<i32>} : memref<1000x64xf32, #tpu.memory_space<vmem>>, vector<1000x64xf32>,
    return
  }
  func.func @transform_0(%arg0: i32) -> (i32, i32, i32) {
    %c0_i32 = arith.constant 0 : i32
    %c0_i32_0 = arith.constant 0 : i32
    %c0_i32_1 = arith.constant 0 : i32
    return %c0_i32, %arg0, %c0_i32_0 : i32, i32, i32
  }
  func.func @transform_1(%arg0: i32) -> (i32, i32) {
    %c0_i32 = arith.constant 0 : i32
    %c0_i32_0 = arith.constant 0 : i32
    %c0_i32_1 = arith.constant 0 : i32
    return %c0_i32, %c0_i32_0 : i32, i32
  }
  func.func @transform_2(%arg0: i32) -> (i32, i32) {
    %c0_i32 = arith.constant 0 : i32
    %c0_i32_0 = arith.constant 0 : i32
    %c0_i32_1 = arith.constant 0 : i32
    return %c0_i32, %c0_i32_0 : i32, i32
  }
  func.func @transform_3(%arg0: i32) -> (i32, i32) {
    %c0_i32 = arith.constant 0 : i32
    %c0_i32_0 = arith.constant 0 : i32
    %c0_i32_1 = arith.constant 0 : i32
    return %c0_i32, %c0_i32_0 : i32, i32
  }
  func.func @transform_4(%arg0: i32) -> (i32, i32) {
    %c0_i32 = arith.constant 0 : i32
    %c0_i32_0 = arith.constant 0 : i32
    %c0_i32_1 = arith.constant 0 : i32
    return %c0_i32, %c0_i32_0 : i32, i32
  }
  func.func @transform_5(%arg0: i32) -> (i32, i32) {
    %c0_i32 = arith.constant 0 : i32
    %c0_i32_0 = arith.constant 0 : i32
    return %arg0, %c0_i32 : i32, i32
  }
}

module attributes {stable_mosaic.version = 14 : i64} {
  func.func @_head_body(%arg0: i32, %arg1: memref<2x1000x64xf32, #tpu.memory_space<vmem>>, %arg2: memref<1x64xf32, #tpu.memory_space<vmem>>, %arg3: memref<1x64xf32, #tpu.memory_space<vmem>>, %arg4: memref<1x64xf32, #tpu.memory_space<vmem>>, %arg5: memref<64x128xf32, #tpu.memory_space<vmem>>, %arg6: memref<1x128xf32, #tpu.memory_space<vmem>>, %arg7: memref<128x64xf32, #tpu.memory_space<vmem>>, %arg8: memref<1x64xf32, #tpu.memory_space<vmem>>, %arg9: memref<64x16xf32, #tpu.memory_space<vmem>>, %arg10: memref<1x16xf32, #tpu.memory_space<vmem>>, %arg11: memref<1000x16xf32, #tpu.memory_space<vmem>>) attributes {dimension_semantics = [#tpu.dimension_semantics<arbitrary>], iteration_bounds = array<i64: 10>, scalar_prefetch = 0 : i64, scratch_operands = 0 : i64, tpu.core_type = #tpu.core_type<tc>, window_params = [{transform_indices = @transform_0, window_bounds = array<i64: 2, 1000, 64>}, {pipeline_mode = #tpu.pipeline_mode<synchronous>, transform_indices = @transform_1, window_bounds = array<i64: 1, 64>}, {pipeline_mode = #tpu.pipeline_mode<synchronous>, transform_indices = @transform_2, window_bounds = array<i64: 1, 64>}, {pipeline_mode = #tpu.pipeline_mode<synchronous>, transform_indices = @transform_3, window_bounds = array<i64: 1, 64>}, {pipeline_mode = #tpu.pipeline_mode<synchronous>, transform_indices = @transform_4, window_bounds = array<i64: 64, 128>}, {pipeline_mode = #tpu.pipeline_mode<synchronous>, transform_indices = @transform_5, window_bounds = array<i64: 1, 128>}, {pipeline_mode = #tpu.pipeline_mode<synchronous>, transform_indices = @transform_6, window_bounds = array<i64: 128, 64>}, {pipeline_mode = #tpu.pipeline_mode<synchronous>, transform_indices = @transform_7, window_bounds = array<i64: 1, 64>}, {pipeline_mode = #tpu.pipeline_mode<synchronous>, transform_indices = @transform_8, window_bounds = array<i64: 64, 16>}, {pipeline_mode = #tpu.pipeline_mode<synchronous>, transform_indices = @transform_9, window_bounds = array<i64: 1, 16>}, {transform_indices = @transform_10, window_bounds = array<i64: 1000, 16>}]} {
    %get3A = arith.constant 0 : index
    %get3A_0 = arith.constant 0 : index
    %get3A_1 = arith.constant 0 : index
    %get3A_2 = vector.load %arg1[%get3A, %get3A_0, %get3A_1] : memref<2x1000x64xf32, #tpu.memory_space<vmem>>, vector<1x1000x64xf32>
    %get3A_3 = vector.shape_cast %get3A_2 : vector<1x1000x64xf32> to vector<1000x64xf32>
    %get3A_4 = arith.constant 1 : index
    %get3A_5 = arith.constant 0 : index
    %get3A_6 = arith.constant 0 : index
    %get3A_7 = vector.load %arg1[%get3A_4, %get3A_5, %get3A_6] : memref<2x1000x64xf32, #tpu.memory_space<vmem>>, vector<1x1000x64xf32>
    %get3A_8 = vector.shape_cast %get3A_7 : vector<1x1000x64xf32> to vector<1000x64xf32>
    %add3A = arith.addf %get3A_3, %get3A_8 : vector<1000x64xf32>
    %get3A_9 = arith.constant 0 : index
    %get3A_10 = arith.constant 0 : index
    %get3A_11 = vector.load %arg2[%get3A_9, %get3A_10] : memref<1x64xf32, #tpu.memory_space<vmem>>, vector<1x64xf32>
    %add3A_12 = vector.broadcast %get3A_11 : vector<1x64xf32> to vector<1000x64xf32>
    %add3A_13 = arith.addf %add3A, %add3A_12 : vector<1000x64xf32>
    %gt3A = arith.constant 0.000000e+00 : f32
    %gt3A_14 = vector.broadcast %gt3A : f32 to vector<1000x64xf32>
    %gt3A_15 = arith.cmpf ogt, %add3A_13, %gt3A_14 : vector<1000x64xf32>
    %min3A = arith.constant 0.000000e+00 : f32
    %min3A_16 = vector.broadcast %min3A : f32 to vector<1000x64xf32>
    %min3A_17 = arith.minimumf %add3A_13, %min3A_16 : vector<1000x64xf32>
    %exp3A = math.exp %min3A_17 : vector<1000x64xf32>
    %sub3A = arith.constant 1.000000e+00 : f32
    %sub3A_18 = vector.broadcast %sub3A : f32 to vector<1000x64xf32>
    %sub3A_19 = arith.subf %exp3A, %sub3A_18 : vector<1000x64xf32>
    %select_n3A = arith.select %gt3A_15, %add3A_13, %sub3A_19 : vector<1000x64xi1>, vector<1000x64xf32>
    %get3A_20 = arith.constant 0 : index
    %get3A_21 = arith.constant 0 : index
    %get3A_22 = vector.load %arg3[%get3A_20, %get3A_21] : memref<1x64xf32, #tpu.memory_space<vmem>>, vector<1x64xf32>
    %mul3A = vector.broadcast %get3A_22 : vector<1x64xf32> to vector<1000x64xf32>
    %mul3A_23 = arith.mulf %select_n3A, %mul3A : vector<1000x64xf32>
    %get3A_24 = arith.constant 0 : index
    %get3A_25 = arith.constant 0 : index
    %get3A_26 = vector.load %arg4[%get3A_24, %get3A_25] : memref<1x64xf32, #tpu.memory_space<vmem>>, vector<1x64xf32>
    %add3A_27 = vector.broadcast %get3A_26 : vector<1x64xf32> to vector<1000x64xf32>
    %add3A_28 = arith.addf %mul3A_23, %add3A_27 : vector<1000x64xf32>
    %get3A_29 = arith.constant 0 : index
    %get3A_30 = arith.constant 0 : index
    %get3A_31 = vector.load %arg5[%get3A_29, %get3A_30] : memref<64x128xf32, #tpu.memory_space<vmem>>, vector<64x128xf32>
    %dot_general3A = arith.constant dense<0.000000e+00> : vector<1000x128xf32>
    %dot_general3A_32 = tpu.matmul %add3A_28, %get3A_31, %dot_general3A {dimension_numbers = #tpu.dot_dimension_numbers<[1], [0], [0], [1], [0, 0, 1, 1], [], []>, transpose_lhs_hint = false} : vector<1000x64xf32>, vector<64x128xf32>, vector<1000x128xf32> -> vector<1000x128xf32>
    %get3A_33 = arith.constant 0 : index
    %get3A_34 = arith.constant 0 : index
    %get3A_35 = vector.load %arg6[%get3A_33, %get3A_34] : memref<1x128xf32, #tpu.memory_space<vmem>>, vector<1x128xf32>
    %add3A_36 = vector.broadcast %get3A_35 : vector<1x128xf32> to vector<1000x128xf32>
    %add3A_37 = arith.addf %dot_general3A_32, %add3A_36 : vector<1000x128xf32>
    %mul3A_38 = arith.constant 5.000000e-01 : f32
    %mul3A_39 = vector.broadcast %mul3A_38 : f32 to vector<1000x128xf32>
    %mul3A_40 = arith.mulf %mul3A_39, %add3A_37 : vector<1000x128xf32>
    %mul3A_41 = arith.constant 0.707106769 : f32
    %mul3A_42 = vector.broadcast %mul3A_41 : f32 to vector<1000x128xf32>
    %mul3A_43 = arith.mulf %add3A_37, %mul3A_42 : vector<1000x128xf32>
    %erf3A = math.erf %mul3A_43 : vector<1000x128xf32>
    %add3A_44 = arith.constant 1.000000e+00 : f32
    %add3A_45 = vector.broadcast %add3A_44 : f32 to vector<1000x128xf32>
    %add3A_46 = arith.addf %add3A_45, %erf3A : vector<1000x128xf32>
    %mul3A_47 = arith.mulf %mul3A_40, %add3A_46 : vector<1000x128xf32>
    %get3A_48 = arith.constant 0 : index
    %get3A_49 = arith.constant 0 : index
    %get3A_50 = vector.load %arg7[%get3A_48, %get3A_49] : memref<128x64xf32, #tpu.memory_space<vmem>>, vector<128x64xf32>
    %dot_general3A_51 = arith.constant dense<0.000000e+00> : vector<1000x64xf32>
    %dot_general3A_52 = tpu.matmul %mul3A_47, %get3A_50, %dot_general3A_51 {dimension_numbers = #tpu.dot_dimension_numbers<[1], [0], [0], [1], [0, 0, 1, 1], [], []>, transpose_lhs_hint = false} : vector<1000x128xf32>, vector<128x64xf32>, vector<1000x64xf32> -> vector<1000x64xf32>
    %get3A_53 = arith.constant 0 : index
    %get3A_54 = arith.constant 0 : index
    %get3A_55 = vector.load %arg8[%get3A_53, %get3A_54] : memref<1x64xf32, #tpu.memory_space<vmem>>, vector<1x64xf32>
    %add3A_56 = vector.broadcast %get3A_55 : vector<1x64xf32> to vector<1000x64xf32>
    %add3A_57 = arith.addf %dot_general3A_52, %add3A_56 : vector<1000x64xf32>
    %mul3A_58 = arith.constant 5.000000e-01 : f32
    %mul3A_59 = vector.broadcast %mul3A_58 : f32 to vector<1000x64xf32>
    %mul3A_60 = arith.mulf %mul3A_59, %add3A_57 : vector<1000x64xf32>
    %mul3A_61 = arith.constant 0.707106769 : f32
    %mul3A_62 = vector.broadcast %mul3A_61 : f32 to vector<1000x64xf32>
    %mul3A_63 = arith.mulf %add3A_57, %mul3A_62 : vector<1000x64xf32>
    %erf3A_64 = math.erf %mul3A_63 : vector<1000x64xf32>
    %add3A_65 = arith.constant 1.000000e+00 : f32
    %add3A_66 = vector.broadcast %add3A_65 : f32 to vector<1000x64xf32>
    %add3A_67 = arith.addf %add3A_66, %erf3A_64 : vector<1000x64xf32>
    %mul3A_68 = arith.mulf %mul3A_60, %add3A_67 : vector<1000x64xf32>
    %get3A_69 = arith.constant 0 : index
    %get3A_70 = arith.constant 0 : index
    %get3A_71 = vector.load %arg9[%get3A_69, %get3A_70] : memref<64x16xf32, #tpu.memory_space<vmem>>, vector<64x16xf32>
    %dot_general3A_72 = arith.constant dense<0.000000e+00> : vector<1000x16xf32>
    %dot_general3A_73 = tpu.matmul %mul3A_68, %get3A_71, %dot_general3A_72 {dimension_numbers = #tpu.dot_dimension_numbers<[1], [0], [0], [1], [0, 0, 1, 1], [], []>, transpose_lhs_hint = false} : vector<1000x64xf32>, vector<64x16xf32>, vector<1000x16xf32> -> vector<1000x16xf32>
    %get3A_74 = arith.constant 0 : index
    %get3A_75 = arith.constant 0 : index
    %get3A_76 = vector.load %arg10[%get3A_74, %get3A_75] : memref<1x16xf32, #tpu.memory_space<vmem>>, vector<1x16xf32>
    %add3A_77 = vector.broadcast %get3A_76 : vector<1x16xf32> to vector<1000x16xf32>
    %add3A_78 = arith.addf %dot_general3A_73, %add3A_77 : vector<1000x16xf32>
    %swap3A = arith.constant 0 : index
    %swap3A_79 = arith.constant 0 : index
    %swap3A_80 = vector.load %arg11[%swap3A, %swap3A_79] : memref<1000x16xf32, #tpu.memory_space<vmem>>, vector<1000x16xf32>
    tpu.vector_store %arg11[%swap3A, %swap3A_79], %add3A_78 {strides = array<i32>} : memref<1000x16xf32, #tpu.memory_space<vmem>>, vector<1000x16xf32>,
    return
  }
  func.func @transform_0(%arg0: i32) -> (i32, i32, i32) {
    %c0_i32 = arith.constant 0 : i32
    %c0_i32_0 = arith.constant 0 : i32
    %c0_i32_1 = arith.constant 0 : i32
    return %c0_i32, %arg0, %c0_i32_0 : i32, i32, i32
  }
  func.func @transform_1(%arg0: i32) -> (i32, i32) {
    %c0_i32 = arith.constant 0 : i32
    %c0_i32_0 = arith.constant 0 : i32
    %c0_i32_1 = arith.constant 0 : i32
    return %c0_i32, %c0_i32_0 : i32, i32
  }
  func.func @transform_2(%arg0: i32) -> (i32, i32) {
    %c0_i32 = arith.constant 0 : i32
    %c0_i32_0 = arith.constant 0 : i32
    %c0_i32_1 = arith.constant 0 : i32
    return %c0_i32, %c0_i32_0 : i32, i32
  }
  func.func @transform_3(%arg0: i32) -> (i32, i32) {
    %c0_i32 = arith.constant 0 : i32
    %c0_i32_0 = arith.constant 0 : i32
    %c0_i32_1 = arith.constant 0 : i32
    return %c0_i32, %c0_i32_0 : i32, i32
  }
  func.func @transform_4(%arg0: i32) -> (i32, i32) {
    %c0_i32 = arith.constant 0 : i32
    %c0_i32_0 = arith.constant 0 : i32
    %c0_i32_1 = arith.constant 0 : i32
    return %c0_i32, %c0_i32_0 : i32, i32
  }
  func.func @transform_5(%arg0: i32) -> (i32, i32) {
    %c0_i32 = arith.constant 0 : i32
    %c0_i32_0 = arith.constant 0 : i32
    %c0_i32_1 = arith.constant 0 : i32
    return %c0_i32, %c0_i32_0 : i32, i32
  }
  func.func @transform_6(%arg0: i32) -> (i32, i32) {
    %c0_i32 = arith.constant 0 : i32
    %c0_i32_0 = arith.constant 0 : i32
    %c0_i32_1 = arith.constant 0 : i32
    return %c0_i32, %c0_i32_0 : i32, i32
  }
  func.func @transform_7(%arg0: i32) -> (i32, i32) {
    %c0_i32 = arith.constant 0 : i32
    %c0_i32_0 = arith.constant 0 : i32
    %c0_i32_1 = arith.constant 0 : i32
    return %c0_i32, %c0_i32_0 : i32, i32
  }
  func.func @transform_8(%arg0: i32) -> (i32, i32) {
    %c0_i32 = arith.constant 0 : i32
    %c0_i32_0 = arith.constant 0 : i32
    %c0_i32_1 = arith.constant 0 : i32
    return %c0_i32, %c0_i32_0 : i32, i32
  }
  func.func @transform_9(%arg0: i32) -> (i32, i32) {
    %c0_i32 = arith.constant 0 : i32
    %c0_i32_0 = arith.constant 0 : i32
    %c0_i32_1 = arith.constant 0 : i32
    return %c0_i32, %c0_i32_0 : i32, i32
  }
  func.func @transform_10(%arg0: i32) -> (i32, i32) {
    %c0_i32 = arith.constant 0 : i32
    %c0_i32_0 = arith.constant 0 : i32
    return %arg0, %c0_i32 : i32, i32
  }
}

</mosaic_0001>

<sc_bundles>
// kernel: kernel.12.cloned.1.call-start
scs
__scs_entry_jumppad:
0x0: {  	(pc) =	sbr.rel $0x88, $3  }
0x1: {  	(tag) =	ssettag $0x0;
	lr =	simm.s32 $0x1  }
0x2: {  	[smem:$0x3F8C] =	sst lr;
	_ =	strace $0xD0000000  }
0x3: {  	_ = 	snop  }
0x4: {  	_ = 	snop  }
0x5: {  	_ = 	snop  }
0x6: {  	_ = 	snop  }
0x7: {  	_ = 	snop  }
__scs_overlays_trampoline_lowered:
0x8: {  	[smem:$0x3F9B] =	sst s0  }
0x9: {  	[smem:$0x3F9C] =	sst s1  }
0xa: {  	[smem:$0x3F9D] =	sst s2  }
0xb: {  	[smem:$0x3F9E] =	sst s3  }
0xc: {  	[smem:$0x3F9F] =	sst s4  }
0xd: {  	[smem:$0x3FA0] =	sst s5  }
0xe: {  	[smem:$0x3FA1] =	sst s6  }
0xf: {  	[smem:$0x3FA2] =	sst s7  }
0x10: {  	[smem:$0x3FA3] =	sst s8  }
0x11: {  	[smem:$0x3FA4] =	sst s9;
	s0 =	simm.s32 @!p0 $0x0  }
0x12: {  	s1 =	sld [smem:$0x3F8A];
	s0 =	simm.s32 @p0 $0x1  }
0x13: {  	[smem:$0x3FA5] =	sst s0;
	s0 =	simm.s32 @!p1 $0x0  }
0x14: {  	s2 =	sld [smem:$0x3F89];
	s0 =	simm.s32 @p1 $0x1  }
0x15: {  	[smem:$0x3FA6] =	sst s0;
	s0 =	simm.s32 @!p2 $0x0  }
0x16: {  	s3 =	sld [smem:$0x3FDB];
	s0 =	simm.s32 @p2 $0x1  }
0x17: {  	s4 =	simm.s32 $0x1BF5;
	[smem:$0x3FA8] =	sst s0  }
0x18: {  	s0 =	sld [smem:$0x3F8B];
	_ =	swait.ge [sflag:s4], $0x0  }
0x19: {  	s7 =	sld [smem:$0x3F8C]  }
0x1a: {  	s8 =	sadd.s32 $0xFFFFE003, lr  }
0x1b: {  	s9 =	sadd.s32 $0xFFFFFEF7, lr;
	s5 =	simm.s32 $0xFFFFFFFF;
	p2 =	slt.u32 s8, $0xFFFFF086  }
0x1c: {  	p1 =	slt.u32 s9, $0xF7A;
	s5 =	simm.s32 @!p2 $0x0  }
0x1d: {  	s5 =	simm.s32 @p1 $0x1;
	p0 =	seq.s32 s7, s2  }
0x1e: {  	s7 =	smul.u32 @!p0 $0xF7A, s2;
	p2 =	seq.s32 @!p0 s5, $0x0  }
0x1f: {  	s9 =	smul.u32 $0xF7A, s1;
	s8 =	simm.s32 @!p0 $0x1BF5;
	p2 =	por !p2, p0  }
0x20: {  	[sflag:s8] =	ssyncset.s32 @!p0 $0xFFFFF086;
	s6 =	sadd.s32 @!p0 s3, s7;
	s7 =	simm.s32 @!p0 $0x108  }
0x21: {  	s3 =	sadd.s32 s3, s9;
	s6 =	sadd.s32 @!p0 $0x88, s6;
	s7 =	simm.s32 @p2 $0x1082  }
0x22: {  	[simem:s7], [sflag:s8] =	dma.local @!p0 [hbm:s6], $0xF7A  }
0x23: {  	s9 =	sor.u32 $0xD0000000, s2;
	s6 =	simm.s32 $0x108;
	_ =	swait.ge @!p0 [sflag:s8], $0x0  }
0x24: {  	s3 =	sadd.s32 $0x88, s3;
	s6 =	simm.s32 @!p1 $0x1082;
	[sflag:s4] =	ssyncset.s32 $0xFFFFF086  }
0x25: {  	[simem:s6], [sflag:s4] =	dma.local [hbm:s3], $0xF7A  }
0x26: {  	[smem:$0x3F8C] =	sst s1;
	(tag) =	ssettag s2;
	_ =	strace s9  }
0x27: {  	s1 =	sld [smem:$0x3F9C]  }
0x28: {  	s2 =	sld [smem:$0x3F9D]  }
0x29: {  	s4 =	sld [smem:$0x3F9F]  }
0x2a: {  	p0 =	seq.s32 s5, $0x0;
	s5 =	sld [smem:$0x3FA0]  }
0x2b: {  	s6 =	sld [smem:$0x3FA1]  }
0x2c: {  	s7 =	sld [smem:$0x3FA2]  }
0x2d: {  	s3 =	simm.s32 $0x108;
	s8 =	sld [smem:$0x3FA3]  }
0x2e: {  	s3 =	simm.s32 @!p0 $0x1082;
	s9 =	sld [smem:$0x3FA4]  }
0x2f: {  	lr =	sadd.s32 s0, s3;
	s0 =	sld [smem:$0x3F9B]  }
0x30: {  	s3 =	sld [smem:$0x3F9E]  }
0x31: {  	[smem:$0x3FA7] =	sst s10  }
0x32: {  	s10 =	sld [smem:$0x3FA5];
	_ =	sdelay $0x3  }
0x33: {  	p0 =	seq.s32 s10, $0x1;
	s10 =	sld [smem:$0x3FA7];
	_ =	sdelay $0x3  }
0x34: {  	[smem:$0x3FA7] =	sst s10  }
0x35: {  	s10 =	sld [smem:$0x3FA6];
	_ =	sdelay $0x3  }
0x36: {  	p1 =	seq.s32 s10, $0x1;
	s10 =	sld [smem:$0x3FA7];
	_ =	sdelay $0x3  }
0x37: {  	[smem:$0x3FA7] =	sst s10  }
0x38: {  	s10 =	sld [smem:$0x3FA8]  }
0x39: {  	_ = 	snop;
	(pc) =	sbr.ind lr, $3  }
0x3a: {  	_ = 	snop  }
0x3b: {  	_ = 	snop  }
0x3c: {  	p2 =	seq.s32 s10, $0x1;
	s10 =	sld [smem:$0x3FA7]  }
0x3d: {  	_ =	shalt  }
0x3e: {  	_ =	shalt  }
0x3f: {  	_ =	shalt  }
0x40: {  	_ =	shalt  }
0x41: {  	_ =	shalt  }
0x42: {  	_ =	shalt  }
0x43: {  	_ =	shalt  }
0x44: {  	_ =	shalt  }
0x45: {  	_ =	shalt  }
0x46: {  	_ =	shalt  }
0x47: {  	_ =	shalt  }
0x48: {  	_ =	shalt  }
0x49: {  	_ =	shalt  }
0x4a: {  	_ =	shalt  }
0x4b: {  	_ =	shalt  }
0x4c: {  	_ =	shalt  }
0x4d: {  	_ =	shalt  }
0x4e: {  	_ =	shalt  }
0x4f: {  	_ =	shalt  }
0x50: {  	_ =	shalt  }
0x51: {  	_ =	shalt  }
0x52: {  	_ =	shalt  }
0x53: {  	_ =	shalt  }
0x54: {  	_ =	shalt  }
0x55: {  	_ =	shalt  }
0x56: {  	_ =	shalt  }
0x57: {  	_ =	shalt  }
0x58: {  	_ =	shalt  }
0x59: {  	_ =	shalt  }
0x5a: {  	_ =	shalt  }
0x5b: {  	_ =	shalt  }
0x5c: {  	_ =	shalt  }
0x5d: {  	_ =	shalt  }
0x5e: {  	_ =	shalt  }
0x5f: {  	_ =	shalt  }
0x60: {  	_ =	shalt  }
0x61: {  	_ =	shalt  }
0x62: {  	_ =	shalt  }
0x63: {  	_ =	shalt  }
0x64: {  	_ =	shalt  }
0x65: {  	_ =	shalt  }
0x66: {  	_ =	shalt  }
0x67: {  	_ =	shalt  }
0x68: {  	_ =	shalt  }
0x69: {  	_ =	shalt  }
0x6a: {  	_ =	shalt  }
0x6b: {  	_ =	shalt  }
0x6c: {  	_ =	shalt  }
0x6d: {  	_ =	shalt  }
0x6e: {  	_ =	shalt  }
0x6f: {  	_ =	shalt  }
0x70: {  	_ =	shalt  }
0x71: {  	_ =	shalt  }
0x72: {  	_ =	shalt  }
0x73: {  	_ =	shalt  }
0x74: {  	_ =	shalt  }
0x75: {  	_ =	shalt  }
0x76: {  	_ =	shalt  }
0x77: {  	_ =	shalt  }
0x78: {  	_ =	shalt  }
0x79: {  	_ =	shalt  }
0x7a: {  	_ =	shalt  }
0x7b: {  	_ =	shalt  }
0x7c: {  	_ =	shalt  }
0x7d: {  	_ =	shalt  }
0x7e: {  	_ =	shalt  }
0x7f: {  	_ =	shalt  }
0x80: {  	_ =	shalt  }
0x81: {  	_ =	shalt  }
0x82: {  	_ =	shalt  }
0x83: {  	_ =	shalt  }
0x84: {  	_ =	shalt  }
0x85: {  	_ =	shalt  }
0x86: {  	_ =	shalt  }
0x87: {  	_ =	shalt  }
.Lfunc_end0:
.L_simem_size_0:
called_computation.1_lowered:
.L_overlay_start_0:
0x88: {  	s2 =	sld [smem:$0x3FD9]  }
0x89: {  	s3 =	sld [smem:$0x3FFE];
	_ =	sdelay $0x1  }
0x8a: {  	s1 =	srdreg.scid  }
0x8b: {  	s0 =	sand.u32 $0x1, s1  }
0x8c: {  	s16 =	sshll.u32 s0, $0xA;
	s2 =	sadd.s32 s3, s2  }
0x8d: {  	s2 =	sadd.s32 s2, s16  }
0x8e: {  	[smem:$0x3FB3] =	sst s2  }
0x8f: {  	_ = 	snop  }
0x90: {  	(tm) =	ssettm $0x1  }
0x91: {  	s17 =	sld [smem:$0x3FFB];
	_ =	sdelay $0x3  }
0x92: {  	_ =	strace s17  }
0x93: {  	s2 =	sld [smem:$0x3FFC];
	_ =	sdelay $0x3  }
0x94: {  	_ =	strace s2  }
0x95: {  	s2 =	sld [smem:$0x3FFD];
	_ =	sdelay $0x3  }
0x96: {  	_ =	strace s2  }
0x97: {  	_ =	strace $0x8FFFFFFF  }
0x98: {  	s18 =	sld [smem:$0x3FDB];
	_ =	sdelay $0x1  }
0x99: {  	s19 =	simm.s32 $_scs_section_size  }
0x9a: {  	s4 =	simm.s32 $_size__tile_overlayer_lowered;
	s5 =	simm.s32 $_tile_overlayer_lowered  }
0x9b: {  	s22 =	simm.s32 $0x1BFF;
	s21 =	sshll.u32 s5, $0x1;
	s2 =	sadd.s32 s19, s18  }
0x9c: {  	s6 =	simm.s32 $0x0;
	s20 =	sshll.u32 s4, $0x1;
	s4 =	sadd.s32 s21, s2  }
0x9d: {  	[timem:s6], [sflag:s22] =	dma.local [hbm:s4], s20  }
0x9e: {  	_ =	swait.ge [sflag:s22], s20  }
0x9f: {  	s3 =	ssub.s32 $0x0, s20;
	[sflag:s22] =	ssyncset.done $0x0  }
0xa0: {  	[sflag:s22] =	ssyncadd.s32 s3;
	_ =	sdelay $0x1  }
0xa1: {  	s23 =	simm.s32 $0x1B8B  }
0xa2: {  	_ =	swait.ge [sflag:s23], $0x1  }
0xa3: {  	[sflag:s23] =	ssyncset.done $0x0  }
0xa4: {  	s25 =	simm.s32 $0x1B8E;
	s24 =	sld [smem:$0x3FFE];
	[sflag:s23] =	ssyncadd.s32 $0xFFFFFFFF  }
0xa5: {  	s26 =	simm.s32 $execute0_lowered;
	[smem:$0x3FD2] =	sst s25  }
0xa6: {  	s4 =	sshll.u32 s26, $0x1;
	_ =	strace $0x80000049;
	[dreg:$0x1] =	wrdreg $0xFFFFFFFF  }
0xa7: {  	s28 =	simm.s32 $_size_execute0_lowered;
	s2 =	sadd.s32 s2, s4;
	[dreg:$0x0] =	wrdreg $0x0  }
0xa8: {  	s4 =	sshll.u32 s28, $0x1;
	[dreg:$0x2] =	wrdreg s2  }
0xa9: {  	[dreg:$0x3] =	wrdreg s4  }
0xaa: {  	[dreg:$0x4] =	wrdreg $0xC0  }
0xab: {  	_ =	task [dreg:s6], $0x5FFFF  }
0xac: {  	[dreg:$0x1] =	wrdreg $0xFFFFFFFF  }
0xad: {  	[dreg:$0x0] =	wrdreg $0x60  }
0xae: {  	[dreg:$0x2] =	wrdreg s24  }
0xaf: {  	[dreg:$0x3] =	wrdreg $0x0  }
0xb0: {  	[dreg:$0x4] =	wrdreg $0x9E000  }
0xb1: {  	[dreg:$0x5] =	wrdreg $0x9  }
0xb2: {  	_ =	task.clear_ibuf [dreg:s6], $0x6FFFF;
	_ =	strace $0x90000049  }
0xb3: {  	s29 =	simm.s32 $0x9;
	_ =	strace $0x8000004B  }
0xb4: {  	_ =	swait.ge [sflag:s29], $0x1  }
0xb5: {  	[sflag:s29] =	ssyncadd.s32 $0xFFFFFFFF  }
0xb6: {  	_ =	strace $0x9000004B  }
0xb7: {  	_ =	sfence  }
0xb8: {  	s30 =	sld [smem:$0x0];
	_ =	sdelay $0x2  }
0xb9: {  	s31 =	sshll.u32 s1, $0xD;
	s1 =	sshrl.u32 s1, $0x2  }
0xba: {  	s3 =	sand.u32 $0x4000, s31;
	s1 =	sadd.s32 s1, s30  }
0xbb: {  	s0 =	sor.u32 s3, s0;
	s1 =	sshll.u32 s1, $0x11  }
0xbc: {  	s0 =	sor.u32 s1, s0  }
0xbd: {  	s0 =	sadd.s32 $0x8F2B, s0  }
0xbe: {  	[sflag:s0] =	ssyncadd.remote.s32 $0x1  }
0xbf: {  	_ =	sfence.sel $0xFFFF  }
0xc0: {  	[dreg:$0x0] =	wrdreg $0xFFFFFFFF;
	(pc) =	sbr.abs _section_cstart, $3  }
0xc1: {  	[dreg:$0x1] =	wrdreg $0xFFFFFFFF  }
0xc2: {  	_ =	task.clear_ibuf [dreg:s6], $0x2FFFF;
	_ =	strace $0x9FFFFFFF  }
0xc3: {  	(tm) =	ssettm $0x7FFFFFFF  }
tec
execute0_lowered:
.L_overlay_start_1:
0x0: {  	(tag) =	ssettag $0x1  }
0x1: {  	s5 =	rddreg [dreg:$0x0]  }
0x2: {  	s1 =	srdreg.scid;
	s2 =	rddreg [dreg:$0x1]  }
0x3: {  	s0 =	stileid.u32;
	s3 =	rddreg [dreg:$0x2];
	s4 =	simm.s32 $0x0  }
0x4: {  	s16 =	simm.s32 $0x13C00;
	s17 =	simm.s32 $0x16380;
	s18 =	simm.s32 $0x80  }
0x5: {  	s19 =	simm.s32 $0x1B280;
	s20 =	simm.s32 $0x1;
	s21 =	simm.s32 $0x1D280  }
0x6: {  	s22 =	simm.s32 $0x0;
	s6 =	sand.u32 $0x1, s1;
	s28 =	sshll.u32 s0, $0x1  }
0x7: {  	s8 =	smul.u32 $0x9E00, s0;
	[smem:$0x7FF] =	sst s4;
	s31 =	sshll.u32 s0, $0x6  }
0x8: {  	s1 =	sor.u32 s6, s28;
	s9 =	smul.u32 $0x9E000, s6;
	s6 =	ssub.s32 $0x2, s6  }
0x9: {  	s7 =	smul.u32 $0x4F0, s1;
	s1 =	rddreg [dreg:$0x3];
	_ =	strace $0x8000004A  }
0xa: {  	s30 =	sshrl.u32 s8, $0x3;
	s11 =	sshrl.u32 s6, $0x1;
	s14 =	sadd.s32 s8, s2  }
0xb: {  	s15 =	sadd.s32 s8, s3;
	s29 =	sadd.s32 s8, s9;
	s9 =	sadd.s32 s30, s5  }
0xc: {  	s13 =	ssub.s32 s6, s11;
	s10 =	sadd.s32 s7, s5;
	s7 =	sshrl.u32 s29, $0x3  }
0xd: {  	s6 =	sor.u32 $0x1C02, s31;
	s15 =	sshrl.u32 s15, $0x3;
	s12 =	sadd.s32 s7, s5  }
0xe: {  	s5 =	sadd.s32 $0x2C00, s9;
	s7 =	sadd.s32 $0x34200, s9;
	s8 =	sadd.s32 $0x2A400, s10  }
0xf: {  	s9 =	sadd.s32 $0x20600, s10;
	s10 =	sadd.s32 $0x16800, s10;
	s11 =	sadd.s32 $0x47E00, s12  }
0x10: {  	s12 =	smax.u32 s13, $0x1;
	s13 =	sshrl.u32 s14, $0x3;
	s14 =	simm.s32 $0x2  }
.LBB2_1:
0x11: {  	[spmem:s13], [sflag:s6] =	dma.local [hbm:s5], $0x13C0  }
0x12: {  	_ =	swait.ge [sflag:s14], $0x13C0  }
0x13: {  	[sflag:s14] =	ssyncset.done $0x0  }
0x14: {  	[sflag:s14] =	ssyncadd.s32 $0xFFFFEC40  }
0x15: {  	[spmem:s15], [sflag:s6] =	dma.local [hbm:s7], $0x13C0  }
0x16: {  	_ =	swait.ge [sflag:s14], $0x13C0  }
0x17: {  	[sflag:s14] =	ssyncset.done $0x0  }
0x18: {  	[sflag:s14] =	ssyncadd.s32 $0xFFFFEC40  }
0x19: {  	[tilespmem:s16], [sflag:$0x2] =	stream.linear.gather [hbm4b:s8+s4], $0x2780, $0x38;
	[tilespmem:$0x1D300] =	vst v63  }
0x1a: {  	_ =	swait.ge [sflag:s14], $0x2780  }
0x1b: {  	[sflag:s14] =	ssyncset.done $0x0  }
0x1c: {  	[sflag:s14] =	ssyncadd.s32 $0xFFFFD880  }
0x1d: {  	[tilespmem:s17], [sflag:$0x2] =	stream.linear.gather [hbm4b:s9+s4], $0x2780, $0x38;
	[tilespmem:$0x1D300] =	vst v63  }
0x1e: {  	_ =	swait.ge [sflag:s14], $0x2780  }
0x1f: {  	[sflag:s14] =	ssyncset.done $0x0  }
0x20: {  	s23 =	simm.s32 $0x18B00;
	[sflag:s14] =	ssyncadd.s32 $0xFFFFD880  }
0x21: {  	[tilespmem:s23], [sflag:$0x2] =	stream.linear.gather [hbm4b:s10+s4], $0x2780, $0x38;
	[tilespmem:$0x1D300] =	vst v63  }
0x22: {  	_ =	swait.ge [sflag:s14], $0x2780  }
0x23: {  	[sflag:s14] =	ssyncset.done $0x0  }
0x24: {  	[sflag:s14] =	ssyncadd.s32 $0xFFFFD880  }
0x25: {  	s24 =	simm.s32 $0x0;
	[bflag:$0x0] =	sbarrier.arrive $0xFFFF  }
.LBB2_2:
0x26: {  	s25 =	sshll.u32 s24, $0x7  }
0x27: {  	v0 =	vld [tilespmem:s25+$0x16380];
	_ =	sdelay $0x4  }
0x28: {  	[tilespmem:$0x1D280] =	vst v0  }
0x29: {  	v0 =	vld [tilespmem:s25+$0x16390];
	_ =	sdelay $0x4  }
0x2a: {  	[tilespmem:$0x1D290] =	vst v0  }
0x2b: {  	v0 =	vld [tilespmem:s25+$0x163A0];
	_ =	sdelay $0x4  }
0x2c: {  	[tilespmem:$0x1D2A0] =	vst v0  }
0x2d: {  	v0 =	vld [tilespmem:s25+$0x163B0];
	_ =	sdelay $0x4  }
0x2e: {  	[tilespmem:$0x1D2B0] =	vst v0  }
0x2f: {  	v0 =	vld [tilespmem:s25+$0x163C0];
	_ =	sdelay $0x4  }
0x30: {  	[tilespmem:$0x1D2C0] =	vst v0  }
0x31: {  	v0 =	vld [tilespmem:s25+$0x163D0];
	_ =	sdelay $0x4  }
0x32: {  	[tilespmem:$0x1D2D0] =	vst v0  }
0x33: {  	v0 =	vld [tilespmem:s25+$0x163E0];
	_ =	sdelay $0x4  }
0x34: {  	[tilespmem:$0x1D2E0] =	vst v0  }
0x35: {  	v0 =	vld [tilespmem:s25+$0x163F0];
	_ =	sdelay $0x4  }
0x36: {  	s25 =	sadd.s32 $0x13C00, s25;
	[tilespmem:$0x1D2F0] =	vst v0  }
0x37: {  	v0 =	vmov s23;
	[tilespmem:s19], [sflag:$0x1] =	stream.indirect.gather [spmem:s2], $0x40, s25, s18, $0xb8;
	[tilespmem:$0x1D300] =	vst v63  }
0x38: {  	_ =	swait.ge [sflag:s20], $0x2000  }
0x39: {  	[sflag:s20] =	ssyncset.done $0x0  }
0x3a: {  	s26 =	simm.s32 $0x1B480;
	s25 =	simm.s32 $0x0;
	[sflag:s20] =	ssyncadd.s32 $0xFFFFE000  }
.LBB2_3:
0x3b: {  	s28 =	sshra.s32 s25, $0x2  }
0x3c: {  	v1 =	vld.idx.msk [tilespmem:v0+s28+$0x0 ss:$0x1], $0xffff;
	_ =	sdelay $0x1  }
0x3d: {  	v2 =	vld [tilespmem:s26+$0xFFFFFE00];
	_ =	sdelay $0x2  }
0x3e: {  	v3 =	vbroadcast v1, $0x0;
	_ =	sdelay $0x1  }
0x3f: {  	v2 =	vmul.f32 v3, v2;
	_ =	sdelay $0x1  }
0x40: {  	[tilespmem:s26+$0xFFFFFE00] =	vst v2;
	v2 =	vld [tilespmem:s26+$0xFFFFFE10];
	_ =	sdelay $0x4  }
0x41: {  	v2 =	vmul.f32 v2, v3;
	_ =	sdelay $0x1  }
0x42: {  	[tilespmem:s26+$0xFFFFFE10] =	vst v2;
	v2 =	vld [tilespmem:s26+$0xFFFFFE20];
	_ =	sdelay $0x4  }
0x43: {  	v2 =	vmul.f32 v2, v3;
	_ =	sdelay $0x1  }
0x44: {  	[tilespmem:s26+$0xFFFFFE20] =	vst v2;
	v2 =	vld [tilespmem:s26+$0xFFFFFE30];
	_ =	sdelay $0x4  }
0x45: {  	v2 =	vmul.f32 v2, v3;
	_ =	sdelay $0x1  }
0x46: {  	[tilespmem:s26+$0xFFFFFE30] =	vst v2;
	v2 =	vld [tilespmem:s26+$0xFFFFFE40];
	_ =	sdelay $0x2  }
0x47: {  	v3 =	vbroadcast v1, $0x1;
	_ =	sdelay $0x1  }
0x48: {  	v2 =	vmul.f32 v2, v3;
	_ =	sdelay $0x1  }
0x49: {  	[tilespmem:s26+$0xFFFFFE40] =	vst v2;
	v2 =	vld [tilespmem:s26+$0xFFFFFE50];
	_ =	sdelay $0x4  }
0x4a: {  	v2 =	vmul.f32 v2, v3;
	_ =	sdelay $0x1  }
0x4b: {  	[tilespmem:s26+$0xFFFFFE50] =	vst v2;
	v2 =	vld [tilespmem:s26+$0xFFFFFE60];
	_ =	sdelay $0x4  }
0x4c: {  	v2 =	vmul.f32 v2, v3;
	_ =	sdelay $0x1  }
0x4d: {  	[tilespmem:s26+$0xFFFFFE60] =	vst v2;
	v2 =	vld [tilespmem:s26+$0xFFFFFE70];
	_ =	sdelay $0x4  }
0x4e: {  	v2 =	vmul.f32 v2, v3;
	_ =	sdelay $0x1  }
0x4f: {  	[tilespmem:s26+$0xFFFFFE70] =	vst v2;
	v2 =	vld [tilespmem:s26+$0xFFFFFE80];
	_ =	sdelay $0x2  }
0x50: {  	v3 =	vbroadcast v1, $0x2;
	_ =	sdelay $0x1  }
0x51: {  	v2 =	vmul.f32 v2, v3;
	_ =	sdelay $0x1  }
0x52: {  	[tilespmem:s26+$0xFFFFFE80] =	vst v2;
	v2 =	vld [tilespmem:s26+$0xFFFFFE90];
	_ =	sdelay $0x4  }
0x53: {  	v2 =	vmul.f32 v2, v3;
	_ =	sdelay $0x1  }
0x54: {  	[tilespmem:s26+$0xFFFFFE90] =	vst v2;
	v2 =	vld [tilespmem:s26+$0xFFFFFEA0];
	_ =	sdelay $0x4  }
0x55: {  	v2 =	vmul.f32 v2, v3;
	_ =	sdelay $0x1  }
0x56: {  	[tilespmem:s26+$0xFFFFFEA0] =	vst v2;
	v2 =	vld [tilespmem:s26+$0xFFFFFEB0];
	_ =	sdelay $0x4  }
0x57: {  	v2 =	vmul.f32 v2, v3;
	_ =	sdelay $0x1  }
0x58: {  	[tilespmem:s26+$0xFFFFFEB0] =	vst v2;
	v2 =	vld [tilespmem:s26+$0xFFFFFEC0];
	_ =	sdelay $0x2  }
0x59: {  	v3 =	vbroadcast v1, $0x3;
	_ =	sdelay $0x1  }
0x5a: {  	v2 =	vmul.f32 v2, v3;
	_ =	sdelay $0x1  }
0x5b: {  	[tilespmem:s26+$0xFFFFFEC0] =	vst v2;
	v2 =	vld [tilespmem:s26+$0xFFFFFED0];
	_ =	sdelay $0x4  }
0x5c: {  	v2 =	vmul.f32 v2, v3;
	_ =	sdelay $0x1  }
0x5d: {  	[tilespmem:s26+$0xFFFFFED0] =	vst v2;
	v2 =	vld [tilespmem:s26+$0xFFFFFEE0];
	_ =	sdelay $0x4  }
0x5e: {  	v2 =	vmul.f32 v2, v3;
	_ =	sdelay $0x1  }
0x5f: {  	[tilespmem:s26+$0xFFFFFEE0] =	vst v2;
	v2 =	vld [tilespmem:s26+$0xFFFFFEF0];
	_ =	sdelay $0x4  }
0x60: {  	v2 =	vmul.f32 v2, v3;
	_ =	sdelay $0x1  }
0x61: {  	[tilespmem:s26+$0xFFFFFEF0] =	vst v2;
	v2 =	vld [tilespmem:s26+$0xFFFFFF00];
	_ =	sdelay $0x2  }
0x62: {  	v3 =	vbroadcast v1, $0x4;
	_ =	sdelay $0x1  }
0x63: {  	v2 =	vmul.f32 v2, v3;
	_ =	sdelay $0x1  }
0x64: {  	[tilespmem:s26+$0xFFFFFF00] =	vst v2;
	v2 =	vld [tilespmem:s26+$0xFFFFFF10];
	_ =	sdelay $0x4  }
0x65: {  	v2 =	vmul.f32 v2, v3;
	_ =	sdelay $0x1  }
0x66: {  	[tilespmem:s26+$0xFFFFFF10] =	vst v2;
	v2 =	vld [tilespmem:s26+$0xFFFFFF20];
	_ =	sdelay $0x4  }
0x67: {  	v2 =	vmul.f32 v2, v3;
	_ =	sdelay $0x1  }
0x68: {  	[tilespmem:s26+$0xFFFFFF20] =	vst v2;
	v2 =	vld [tilespmem:s26+$0xFFFFFF30];
	_ =	sdelay $0x4  }
0x69: {  	v2 =	vmul.f32 v2, v3;
	_ =	sdelay $0x1  }
0x6a: {  	[tilespmem:s26+$0xFFFFFF30] =	vst v2;
	v2 =	vld [tilespmem:s26+$0xFFFFFF40];
	_ =	sdelay $0x2  }
0x6b: {  	v3 =	vbroadcast v1, $0x5;
	_ =	sdelay $0x1  }
0x6c: {  	v2 =	vmul.f32 v2, v3;
	_ =	sdelay $0x1  }
0x6d: {  	[tilespmem:s26+$0xFFFFFF40] =	vst v2;
	v2 =	vld [tilespmem:s26+$0xFFFFFF50];
	_ =	sdelay $0x4  }
0x6e: {  	v2 =	vmul.f32 v2, v3;
	_ =	sdelay $0x1  }
0x6f: {  	[tilespmem:s26+$0xFFFFFF50] =	vst v2;
	v2 =	vld [tilespmem:s26+$0xFFFFFF60];
	_ =	sdelay $0x4  }
0x70: {  	v2 =	vmul.f32 v2, v3;
	_ =	sdelay $0x1  }
0x71: {  	[tilespmem:s26+$0xFFFFFF60] =	vst v2;
	v2 =	vld [tilespmem:s26+$0xFFFFFF70];
	_ =	sdelay $0x4  }
0x72: {  	v2 =	vmul.f32 v2, v3;
	_ =	sdelay $0x1  }
0x73: {  	[tilespmem:s26+$0xFFFFFF70] =	vst v2;
	v2 =	vld [tilespmem:s26+$0xFFFFFF80];
	_ =	sdelay $0x2  }
0x74: {  	v3 =	vbroadcast v1, $0x6;
	_ =	sdelay $0x1  }
0x75: {  	v2 =	vmul.f32 v2, v3;
	_ =	sdelay $0x1  }
0x76: {  	[tilespmem:s26+$0xFFFFFF80] =	vst v2;
	v2 =	vld [tilespmem:s26+$0xFFFFFF90];
	_ =	sdelay $0x4  }
0x77: {  	v2 =	vmul.f32 v2, v3;
	_ =	sdelay $0x1  }
0x78: {  	[tilespmem:s26+$0xFFFFFF90] =	vst v2;
	v2 =	vld [tilespmem:s26+$0xFFFFFFA0];
	_ =	sdelay $0x4  }
0x79: {  	v2 =	vmul.f32 v2, v3;
	_ =	sdelay $0x1  }
0x7a: {  	[tilespmem:s26+$0xFFFFFFA0] =	vst v2;
	v2 =	vld [tilespmem:s26+$0xFFFFFFB0];
	_ =	sdelay $0x4  }
0x7b: {  	v2 =	vmul.f32 v2, v3;
	_ =	sdelay $0x1  }
0x7c: {  	[tilespmem:s26+$0xFFFFFFB0] =	vst v2;
	v2 =	vld [tilespmem:s26+$0xFFFFFFC0];
	_ =	sdelay $0x2  }
0x7d: {  	v3 =	vbroadcast v1, $0x7;
	_ =	sdelay $0x1  }
0x7e: {  	v2 =	vmul.f32 v2, v3;
	_ =	sdelay $0x1  }
0x7f: {  	[tilespmem:s26+$0xFFFFFFC0] =	vst v2;
	v2 =	vld [tilespmem:s26+$0xFFFFFFD0];
	_ =	sdelay $0x4  }
0x80: {  	v2 =	vmul.f32 v2, v3;
	_ =	sdelay $0x1  }
0x81: {  	[tilespmem:s26+$0xFFFFFFD0] =	vst v2;
	v2 =	vld [tilespmem:s26+$0xFFFFFFE0];
	_ =	sdelay $0x4  }
0x82: {  	v2 =	vmul.f32 v2, v3;
	_ =	sdelay $0x1  }
0x83: {  	[tilespmem:s26+$0xFFFFFFE0] =	vst v2;
	v2 =	vld [tilespmem:s26+$0xFFFFFFF0];
	_ =	sdelay $0x4  }
0x84: {  	v2 =	vmul.f32 v2, v3;
	_ =	sdelay $0x1  }
0x85: {  	[tilespmem:s26+$0xFFFFFFF0] =	vst v2;
	v2 =	vld [tilespmem:s26+$0x0];
	_ =	sdelay $0x2  }
0x86: {  	v3 =	vbroadcast v1, $0x8;
	_ =	sdelay $0x1  }
0x87: {  	v2 =	vmul.f32 v2, v3;
	_ =	sdelay $0x1  }
0x88: {  	[tilespmem:s26+$0x0] =	vst v2;
	v2 =	vld [tilespmem:s26+$0x10];
	_ =	sdelay $0x4  }
0x89: {  	v2 =	vmul.f32 v2, v3;
	_ =	sdelay $0x1  }
0x8a: {  	[tilespmem:s26+$0x10] =	vst v2;
	v2 =	vld [tilespmem:s26+$0x20];
	_ =	sdelay $0x4  }
0x8b: {  	v2 =	vmul.f32 v2, v3;
	_ =	sdelay $0x1  }
0x8c: {  	[tilespmem:s26+$0x20] =	vst v2;
	v2 =	vld [tilespmem:s26+$0x30];
	_ =	sdelay $0x4  }
0x8d: {  	v2 =	vmul.f32 v2, v3;
	_ =	sdelay $0x1  }
0x8e: {  	[tilespmem:s26+$0x30] =	vst v2;
	v2 =	vld [tilespmem:s26+$0x40];
	_ =	sdelay $0x2  }
0x8f: {  	v3 =	vbroadcast v1, $0x9;
	_ =	sdelay $0x1  }
0x90: {  	v2 =	vmul.f32 v2, v3;
	_ =	sdelay $0x1  }
0x91: {  	[tilespmem:s26+$0x40] =	vst v2;
	v2 =	vld [tilespmem:s26+$0x50];
	_ =	sdelay $0x4  }
0x92: {  	v2 =	vmul.f32 v2, v3;
	_ =	sdelay $0x1  }
0x93: {  	[tilespmem:s26+$0x50] =	vst v2;
	v2 =	vld [tilespmem:s26+$0x60];
	_ =	sdelay $0x4  }
0x94: {  	v2 =	vmul.f32 v2, v3;
	_ =	sdelay $0x1  }
0x95: {  	[tilespmem:s26+$0x60] =	vst v2;
	v2 =	vld [tilespmem:s26+$0x70];
	_ =	sdelay $0x4  }
0x96: {  	v2 =	vmul.f32 v2, v3;
	_ =	sdelay $0x1  }
0x97: {  	[tilespmem:s26+$0x70] =	vst v2;
	v2 =	vld [tilespmem:s26+$0x80];
	_ =	sdelay $0x2  }
0x98: {  	v3 =	vbroadcast v1, $0xA;
	_ =	sdelay $0x1  }
0x99: {  	v2 =	vmul.f32 v2, v3;
	_ =	sdelay $0x1  }
0x9a: {  	[tilespmem:s26+$0x80] =	vst v2;
	v2 =	vld [tilespmem:s26+$0x90];
	_ =	sdelay $0x4  }
0x9b: {  	v2 =	vmul.f32 v2, v3;
	_ =	sdelay $0x1  }
0x9c: {  	[tilespmem:s26+$0x90] =	vst v2;
	v2 =	vld [tilespmem:s26+$0xA0];
	_ =	sdelay $0x4  }
0x9d: {  	v2 =	vmul.f32 v2, v3;
	_ =	sdelay $0x1  }
0x9e: {  	[tilespmem:s26+$0xA0] =	vst v2;
	v2 =	vld [tilespmem:s26+$0xB0];
	_ =	sdelay $0x4  }
0x9f: {  	v2 =	vmul.f32 v2, v3;
	_ =	sdelay $0x1  }
0xa0: {  	[tilespmem:s26+$0xB0] =	vst v2;
	v2 =	vld [tilespmem:s26+$0xC0];
	_ =	sdelay $0x2  }
0xa1: {  	v3 =	vbroadcast v1, $0xB;
	_ =	sdelay $0x1  }
0xa2: {  	v2 =	vmul.f32 v2, v3;
	_ =	sdelay $0x1  }
0xa3: {  	[tilespmem:s26+$0xC0] =	vst v2;
	v2 =	vld [tilespmem:s26+$0xD0];
	_ =	sdelay $0x4  }
0xa4: {  	v2 =	vmul.f32 v2, v3;
	_ =	sdelay $0x1  }
0xa5: {  	[tilespmem:s26+$0xD0] =	vst v2;
	v2 =	vld [tilespmem:s26+$0xE0];
	_ =	sdelay $0x4  }
0xa6: {  	v2 =	vmul.f32 v2, v3;
	_ =	sdelay $0x1  }
0xa7: {  	[tilespmem:s26+$0xE0] =	vst v2;
	v2 =	vld [tilespmem:s26+$0xF0];
	_ =	sdelay $0x4  }
0xa8: {  	v2 =	vmul.f32 v2, v3;
	_ =	sdelay $0x1  }
0xa9: {  	[tilespmem:s26+$0xF0] =	vst v2;
	v2 =	vld [tilespmem:s26+$0x100];
	_ =	sdelay $0x2  }
0xaa: {  	v3 =	vbroadcast v1, $0xC;
	_ =	sdelay $0x1  }
0xab: {  	v2 =	vmul.f32 v2, v3;
	_ =	sdelay $0x1  }
0xac: {  	[tilespmem:s26+$0x100] =	vst v2;
	v2 =	vld [tilespmem:s26+$0x110];
	_ =	sdelay $0x4  }
0xad: {  	v2 =	vmul.f32 v2, v3;
	_ =	sdelay $0x1  }
0xae: {  	[tilespmem:s26+$0x110] =	vst v2;
	v2 =	vld [tilespmem:s26+$0x120];
	_ =	sdelay $0x4  }
0xaf: {  	v2 =	vmul.f32 v2, v3;
	_ =	sdelay $0x1  }
0xb0: {  	[tilespmem:s26+$0x120] =	vst v2;
	v2 =	vld [tilespmem:s26+$0x130];
	_ =	sdelay $0x4  }
0xb1: {  	v2 =	vmul.f32 v2, v3;
	_ =	sdelay $0x1  }
0xb2: {  	[tilespmem:s26+$0x130] =	vst v2;
	v2 =	vld [tilespmem:s26+$0x140];
	_ =	sdelay $0x2  }
0xb3: {  	v3 =	vbroadcast v1, $0xD;
	_ =	sdelay $0x1  }
0xb4: {  	v2 =	vmul.f32 v2, v3;
	_ =	sdelay $0x1  }
0xb5: {  	[tilespmem:s26+$0x140] =	vst v2;
	v2 =	vld [tilespmem:s26+$0x150];
	_ =	sdelay $0x4  }
0xb6: {  	v2 =	vmul.f32 v2, v3;
	_ =	sdelay $0x1  }
0xb7: {  	[tilespmem:s26+$0x150] =	vst v2;
	v2 =	vld [tilespmem:s26+$0x160];
	_ =	sdelay $0x4  }
0xb8: {  	v2 =	vmul.f32 v2, v3;
	_ =	sdelay $0x1  }
0xb9: {  	[tilespmem:s26+$0x160] =	vst v2;
	v2 =	vld [tilespmem:s26+$0x170];
	_ =	sdelay $0x4  }
0xba: {  	v2 =	vmul.f32 v2, v3;
	_ =	sdelay $0x1  }
0xbb: {  	[tilespmem:s26+$0x170] =	vst v2;
	v2 =	vld [tilespmem:s26+$0x180];
	_ =	sdelay $0x2  }
0xbc: {  	v3 =	vbroadcast v1, $0xE;
	_ =	sdelay $0x1  }
0xbd: {  	v2 =	vmul.f32 v2, v3;
	_ =	sdelay $0x1  }
0xbe: {  	[tilespmem:s26+$0x180] =	vst v2;
	v2 =	vld [tilespmem:s26+$0x190];
	_ =	sdelay $0x4  }
0xbf: {  	v2 =	vmul.f32 v2, v3;
	_ =	sdelay $0x1  }
0xc0: {  	[tilespmem:s26+$0x190] =	vst v2;
	v2 =	vld [tilespmem:s26+$0x1A0];
	_ =	sdelay $0x4  }
0xc1: {  	v2 =	vmul.f32 v2, v3;
	_ =	sdelay $0x1  }
0xc2: {  	[tilespmem:s26+$0x1A0] =	vst v2;
	v2 =	vld [tilespmem:s26+$0x1B0];
	_ =	sdelay $0x4  }
0xc3: {  	v2 =	vmul.f32 v2, v3;
	_ =	sdelay $0x1  }
0xc4: {  	[tilespmem:s26+$0x1B0] =	vst v2;
	v2 =	vld [tilespmem:s26+$0x1C0];
	_ =	sdelay $0x2  }
0xc5: {  	v1 =	vbroadcast v1, $0xF;
	_ =	sdelay $0x1  }
0xc6: {  	v2 =	vmul.f32 v2, v1;
	_ =	sdelay $0x1  }
0xc7: {  	[tilespmem:s26+$0x1C0] =	vst v2;
	v2 =	vld [tilespmem:s26+$0x1D0];
	_ =	sdelay $0x4  }
0xc8: {  	v2 =	vmul.f32 v2, v1;
	_ =	sdelay $0x1  }
0xc9: {  	[tilespmem:s26+$0x1D0] =	vst v2;
	v2 =	vld [tilespmem:s26+$0x1E0];
	_ =	sdelay $0x4  }
0xca: {  	v2 =	vmul.f32 v2, v1;
	_ =	sdelay $0x1  }
0xcb: {  	[tilespmem:s26+$0x1E0] =	vst v2;
	v2 =	vld [tilespmem:s26+$0x1F0];
	_ =	sdelay $0x1  }
0xcc: {  	p0 =	sne.s32 s25, $0x1C0  }
.Ltmp0:
0xcd: {  	_ = 	snop;
	(pc) =	sbr.rel @p0 .LBB2_3-.Ltmp0, $3  }
0xce: {  	_ = 	snop  }
0xcf: {  	v1 =	vmul.f32 v2, v1;
	_ =	sdelay $0x1  }
0xd0: {  	s25 =	sadd.s32 $0x40, s25;
	[tilespmem:s26+$0x1F0] =	vst v1;
	s26 =	sadd.s32 $0x400, s26  }
0xd1: {  	s24 =	sadd.s32 $0x1, s24  }
0xd2: {  	p0 =	sne.s32 s24, $0x4F  }
.Ltmp1:
0xd3: {  	_ = 	snop;
	(pc) =	sbr.rel @p0 .LBB2_2-.Ltmp1, $4  }
0xd4: {  	[spmem:s3] =	stream.indirect.scatter.add.f32 [tilespmem:s19], [sflag:$0x2], $0x40, s21, s18, $0xb8;
	[tilespmem:$0x1D300] =	vst v63  }
0xd5: {  	_ =	swait.ge [sflag:s14], $0x2000  }
0xd6: {  	[sflag:s14] =	ssyncset.done $0x0  }
0xd7: {  	s23 =	sadd.s32 $0x80, s23;
	[sflag:s14] =	ssyncadd.s32 $0xFFFFE000  }
0xd8: {  	s22 =	sadd.s32 $0x1, s22  }
0xd9: {  	p0 =	sne.s32 s22, s12  }
.Ltmp2:
0xda: {  	[bflag:$0x0] =	sbarrier.arrive $0xFFFF;
	(pc) =	sbr.rel @p0 .LBB2_1-.Ltmp2, $4  }
0xdb: {  	[hbm:s11], [sflag:s6] =	dma.local [spmem:s15], $0x13C0  }
0xdc: {  	_ =	swait.ge [sflag:s14], $0x13C0  }
0xdd: {  	[sflag:s14] =	ssyncset.done $0x0  }
0xde: {  	[sflag:s14] =	ssyncadd.s32 $0xFFFFEC40  }
0xdf: {  	_ =	sfence.sel $0x180000  }
0xe0: {  	[bflag:$0x0] =	sbarrier.arrive $0xFFFF  }
0xe1: {  	p0 =	sne.s32 s0, $0x0;
	_ =	strace $0x9000004A  }
0xe2: {  	s0 =	sadd.s32 @!p0 $0x100000, s1;
	[bflag:$0x2] =	sbarrier.arrive $0xFFFF  }
0xe3: {  	[sflag:s0] =	ssyncadd.tile.s32 @!p0 $0x1;
	_ =	shalt  }
.Lfunc_end2:
_tile_overlayer_lowered:
.L_overlay_start_2:
0xe4: {  	(tag) =	ssettag $0x2  }
0xe5: {  	s0 =	rddreg [dreg:$0x0];
	s2 =	stileid.u32  }
0xe6: {  	s1 =	rddreg [dreg:$0x1];
	p0 =	sne.s32 s2, $0x0  }
0xe7: {  	s3 =	rddreg [dreg:$0x2];
	[bflag:$0x3] =	sbarrier.arrive $0xFFFF;
	s2 =	simm.s32 @!p0 $0x1C02  }
0xe8: {  	[timem:s3], [sflag:s2] =	dma.local @!p0 [hbm:s0], s1  }
0xe9: {  	s0 =	simm.s32 @!p0 $0x2  }
0xea: {  	_ =	swait.ge @!p0 [sflag:s0], s1  }
0xeb: {  	s1 =	ssub.s32 @!p0 $0x0, s1;
	[sflag:s0] =	ssyncset.done @!p0 $0x0  }
0xec: {  	[sflag:s0] =	ssyncadd.s32 @!p0 s1  }
0xed: {  	[bflag:$0x3] =	sbarrier.arrive $0xFFFF  }
0xee: {  	_ =	shalt  }

// kernel: kernel.15.cloned.1.call-start
scs
__scs_entry_jumppad:
0x0: {  	(pc) =	sbr.rel $0x88, $3  }
0x1: {  	(tag) =	ssettag $0x0;
	lr =	simm.s32 $0x1  }
0x2: {  	[smem:$0x3F8C] =	sst lr;
	_ =	strace $0xD0000000  }
0x3: {  	_ = 	snop  }
0x4: {  	_ = 	snop  }
0x5: {  	_ = 	snop  }
0x6: {  	_ = 	snop  }
0x7: {  	_ = 	snop  }
__scs_overlays_trampoline_lowered:
0x8: {  	[smem:$0x3F9B] =	sst s0  }
0x9: {  	[smem:$0x3F9C] =	sst s1  }
0xa: {  	[smem:$0x3F9D] =	sst s2  }
0xb: {  	[smem:$0x3F9E] =	sst s3  }
0xc: {  	[smem:$0x3F9F] =	sst s4  }
0xd: {  	[smem:$0x3FA0] =	sst s5  }
0xe: {  	[smem:$0x3FA1] =	sst s6  }
0xf: {  	[smem:$0x3FA2] =	sst s7  }
0x10: {  	[smem:$0x3FA3] =	sst s8  }
0x11: {  	[smem:$0x3FA4] =	sst s9;
	s0 =	simm.s32 @!p0 $0x0  }
0x12: {  	s1 =	sld [smem:$0x3F8A];
	s0 =	simm.s32 @p0 $0x1  }
0x13: {  	[smem:$0x3FA5] =	sst s0;
	s0 =	simm.s32 @!p1 $0x0  }
0x14: {  	s2 =	sld [smem:$0x3F89];
	s0 =	simm.s32 @p1 $0x1  }
0x15: {  	[smem:$0x3FA6] =	sst s0;
	s0 =	simm.s32 @!p2 $0x0  }
0x16: {  	s3 =	sld [smem:$0x3FDB];
	s0 =	simm.s32 @p2 $0x1  }
0x17: {  	s4 =	simm.s32 $0x1BF5;
	[smem:$0x3FA8] =	sst s0  }
0x18: {  	s0 =	sld [smem:$0x3F8B];
	_ =	swait.ge [sflag:s4], $0x0  }
0x19: {  	s7 =	sld [smem:$0x3F8C]  }
0x1a: {  	s8 =	sadd.s32 $0xFFFFE003, lr  }
0x1b: {  	s9 =	sadd.s32 $0xFFFFFEF7, lr;
	s5 =	simm.s32 $0xFFFFFFFF;
	p2 =	slt.u32 s8, $0xFFFFF086  }
0x1c: {  	p1 =	slt.u32 s9, $0xF7A;
	s5 =	simm.s32 @!p2 $0x0  }
0x1d: {  	s5 =	simm.s32 @p1 $0x1;
	p0 =	seq.s32 s7, s2  }
0x1e: {  	s7 =	smul.u32 @!p0 $0xF7A, s2;
	p2 =	seq.s32 @!p0 s5, $0x0  }
0x1f: {  	s9 =	smul.u32 $0xF7A, s1;
	s8 =	simm.s32 @!p0 $0x1BF5;
	p2 =	por !p2, p0  }
0x20: {  	[sflag:s8] =	ssyncset.s32 @!p0 $0xFFFFF086;
	s6 =	sadd.s32 @!p0 s3, s7;
	s7 =	simm.s32 @!p0 $0x108  }
0x21: {  	s3 =	sadd.s32 s3, s9;
	s6 =	sadd.s32 @!p0 $0x88, s6;
	s7 =	simm.s32 @p2 $0x1082  }
0x22: {  	[simem:s7], [sflag:s8] =	dma.local @!p0 [hbm:s6], $0xF7A  }
0x23: {  	s9 =	sor.u32 $0xD0000000, s2;
	s6 =	simm.s32 $0x108;
	_ =	swait.ge @!p0 [sflag:s8], $0x0  }
0x24: {  	s3 =	sadd.s32 $0x88, s3;
	s6 =	simm.s32 @!p1 $0x1082;
	[sflag:s4] =	ssyncset.s32 $0xFFFFF086  }
0x25: {  	[simem:s6], [sflag:s4] =	dma.local [hbm:s3], $0xF7A  }
0x26: {  	[smem:$0x3F8C] =	sst s1;
	(tag) =	ssettag s2;
	_ =	strace s9  }
0x27: {  	s1 =	sld [smem:$0x3F9C]  }
0x28: {  	s2 =	sld [smem:$0x3F9D]  }
0x29: {  	s4 =	sld [smem:$0x3F9F]  }
0x2a: {  	p0 =	seq.s32 s5, $0x0;
	s5 =	sld [smem:$0x3FA0]  }
0x2b: {  	s6 =	sld [smem:$0x3FA1]  }
0x2c: {  	s7 =	sld [smem:$0x3FA2]  }
0x2d: {  	s3 =	simm.s32 $0x108;
	s8 =	sld [smem:$0x3FA3]  }
0x2e: {  	s3 =	simm.s32 @!p0 $0x1082;
	s9 =	sld [smem:$0x3FA4]  }
0x2f: {  	lr =	sadd.s32 s0, s3;
	s0 =	sld [smem:$0x3F9B]  }
0x30: {  	s3 =	sld [smem:$0x3F9E]  }
0x31: {  	[smem:$0x3FA7] =	sst s10  }
0x32: {  	s10 =	sld [smem:$0x3FA5];
	_ =	sdelay $0x3  }
0x33: {  	p0 =	seq.s32 s10, $0x1;
	s10 =	sld [smem:$0x3FA7];
	_ =	sdelay $0x3  }
0x34: {  	[smem:$0x3FA7] =	sst s10  }
0x35: {  	s10 =	sld [smem:$0x3FA6];
	_ =	sdelay $0x3  }
0x36: {  	p1 =	seq.s32 s10, $0x1;
	s10 =	sld [smem:$0x3FA7];
	_ =	sdelay $0x3  }
0x37: {  	[smem:$0x3FA7] =	sst s10  }
0x38: {  	s10 =	sld [smem:$0x3FA8]  }
0x39: {  	_ = 	snop;
	(pc) =	sbr.ind lr, $3  }
0x3a: {  	_ = 	snop  }
0x3b: {  	_ = 	snop  }
0x3c: {  	p2 =	seq.s32 s10, $0x1;
	s10 =	sld [smem:$0x3FA7]  }
0x3d: {  	_ =	shalt  }
0x3e: {  	_ =	shalt  }
0x3f: {  	_ =	shalt  }
0x40: {  	_ =	shalt  }
0x41: {  	_ =	shalt  }
0x42: {  	_ =	shalt  }
0x43: {  	_ =	shalt  }
0x44: {  	_ =	shalt  }
0x45: {  	_ =	shalt  }
0x46: {  	_ =	shalt  }
0x47: {  	_ =	shalt  }
0x48: {  	_ =	shalt  }
0x49: {  	_ =	shalt  }
0x4a: {  	_ =	shalt  }
0x4b: {  	_ =	shalt  }
0x4c: {  	_ =	shalt  }
0x4d: {  	_ =	shalt  }
0x4e: {  	_ =	shalt  }
0x4f: {  	_ =	shalt  }
0x50: {  	_ =	shalt  }
0x51: {  	_ =	shalt  }
0x52: {  	_ =	shalt  }
0x53: {  	_ =	shalt  }
0x54: {  	_ =	shalt  }
0x55: {  	_ =	shalt  }
0x56: {  	_ =	shalt  }
0x57: {  	_ =	shalt  }
0x58: {  	_ =	shalt  }
0x59: {  	_ =	shalt  }
0x5a: {  	_ =	shalt  }
0x5b: {  	_ =	shalt  }
0x5c: {  	_ =	shalt  }
0x5d: {  	_ =	shalt  }
0x5e: {  	_ =	shalt  }
0x5f: {  	_ =	shalt  }
0x60: {  	_ =	shalt  }
0x61: {  	_ =	shalt  }
0x62: {  	_ =	shalt  }
0x63: {  	_ =	shalt  }
0x64: {  	_ =	shalt  }
0x65: {  	_ =	shalt  }
0x66: {  	_ =	shalt  }
0x67: {  	_ =	shalt  }
0x68: {  	_ =	shalt  }
0x69: {  	_ =	shalt  }
0x6a: {  	_ =	shalt  }
0x6b: {  	_ =	shalt  }
0x6c: {  	_ =	shalt  }
0x6d: {  	_ =	shalt  }
0x6e: {  	_ =	shalt  }
0x6f: {  	_ =	shalt  }
0x70: {  	_ =	shalt  }
0x71: {  	_ =	shalt  }
0x72: {  	_ =	shalt  }
0x73: {  	_ =	shalt  }
0x74: {  	_ =	shalt  }
0x75: {  	_ =	shalt  }
0x76: {  	_ =	shalt  }
0x77: {  	_ =	shalt  }
0x78: {  	_ =	shalt  }
0x79: {  	_ =	shalt  }
0x7a: {  	_ =	shalt  }
0x7b: {  	_ =	shalt  }
0x7c: {  	_ =	shalt  }
0x7d: {  	_ =	shalt  }
0x7e: {  	_ =	shalt  }
0x7f: {  	_ =	shalt  }
0x80: {  	_ =	shalt  }
0x81: {  	_ =	shalt  }
0x82: {  	_ =	shalt  }
0x83: {  	_ =	shalt  }
0x84: {  	_ =	shalt  }
0x85: {  	_ =	shalt  }
0x86: {  	_ =	shalt  }
0x87: {  	_ =	shalt  }
.Lfunc_end0:
.L_simem_size_0:
called_computation.2_lowered:
.L_overlay_start_0:
0x88: {  	s2 =	sld [smem:$0x3FD9]  }
0x89: {  	s3 =	sld [smem:$0x3FFE];
	_ =	sdelay $0x1  }
0x8a: {  	s1 =	srdreg.scid  }
0x8b: {  	s0 =	sand.u32 $0x1, s1  }
0x8c: {  	s16 =	sshll.u32 s0, $0xA;
	s2 =	sadd.s32 s3, s2  }
0x8d: {  	s2 =	sadd.s32 s2, s16  }
0x8e: {  	[smem:$0x3FB3] =	sst s2  }
0x8f: {  	_ = 	snop  }
0x90: {  	(tm) =	ssettm $0x1  }
0x91: {  	s17 =	sld [smem:$0x3FFB];
	_ =	sdelay $0x3  }
0x92: {  	_ =	strace s17  }
0x93: {  	s2 =	sld [smem:$0x3FFC];
	_ =	sdelay $0x3  }
0x94: {  	_ =	strace s2  }
0x95: {  	s2 =	sld [smem:$0x3FFD];
	_ =	sdelay $0x3  }
0x96: {  	_ =	strace s2  }
0x97: {  	_ =	strace $0x8FFFFFFF  }
0x98: {  	s18 =	sld [smem:$0x3FDB];
	_ =	sdelay $0x1  }
0x99: {  	s19 =	simm.s32 $_scs_section_size  }
0x9a: {  	s4 =	simm.s32 $_size__tile_overlayer_lowered;
	s5 =	simm.s32 $_tile_overlayer_lowered  }
0x9b: {  	s22 =	simm.s32 $0x1BFF;
	s21 =	sshll.u32 s5, $0x1;
	s2 =	sadd.s32 s19, s18  }
0x9c: {  	s6 =	simm.s32 $0x0;
	s20 =	sshll.u32 s4, $0x1;
	s4 =	sadd.s32 s21, s2  }
0x9d: {  	[timem:s6], [sflag:s22] =	dma.local [hbm:s4], s20  }
0x9e: {  	_ =	swait.ge [sflag:s22], s20  }
0x9f: {  	s3 =	ssub.s32 $0x0, s20;
	[sflag:s22] =	ssyncset.done $0x0  }
0xa0: {  	[sflag:s22] =	ssyncadd.s32 s3;
	_ =	sdelay $0x1  }
0xa1: {  	s23 =	simm.s32 $0x1B8B  }
0xa2: {  	_ =	swait.ge [sflag:s23], $0x1  }
0xa3: {  	[sflag:s23] =	ssyncset.done $0x0  }
0xa4: {  	s25 =	simm.s32 $0x1B8E;
	s24 =	sld [smem:$0x3FFE];
	[sflag:s23] =	ssyncadd.s32 $0xFFFFFFFF  }
0xa5: {  	s26 =	simm.s32 $execute0_lowered;
	[smem:$0x3FD2] =	sst s25  }
0xa6: {  	s4 =	sshll.u32 s26, $0x1;
	_ =	strace $0x8000004C;
	[dreg:$0x1] =	wrdreg $0xFFFFFFFF  }
0xa7: {  	s28 =	simm.s32 $_size_execute0_lowered;
	s2 =	sadd.s32 s2, s4;
	[dreg:$0x0] =	wrdreg $0x0  }
0xa8: {  	s4 =	sshll.u32 s28, $0x1;
	[dreg:$0x2] =	wrdreg s2  }
0xa9: {  	[dreg:$0x3] =	wrdreg s4  }
0xaa: {  	[dreg:$0x4] =	wrdreg $0xC0  }
0xab: {  	_ =	task [dreg:s6], $0x5FFFF  }
0xac: {  	[dreg:$0x1] =	wrdreg $0xFFFFFFFF  }
0xad: {  	[dreg:$0x0] =	wrdreg $0x60  }
0xae: {  	[dreg:$0x2] =	wrdreg s24  }
0xaf: {  	[dreg:$0x3] =	wrdreg $0x0  }
0xb0: {  	[dreg:$0x4] =	wrdreg $0x9E000  }
0xb1: {  	[dreg:$0x5] =	wrdreg $0x9  }
0xb2: {  	_ =	task.clear_ibuf [dreg:s6], $0x6FFFF;
	_ =	strace $0x9000004C  }
0xb3: {  	s29 =	simm.s32 $0x9;
	_ =	strace $0x8000004E  }
0xb4: {  	_ =	swait.ge [sflag:s29], $0x1  }
0xb5: {  	[sflag:s29] =	ssyncadd.s32 $0xFFFFFFFF  }
0xb6: {  	_ =	strace $0x9000004E  }
0xb7: {  	_ =	sfence  }
0xb8: {  	s30 =	sld [smem:$0x0];
	_ =	sdelay $0x2  }
0xb9: {  	s31 =	sshll.u32 s1, $0xD;
	s1 =	sshrl.u32 s1, $0x2  }
0xba: {  	s3 =	sand.u32 $0x4000, s31;
	s1 =	sadd.s32 s1, s30  }
0xbb: {  	s0 =	sor.u32 s3, s0;
	s1 =	sshll.u32 s1, $0x11  }
0xbc: {  	s0 =	sor.u32 s1, s0  }
0xbd: {  	s0 =	sadd.s32 $0x8F2B, s0  }
0xbe: {  	[sflag:s0] =	ssyncadd.remote.s32 $0x1  }
0xbf: {  	_ =	sfence.sel $0xFFFF  }
0xc0: {  	[dreg:$0x0] =	wrdreg $0xFFFFFFFF;
	(pc) =	sbr.abs _section_cstart, $3  }
0xc1: {  	[dreg:$0x1] =	wrdreg $0xFFFFFFFF  }
0xc2: {  	_ =	task.clear_ibuf [dreg:s6], $0x2FFFF;
	_ =	strace $0x9FFFFFFF  }
0xc3: {  	(tm) =	ssettm $0x7FFFFFFF  }
tec
execute0_lowered:
.L_overlay_start_1:
0x0: {  	(tag) =	ssettag $0x1  }
0x1: {  	s5 =	rddreg [dreg:$0x0]  }
0x2: {  	s1 =	srdreg.scid;
	s2 =	rddreg [dreg:$0x1]  }
0x3: {  	s0 =	stileid.u32;
	s3 =	rddreg [dreg:$0x2];
	s4 =	simm.s32 $0x0  }
0x4: {  	s16 =	simm.s32 $0x13C00;
	s17 =	simm.s32 $0x16380;
	s18 =	simm.s32 $0x80  }
0x5: {  	s19 =	simm.s32 $0x1B280;
	s20 =	simm.s32 $0x1;
	s21 =	simm.s32 $0x1D280  }
0x6: {  	s22 =	simm.s32 $0x0;
	s6 =	sand.u32 $0x1, s1;
	s28 =	sshll.u32 s0, $0x1  }
0x7: {  	s8 =	smul.u32 $0x9E00, s0;
	[smem:$0x7FF] =	sst s4;
	s31 =	sshll.u32 s0, $0x6  }
0x8: {  	s1 =	sor.u32 s6, s28;
	s9 =	smul.u32 $0x9E000, s6;
	s6 =	ssub.s32 $0x2, s6  }
0x9: {  	s7 =	smul.u32 $0x4F0, s1;
	s1 =	rddreg [dreg:$0x3];
	_ =	strace $0x8000004D  }
0xa: {  	s30 =	sshrl.u32 s8, $0x3;
	s11 =	sshrl.u32 s6, $0x1;
	s14 =	sadd.s32 s8, s2  }
0xb: {  	s15 =	sadd.s32 s8, s3;
	s29 =	sadd.s32 s8, s9;
	s9 =	sadd.s32 s30, s5  }
0xc: {  	s13 =	ssub.s32 s6, s11;
	s10 =	sadd.s32 s7, s5;
	s7 =	sshrl.u32 s29, $0x3  }
0xd: {  	s6 =	sor.u32 $0x1C02, s31;
	s15 =	sshrl.u32 s15, $0x3;
	s12 =	sadd.s32 s7, s5  }
0xe: {  	s5 =	sadd.s32 $0x2C00, s9;
	s7 =	sadd.s32 $0x34200, s9;
	s8 =	sadd.s32 $0x2A400, s10  }
0xf: {  	s9 =	sadd.s32 $0x20600, s10;
	s10 =	sadd.s32 $0x16800, s10;
	s11 =	sadd.s32 $0x47E00, s12  }
0x10: {  	s12 =	smax.u32 s13, $0x1;
	s13 =	sshrl.u32 s14, $0x3;
	s14 =	simm.s32 $0x2  }
.LBB2_1:
0x11: {  	[spmem:s13], [sflag:s6] =	dma.local [hbm:s5], $0x13C0  }
0x12: {  	_ =	swait.ge [sflag:s14], $0x13C0  }
0x13: {  	[sflag:s14] =	ssyncset.done $0x0  }
0x14: {  	[sflag:s14] =	ssyncadd.s32 $0xFFFFEC40  }
0x15: {  	[spmem:s15], [sflag:s6] =	dma.local [hbm:s7], $0x13C0  }
0x16: {  	_ =	swait.ge [sflag:s14], $0x13C0  }
0x17: {  	[sflag:s14] =	ssyncset.done $0x0  }
0x18: {  	[sflag:s14] =	ssyncadd.s32 $0xFFFFEC40  }
0x19: {  	[tilespmem:s16], [sflag:$0x2] =	stream.linear.gather [hbm4b:s8+s4], $0x2780, $0x38;
	[tilespmem:$0x1D300] =	vst v63  }
0x1a: {  	_ =	swait.ge [sflag:s14], $0x2780  }
0x1b: {  	[sflag:s14] =	ssyncset.done $0x0  }
0x1c: {  	[sflag:s14] =	ssyncadd.s32 $0xFFFFD880  }
0x1d: {  	[tilespmem:s17], [sflag:$0x2] =	stream.linear.gather [hbm4b:s9+s4], $0x2780, $0x38;
	[tilespmem:$0x1D300] =	vst v63  }
0x1e: {  	_ =	swait.ge [sflag:s14], $0x2780  }
0x1f: {  	[sflag:s14] =	ssyncset.done $0x0  }
0x20: {  	s23 =	simm.s32 $0x18B00;
	[sflag:s14] =	ssyncadd.s32 $0xFFFFD880  }
0x21: {  	[tilespmem:s23], [sflag:$0x2] =	stream.linear.gather [hbm4b:s10+s4], $0x2780, $0x38;
	[tilespmem:$0x1D300] =	vst v63  }
0x22: {  	_ =	swait.ge [sflag:s14], $0x2780  }
0x23: {  	[sflag:s14] =	ssyncset.done $0x0  }
0x24: {  	[sflag:s14] =	ssyncadd.s32 $0xFFFFD880  }
0x25: {  	s24 =	simm.s32 $0x0;
	[bflag:$0x0] =	sbarrier.arrive $0xFFFF  }
.LBB2_2:
0x26: {  	s25 =	sshll.u32 s24, $0x7  }
0x27: {  	v0 =	vld [tilespmem:s25+$0x16380];
	_ =	sdelay $0x4  }
0x28: {  	[tilespmem:$0x1D280] =	vst v0  }
0x29: {  	v0 =	vld [tilespmem:s25+$0x16390];
	_ =	sdelay $0x4  }
0x2a: {  	[tilespmem:$0x1D290] =	vst v0  }
0x2b: {  	v0 =	vld [tilespmem:s25+$0x163A0];
	_ =	sdelay $0x4  }
0x2c: {  	[tilespmem:$0x1D2A0] =	vst v0  }
0x2d: {  	v0 =	vld [tilespmem:s25+$0x163B0];
	_ =	sdelay $0x4  }
0x2e: {  	[tilespmem:$0x1D2B0] =	vst v0  }
0x2f: {  	v0 =	vld [tilespmem:s25+$0x163C0];
	_ =	sdelay $0x4  }
0x30: {  	[tilespmem:$0x1D2C0] =	vst v0  }
0x31: {  	v0 =	vld [tilespmem:s25+$0x163D0];
	_ =	sdelay $0x4  }
0x32: {  	[tilespmem:$0x1D2D0] =	vst v0  }
0x33: {  	v0 =	vld [tilespmem:s25+$0x163E0];
	_ =	sdelay $0x4  }
0x34: {  	[tilespmem:$0x1D2E0] =	vst v0  }
0x35: {  	v0 =	vld [tilespmem:s25+$0x163F0];
	_ =	sdelay $0x4  }
0x36: {  	s25 =	sadd.s32 $0x13C00, s25;
	[tilespmem:$0x1D2F0] =	vst v0  }
0x37: {  	v0 =	vmov s23;
	[tilespmem:s19], [sflag:$0x1] =	stream.indirect.gather [spmem:s2], $0x40, s25, s18, $0xb8;
	[tilespmem:$0x1D300] =	vst v63  }
0x38: {  	_ =	swait.ge [sflag:s20], $0x2000  }
0x39: {  	[sflag:s20] =	ssyncset.done $0x0  }
0x3a: {  	s26 =	simm.s32 $0x1B480;
	s25 =	simm.s32 $0x0;
	[sflag:s20] =	ssyncadd.s32 $0xFFFFE000  }
.LBB2_3:
0x3b: {  	s28 =	sshra.s32 s25, $0x2  }
0x3c: {  	v1 =	vld.idx.msk [tilespmem:v0+s28+$0x0 ss:$0x1], $0xffff;
	_ =	sdelay $0x1  }
0x3d: {  	v2 =	vld [tilespmem:s26+$0xFFFFFE00];
	_ =	sdelay $0x2  }
0x3e: {  	v3 =	vbroadcast v1, $0x0;
	_ =	sdelay $0x1  }
0x3f: {  	v2 =	vmul.f32 v3, v2;
	_ =	sdelay $0x1  }
0x40: {  	[tilespmem:s26+$0xFFFFFE00] =	vst v2;
	v2 =	vld [tilespmem:s26+$0xFFFFFE10];
	_ =	sdelay $0x4  }
0x41: {  	v2 =	vmul.f32 v2, v3;
	_ =	sdelay $0x1  }
0x42: {  	[tilespmem:s26+$0xFFFFFE10] =	vst v2;
	v2 =	vld [tilespmem:s26+$0xFFFFFE20];
	_ =	sdelay $0x4  }
0x43: {  	v2 =	vmul.f32 v2, v3;
	_ =	sdelay $0x1  }
0x44: {  	[tilespmem:s26+$0xFFFFFE20] =	vst v2;
	v2 =	vld [tilespmem:s26+$0xFFFFFE30];
	_ =	sdelay $0x4  }
0x45: {  	v2 =	vmul.f32 v2, v3;
	_ =	sdelay $0x1  }
0x46: {  	[tilespmem:s26+$0xFFFFFE30] =	vst v2;
	v2 =	vld [tilespmem:s26+$0xFFFFFE40];
	_ =	sdelay $0x2  }
0x47: {  	v3 =	vbroadcast v1, $0x1;
	_ =	sdelay $0x1  }
0x48: {  	v2 =	vmul.f32 v2, v3;
	_ =	sdelay $0x1  }
0x49: {  	[tilespmem:s26+$0xFFFFFE40] =	vst v2;
	v2 =	vld [tilespmem:s26+$0xFFFFFE50];
	_ =	sdelay $0x4  }
0x4a: {  	v2 =	vmul.f32 v2, v3;
	_ =	sdelay $0x1  }
0x4b: {  	[tilespmem:s26+$0xFFFFFE50] =	vst v2;
	v2 =	vld [tilespmem:s26+$0xFFFFFE60];
	_ =	sdelay $0x4  }
0x4c: {  	v2 =	vmul.f32 v2, v3;
	_ =	sdelay $0x1  }
0x4d: {  	[tilespmem:s26+$0xFFFFFE60] =	vst v2;
	v2 =	vld [tilespmem:s26+$0xFFFFFE70];
	_ =	sdelay $0x4  }
0x4e: {  	v2 =	vmul.f32 v2, v3;
	_ =	sdelay $0x1  }
0x4f: {  	[tilespmem:s26+$0xFFFFFE70] =	vst v2;
	v2 =	vld [tilespmem:s26+$0xFFFFFE80];
	_ =	sdelay $0x2  }
0x50: {  	v3 =	vbroadcast v1, $0x2;
	_ =	sdelay $0x1  }
0x51: {  	v2 =	vmul.f32 v2, v3;
	_ =	sdelay $0x1  }
0x52: {  	[tilespmem:s26+$0xFFFFFE80] =	vst v2;
	v2 =	vld [tilespmem:s26+$0xFFFFFE90];
	_ =	sdelay $0x4  }
0x53: {  	v2 =	vmul.f32 v2, v3;
	_ =	sdelay $0x1  }
0x54: {  	[tilespmem:s26+$0xFFFFFE90] =	vst v2;
	v2 =	vld [tilespmem:s26+$0xFFFFFEA0];
	_ =	sdelay $0x4  }
0x55: {  	v2 =	vmul.f32 v2, v3;
	_ =	sdelay $0x1  }
0x56: {  	[tilespmem:s26+$0xFFFFFEA0] =	vst v2;
	v2 =	vld [tilespmem:s26+$0xFFFFFEB0];
	_ =	sdelay $0x4  }
0x57: {  	v2 =	vmul.f32 v2, v3;
	_ =	sdelay $0x1  }
0x58: {  	[tilespmem:s26+$0xFFFFFEB0] =	vst v2;
	v2 =	vld [tilespmem:s26+$0xFFFFFEC0];
	_ =	sdelay $0x2  }
0x59: {  	v3 =	vbroadcast v1, $0x3;
	_ =	sdelay $0x1  }
0x5a: {  	v2 =	vmul.f32 v2, v3;
	_ =	sdelay $0x1  }
0x5b: {  	[tilespmem:s26+$0xFFFFFEC0] =	vst v2;
	v2 =	vld [tilespmem:s26+$0xFFFFFED0];
	_ =	sdelay $0x4  }
0x5c: {  	v2 =	vmul.f32 v2, v3;
	_ =	sdelay $0x1  }
0x5d: {  	[tilespmem:s26+$0xFFFFFED0] =	vst v2;
	v2 =	vld [tilespmem:s26+$0xFFFFFEE0];
	_ =	sdelay $0x4  }
0x5e: {  	v2 =	vmul.f32 v2, v3;
	_ =	sdelay $0x1  }
0x5f: {  	[tilespmem:s26+$0xFFFFFEE0] =	vst v2;
	v2 =	vld [tilespmem:s26+$0xFFFFFEF0];
	_ =	sdelay $0x4  }
0x60: {  	v2 =	vmul.f32 v2, v3;
	_ =	sdelay $0x1  }
0x61: {  	[tilespmem:s26+$0xFFFFFEF0] =	vst v2;
	v2 =	vld [tilespmem:s26+$0xFFFFFF00];
	_ =	sdelay $0x2  }
0x62: {  	v3 =	vbroadcast v1, $0x4;
	_ =	sdelay $0x1  }
0x63: {  	v2 =	vmul.f32 v2, v3;
	_ =	sdelay $0x1  }
0x64: {  	[tilespmem:s26+$0xFFFFFF00] =	vst v2;
	v2 =	vld [tilespmem:s26+$0xFFFFFF10];
	_ =	sdelay $0x4  }
0x65: {  	v2 =	vmul.f32 v2, v3;
	_ =	sdelay $0x1  }
0x66: {  	[tilespmem:s26+$0xFFFFFF10] =	vst v2;
	v2 =	vld [tilespmem:s26+$0xFFFFFF20];
	_ =	sdelay $0x4  }
0x67: {  	v2 =	vmul.f32 v2, v3;
	_ =	sdelay $0x1  }
0x68: {  	[tilespmem:s26+$0xFFFFFF20] =	vst v2;
	v2 =	vld [tilespmem:s26+$0xFFFFFF30];
	_ =	sdelay $0x4  }
0x69: {  	v2 =	vmul.f32 v2, v3;
	_ =	sdelay $0x1  }
0x6a: {  	[tilespmem:s26+$0xFFFFFF30] =	vst v2;
	v2 =	vld [tilespmem:s26+$0xFFFFFF40];
	_ =	sdelay $0x2  }
0x6b: {  	v3 =	vbroadcast v1, $0x5;
	_ =	sdelay $0x1  }
0x6c: {  	v2 =	vmul.f32 v2, v3;
	_ =	sdelay $0x1  }
0x6d: {  	[tilespmem:s26+$0xFFFFFF40] =	vst v2;
	v2 =	vld [tilespmem:s26+$0xFFFFFF50];
	_ =	sdelay $0x4  }
0x6e: {  	v2 =	vmul.f32 v2, v3;
	_ =	sdelay $0x1  }
0x6f: {  	[tilespmem:s26+$0xFFFFFF50] =	vst v2;
	v2 =	vld [tilespmem:s26+$0xFFFFFF60];
	_ =	sdelay $0x4  }
0x70: {  	v2 =	vmul.f32 v2, v3;
	_ =	sdelay $0x1  }
0x71: {  	[tilespmem:s26+$0xFFFFFF60] =	vst v2;
	v2 =	vld [tilespmem:s26+$0xFFFFFF70];
	_ =	sdelay $0x4  }
0x72: {  	v2 =	vmul.f32 v2, v3;
	_ =	sdelay $0x1  }
0x73: {  	[tilespmem:s26+$0xFFFFFF70] =	vst v2;
	v2 =	vld [tilespmem:s26+$0xFFFFFF80];
	_ =	sdelay $0x2  }
0x74: {  	v3 =	vbroadcast v1, $0x6;
	_ =	sdelay $0x1  }
0x75: {  	v2 =	vmul.f32 v2, v3;
	_ =	sdelay $0x1  }
0x76: {  	[tilespmem:s26+$0xFFFFFF80] =	vst v2;
	v2 =	vld [tilespmem:s26+$0xFFFFFF90];
	_ =	sdelay $0x4  }
0x77: {  	v2 =	vmul.f32 v2, v3;
	_ =	sdelay $0x1  }
0x78: {  	[tilespmem:s26+$0xFFFFFF90] =	vst v2;
	v2 =	vld [tilespmem:s26+$0xFFFFFFA0];
	_ =	sdelay $0x4  }
0x79: {  	v2 =	vmul.f32 v2, v3;
	_ =	sdelay $0x1  }
0x7a: {  	[tilespmem:s26+$0xFFFFFFA0] =	vst v2;
	v2 =	vld [tilespmem:s26+$0xFFFFFFB0];
	_ =	sdelay $0x4  }
0x7b: {  	v2 =	vmul.f32 v2, v3;
	_ =	sdelay $0x1  }
0x7c: {  	[tilespmem:s26+$0xFFFFFFB0] =	vst v2;
	v2 =	vld [tilespmem:s26+$0xFFFFFFC0];
	_ =	sdelay $0x2  }
0x7d: {  	v3 =	vbroadcast v1, $0x7;
	_ =	sdelay $0x1  }
0x7e: {  	v2 =	vmul.f32 v2, v3;
	_ =	sdelay $0x1  }
0x7f: {  	[tilespmem:s26+$0xFFFFFFC0] =	vst v2;
	v2 =	vld [tilespmem:s26+$0xFFFFFFD0];
	_ =	sdelay $0x4  }
0x80: {  	v2 =	vmul.f32 v2, v3;
	_ =	sdelay $0x1  }
0x81: {  	[tilespmem:s26+$0xFFFFFFD0] =	vst v2;
	v2 =	vld [tilespmem:s26+$0xFFFFFFE0];
	_ =	sdelay $0x4  }
0x82: {  	v2 =	vmul.f32 v2, v3;
	_ =	sdelay $0x1  }
0x83: {  	[tilespmem:s26+$0xFFFFFFE0] =	vst v2;
	v2 =	vld [tilespmem:s26+$0xFFFFFFF0];
	_ =	sdelay $0x4  }
0x84: {  	v2 =	vmul.f32 v2, v3;
	_ =	sdelay $0x1  }
0x85: {  	[tilespmem:s26+$0xFFFFFFF0] =	vst v2;
	v2 =	vld [tilespmem:s26+$0x0];
	_ =	sdelay $0x2  }
0x86: {  	v3 =	vbroadcast v1, $0x8;
	_ =	sdelay $0x1  }
0x87: {  	v2 =	vmul.f32 v2, v3;
	_ =	sdelay $0x1  }
0x88: {  	[tilespmem:s26+$0x0] =	vst v2;
	v2 =	vld [tilespmem:s26+$0x10];
	_ =	sdelay $0x4  }
0x89: {  	v2 =	vmul.f32 v2, v3;
	_ =	sdelay $0x1  }
0x8a: {  	[tilespmem:s26+$0x10] =	vst v2;
	v2 =	vld [tilespmem:s26+$0x20];
	_ =	sdelay $0x4  }
0x8b: {  	v2 =	vmul.f32 v2, v3;
	_ =	sdelay $0x1  }
0x8c: {  	[tilespmem:s26+$0x20] =	vst v2;
	v2 =	vld [tilespmem:s26+$0x30];
	_ =	sdelay $0x4  }
0x8d: {  	v2 =	vmul.f32 v2, v3;
	_ =	sdelay $0x1  }
0x8e: {  	[tilespmem:s26+$0x30] =	vst v2;
	v2 =	vld [tilespmem:s26+$0x40];
	_ =	sdelay $0x2  }
0x8f: {  	v3 =	vbroadcast v1, $0x9;
	_ =	sdelay $0x1  }
0x90: {  	v2 =	vmul.f32 v2, v3;
	_ =	sdelay $0x1  }
0x91: {  	[tilespmem:s26+$0x40] =	vst v2;
	v2 =	vld [tilespmem:s26+$0x50];
	_ =	sdelay $0x4  }
0x92: {  	v2 =	vmul.f32 v2, v3;
	_ =	sdelay $0x1  }
0x93: {  	[tilespmem:s26+$0x50] =	vst v2;
	v2 =	vld [tilespmem:s26+$0x60];
	_ =	sdelay $0x4  }
0x94: {  	v2 =	vmul.f32 v2, v3;
	_ =	sdelay $0x1  }
0x95: {  	[tilespmem:s26+$0x60] =	vst v2;
	v2 =	vld [tilespmem:s26+$0x70];
	_ =	sdelay $0x4  }
0x96: {  	v2 =	vmul.f32 v2, v3;
	_ =	sdelay $0x1  }
0x97: {  	[tilespmem:s26+$0x70] =	vst v2;
	v2 =	vld [tilespmem:s26+$0x80];
	_ =	sdelay $0x2  }
0x98: {  	v3 =	vbroadcast v1, $0xA;
	_ =	sdelay $0x1  }
0x99: {  	v2 =	vmul.f32 v2, v3;
	_ =	sdelay $0x1  }
0x9a: {  	[tilespmem:s26+$0x80] =	vst v2;
	v2 =	vld [tilespmem:s26+$0x90];
	_ =	sdelay $0x4  }
0x9b: {  	v2 =	vmul.f32 v2, v3;
	_ =	sdelay $0x1  }
0x9c: {  	[tilespmem:s26+$0x90] =	vst v2;
	v2 =	vld [tilespmem:s26+$0xA0];
	_ =	sdelay $0x4  }
0x9d: {  	v2 =	vmul.f32 v2, v3;
	_ =	sdelay $0x1  }
0x9e: {  	[tilespmem:s26+$0xA0] =	vst v2;
	v2 =	vld [tilespmem:s26+$0xB0];
	_ =	sdelay $0x4  }
0x9f: {  	v2 =	vmul.f32 v2, v3;
	_ =	sdelay $0x1  }
0xa0: {  	[tilespmem:s26+$0xB0] =	vst v2;
	v2 =	vld [tilespmem:s26+$0xC0];
	_ =	sdelay $0x2  }
0xa1: {  	v3 =	vbroadcast v1, $0xB;
	_ =	sdelay $0x1  }
0xa2: {  	v2 =	vmul.f32 v2, v3;
	_ =	sdelay $0x1  }
0xa3: {  	[tilespmem:s26+$0xC0] =	vst v2;
	v2 =	vld [tilespmem:s26+$0xD0];
	_ =	sdelay $0x4  }
0xa4: {  	v2 =	vmul.f32 v2, v3;
	_ =	sdelay $0x1  }
0xa5: {  	[tilespmem:s26+$0xD0] =	vst v2;
	v2 =	vld [tilespmem:s26+$0xE0];
	_ =	sdelay $0x4  }
0xa6: {  	v2 =	vmul.f32 v2, v3;
	_ =	sdelay $0x1  }
0xa7: {  	[tilespmem:s26+$0xE0] =	vst v2;
	v2 =	vld [tilespmem:s26+$0xF0];
	_ =	sdelay $0x4  }
0xa8: {  	v2 =	vmul.f32 v2, v3;
	_ =	sdelay $0x1  }
0xa9: {  	[tilespmem:s26+$0xF0] =	vst v2;
	v2 =	vld [tilespmem:s26+$0x100];
	_ =	sdelay $0x2  }
0xaa: {  	v3 =	vbroadcast v1, $0xC;
	_ =	sdelay $0x1  }
0xab: {  	v2 =	vmul.f32 v2, v3;
	_ =	sdelay $0x1  }
0xac: {  	[tilespmem:s26+$0x100] =	vst v2;
	v2 =	vld [tilespmem:s26+$0x110];
	_ =	sdelay $0x4  }
0xad: {  	v2 =	vmul.f32 v2, v3;
	_ =	sdelay $0x1  }
0xae: {  	[tilespmem:s26+$0x110] =	vst v2;
	v2 =	vld [tilespmem:s26+$0x120];
	_ =	sdelay $0x4  }
0xaf: {  	v2 =	vmul.f32 v2, v3;
	_ =	sdelay $0x1  }
0xb0: {  	[tilespmem:s26+$0x120] =	vst v2;
	v2 =	vld [tilespmem:s26+$0x130];
	_ =	sdelay $0x4  }
0xb1: {  	v2 =	vmul.f32 v2, v3;
	_ =	sdelay $0x1  }
0xb2: {  	[tilespmem:s26+$0x130] =	vst v2;
	v2 =	vld [tilespmem:s26+$0x140];
	_ =	sdelay $0x2  }
0xb3: {  	v3 =	vbroadcast v1, $0xD;
	_ =	sdelay $0x1  }
0xb4: {  	v2 =	vmul.f32 v2, v3;
	_ =	sdelay $0x1  }
0xb5: {  	[tilespmem:s26+$0x140] =	vst v2;
	v2 =	vld [tilespmem:s26+$0x150];
	_ =	sdelay $0x4  }
0xb6: {  	v2 =	vmul.f32 v2, v3;
	_ =	sdelay $0x1  }
0xb7: {  	[tilespmem:s26+$0x150] =	vst v2;
	v2 =	vld [tilespmem:s26+$0x160];
	_ =	sdelay $0x4  }
0xb8: {  	v2 =	vmul.f32 v2, v3;
	_ =	sdelay $0x1  }
0xb9: {  	[tilespmem:s26+$0x160] =	vst v2;
	v2 =	vld [tilespmem:s26+$0x170];
	_ =	sdelay $0x4  }
0xba: {  	v2 =	vmul.f32 v2, v3;
	_ =	sdelay $0x1  }
0xbb: {  	[tilespmem:s26+$0x170] =	vst v2;
	v2 =	vld [tilespmem:s26+$0x180];
	_ =	sdelay $0x2  }
0xbc: {  	v3 =	vbroadcast v1, $0xE;
	_ =	sdelay $0x1  }
0xbd: {  	v2 =	vmul.f32 v2, v3;
	_ =	sdelay $0x1  }
0xbe: {  	[tilespmem:s26+$0x180] =	vst v2;
	v2 =	vld [tilespmem:s26+$0x190];
	_ =	sdelay $0x4  }
0xbf: {  	v2 =	vmul.f32 v2, v3;
	_ =	sdelay $0x1  }
0xc0: {  	[tilespmem:s26+$0x190] =	vst v2;
	v2 =	vld [tilespmem:s26+$0x1A0];
	_ =	sdelay $0x4  }
0xc1: {  	v2 =	vmul.f32 v2, v3;
	_ =	sdelay $0x1  }
0xc2: {  	[tilespmem:s26+$0x1A0] =	vst v2;
	v2 =	vld [tilespmem:s26+$0x1B0];
	_ =	sdelay $0x4  }
0xc3: {  	v2 =	vmul.f32 v2, v3;
	_ =	sdelay $0x1  }
0xc4: {  	[tilespmem:s26+$0x1B0] =	vst v2;
	v2 =	vld [tilespmem:s26+$0x1C0];
	_ =	sdelay $0x2  }
0xc5: {  	v1 =	vbroadcast v1, $0xF;
	_ =	sdelay $0x1  }
0xc6: {  	v2 =	vmul.f32 v2, v1;
	_ =	sdelay $0x1  }
0xc7: {  	[tilespmem:s26+$0x1C0] =	vst v2;
	v2 =	vld [tilespmem:s26+$0x1D0];
	_ =	sdelay $0x4  }
0xc8: {  	v2 =	vmul.f32 v2, v1;
	_ =	sdelay $0x1  }
0xc9: {  	[tilespmem:s26+$0x1D0] =	vst v2;
	v2 =	vld [tilespmem:s26+$0x1E0];
	_ =	sdelay $0x4  }
0xca: {  	v2 =	vmul.f32 v2, v1;
	_ =	sdelay $0x1  }
0xcb: {  	[tilespmem:s26+$0x1E0] =	vst v2;
	v2 =	vld [tilespmem:s26+$0x1F0];
	_ =	sdelay $0x1  }
0xcc: {  	p0 =	sne.s32 s25, $0x1C0  }
.Ltmp0:
0xcd: {  	_ = 	snop;
	(pc) =	sbr.rel @p0 .LBB2_3-.Ltmp0, $3  }
0xce: {  	_ = 	snop  }
0xcf: {  	v1 =	vmul.f32 v2, v1;
	_ =	sdelay $0x1  }
0xd0: {  	s25 =	sadd.s32 $0x40, s25;
	[tilespmem:s26+$0x1F0] =	vst v1;
	s26 =	sadd.s32 $0x400, s26  }
0xd1: {  	s24 =	sadd.s32 $0x1, s24  }
0xd2: {  	p0 =	sne.s32 s24, $0x4F  }
.Ltmp1:
0xd3: {  	_ = 	snop;
	(pc) =	sbr.rel @p0 .LBB2_2-.Ltmp1, $4  }
0xd4: {  	[spmem:s3] =	stream.indirect.scatter.add.f32 [tilespmem:s19], [sflag:$0x2], $0x40, s21, s18, $0xb8;
	[tilespmem:$0x1D300] =	vst v63  }
0xd5: {  	_ =	swait.ge [sflag:s14], $0x2000  }
0xd6: {  	[sflag:s14] =	ssyncset.done $0x0  }
0xd7: {  	s23 =	sadd.s32 $0x80, s23;
	[sflag:s14] =	ssyncadd.s32 $0xFFFFE000  }
0xd8: {  	s22 =	sadd.s32 $0x1, s22  }
0xd9: {  	p0 =	sne.s32 s22, s12  }
.Ltmp2:
0xda: {  	[bflag:$0x0] =	sbarrier.arrive $0xFFFF;
	(pc) =	sbr.rel @p0 .LBB2_1-.Ltmp2, $4  }
0xdb: {  	[hbm:s11], [sflag:s6] =	dma.local [spmem:s15], $0x13C0  }
0xdc: {  	_ =	swait.ge [sflag:s14], $0x13C0  }
0xdd: {  	[sflag:s14] =	ssyncset.done $0x0  }
0xde: {  	[sflag:s14] =	ssyncadd.s32 $0xFFFFEC40  }
0xdf: {  	_ =	sfence.sel $0x180000  }
0xe0: {  	[bflag:$0x0] =	sbarrier.arrive $0xFFFF  }
0xe1: {  	p0 =	sne.s32 s0, $0x0;
	_ =	strace $0x9000004D  }
0xe2: {  	s0 =	sadd.s32 @!p0 $0x100000, s1;
	[bflag:$0x2] =	sbarrier.arrive $0xFFFF  }
0xe3: {  	[sflag:s0] =	ssyncadd.tile.s32 @!p0 $0x1;
	_ =	shalt  }
.Lfunc_end2:
_tile_overlayer_lowered:
.L_overlay_start_2:
0xe4: {  	(tag) =	ssettag $0x2  }
0xe5: {  	s0 =	rddreg [dreg:$0x0];
	s2 =	stileid.u32  }
0xe6: {  	s1 =	rddreg [dreg:$0x1];
	p0 =	sne.s32 s2, $0x0  }
0xe7: {  	s3 =	rddreg [dreg:$0x2];
	[bflag:$0x3] =	sbarrier.arrive $0xFFFF;
	s2 =	simm.s32 @!p0 $0x1C02  }
0xe8: {  	[timem:s3], [sflag:s2] =	dma.local @!p0 [hbm:s0], s1  }
0xe9: {  	s0 =	simm.s32 @!p0 $0x2  }
0xea: {  	_ =	swait.ge @!p0 [sflag:s0], s1  }
0xeb: {  	s1 =	ssub.s32 @!p0 $0x0, s1;
	[sflag:s0] =	ssyncset.done @!p0 $0x0  }
0xec: {  	[sflag:s0] =	ssyncadd.s32 @!p0 s1  }
0xed: {  	[bflag:$0x3] =	sbarrier.arrive $0xFFFF  }
0xee: {  	_ =	shalt  }

// kernel: kernel.9.cloned.1.call-start
scs
__scs_entry_jumppad:
0x0: {  	(pc) =	sbr.rel $0x88, $3  }
0x1: {  	(tag) =	ssettag $0x0;
	lr =	simm.s32 $0x1  }
0x2: {  	[smem:$0x3F8C] =	sst lr;
	_ =	strace $0xD0000000  }
0x3: {  	_ = 	snop  }
0x4: {  	_ = 	snop  }
0x5: {  	_ = 	snop  }
0x6: {  	_ = 	snop  }
0x7: {  	_ = 	snop  }
__scs_overlays_trampoline_lowered:
0x8: {  	[smem:$0x3F9B] =	sst s0  }
0x9: {  	[smem:$0x3F9C] =	sst s1  }
0xa: {  	[smem:$0x3F9D] =	sst s2  }
0xb: {  	[smem:$0x3F9E] =	sst s3  }
0xc: {  	[smem:$0x3F9F] =	sst s4  }
0xd: {  	[smem:$0x3FA0] =	sst s5  }
0xe: {  	[smem:$0x3FA1] =	sst s6  }
0xf: {  	[smem:$0x3FA2] =	sst s7  }
0x10: {  	[smem:$0x3FA3] =	sst s8  }
0x11: {  	[smem:$0x3FA4] =	sst s9;
	s0 =	simm.s32 @!p0 $0x0  }
0x12: {  	s1 =	sld [smem:$0x3F8A];
	s0 =	simm.s32 @p0 $0x1  }
0x13: {  	[smem:$0x3FA5] =	sst s0;
	s0 =	simm.s32 @!p1 $0x0  }
0x14: {  	s2 =	sld [smem:$0x3F89];
	s0 =	simm.s32 @p1 $0x1  }
0x15: {  	[smem:$0x3FA6] =	sst s0;
	s0 =	simm.s32 @!p2 $0x0  }
0x16: {  	s3 =	sld [smem:$0x3FDB];
	s0 =	simm.s32 @p2 $0x1  }
0x17: {  	s4 =	simm.s32 $0x1BF5;
	[smem:$0x3FA8] =	sst s0  }
0x18: {  	s0 =	sld [smem:$0x3F8B];
	_ =	swait.ge [sflag:s4], $0x0  }
0x19: {  	s7 =	sld [smem:$0x3F8C]  }
0x1a: {  	s8 =	sadd.s32 $0xFFFFE003, lr  }
0x1b: {  	s9 =	sadd.s32 $0xFFFFFEF7, lr;
	s5 =	simm.s32 $0xFFFFFFFF;
	p2 =	slt.u32 s8, $0xFFFFF086  }
0x1c: {  	p1 =	slt.u32 s9, $0xF7A;
	s5 =	simm.s32 @!p2 $0x0  }
0x1d: {  	s5 =	simm.s32 @p1 $0x1;
	p0 =	seq.s32 s7, s2  }
0x1e: {  	s7 =	smul.u32 @!p0 $0xF7A, s2;
	p2 =	seq.s32 @!p0 s5, $0x0  }
0x1f: {  	s9 =	smul.u32 $0xF7A, s1;
	s8 =	simm.s32 @!p0 $0x1BF5;
	p2 =	por !p2, p0  }
0x20: {  	[sflag:s8] =	ssyncset.s32 @!p0 $0xFFFFF086;
	s6 =	sadd.s32 @!p0 s3, s7;
	s7 =	simm.s32 @!p0 $0x108  }
0x21: {  	s3 =	sadd.s32 s3, s9;
	s6 =	sadd.s32 @!p0 $0x88, s6;
	s7 =	simm.s32 @p2 $0x1082  }
0x22: {  	[simem:s7], [sflag:s8] =	dma.local @!p0 [hbm:s6], $0xF7A  }
0x23: {  	s9 =	sor.u32 $0xD0000000, s2;
	s6 =	simm.s32 $0x108;
	_ =	swait.ge @!p0 [sflag:s8], $0x0  }
0x24: {  	s3 =	sadd.s32 $0x88, s3;
	s6 =	simm.s32 @!p1 $0x1082;
	[sflag:s4] =	ssyncset.s32 $0xFFFFF086  }
0x25: {  	[simem:s6], [sflag:s4] =	dma.local [hbm:s3], $0xF7A  }
0x26: {  	[smem:$0x3F8C] =	sst s1;
	(tag) =	ssettag s2;
	_ =	strace s9  }
0x27: {  	s1 =	sld [smem:$0x3F9C]  }
0x28: {  	s2 =	sld [smem:$0x3F9D]  }
0x29: {  	s4 =	sld [smem:$0x3F9F]  }
0x2a: {  	p0 =	seq.s32 s5, $0x0;
	s5 =	sld [smem:$0x3FA0]  }
0x2b: {  	s6 =	sld [smem:$0x3FA1]  }
0x2c: {  	s7 =	sld [smem:$0x3FA2]  }
0x2d: {  	s3 =	simm.s32 $0x108;
	s8 =	sld [smem:$0x3FA3]  }
0x2e: {  	s3 =	simm.s32 @!p0 $0x1082;
	s9 =	sld [smem:$0x3FA4]  }
0x2f: {  	lr =	sadd.s32 s0, s3;
	s0 =	sld [smem:$0x3F9B]  }
0x30: {  	s3 =	sld [smem:$0x3F9E]  }
0x31: {  	[smem:$0x3FA7] =	sst s10  }
0x32: {  	s10 =	sld [smem:$0x3FA5];
	_ =	sdelay $0x3  }
0x33: {  	p0 =	seq.s32 s10, $0x1;
	s10 =	sld [smem:$0x3FA7];
	_ =	sdelay $0x3  }
0x34: {  	[smem:$0x3FA7] =	sst s10  }
0x35: {  	s10 =	sld [smem:$0x3FA6];
	_ =	sdelay $0x3  }
0x36: {  	p1 =	seq.s32 s10, $0x1;
	s10 =	sld [smem:$0x3FA7];
	_ =	sdelay $0x3  }
0x37: {  	[smem:$0x3FA7] =	sst s10  }
0x38: {  	s10 =	sld [smem:$0x3FA8]  }
0x39: {  	_ = 	snop;
	(pc) =	sbr.ind lr, $3  }
0x3a: {  	_ = 	snop  }
0x3b: {  	_ = 	snop  }
0x3c: {  	p2 =	seq.s32 s10, $0x1;
	s10 =	sld [smem:$0x3FA7]  }
0x3d: {  	_ =	shalt  }
0x3e: {  	_ =	shalt  }
0x3f: {  	_ =	shalt  }
0x40: {  	_ =	shalt  }
0x41: {  	_ =	shalt  }
0x42: {  	_ =	shalt  }
0x43: {  	_ =	shalt  }
0x44: {  	_ =	shalt  }
0x45: {  	_ =	shalt  }
0x46: {  	_ =	shalt  }
0x47: {  	_ =	shalt  }
0x48: {  	_ =	shalt  }
0x49: {  	_ =	shalt  }
0x4a: {  	_ =	shalt  }
0x4b: {  	_ =	shalt  }
0x4c: {  	_ =	shalt  }
0x4d: {  	_ =	shalt  }
0x4e: {  	_ =	shalt  }
0x4f: {  	_ =	shalt  }
0x50: {  	_ =	shalt  }
0x51: {  	_ =	shalt  }
0x52: {  	_ =	shalt  }
0x53: {  	_ =	shalt  }
0x54: {  	_ =	shalt  }
0x55: {  	_ =	shalt  }
0x56: {  	_ =	shalt  }
0x57: {  	_ =	shalt  }
0x58: {  	_ =	shalt  }
0x59: {  	_ =	shalt  }
0x5a: {  	_ =	shalt  }
0x5b: {  	_ =	shalt  }
0x5c: {  	_ =	shalt  }
0x5d: {  	_ =	shalt  }
0x5e: {  	_ =	shalt  }
0x5f: {  	_ =	shalt  }
0x60: {  	_ =	shalt  }
0x61: {  	_ =	shalt  }
0x62: {  	_ =	shalt  }
0x63: {  	_ =	shalt  }
0x64: {  	_ =	shalt  }
0x65: {  	_ =	shalt  }
0x66: {  	_ =	shalt  }
0x67: {  	_ =	shalt  }
0x68: {  	_ =	shalt  }
0x69: {  	_ =	shalt  }
0x6a: {  	_ =	shalt  }
0x6b: {  	_ =	shalt  }
0x6c: {  	_ =	shalt  }
0x6d: {  	_ =	shalt  }
0x6e: {  	_ =	shalt  }
0x6f: {  	_ =	shalt  }
0x70: {  	_ =	shalt  }
0x71: {  	_ =	shalt  }
0x72: {  	_ =	shalt  }
0x73: {  	_ =	shalt  }
0x74: {  	_ =	shalt  }
0x75: {  	_ =	shalt  }
0x76: {  	_ =	shalt  }
0x77: {  	_ =	shalt  }
0x78: {  	_ =	shalt  }
0x79: {  	_ =	shalt  }
0x7a: {  	_ =	shalt  }
0x7b: {  	_ =	shalt  }
0x7c: {  	_ =	shalt  }
0x7d: {  	_ =	shalt  }
0x7e: {  	_ =	shalt  }
0x7f: {  	_ =	shalt  }
0x80: {  	_ =	shalt  }
0x81: {  	_ =	shalt  }
0x82: {  	_ =	shalt  }
0x83: {  	_ =	shalt  }
0x84: {  	_ =	shalt  }
0x85: {  	_ =	shalt  }
0x86: {  	_ =	shalt  }
0x87: {  	_ =	shalt  }
.Lfunc_end0:
.L_simem_size_0:
called_computation_lowered:
.L_overlay_start_0:
0x88: {  	s2 =	sld [smem:$0x3FD9]  }
0x89: {  	s3 =	sld [smem:$0x3FFE];
	_ =	sdelay $0x1  }
0x8a: {  	s1 =	srdreg.scid  }
0x8b: {  	s0 =	sand.u32 $0x1, s1  }
0x8c: {  	s16 =	sshll.u32 s0, $0xA;
	s2 =	sadd.s32 s3, s2  }
0x8d: {  	s2 =	sadd.s32 s2, s16  }
0x8e: {  	[smem:$0x3FB3] =	sst s2  }
0x8f: {  	_ = 	snop  }
0x90: {  	(tm) =	ssettm $0x1  }
0x91: {  	s17 =	sld [smem:$0x3FFB];
	_ =	sdelay $0x3  }
0x92: {  	_ =	strace s17  }
0x93: {  	s2 =	sld [smem:$0x3FFC];
	_ =	sdelay $0x3  }
0x94: {  	_ =	strace s2  }
0x95: {  	s2 =	sld [smem:$0x3FFD];
	_ =	sdelay $0x3  }
0x96: {  	_ =	strace s2  }
0x97: {  	_ =	strace $0x8FFFFFFF  }
0x98: {  	s18 =	sld [smem:$0x3FDB];
	_ =	sdelay $0x1  }
0x99: {  	s19 =	simm.s32 $_scs_section_size  }
0x9a: {  	s4 =	simm.s32 $_size__tile_overlayer_lowered;
	s5 =	simm.s32 $_tile_overlayer_lowered  }
0x9b: {  	s22 =	simm.s32 $0x1BFF;
	s21 =	sshll.u32 s5, $0x1;
	s2 =	sadd.s32 s19, s18  }
0x9c: {  	s6 =	simm.s32 $0x0;
	s20 =	sshll.u32 s4, $0x1;
	s4 =	sadd.s32 s21, s2  }
0x9d: {  	[timem:s6], [sflag:s22] =	dma.local [hbm:s4], s20  }
0x9e: {  	_ =	swait.ge [sflag:s22], s20  }
0x9f: {  	s3 =	ssub.s32 $0x0, s20;
	[sflag:s22] =	ssyncset.done $0x0  }
0xa0: {  	[sflag:s22] =	ssyncadd.s32 s3;
	_ =	sdelay $0x1  }
0xa1: {  	s23 =	simm.s32 $0x1B8B  }
0xa2: {  	_ =	swait.ge [sflag:s23], $0x1  }
0xa3: {  	[sflag:s23] =	ssyncset.done $0x0  }
0xa4: {  	s25 =	simm.s32 $0x1B8E;
	s24 =	sld [smem:$0x3FFE];
	[sflag:s23] =	ssyncadd.s32 $0xFFFFFFFF  }
0xa5: {  	s26 =	simm.s32 $execute0_lowered;
	[smem:$0x3FD2] =	sst s25  }
0xa6: {  	s4 =	sshll.u32 s26, $0x1;
	_ =	strace $0x80000046;
	[dreg:$0x1] =	wrdreg $0xFFFFFFFF  }
0xa7: {  	s28 =	simm.s32 $_size_execute0_lowered;
	s2 =	sadd.s32 s2, s4;
	[dreg:$0x0] =	wrdreg $0x0  }
0xa8: {  	s4 =	sshll.u32 s28, $0x1;
	[dreg:$0x2] =	wrdreg s2  }
0xa9: {  	[dreg:$0x3] =	wrdreg s4  }
0xaa: {  	[dreg:$0x4] =	wrdreg $0xC0  }
0xab: {  	_ =	task [dreg:s6], $0x5FFFF  }
0xac: {  	[dreg:$0x1] =	wrdreg $0xFFFFFFFF  }
0xad: {  	[dreg:$0x0] =	wrdreg $0x60  }
0xae: {  	[dreg:$0x2] =	wrdreg s24  }
0xaf: {  	[dreg:$0x3] =	wrdreg $0x0  }
0xb0: {  	[dreg:$0x4] =	wrdreg $0x9E000  }
0xb1: {  	[dreg:$0x5] =	wrdreg $0x9  }
0xb2: {  	_ =	task.clear_ibuf [dreg:s6], $0x6FFFF;
	_ =	strace $0x90000046  }
0xb3: {  	s29 =	simm.s32 $0x9;
	_ =	strace $0x80000048  }
0xb4: {  	_ =	swait.ge [sflag:s29], $0x1  }
0xb5: {  	[sflag:s29] =	ssyncadd.s32 $0xFFFFFFFF  }
0xb6: {  	_ =	strace $0x90000048  }
0xb7: {  	_ =	sfence  }
0xb8: {  	s30 =	sld [smem:$0x0];
	_ =	sdelay $0x2  }
0xb9: {  	s31 =	sshll.u32 s1, $0xD;
	s1 =	sshrl.u32 s1, $0x2  }
0xba: {  	s3 =	sand.u32 $0x4000, s31;
	s1 =	sadd.s32 s1, s30  }
0xbb: {  	s0 =	sor.u32 s3, s0;
	s1 =	sshll.u32 s1, $0x11  }
0xbc: {  	s0 =	sor.u32 s1, s0  }
0xbd: {  	s0 =	sadd.s32 $0x8F2B, s0  }
0xbe: {  	[sflag:s0] =	ssyncadd.remote.s32 $0x1  }
0xbf: {  	_ =	sfence.sel $0xFFFF  }
0xc0: {  	[dreg:$0x0] =	wrdreg $0xFFFFFFFF;
	(pc) =	sbr.abs _section_cstart, $3  }
0xc1: {  	[dreg:$0x1] =	wrdreg $0xFFFFFFFF  }
0xc2: {  	_ =	task.clear_ibuf [dreg:s6], $0x2FFFF;
	_ =	strace $0x9FFFFFFF  }
0xc3: {  	(tm) =	ssettm $0x7FFFFFFF  }
tec
execute0_lowered:
.L_overlay_start_1:
0x0: {  	(tag) =	ssettag $0x1  }
0x1: {  	s5 =	rddreg [dreg:$0x0]  }
0x2: {  	s1 =	srdreg.scid;
	s2 =	rddreg [dreg:$0x1]  }
0x3: {  	s0 =	stileid.u32;
	s3 =	rddreg [dreg:$0x2];
	s4 =	simm.s32 $0x0  }
0x4: {  	s16 =	simm.s32 $0x13C00;
	s17 =	simm.s32 $0x16380;
	s18 =	simm.s32 $0x80  }
0x5: {  	s19 =	simm.s32 $0x1B280;
	s20 =	simm.s32 $0x1;
	s21 =	simm.s32 $0x1D280  }
0x6: {  	s22 =	simm.s32 $0x0;
	s6 =	sand.u32 $0x1, s1;
	s28 =	sshll.u32 s0, $0x1  }
0x7: {  	s8 =	smul.u32 $0x9E00, s0;
	[smem:$0x7FF] =	sst s4;
	s31 =	sshll.u32 s0, $0x6  }
0x8: {  	s1 =	sor.u32 s6, s28;
	s9 =	smul.u32 $0x9E000, s6;
	s6 =	ssub.s32 $0x2, s6  }
0x9: {  	s7 =	smul.u32 $0x4F0, s1;
	s1 =	rddreg [dreg:$0x3];
	_ =	strace $0x80000047  }
0xa: {  	s30 =	sshrl.u32 s8, $0x3;
	s11 =	sshrl.u32 s6, $0x1;
	s14 =	sadd.s32 s8, s2  }
0xb: {  	s15 =	sadd.s32 s8, s3;
	s29 =	sadd.s32 s8, s9;
	s9 =	sadd.s32 s30, s5  }
0xc: {  	s13 =	ssub.s32 s6, s11;
	s10 =	sadd.s32 s7, s5;
	s7 =	sshrl.u32 s29, $0x3  }
0xd: {  	s6 =	sor.u32 $0x1C02, s31;
	s15 =	sshrl.u32 s15, $0x3;
	s12 =	sadd.s32 s7, s5  }
0xe: {  	s5 =	sadd.s32 $0x2C00, s9;
	s7 =	sadd.s32 $0x34200, s9;
	s8 =	sadd.s32 $0x2A400, s10  }
0xf: {  	s9 =	sadd.s32 $0x20600, s10;
	s10 =	sadd.s32 $0x16800, s10;
	s11 =	sadd.s32 $0x47E00, s12  }
0x10: {  	s12 =	smax.u32 s13, $0x1;
	s13 =	sshrl.u32 s14, $0x3;
	s14 =	simm.s32 $0x2  }
.LBB2_1:
0x11: {  	[spmem:s13], [sflag:s6] =	dma.local [hbm:s5], $0x13C0  }
0x12: {  	_ =	swait.ge [sflag:s14], $0x13C0  }
0x13: {  	[sflag:s14] =	ssyncset.done $0x0  }
0x14: {  	[sflag:s14] =	ssyncadd.s32 $0xFFFFEC40  }
0x15: {  	[spmem:s15], [sflag:s6] =	dma.local [hbm:s7], $0x13C0  }
0x16: {  	_ =	swait.ge [sflag:s14], $0x13C0  }
0x17: {  	[sflag:s14] =	ssyncset.done $0x0  }
0x18: {  	[sflag:s14] =	ssyncadd.s32 $0xFFFFEC40  }
0x19: {  	[tilespmem:s16], [sflag:$0x2] =	stream.linear.gather [hbm4b:s8+s4], $0x2780, $0x38;
	[tilespmem:$0x1D300] =	vst v63  }
0x1a: {  	_ =	swait.ge [sflag:s14], $0x2780  }
0x1b: {  	[sflag:s14] =	ssyncset.done $0x0  }
0x1c: {  	[sflag:s14] =	ssyncadd.s32 $0xFFFFD880  }
0x1d: {  	[tilespmem:s17], [sflag:$0x2] =	stream.linear.gather [hbm4b:s9+s4], $0x2780, $0x38;
	[tilespmem:$0x1D300] =	vst v63  }
0x1e: {  	_ =	swait.ge [sflag:s14], $0x2780  }
0x1f: {  	[sflag:s14] =	ssyncset.done $0x0  }
0x20: {  	s23 =	simm.s32 $0x18B00;
	[sflag:s14] =	ssyncadd.s32 $0xFFFFD880  }
0x21: {  	[tilespmem:s23], [sflag:$0x2] =	stream.linear.gather [hbm4b:s10+s4], $0x2780, $0x38;
	[tilespmem:$0x1D300] =	vst v63  }
0x22: {  	_ =	swait.ge [sflag:s14], $0x2780  }
0x23: {  	[sflag:s14] =	ssyncset.done $0x0  }
0x24: {  	[sflag:s14] =	ssyncadd.s32 $0xFFFFD880  }
0x25: {  	s24 =	simm.s32 $0x0;
	[bflag:$0x0] =	sbarrier.arrive $0xFFFF  }
.LBB2_2:
0x26: {  	s25 =	sshll.u32 s24, $0x7  }
0x27: {  	v0 =	vld [tilespmem:s25+$0x16380];
	_ =	sdelay $0x4  }
0x28: {  	[tilespmem:$0x1D280] =	vst v0  }
0x29: {  	v0 =	vld [tilespmem:s25+$0x16390];
	_ =	sdelay $0x4  }
0x2a: {  	[tilespmem:$0x1D290] =	vst v0  }
0x2b: {  	v0 =	vld [tilespmem:s25+$0x163A0];
	_ =	sdelay $0x4  }
0x2c: {  	[tilespmem:$0x1D2A0] =	vst v0  }
0x2d: {  	v0 =	vld [tilespmem:s25+$0x163B0];
	_ =	sdelay $0x4  }
0x2e: {  	[tilespmem:$0x1D2B0] =	vst v0  }
0x2f: {  	v0 =	vld [tilespmem:s25+$0x163C0];
	_ =	sdelay $0x4  }
0x30: {  	[tilespmem:$0x1D2C0] =	vst v0  }
0x31: {  	v0 =	vld [tilespmem:s25+$0x163D0];
	_ =	sdelay $0x4  }
0x32: {  	[tilespmem:$0x1D2D0] =	vst v0  }
0x33: {  	v0 =	vld [tilespmem:s25+$0x163E0];
	_ =	sdelay $0x4  }
0x34: {  	[tilespmem:$0x1D2E0] =	vst v0  }
0x35: {  	v0 =	vld [tilespmem:s25+$0x163F0];
	_ =	sdelay $0x4  }
0x36: {  	s25 =	sadd.s32 $0x13C00, s25;
	[tilespmem:$0x1D2F0] =	vst v0  }
0x37: {  	v0 =	vmov s23;
	[tilespmem:s19], [sflag:$0x1] =	stream.indirect.gather [spmem:s2], $0x40, s25, s18, $0xb8;
	[tilespmem:$0x1D300] =	vst v63  }
0x38: {  	_ =	swait.ge [sflag:s20], $0x2000  }
0x39: {  	[sflag:s20] =	ssyncset.done $0x0  }
0x3a: {  	s26 =	simm.s32 $0x1B480;
	s25 =	simm.s32 $0x0;
	[sflag:s20] =	ssyncadd.s32 $0xFFFFE000  }
.LBB2_3:
0x3b: {  	s28 =	sshra.s32 s25, $0x2  }
0x3c: {  	v1 =	vld.idx.msk [tilespmem:v0+s28+$0x0 ss:$0x1], $0xffff;
	_ =	sdelay $0x1  }
0x3d: {  	v2 =	vld [tilespmem:s26+$0xFFFFFE00];
	_ =	sdelay $0x2  }
0x3e: {  	v3 =	vbroadcast v1, $0x0;
	_ =	sdelay $0x1  }
0x3f: {  	v2 =	vmul.f32 v3, v2;
	_ =	sdelay $0x1  }
0x40: {  	[tilespmem:s26+$0xFFFFFE00] =	vst v2;
	v2 =	vld [tilespmem:s26+$0xFFFFFE10];
	_ =	sdelay $0x4  }
0x41: {  	v2 =	vmul.f32 v2, v3;
	_ =	sdelay $0x1  }
0x42: {  	[tilespmem:s26+$0xFFFFFE10] =	vst v2;
	v2 =	vld [tilespmem:s26+$0xFFFFFE20];
	_ =	sdelay $0x4  }
0x43: {  	v2 =	vmul.f32 v2, v3;
	_ =	sdelay $0x1  }
0x44: {  	[tilespmem:s26+$0xFFFFFE20] =	vst v2;
	v2 =	vld [tilespmem:s26+$0xFFFFFE30];
	_ =	sdelay $0x4  }
0x45: {  	v2 =	vmul.f32 v2, v3;
	_ =	sdelay $0x1  }
0x46: {  	[tilespmem:s26+$0xFFFFFE30] =	vst v2;
	v2 =	vld [tilespmem:s26+$0xFFFFFE40];
	_ =	sdelay $0x2  }
0x47: {  	v3 =	vbroadcast v1, $0x1;
	_ =	sdelay $0x1  }
0x48: {  	v2 =	vmul.f32 v2, v3;
	_ =	sdelay $0x1  }
0x49: {  	[tilespmem:s26+$0xFFFFFE40] =	vst v2;
	v2 =	vld [tilespmem:s26+$0xFFFFFE50];
	_ =	sdelay $0x4  }
0x4a: {  	v2 =	vmul.f32 v2, v3;
	_ =	sdelay $0x1  }
0x4b: {  	[tilespmem:s26+$0xFFFFFE50] =	vst v2;
	v2 =	vld [tilespmem:s26+$0xFFFFFE60];
	_ =	sdelay $0x4  }
0x4c: {  	v2 =	vmul.f32 v2, v3;
	_ =	sdelay $0x1  }
0x4d: {  	[tilespmem:s26+$0xFFFFFE60] =	vst v2;
	v2 =	vld [tilespmem:s26+$0xFFFFFE70];
	_ =	sdelay $0x4  }
0x4e: {  	v2 =	vmul.f32 v2, v3;
	_ =	sdelay $0x1  }
0x4f: {  	[tilespmem:s26+$0xFFFFFE70] =	vst v2;
	v2 =	vld [tilespmem:s26+$0xFFFFFE80];
	_ =	sdelay $0x2  }
0x50: {  	v3 =	vbroadcast v1, $0x2;
	_ =	sdelay $0x1  }
0x51: {  	v2 =	vmul.f32 v2, v3;
	_ =	sdelay $0x1  }
0x52: {  	[tilespmem:s26+$0xFFFFFE80] =	vst v2;
	v2 =	vld [tilespmem:s26+$0xFFFFFE90];
	_ =	sdelay $0x4  }
0x53: {  	v2 =	vmul.f32 v2, v3;
	_ =	sdelay $0x1  }
0x54: {  	[tilespmem:s26+$0xFFFFFE90] =	vst v2;
	v2 =	vld [tilespmem:s26+$0xFFFFFEA0];
	_ =	sdelay $0x4  }
0x55: {  	v2 =	vmul.f32 v2, v3;
	_ =	sdelay $0x1  }
0x56: {  	[tilespmem:s26+$0xFFFFFEA0] =	vst v2;
	v2 =	vld [tilespmem:s26+$0xFFFFFEB0];
	_ =	sdelay $0x4  }
0x57: {  	v2 =	vmul.f32 v2, v3;
	_ =	sdelay $0x1  }
0x58: {  	[tilespmem:s26+$0xFFFFFEB0] =	vst v2;
	v2 =	vld [tilespmem:s26+$0xFFFFFEC0];
	_ =	sdelay $0x2  }
0x59: {  	v3 =	vbroadcast v1, $0x3;
	_ =	sdelay $0x1  }
0x5a: {  	v2 =	vmul.f32 v2, v3;
	_ =	sdelay $0x1  }
0x5b: {  	[tilespmem:s26+$0xFFFFFEC0] =	vst v2;
	v2 =	vld [tilespmem:s26+$0xFFFFFED0];
	_ =	sdelay $0x4  }
0x5c: {  	v2 =	vmul.f32 v2, v3;
	_ =	sdelay $0x1  }
0x5d: {  	[tilespmem:s26+$0xFFFFFED0] =	vst v2;
	v2 =	vld [tilespmem:s26+$0xFFFFFEE0];
	_ =	sdelay $0x4  }
0x5e: {  	v2 =	vmul.f32 v2, v3;
	_ =	sdelay $0x1  }
0x5f: {  	[tilespmem:s26+$0xFFFFFEE0] =	vst v2;
	v2 =	vld [tilespmem:s26+$0xFFFFFEF0];
	_ =	sdelay $0x4  }
0x60: {  	v2 =	vmul.f32 v2, v3;
	_ =	sdelay $0x1  }
0x61: {  	[tilespmem:s26+$0xFFFFFEF0] =	vst v2;
	v2 =	vld [tilespmem:s26+$0xFFFFFF00];
	_ =	sdelay $0x2  }
0x62: {  	v3 =	vbroadcast v1, $0x4;
	_ =	sdelay $0x1  }
0x63: {  	v2 =	vmul.f32 v2, v3;
	_ =	sdelay $0x1  }
0x64: {  	[tilespmem:s26+$0xFFFFFF00] =	vst v2;
	v2 =	vld [tilespmem:s26+$0xFFFFFF10];
	_ =	sdelay $0x4  }
0x65: {  	v2 =	vmul.f32 v2, v3;
	_ =	sdelay $0x1  }
0x66: {  	[tilespmem:s26+$0xFFFFFF10] =	vst v2;
	v2 =	vld [tilespmem:s26+$0xFFFFFF20];
	_ =	sdelay $0x4  }
0x67: {  	v2 =	vmul.f32 v2, v3;
	_ =	sdelay $0x1  }
0x68: {  	[tilespmem:s26+$0xFFFFFF20] =	vst v2;
	v2 =	vld [tilespmem:s26+$0xFFFFFF30];
	_ =	sdelay $0x4  }
0x69: {  	v2 =	vmul.f32 v2, v3;
	_ =	sdelay $0x1  }
0x6a: {  	[tilespmem:s26+$0xFFFFFF30] =	vst v2;
	v2 =	vld [tilespmem:s26+$0xFFFFFF40];
	_ =	sdelay $0x2  }
0x6b: {  	v3 =	vbroadcast v1, $0x5;
	_ =	sdelay $0x1  }
0x6c: {  	v2 =	vmul.f32 v2, v3;
	_ =	sdelay $0x1  }
0x6d: {  	[tilespmem:s26+$0xFFFFFF40] =	vst v2;
	v2 =	vld [tilespmem:s26+$0xFFFFFF50];
	_ =	sdelay $0x4  }
0x6e: {  	v2 =	vmul.f32 v2, v3;
	_ =	sdelay $0x1  }
0x6f: {  	[tilespmem:s26+$0xFFFFFF50] =	vst v2;
	v2 =	vld [tilespmem:s26+$0xFFFFFF60];
	_ =	sdelay $0x4  }
0x70: {  	v2 =	vmul.f32 v2, v3;
	_ =	sdelay $0x1  }
0x71: {  	[tilespmem:s26+$0xFFFFFF60] =	vst v2;
	v2 =	vld [tilespmem:s26+$0xFFFFFF70];
	_ =	sdelay $0x4  }
0x72: {  	v2 =	vmul.f32 v2, v3;
	_ =	sdelay $0x1  }
0x73: {  	[tilespmem:s26+$0xFFFFFF70] =	vst v2;
	v2 =	vld [tilespmem:s26+$0xFFFFFF80];
	_ =	sdelay $0x2  }
0x74: {  	v3 =	vbroadcast v1, $0x6;
	_ =	sdelay $0x1  }
0x75: {  	v2 =	vmul.f32 v2, v3;
	_ =	sdelay $0x1  }
0x76: {  	[tilespmem:s26+$0xFFFFFF80] =	vst v2;
	v2 =	vld [tilespmem:s26+$0xFFFFFF90];
	_ =	sdelay $0x4  }
0x77: {  	v2 =	vmul.f32 v2, v3;
	_ =	sdelay $0x1  }
0x78: {  	[tilespmem:s26+$0xFFFFFF90] =	vst v2;
	v2 =	vld [tilespmem:s26+$0xFFFFFFA0];
	_ =	sdelay $0x4  }
0x79: {  	v2 =	vmul.f32 v2, v3;
	_ =	sdelay $0x1  }
0x7a: {  	[tilespmem:s26+$0xFFFFFFA0] =	vst v2;
	v2 =	vld [tilespmem:s26+$0xFFFFFFB0];
	_ =	sdelay $0x4  }
0x7b: {  	v2 =	vmul.f32 v2, v3;
	_ =	sdelay $0x1  }
0x7c: {  	[tilespmem:s26+$0xFFFFFFB0] =	vst v2;
	v2 =	vld [tilespmem:s26+$0xFFFFFFC0];
	_ =	sdelay $0x2  }
0x7d: {  	v3 =	vbroadcast v1, $0x7;
	_ =	sdelay $0x1  }
0x7e: {  	v2 =	vmul.f32 v2, v3;
	_ =	sdelay $0x1  }
0x7f: {  	[tilespmem:s26+$0xFFFFFFC0] =	vst v2;
	v2 =	vld [tilespmem:s26+$0xFFFFFFD0];
	_ =	sdelay $0x4  }
0x80: {  	v2 =	vmul.f32 v2, v3;
	_ =	sdelay $0x1  }
0x81: {  	[tilespmem:s26+$0xFFFFFFD0] =	vst v2;
	v2 =	vld [tilespmem:s26+$0xFFFFFFE0];
	_ =	sdelay $0x4  }
0x82: {  	v2 =	vmul.f32 v2, v3;
	_ =	sdelay $0x1  }
0x83: {  	[tilespmem:s26+$0xFFFFFFE0] =	vst v2;
	v2 =	vld [tilespmem:s26+$0xFFFFFFF0];
	_ =	sdelay $0x4  }
0x84: {  	v2 =	vmul.f32 v2, v3;
	_ =	sdelay $0x1  }
0x85: {  	[tilespmem:s26+$0xFFFFFFF0] =	vst v2;
	v2 =	vld [tilespmem:s26+$0x0];
	_ =	sdelay $0x2  }
0x86: {  	v3 =	vbroadcast v1, $0x8;
	_ =	sdelay $0x1  }
0x87: {  	v2 =	vmul.f32 v2, v3;
	_ =	sdelay $0x1  }
0x88: {  	[tilespmem:s26+$0x0] =	vst v2;
	v2 =	vld [tilespmem:s26+$0x10];
	_ =	sdelay $0x4  }
0x89: {  	v2 =	vmul.f32 v2, v3;
	_ =	sdelay $0x1  }
0x8a: {  	[tilespmem:s26+$0x10] =	vst v2;
	v2 =	vld [tilespmem:s26+$0x20];
	_ =	sdelay $0x4  }
0x8b: {  	v2 =	vmul.f32 v2, v3;
	_ =	sdelay $0x1  }
0x8c: {  	[tilespmem:s26+$0x20] =	vst v2;
	v2 =	vld [tilespmem:s26+$0x30];
	_ =	sdelay $0x4  }
0x8d: {  	v2 =	vmul.f32 v2, v3;
	_ =	sdelay $0x1  }
0x8e: {  	[tilespmem:s26+$0x30] =	vst v2;
	v2 =	vld [tilespmem:s26+$0x40];
	_ =	sdelay $0x2  }
0x8f: {  	v3 =	vbroadcast v1, $0x9;
	_ =	sdelay $0x1  }
0x90: {  	v2 =	vmul.f32 v2, v3;
	_ =	sdelay $0x1  }
0x91: {  	[tilespmem:s26+$0x40] =	vst v2;
	v2 =	vld [tilespmem:s26+$0x50];
	_ =	sdelay $0x4  }
0x92: {  	v2 =	vmul.f32 v2, v3;
	_ =	sdelay $0x1  }
0x93: {  	[tilespmem:s26+$0x50] =	vst v2;
	v2 =	vld [tilespmem:s26+$0x60];
	_ =	sdelay $0x4  }
0x94: {  	v2 =	vmul.f32 v2, v3;
	_ =	sdelay $0x1  }
0x95: {  	[tilespmem:s26+$0x60] =	vst v2;
	v2 =	vld [tilespmem:s26+$0x70];
	_ =	sdelay $0x4  }
0x96: {  	v2 =	vmul.f32 v2, v3;
	_ =	sdelay $0x1  }
0x97: {  	[tilespmem:s26+$0x70] =	vst v2;
	v2 =	vld [tilespmem:s26+$0x80];
	_ =	sdelay $0x2  }
0x98: {  	v3 =	vbroadcast v1, $0xA;
	_ =	sdelay $0x1  }
0x99: {  	v2 =	vmul.f32 v2, v3;
	_ =	sdelay $0x1  }
0x9a: {  	[tilespmem:s26+$0x80] =	vst v2;
	v2 =	vld [tilespmem:s26+$0x90];
	_ =	sdelay $0x4  }
0x9b: {  	v2 =	vmul.f32 v2, v3;
	_ =	sdelay $0x1  }
0x9c: {  	[tilespmem:s26+$0x90] =	vst v2;
	v2 =	vld [tilespmem:s26+$0xA0];
	_ =	sdelay $0x4  }
0x9d: {  	v2 =	vmul.f32 v2, v3;
	_ =	sdelay $0x1  }
0x9e: {  	[tilespmem:s26+$0xA0] =	vst v2;
	v2 =	vld [tilespmem:s26+$0xB0];
	_ =	sdelay $0x4  }
0x9f: {  	v2 =	vmul.f32 v2, v3;
	_ =	sdelay $0x1  }
0xa0: {  	[tilespmem:s26+$0xB0] =	vst v2;
	v2 =	vld [tilespmem:s26+$0xC0];
	_ =	sdelay $0x2  }
0xa1: {  	v3 =	vbroadcast v1, $0xB;
	_ =	sdelay $0x1  }
0xa2: {  	v2 =	vmul.f32 v2, v3;
	_ =	sdelay $0x1  }
0xa3: {  	[tilespmem:s26+$0xC0] =	vst v2;
	v2 =	vld [tilespmem:s26+$0xD0];
	_ =	sdelay $0x4  }
0xa4: {  	v2 =	vmul.f32 v2, v3;
	_ =	sdelay $0x1  }
0xa5: {  	[tilespmem:s26+$0xD0] =	vst v2;
	v2 =	vld [tilespmem:s26+$0xE0];
	_ =	sdelay $0x4  }
0xa6: {  	v2 =	vmul.f32 v2, v3;
	_ =	sdelay $0x1  }
0xa7: {  	[tilespmem:s26+$0xE0] =	vst v2;
	v2 =	vld [tilespmem:s26+$0xF0];
	_ =	sdelay $0x4  }
0xa8: {  	v2 =	vmul.f32 v2, v3;
	_ =	sdelay $0x1  }
0xa9: {  	[tilespmem:s26+$0xF0] =	vst v2;
	v2 =	vld [tilespmem:s26+$0x100];
	_ =	sdelay $0x2  }
0xaa: {  	v3 =	vbroadcast v1, $0xC;
	_ =	sdelay $0x1  }
0xab: {  	v2 =	vmul.f32 v2, v3;
	_ =	sdelay $0x1  }
0xac: {  	[tilespmem:s26+$0x100] =	vst v2;
	v2 =	vld [tilespmem:s26+$0x110];
	_ =	sdelay $0x4  }
0xad: {  	v2 =	vmul.f32 v2, v3;
	_ =	sdelay $0x1  }
0xae: {  	[tilespmem:s26+$0x110] =	vst v2;
	v2 =	vld [tilespmem:s26+$0x120];
	_ =	sdelay $0x4  }
0xaf: {  	v2 =	vmul.f32 v2, v3;
	_ =	sdelay $0x1  }
0xb0: {  	[tilespmem:s26+$0x120] =	vst v2;
	v2 =	vld [tilespmem:s26+$0x130];
	_ =	sdelay $0x4  }
0xb1: {  	v2 =	vmul.f32 v2, v3;
	_ =	sdelay $0x1  }
0xb2: {  	[tilespmem:s26+$0x130] =	vst v2;
	v2 =	vld [tilespmem:s26+$0x140];
	_ =	sdelay $0x2  }
0xb3: {  	v3 =	vbroadcast v1, $0xD;
	_ =	sdelay $0x1  }
0xb4: {  	v2 =	vmul.f32 v2, v3;
	_ =	sdelay $0x1  }
0xb5: {  	[tilespmem:s26+$0x140] =	vst v2;
	v2 =	vld [tilespmem:s26+$0x150];
	_ =	sdelay $0x4  }
0xb6: {  	v2 =	vmul.f32 v2, v3;
	_ =	sdelay $0x1  }
0xb7: {  	[tilespmem:s26+$0x150] =	vst v2;
	v2 =	vld [tilespmem:s26+$0x160];
	_ =	sdelay $0x4  }
0xb8: {  	v2 =	vmul.f32 v2, v3;
	_ =	sdelay $0x1  }
0xb9: {  	[tilespmem:s26+$0x160] =	vst v2;
	v2 =	vld [tilespmem:s26+$0x170];
	_ =	sdelay $0x4  }
0xba: {  	v2 =	vmul.f32 v2, v3;
	_ =	sdelay $0x1  }
0xbb: {  	[tilespmem:s26+$0x170] =	vst v2;
	v2 =	vld [tilespmem:s26+$0x180];
	_ =	sdelay $0x2  }
0xbc: {  	v3 =	vbroadcast v1, $0xE;
	_ =	sdelay $0x1  }
0xbd: {  	v2 =	vmul.f32 v2, v3;
	_ =	sdelay $0x1  }
0xbe: {  	[tilespmem:s26+$0x180] =	vst v2;
	v2 =	vld [tilespmem:s26+$0x190];
	_ =	sdelay $0x4  }
0xbf: {  	v2 =	vmul.f32 v2, v3;
	_ =	sdelay $0x1  }
0xc0: {  	[tilespmem:s26+$0x190] =	vst v2;
	v2 =	vld [tilespmem:s26+$0x1A0];
	_ =	sdelay $0x4  }
0xc1: {  	v2 =	vmul.f32 v2, v3;
	_ =	sdelay $0x1  }
0xc2: {  	[tilespmem:s26+$0x1A0] =	vst v2;
	v2 =	vld [tilespmem:s26+$0x1B0];
	_ =	sdelay $0x4  }
0xc3: {  	v2 =	vmul.f32 v2, v3;
	_ =	sdelay $0x1  }
0xc4: {  	[tilespmem:s26+$0x1B0] =	vst v2;
	v2 =	vld [tilespmem:s26+$0x1C0];
	_ =	sdelay $0x2  }
0xc5: {  	v1 =	vbroadcast v1, $0xF;
	_ =	sdelay $0x1  }
0xc6: {  	v2 =	vmul.f32 v2, v1;
	_ =	sdelay $0x1  }
0xc7: {  	[tilespmem:s26+$0x1C0] =	vst v2;
	v2 =	vld [tilespmem:s26+$0x1D0];
	_ =	sdelay $0x4  }
0xc8: {  	v2 =	vmul.f32 v2, v1;
	_ =	sdelay $0x1  }
0xc9: {  	[tilespmem:s26+$0x1D0] =	vst v2;
	v2 =	vld [tilespmem:s26+$0x1E0];
	_ =	sdelay $0x4  }
0xca: {  	v2 =	vmul.f32 v2, v1;
	_ =	sdelay $0x1  }
0xcb: {  	[tilespmem:s26+$0x1E0] =	vst v2;
	v2 =	vld [tilespmem:s26+$0x1F0];
	_ =	sdelay $0x1  }
0xcc: {  	p0 =	sne.s32 s25, $0x1C0  }
.Ltmp0:
0xcd: {  	_ = 	snop;
	(pc) =	sbr.rel @p0 .LBB2_3-.Ltmp0, $3  }
0xce: {  	_ = 	snop  }
0xcf: {  	v1 =	vmul.f32 v2, v1;
	_ =	sdelay $0x1  }
0xd0: {  	s25 =	sadd.s32 $0x40, s25;
	[tilespmem:s26+$0x1F0] =	vst v1;
	s26 =	sadd.s32 $0x400, s26  }
0xd1: {  	s24 =	sadd.s32 $0x1, s24  }
0xd2: {  	p0 =	sne.s32 s24, $0x4F  }
.Ltmp1:
0xd3: {  	_ = 	snop;
	(pc) =	sbr.rel @p0 .LBB2_2-.Ltmp1, $4  }
0xd4: {  	[spmem:s3] =	stream.indirect.scatter.add.f32 [tilespmem:s19], [sflag:$0x2], $0x40, s21, s18, $0xb8;
	[tilespmem:$0x1D300] =	vst v63  }
0xd5: {  	_ =	swait.ge [sflag:s14], $0x2000  }
0xd6: {  	[sflag:s14] =	ssyncset.done $0x0  }
0xd7: {  	s23 =	sadd.s32 $0x80, s23;
	[sflag:s14] =	ssyncadd.s32 $0xFFFFE000  }
0xd8: {  	s22 =	sadd.s32 $0x1, s22  }
0xd9: {  	p0 =	sne.s32 s22, s12  }
.Ltmp2:
0xda: {  	[bflag:$0x0] =	sbarrier.arrive $0xFFFF;
	(pc) =	sbr.rel @p0 .LBB2_1-.Ltmp2, $4  }
0xdb: {  	[hbm:s11], [sflag:s6] =	dma.local [spmem:s15], $0x13C0  }
0xdc: {  	_ =	swait.ge [sflag:s14], $0x13C0  }
0xdd: {  	[sflag:s14] =	ssyncset.done $0x0  }
0xde: {  	[sflag:s14] =	ssyncadd.s32 $0xFFFFEC40  }
0xdf: {  	_ =	sfence.sel $0x180000  }
0xe0: {  	[bflag:$0x0] =	sbarrier.arrive $0xFFFF  }
0xe1: {  	p0 =	sne.s32 s0, $0x0;
	_ =	strace $0x90000047  }
0xe2: {  	s0 =	sadd.s32 @!p0 $0x100000, s1;
	[bflag:$0x2] =	sbarrier.arrive $0xFFFF  }
0xe3: {  	[sflag:s0] =	ssyncadd.tile.s32 @!p0 $0x1;
	_ =	shalt  }
.Lfunc_end2:
_tile_overlayer_lowered:
.L_overlay_start_2:
0xe4: {  	(tag) =	ssettag $0x2  }
0xe5: {  	s0 =	rddreg [dreg:$0x0];
	s2 =	stileid.u32  }
0xe6: {  	s1 =	rddreg [dreg:$0x1];
	p0 =	sne.s32 s2, $0x0  }
0xe7: {  	s3 =	rddreg [dreg:$0x2];
	[bflag:$0x3] =	sbarrier.arrive $0xFFFF;
	s2 =	simm.s32 @!p0 $0x1C02  }
0xe8: {  	[timem:s3], [sflag:s2] =	dma.local @!p0 [hbm:s0], s1  }
0xe9: {  	s0 =	simm.s32 @!p0 $0x2  }
0xea: {  	_ =	swait.ge @!p0 [sflag:s0], s1  }
0xeb: {  	s1 =	ssub.s32 @!p0 $0x0, s1;
	[sflag:s0] =	ssyncset.done @!p0 $0x0  }
0xec: {  	[sflag:s0] =	ssyncadd.s32 @!p0 s1  }
0xed: {  	[bflag:$0x3] =	sbarrier.arrive $0xFFFF  }
0xee: {  	_ =	shalt  }

</sc_bundles>
